<compile_context>
chip_gen: v7x
topology: tpu7x:2x2x1
jax: 0.10.2.dev20260603
libtpu: 0.0.44.dev20260713+nightly
codegen_flags: <defaults>
</compile_context>

<pallas_src>
import jax
import jax.numpy as jnp
from jax import lax

_HI = lax.Precision.HIGHEST


def _b16(v):
  return v.astype(jnp.bfloat16)
from jax.experimental import pallas as pl
from jax.experimental.pallas import tpu as pltpu
from jax.experimental.pallas import tpu_sc as plsc

N = 10000
E = 320000
D = 128
L = 5
NODE_TYPES = 10
EDGE_TYPES = 4

NC = 2
NS = 16
NW = NC * NS
EP = E
EW = EP // NW
CH = 80
NCH = EW // CH
NPAIR = (NCH + 1) // 2

NP = 10240
NB = NP // NS

BE = 1000
BN = 1000



def _sc_gather_body(h, src3, dst3, gs, gd,
                    idxs, idxd, sb0, sb1, db0, db1,
                    gss0, gss1, gsd0, gsd1, wss0, wss1, wsd0, wsd1):
  c = lax.axis_index("c")
  s = lax.axis_index("s")
  wid = s * NC + c
  base = wid * EW

  sbufs = (sb0, sb1)
  dbufs = (db0, db1)
  gsems_s = (gss0, gss1)
  gsems_d = (gsd0, gsd1)
  wsems_s = (wss0, wss1)
  wsems_d = (wsd0, wsd1)

  pltpu.sync_copy(src3.at[wid], idxs)
  pltpu.sync_copy(dst3.at[wid], idxd)

  def start_gather(j, b):
    pltpu.async_copy(h.at[idxs.at[j]], sbufs[b], gsems_s[b])
    pltpu.async_copy(h.at[idxd.at[j]], dbufs[b], gsems_d[b])

  def wait_gather(j, b):
    pltpu.make_async_copy(h.at[idxs.at[j]], sbufs[b], gsems_s[b]).wait()
    pltpu.make_async_copy(h.at[idxd.at[j]], dbufs[b], gsems_d[b]).wait()

  def start_wb(j, b):
    off = base + j * CH
    pltpu.async_copy(sbufs[b], gs.at[pl.ds(off, CH)], wsems_s[b])
    pltpu.async_copy(dbufs[b], gd.at[pl.ds(off, CH)], wsems_d[b])

  def wait_wb(b):
    pltpu.make_async_copy(sbufs[b], gs.at[pl.ds(base, CH)], wsems_s[b]).wait()
    pltpu.make_async_copy(dbufs[b], gd.at[pl.ds(base, CH)], wsems_d[b]).wait()

  start_gather(0, 0)

  def step(j, b):
    @pl.when(j + 1 < NCH)
    def _():
      @pl.when(j >= 1)
      def _():
        wait_wb(1 - b)
      start_gather(j + 1, 1 - b)

    wait_gather(j, b)
    start_wb(j, b)

  def pair(k, carry):
    j0 = k * 2
    step(j0, 0)

    @pl.when(j0 + 1 < NCH)
    def _():
      step(j0 + 1, 1)

    return carry

  lax.fori_loop(0, NPAIR, pair, 0)
  wait_wb(0)
  wait_wb(1)


def _sc_gather(h, src3, dst3):
  fn = pl.kernel(
      _sc_gather_body,
      out_type=(
          jax.ShapeDtypeStruct((EP, D), jnp.float32),
          jax.ShapeDtypeStruct((EP, D), jnp.float32),
      ),
      mesh=plsc.VectorSubcoreMesh(core_axis_name="c", subcore_axis_name="s"),
      scratch_types=[
          pltpu.VMEM((NCH, CH), jnp.int32),
          pltpu.VMEM((NCH, CH), jnp.int32),
          pltpu.VMEM((CH, D), jnp.float32),
          pltpu.VMEM((CH, D), jnp.float32),
          pltpu.VMEM((CH, D), jnp.float32),
          pltpu.VMEM((CH, D), jnp.float32),
      ] + [pltpu.SemaphoreType.DMA] * 8,
  )
  return fn(h, src3, dst3)



def _sc_scatter_body(ma, dst3, zrows, parts,
                     acc, idxd, rb0, rb1, ls0, ls1, ss0, ss1):
  c = lax.axis_index("c")
  s = lax.axis_index("s")
  wid = s * NC + c
  base = wid * EW

  rbufs = (rb0, rb1)
  lsems = (ls0, ls1)
  ssems = (ss0, ss1)

  pltpu.sync_copy(zrows.at[pl.ds(0, NB)], acc.at[pl.ds(s * NB, NB)])
  pltpu.sync_copy(dst3.at[wid], idxd)
  plsc.subcore_barrier()

  def start_load(j, b):
    pltpu.async_copy(ma.at[pl.ds(base + j * CH, CH)], rbufs[b], lsems[b])

  def wait_load(b):
    pltpu.make_async_copy(ma.at[pl.ds(base, CH)], rbufs[b], lsems[b]).wait()

  def start_scatter(j, b):
    pltpu.async_copy(rbufs[b], acc.at[idxd.at[j]], ssems[b], add=True)

  def wait_scatter(b):
    pltpu.make_async_copy(rbufs[b], acc.at[idxd.at[0]], ssems[b]).wait()

  start_load(0, 0)

  def step(j, b):
    @pl.when(j + 1 < NCH)
    def _():
      @pl.when(j >= 1)
      def _():
        wait_scatter(1 - b)
      start_load(j + 1, 1 - b)

    wait_load(b)
    start_scatter(j, b)

  def pair(k, carry):
    j0 = k * 2
    step(j0, 0)

    @pl.when(j0 + 1 < NCH)
    def _():
      step(j0 + 1, 1)

    return carry

  lax.fori_loop(0, NPAIR, pair, 0)
  wait_scatter(0)
  wait_scatter(1)
  plsc.subcore_barrier()
  pltpu.sync_copy(acc.at[pl.ds(s * NB, NB)], parts.at[c, pl.ds(s * NB, NB)])


def _sc_scatter(ma, dst3, zrows):
  fn = pl.kernel(
      _sc_scatter_body,
      out_type=jax.ShapeDtypeStruct((NC, NP, D), jnp.float32),
      mesh=plsc.VectorSubcoreMesh(core_axis_name="c", subcore_axis_name="s"),
      scratch_types=[
          pltpu.VMEM_SHARED((NP, D), jnp.float32),
          pltpu.VMEM((NCH, CH), jnp.int32),
          pltpu.VMEM((CH, D), jnp.float32),
          pltpu.VMEM((CH, D), jnp.float32),
      ] + [pltpu.SemaphoreType.DMA] * 4,
  )
  return fn(ma, dst3, zrows)



def _embed_body(xi_ref, emb_ref, out_ref):
  xi = xi_ref[0, 0, :]
  onehot = (xi[:, None] == lax.broadcasted_iota(jnp.int32, (BN, NODE_TYPES), 1))
  out_ref[...] = jnp.dot(onehot.astype(jnp.float32), emb_ref[...],
                         precision=_HI, preferred_element_type=jnp.float32)


def _tc_embed(xi3, node_emb):
  return pl.pallas_call(
      _embed_body,
      grid=(N // BN,),
      in_specs=[
          pl.BlockSpec((1, 1, BN), lambda i: (i, 0, 0)),
          pl.BlockSpec((NODE_TYPES, D), lambda i: (0, 0)),
      ],
      out_specs=pl.BlockSpec((BN, D), lambda i: (i, 0)),
      out_shape=jax.ShapeDtypeStruct((N, D), jnp.float32),
  )(xi3, node_emb)



def _edge_body(gd_ref, gs_ref, ea_ref, emb_ref, wecat_ref, bcat_ref,
               wd_ref, ws_ref, wf2_ref, bf2_ref, wg2_ref, bg2_ref, out_ref):
  gd = gd_ref[...]
  gs = gs_ref[...]
  ea = ea_ref[0, 0, :]
  onehot = (ea[:, None] == lax.broadcasted_iota(jnp.int32, (BE, EDGE_TYPES), 1))
  onehot = onehot.astype(jnp.float32)
  tcat = jnp.dot(_b16(emb_ref[...]), _b16(wecat_ref[...]),
                 preferred_element_type=jnp.float32) + bcat_ref[...]

  pre = (jnp.dot(_b16(gd), _b16(wd_ref[...]),
                 preferred_element_type=jnp.float32)
         + jnp.dot(_b16(gs), _b16(ws_ref[...]),
                   preferred_element_type=jnp.float32)
         + jnp.dot(onehot, tcat, precision=_HI,
                   preferred_element_type=jnp.float32))

  hf = jnp.maximum(pre[:, 0:D], 0.0)
  hg = jnp.maximum(pre[:, D:2 * D], 0.0)
  m = jnp.dot(_b16(hf), _b16(wf2_ref[...]),
              preferred_element_type=jnp.float32) + bf2_ref[...]
  hg16 = _b16(hg).astype(jnp.float32)
  wg216 = _b16(wg2_ref[...]).astype(jnp.float32)
  sgate = jnp.sum(hg16 * wg216, axis=1, keepdims=True) + bg2_ref[...]
  a = jax.nn.sigmoid(sgate)
  out_ref[...] = m * a


def _tc_edge(gd, gs, ea3, edge_emb, wecat, bcatr, wd, ws, wf2, bf2r, wg2r, bg2r):
  full = lambda shape: pl.BlockSpec(shape, lambda i: tuple(0 for _ in shape))
  return pl.pallas_call(
      _edge_body,
      grid=(EP // BE,),
      in_specs=[
          pl.BlockSpec((BE, D), lambda i: (i, 0)),
          pl.BlockSpec((BE, D), lambda i: (i, 0)),
          pl.BlockSpec((1, 1, BE), lambda i: (i, 0, 0)),
          full((EDGE_TYPES, D)), full((D, 2 * D)), full((1, 2 * D)),
          full((D, 2 * D)), full((D, 2 * D)),
          full((D, D)), full((1, D)), full((1, D)), full((1, 1)),
      ],
      out_specs=pl.BlockSpec((BE, D), lambda i: (i, 0)),
      out_shape=jax.ShapeDtypeStruct((EP, D), jnp.float32),
  )(gd, gs, ea3, edge_emb, wecat, bcatr, wd, ws, wf2, bf2r, wg2r, bg2r)



def _gru_body(h_ref, p0_ref, p1_ref, wih_ref, bih_ref, whh_ref, bhh_ref, out_ref):
  h = h_ref[...]
  agg = p0_ref[0] + p1_ref[0]
  gi = jnp.dot(_b16(agg), _b16(wih_ref[...]),
               preferred_element_type=jnp.float32) + bih_ref[...]
  gh = jnp.dot(_b16(h), _b16(whh_ref[...]),
               preferred_element_type=jnp.float32) + bhh_ref[...]
  r = jax.nn.sigmoid(gi[:, 0:D] + gh[:, 0:D])
  z = jax.nn.sigmoid(gi[:, D:2 * D] + gh[:, D:2 * D])
  n = jnp.tanh(gi[:, 2 * D:3 * D] + r * gh[:, 2 * D:3 * D])
  out_ref[...] = (1.0 - z) * n + z * h


def _tc_gru(h, parts, wih, bihr, whh, bhhr):
  full = lambda shape: pl.BlockSpec(shape, lambda i: tuple(0 for _ in shape))
  return pl.pallas_call(
      _gru_body,
      grid=(N // BN,),
      in_specs=[
          pl.BlockSpec((BN, D), lambda i: (i, 0)),
          pl.BlockSpec((1, BN, D), lambda i: (0, i, 0)),
          pl.BlockSpec((1, BN, D), lambda i: (1, i, 0)),
          full((D, 3 * D)), full((1, 3 * D)),
          full((D, 3 * D)), full((1, 3 * D)),
      ],
      out_specs=pl.BlockSpec((BN, D), lambda i: (i, 0)),
      out_shape=jax.ShapeDtypeStruct((N, D), jnp.float32),
  )(h, parts, parts, wih, bihr, whh, bhhr)



def _mean_body(h_ref, out_ref):
  @pl.when(pl.program_id(0) == 0)
  def _():
    out_ref[...] = jnp.zeros((1, D), jnp.float32)

  out_ref[...] += jnp.sum(h_ref[...], axis=0, keepdims=True) * (1.0 / N)


def _tc_mean(h):
  return pl.pallas_call(
      _mean_body,
      grid=(N // BN,),
      in_specs=[pl.BlockSpec((BN, D), lambda i: (i, 0))],
      out_specs=pl.BlockSpec((1, D), lambda i: (0, 0)),
      out_shape=jax.ShapeDtypeStruct((1, D), jnp.float32),
  )(h)


def _readout_body(h_ref, hg_ref, wn1a_ref, wn1b_ref, bn1_ref, wn2_ref, bn2_ref,
                  out_ref):
  c0 = jnp.dot(_b16(hg_ref[...]), _b16(wn1a_ref[...]),
               preferred_element_type=jnp.float32)
  z = jnp.maximum(
      jnp.dot(_b16(h_ref[...]), _b16(wn1b_ref[...]),
              preferred_element_type=jnp.float32)
      + c0 + bn1_ref[...], 0.0)
  logits = jnp.dot(_b16(z), _b16(wn2_ref[...]),
                   preferred_element_type=jnp.float32) + bn2_ref[...]
  mx = jnp.max(logits, axis=1, keepdims=True)
  p = jnp.exp(logits - mx)
  out_ref[...] = p / jnp.sum(p, axis=1, keepdims=True)


def _tc_readout(h, hg, wn1a, wn1b, bn1r, wn2, bn2r):
  full = lambda shape: pl.BlockSpec(shape, lambda i: tuple(0 for _ in shape))
  return pl.pallas_call(
      _readout_body,
      grid=(N // BN,),
      in_specs=[
          pl.BlockSpec((BN, D), lambda i: (i, 0)),
          full((1, D)),
          full((D, D)), full((D, D)), full((1, D)),
          full((D, NODE_TYPES)), full((1, NODE_TYPES)),
      ],
      out_specs=pl.BlockSpec((BN, NODE_TYPES), lambda i: (i, 0)),
      out_shape=jax.ShapeDtypeStruct((N, NODE_TYPES), jnp.float32),
  )(h, hg, wn1a, wn1b, bn1r, wn2, bn2r)



def kernel(x, edge_index, edge_attr, node_emb, edge_emb, Wf1, bf1, Wf2, bf2,
           Wg1, bg1, Wg2, bg2, Wih, bih, Whh, bhh, Wn1, bn1, Wn2, bn2):
  xi3 = x.astype(jnp.int32).reshape(N // BN, 1, BN)
  npad = EP - E
  spread = jnp.arange(npad, dtype=jnp.int32) * 521 % N
  ea_p = jnp.concatenate(
      [edge_attr.astype(jnp.int32).reshape(E), jnp.zeros((npad,), jnp.int32)])
  src_p = jnp.concatenate([edge_index[0].astype(jnp.int32), spread])
  dstg_p = jnp.concatenate([edge_index[1].astype(jnp.int32), spread])
  dsts_p = jnp.concatenate(
      [edge_index[1].astype(jnp.int32),
       N + (jnp.arange(npad, dtype=jnp.int32) % (NP - N))])
  ea3 = ea_p.reshape(EP // BE, 1, BE)
  src3 = src_p.reshape(NW, NCH, CH)
  dstg3 = dstg_p.reshape(NW, NCH, CH)
  dst3 = dsts_p.reshape(NW, NCH, CH)
  zrows = jnp.zeros((NB, D), jnp.float32)

  h = _tc_embed(xi3, node_emb)

  for l in range(L):
    gs, gd = _sc_gather(h, src3, dstg3)
    wd = jnp.concatenate([Wf1[l, 0:D, :], Wg1[l, 0:D, :]], axis=1)
    ws = jnp.concatenate([Wf1[l, D:2 * D, :], Wg1[l, D:2 * D, :]], axis=1)
    wecat = jnp.concatenate([Wf1[l, 2 * D:3 * D, :], Wg1[l, 2 * D:3 * D, :]],
                            axis=1)
    bcatr = jnp.concatenate([bf1[l], bg1[l]])[None, :]
    ma = _tc_edge(gd, gs, ea3, edge_emb, wecat, bcatr, wd, ws,
                  Wf2[l], bf2[l][None, :], Wg2[l].reshape(1, D),
                  bg2[l][None, :])
    parts = _sc_scatter(ma, dst3, zrows)
    h = _tc_gru(h, parts, Wih[l], bih[l][None, :], Whh[l], bhh[l][None, :])

  hg = _tc_mean(h)
  return _tc_readout(h, hg, Wn1[0:D, :], Wn1[D:2 * D, :], bn1[None, :],
                     Wn2, bn2[None, :])

# --- scband reference (transcript-rebuilt; emitter-appended) ---
"""Pipeline reference for scband-denoising-network-44117904065181 (READ-ONLY COPY).

The authoritative reference and input builder live on the scoring server;
editing this copy changes nothing except your own understanding.
"""

import jax, jax.numpy as jnp
import numpy as np

N = 10000
E = 320000
D = 128
L = 5
NODE_TYPES = 10
EDGE_TYPES = 4


def setup_inputs(seed: int = 0) -> dict:
    key = jax.random.key(seed)
    ks = jax.random.split(key, 24)
    inp = {}
    inp["x"] = jax.random.randint(ks[0], (N, 1), 0, NODE_TYPES)
    inp["edge_index"] = jax.random.randint(ks[1], (2, E), 0, N)
    inp["edge_attr"] = jax.random.randint(ks[2], (E, 1), 0, EDGE_TYPES)
    inp["node_emb"] = jax.random.normal(ks[3], (NODE_TYPES, D), dtype=jnp.float32) * 0.1
    inp["edge_emb"] = jax.random.normal(ks[4], (EDGE_TYPES, D), dtype=jnp.float32) * 0.1
    inp["Wf1"] = jax.random.normal(ks[5], (L, 3 * D, D), dtype=jnp.float32) * (1.0 / np.sqrt(3 * D))
    inp["bf1"] = jnp.zeros((L, D), dtype=jnp.float32)
    inp["Wf2"] = jax.random.normal(ks[6], (L, D, D), dtype=jnp.float32) * (1.0 / np.sqrt(D))
    inp["bf2"] = jnp.zeros((L, D), dtype=jnp.float32)
    inp["Wg1"] = jax.random.normal(ks[7], (L, 3 * D, D), dtype=jnp.float32) * (1.0 / np.sqrt(3 * D))
    inp["bg1"] = jnp.zeros((L, D), dtype=jnp.float32)
    inp["Wg2"] = jax.random.normal(ks[8], (L, D, 1), dtype=jnp.float32) * (1.0 / np.sqrt(D))
    inp["bg2"] = jnp.zeros((L, 1), dtype=jnp.float32)
    inp["Wih"] = jax.random.normal(ks[9], (L, D, 3 * D), dtype=jnp.float32) * (1.0 / np.sqrt(D))
    inp["bih"] = jnp.zeros((L, 3 * D), dtype=jnp.float32)
    inp["Whh"] = jax.random.normal(ks[10], (L, D, 3 * D), dtype=jnp.float32) * (1.0 / np.sqrt(D))
    inp["bhh"] = jnp.zeros((L, 3 * D), dtype=jnp.float32)
    inp["Wn1"] = jax.random.normal(ks[11], (2 * D, D), dtype=jnp.float32) * (1.0 / np.sqrt(2 * D))
    inp["bn1"] = jnp.zeros((D,), dtype=jnp.float32)
    inp["Wn2"] = jax.random.normal(ks[12], (D, NODE_TYPES), dtype=jnp.float32) * (1.0 / np.sqrt(D))
    inp["bn2"] = jnp.zeros((NODE_TYPES,), dtype=jnp.float32)
    return inp


def reference(x, edge_index, edge_attr, node_emb, edge_emb, Wf1, bf1, Wf2, bf2, Wg1, bg1, Wg2, bg2, Wih, bih, Whh, bhh, Wn1, bn1, Wn2, bn2):
    xi = x.squeeze(-1)
    ea = edge_attr.squeeze(-1)
    h = node_emb[xi]
    e = edge_emb[ea]
    src = edge_index[0]
    dst = edge_index[1]
    for l in range(L):
        x_i = h[dst]
        x_j = h[src]
        feat = jnp.concatenate([x_i, x_j, e], axis=-1)
        m = jnp.maximum(feat @ Wf1[l] + bf1[l], 0.0) @ Wf2[l] + bf2[l]
        a = jax.nn.sigmoid(jnp.maximum(feat @ Wg1[l] + bg1[l], 0.0) @ Wg2[l] + bg2[l])
        agg = jax.ops.segment_sum(m * a, dst, num_segments=N)
        gi = agg @ Wih[l] + bih[l]
        gh = h @ Whh[l] + bhh[l]
        ir, iz, inn = jnp.split(gi, 3, axis=-1)
        hr, hz, hn = jnp.split(gh, 3, axis=-1)
        r = jax.nn.sigmoid(ir + hr)
        z = jax.nn.sigmoid(iz + hz)
        n = jnp.tanh(inn + r * hn)
        h = (1.0 - z) * n + z * h
    hG = jnp.mean(h, axis=0)
    hG_exp = jnp.broadcast_to(hG[None, :], (h.shape[0], hG.shape[0]))
    node_input = jnp.concatenate([hG_exp, h], axis=-1)
    logits = jnp.maximum(node_input @ Wn1 + bn1, 0.0) @ Wn2 + bn2
    node_probs = jax.nn.softmax(logits, axis=-1)
    return node_probs

if __name__ == "__main__":
    import jax
    _d = setup_inputs()
    print(jax.jit(kernel)(*tuple(_d.values())))

</pallas_src>

<mosaic_0001>
#map = affine_map<(d0, d1) -> (0, 0)>
#map1 = affine_map<(d0, d1) -> (0, 0, 0)>
module attributes {stable_mosaic.version = 14 : i64} {
  func.func @_sc_scatter_body(%arg0: i32, %arg1: i32, %arg2: memref<320000x128xf32, #tpu.memory_space<hbm>>, %arg3: memref<32x125x80xi32, #tpu.memory_space<hbm>>, %arg4: memref<640x128xf32, #tpu.memory_space<hbm>>, %arg5: memref<2x10240x128xf32, #tpu.memory_space<hbm>>, %arg6: memref<10240x128xf32, #tpu.memory_space<vmem_shared>>, %arg7: memref<125x80xi32, #tpu.memory_space<vmem>>, %arg8: memref<80x128xf32, #tpu.memory_space<vmem>>, %arg9: memref<80x128xf32, #tpu.memory_space<vmem>>, %arg10: memref<!tpu.dma_semaphore, #tpu.memory_space<semaphore_mem>>, %arg11: memref<!tpu.dma_semaphore, #tpu.memory_space<semaphore_mem>>, %arg12: memref<!tpu.dma_semaphore, #tpu.memory_space<semaphore_mem>>, %arg13: memref<!tpu.dma_semaphore, #tpu.memory_space<semaphore_mem>>) attributes {dimension_semantics = [#tpu.dimension_semantics<core_parallel>, #tpu.dimension_semantics<subcore_parallel>], iteration_bounds = array<i64: 2, 16>, scalar_prefetch = 0 : i64, scratch_operands = 8 : i64, tpu.core_type = #tpu.core_type<sc_vector_subcore>, window_params = [{transform_indices = #map}, {transform_indices = #map1}, {transform_indices = #map}, {transform_indices = #map1}]} {
    %mul3A = arith.constant 2 : i32
    %mul3A_0 = arith.muli %arg1, %mul3A : i32
    %add3A = arith.addi %mul3A_0, %arg0 : i32
    %mul3A_1 = arith.constant 10000 : i32
    %mul3A_2 = arith.muli %add3A, %mul3A_1 : i32
    %mul3A_3 = arith.constant 640 : i32
    %mul3A_4 = arith.muli %arg1, %mul3A_3 : i32
    "tpu.region"() ({
      %run_scoped3A = tpu.sem_alloc : memref<!tpu.dma_semaphore, #tpu.memory_space<semaphore_mem>>
      %dma_start3A_33 = arith.constant 0 : i32
      %dma_start3A_34 = tpu.memref_slice %arg6[%mul3A_4, %dma_start3A_33] : memref<10240x128xf32, #tpu.memory_space<vmem_shared>> -> memref<640x128xf32, #tpu.memory_space<vmem_shared>>
      %dma_start3A_35 = arith.constant 0 : i32
      %dma_start3A_36 = arith.constant 0 : i32
      %dma_start3A_37 = tpu.memref_slice %arg4[%dma_start3A_35, %dma_start3A_36] : memref<640x128xf32, #tpu.memory_space<hbm>> -> memref<640x128xf32, #tpu.memory_space<hbm>>
      tpu.enqueue_dma source(%dma_start3A_37 : memref<640x128xf32, #tpu.memory_space<hbm>>) target(%dma_start3A_34 : memref<640x128xf32, #tpu.memory_space<vmem_shared>>) target_semaphore(%run_scoped3A : memref<!tpu.dma_semaphore, #tpu.memory_space<semaphore_mem>>)
      %dma_wait3A_38 = arith.constant 0 : i32
      %dma_wait3A_39 = tpu.memref_slice %arg6[%mul3A_4, %dma_wait3A_38] : memref<10240x128xf32, #tpu.memory_space<vmem_shared>> -> memref<640x128xf32, #tpu.memory_space<vmem_shared>>
      %dma_wait3A_40 = arith.constant 0 : i32
      %dma_wait3A_41 = arith.constant 0 : i32
      %dma_wait3A_42 = tpu.memref_slice %arg4[%dma_wait3A_40, %dma_wait3A_41] : memref<640x128xf32, #tpu.memory_space<hbm>> -> memref<640x128xf32, #tpu.memory_space<hbm>>
      tpu.wait_dma2 semaphore(%run_scoped3A : memref<!tpu.dma_semaphore, #tpu.memory_space<semaphore_mem>>) src(%dma_wait3A_42 : memref<640x128xf32, #tpu.memory_space<hbm>>) dst(%dma_wait3A_39 : memref<640x128xf32, #tpu.memory_space<vmem_shared>>)
      tpu.yield
    }) : () -> ()
    "tpu.region"() ({
      %run_scoped3A = tpu.sem_alloc : memref<!tpu.dma_semaphore, #tpu.memory_space<semaphore_mem>>
      %dma_start3A_33 = arith.constant 0 : i32
      %dma_start3A_34 = arith.constant 0 : i32
      %dma_start3A_35 = tpu.memref_slice %arg3[%add3A, %dma_start3A_33, %dma_start3A_34] : memref<32x125x80xi32, #tpu.memory_space<hbm>> -> memref<1x125x80xi32, #tpu.memory_space<hbm>>
      %dma_start3A_36 = tpu.memref_squeeze %dma_start3A_35 : memref<1x125x80xi32, #tpu.memory_space<hbm>> -> memref<125x80xi32, #tpu.memory_space<hbm>>
      %dma_start3A_37 = arith.constant 0 : i32
      %dma_start3A_38 = arith.constant 0 : i32
      %dma_start3A_39 = tpu.memref_slice %arg3[%add3A, %dma_start3A_37, %dma_start3A_38] : memref<32x125x80xi32, #tpu.memory_space<hbm>> -> memref<1x125x80xi32, #tpu.memory_space<hbm>>
      %dma_start3A_40 = tpu.memref_squeeze %dma_start3A_39 : memref<1x125x80xi32, #tpu.memory_space<hbm>> -> memref<125x80xi32, #tpu.memory_space<hbm>>
      tpu.enqueue_dma source(%dma_start3A_40 : memref<125x80xi32, #tpu.memory_space<hbm>>) target(%arg7 : memref<125x80xi32, #tpu.memory_space<vmem>>) target_semaphore(%run_scoped3A : memref<!tpu.dma_semaphore, #tpu.memory_space<semaphore_mem>>)
      %dma_wait3A_41 = arith.constant 0 : i32
      %dma_wait3A_42 = arith.constant 0 : i32
      %dma_wait3A_43 = tpu.memref_slice %arg3[%add3A, %dma_wait3A_41, %dma_wait3A_42] : memref<32x125x80xi32, #tpu.memory_space<hbm>> -> memref<1x125x80xi32, #tpu.memory_space<hbm>>
      %dma_wait3A_44 = tpu.memref_squeeze %dma_wait3A_43 : memref<1x125x80xi32, #tpu.memory_space<hbm>> -> memref<125x80xi32, #tpu.memory_space<hbm>>
      %dma_wait3A_45 = arith.constant 0 : i32
      %dma_wait3A_46 = arith.constant 0 : i32
      %dma_wait3A_47 = tpu.memref_slice %arg3[%add3A, %dma_wait3A_45, %dma_wait3A_46] : memref<32x125x80xi32, #tpu.memory_space<hbm>> -> memref<1x125x80xi32, #tpu.memory_space<hbm>>
      %dma_wait3A_48 = tpu.memref_squeeze %dma_wait3A_47 : memref<1x125x80xi32, #tpu.memory_space<hbm>> -> memref<125x80xi32, #tpu.memory_space<hbm>>
      tpu.wait_dma2 semaphore(%run_scoped3A : memref<!tpu.dma_semaphore, #tpu.memory_space<semaphore_mem>>) src(%dma_wait3A_48 : memref<125x80xi32, #tpu.memory_space<hbm>>) dst(%arg7 : memref<125x80xi32, #tpu.memory_space<vmem>>)
      tpu.yield
    }) : () -> ()
    %barrier3A = arith.constant 0 : index
    tpu.barrier barrier_id(%barrier3A)
    %add3A_5 = arith.constant 0 : i32
    %add3A_6 = arith.addi %mul3A_2, %add3A_5 : i32
    %dma_start3A = arith.constant 0 : i32
    %dma_start3A_7 = tpu.memref_slice %arg2[%add3A_6, %dma_start3A] : memref<320000x128xf32, #tpu.memory_space<hbm>> -> memref<80x128xf32, #tpu.memory_space<hbm>>
    %dma_start3A_8 = arith.constant 0 : i32
    %dma_start3A_9 = tpu.memref_slice %arg2[%add3A_6, %dma_start3A_8] : memref<320000x128xf32, #tpu.memory_space<hbm>> -> memref<80x128xf32, #tpu.memory_space<hbm>>
    tpu.enqueue_dma source(%dma_start3A_9 : memref<80x128xf32, #tpu.memory_space<hbm>>) target(%arg8 : memref<80x128xf32, #tpu.memory_space<vmem>>) target_semaphore(%arg10 : memref<!tpu.dma_semaphore, #tpu.memory_space<semaphore_mem>>)
    %scan3A = arith.constant 0 : i32
    %scan3A_10 = arith.constant 0 : i32
    %scan3A_11 = arith.constant 63 : i32
    %scan3A_12 = arith.addi %scan3A_10, %scan3A_11 : i32
    %scan3A_13 = arith.constant 1 : i32
    scf.for %scan3A_33 = %scan3A_10 to %scan3A_12 step %scan3A_13  : i32 {
      %mul3A_34 = arith.constant 2 : i32
      %mul3A_35 = arith.muli %scan3A_33, %mul3A_34 : i32
      %add3A_36 = arith.constant 1 : i32
      %add3A_37 = arith.addi %mul3A_35, %add3A_36 : i32
      %lt3A = arith.constant 125 : i32
      %lt3A_38 = arith.cmpi slt, %add3A_37, %lt3A : i32
      %convert_element_type3A = arith.extui %lt3A_38 : i1 to i32
      %cond3A = arith.constant 0 : i32
      %cond3A_39 = arith.cmpi ne, %convert_element_type3A, %cond3A : i32
      scf.if %cond3A_39 {
        %ge3A = arith.constant 1 : i32
        %ge3A_57 = arith.cmpi sge, %mul3A_35, %ge3A : i32
        %convert_element_type3A_58 = arith.extui %ge3A_57 : i1 to i32
        %cond3A_59 = arith.constant 0 : i32
        %cond3A_60 = arith.cmpi ne, %convert_element_type3A_58, %cond3A_59 : i32
        scf.if %cond3A_60 {
          %dma_wait3A_70 = arith.constant 0 : i32
          %dma_wait3A_71 = arith.constant 0 : i32
          %dma_wait3A_72 = tpu.memref_slice %arg7[%dma_wait3A_70, %dma_wait3A_71] : memref<125x80xi32, #tpu.memory_space<vmem>> -> memref<1x80xi32, #tpu.memory_space<vmem>>
          %dma_wait3A_73 = tpu.memref_squeeze %dma_wait3A_72 : memref<1x80xi32, #tpu.memory_space<vmem>> -> memref<80xi32, #tpu.memory_space<vmem>>
          %dma_wait3A_74 = arith.constant 0 : i32
          %dma_wait3A_75 = arith.constant 0 : i32
          %dma_wait3A_76 = tpu.memref_slice %arg6[%dma_wait3A_74, %dma_wait3A_75] : memref<10240x128xf32, #tpu.memory_space<vmem_shared>> -> memref<10240x128xf32, #tpu.memory_space<vmem_shared>>
          tpu.wait_indirect_dma semaphore(%arg13 : memref<!tpu.dma_semaphore, #tpu.memory_space<semaphore_mem>>) src(%arg9 : memref<80x128xf32, #tpu.memory_space<vmem>>) dst(%dma_wait3A_76 : memref<10240x128xf32, #tpu.memory_space<vmem_shared>>)
        } else {
        }
        %add3A_61 = arith.constant 1 : i32
        %add3A_62 = arith.addi %mul3A_35, %add3A_61 : i32
        %mul3A_63 = arith.constant 80 : i32
        %mul3A_64 = arith.muli %add3A_62, %mul3A_63 : i32
        %add3A_65 = arith.addi %mul3A_2, %mul3A_64 : i32
        %dma_start3A_66 = arith.constant 0 : i32
        %dma_start3A_67 = tpu.memref_slice %arg2[%add3A_65, %dma_start3A_66] : memref<320000x128xf32, #tpu.memory_space<hbm>> -> memref<80x128xf32, #tpu.memory_space<hbm>>
        %dma_start3A_68 = arith.constant 0 : i32
        %dma_start3A_69 = tpu.memref_slice %arg2[%add3A_65, %dma_start3A_68] : memref<320000x128xf32, #tpu.memory_space<hbm>> -> memref<80x128xf32, #tpu.memory_space<hbm>>
        tpu.enqueue_dma source(%dma_start3A_69 : memref<80x128xf32, #tpu.memory_space<hbm>>) target(%arg9 : memref<80x128xf32, #tpu.memory_space<vmem>>) target_semaphore(%arg11 : memref<!tpu.dma_semaphore, #tpu.memory_space<semaphore_mem>>)
      } else {
      }
      %dma_wait3A_40 = arith.constant 0 : i32
      %dma_wait3A_41 = tpu.memref_slice %arg2[%mul3A_2, %dma_wait3A_40] : memref<320000x128xf32, #tpu.memory_space<hbm>> -> memref<80x128xf32, #tpu.memory_space<hbm>>
      %dma_wait3A_42 = arith.constant 0 : i32
      %dma_wait3A_43 = tpu.memref_slice %arg2[%mul3A_2, %dma_wait3A_42] : memref<320000x128xf32, #tpu.memory_space<hbm>> -> memref<80x128xf32, #tpu.memory_space<hbm>>
      tpu.wait_dma2 semaphore(%arg10 : memref<!tpu.dma_semaphore, #tpu.memory_space<semaphore_mem>>) src(%dma_wait3A_43 : memref<80x128xf32, #tpu.memory_space<hbm>>) dst(%arg8 : memref<80x128xf32, #tpu.memory_space<vmem>>)
      %dma_start3A_44 = arith.constant 0 : i32
      %dma_start3A_45 = tpu.memref_slice %arg7[%mul3A_35, %dma_start3A_44] : memref<125x80xi32, #tpu.memory_space<vmem>> -> memref<1x80xi32, #tpu.memory_space<vmem>>
      %dma_start3A_46 = tpu.memref_squeeze %dma_start3A_45 : memref<1x80xi32, #tpu.memory_space<vmem>> -> memref<80xi32, #tpu.memory_space<vmem>>
      %dma_start3A_47 = arith.constant 0 : i32
      %dma_start3A_48 = arith.constant 0 : i32
      %dma_start3A_49 = tpu.memref_slice %arg6[%dma_start3A_47, %dma_start3A_48] : memref<10240x128xf32, #tpu.memory_space<vmem_shared>> -> memref<10240x128xf32, #tpu.memory_space<vmem_shared>>
      tpu.enqueue_indirect_dma source(%arg8 : memref<80x128xf32, #tpu.memory_space<vmem>>) target(%dma_start3A_49 : memref<10240x128xf32, #tpu.memory_space<vmem_shared>>) offsets(%dma_start3A_46 : memref<80xi32, #tpu.memory_space<vmem>>) semaphore(%arg12 : memref<!tpu.dma_semaphore, #tpu.memory_space<semaphore_mem>>) {add = true}
      %add3A_50 = arith.constant 1 : i32
      %add3A_51 = arith.addi %mul3A_35, %add3A_50 : i32
      %lt3A_52 = arith.constant 125 : i32
      %lt3A_53 = arith.cmpi slt, %add3A_51, %lt3A_52 : i32
      %convert_element_type3A_54 = arith.extui %lt3A_53 : i1 to i32
      %cond3A_55 = arith.constant 0 : i32
      %cond3A_56 = arith.cmpi ne, %convert_element_type3A_54, %cond3A_55 : i32
      scf.if %cond3A_56 {
        %add3A_57 = arith.constant 1 : i32
        %add3A_58 = arith.addi %mul3A_35, %add3A_57 : i32
        %add3A_59 = arith.constant 1 : i32
        %add3A_60 = arith.addi %add3A_58, %add3A_59 : i32
        %lt3A_61 = arith.constant 125 : i32
        %lt3A_62 = arith.cmpi slt, %add3A_60, %lt3A_61 : i32
        %convert_element_type3A_63 = arith.extui %lt3A_62 : i1 to i32
        %cond3A_64 = arith.constant 0 : i32
        %cond3A_65 = arith.cmpi ne, %convert_element_type3A_63, %cond3A_64 : i32
        scf.if %cond3A_65 {
          %ge3A = arith.constant 1 : i32
          %ge3A_76 = arith.cmpi sge, %add3A_58, %ge3A : i32
          %convert_element_type3A_77 = arith.extui %ge3A_76 : i1 to i32
          %cond3A_78 = arith.constant 0 : i32
          %cond3A_79 = arith.cmpi ne, %convert_element_type3A_77, %cond3A_78 : i32
          scf.if %cond3A_79 {
            %dma_wait3A_89 = arith.constant 0 : i32
            %dma_wait3A_90 = arith.constant 0 : i32
            %dma_wait3A_91 = tpu.memref_slice %arg7[%dma_wait3A_89, %dma_wait3A_90] : memref<125x80xi32, #tpu.memory_space<vmem>> -> memref<1x80xi32, #tpu.memory_space<vmem>>
            %dma_wait3A_92 = tpu.memref_squeeze %dma_wait3A_91 : memref<1x80xi32, #tpu.memory_space<vmem>> -> memref<80xi32, #tpu.memory_space<vmem>>
            %dma_wait3A_93 = arith.constant 0 : i32
            %dma_wait3A_94 = arith.constant 0 : i32
            %dma_wait3A_95 = tpu.memref_slice %arg6[%dma_wait3A_93, %dma_wait3A_94] : memref<10240x128xf32, #tpu.memory_space<vmem_shared>> -> memref<10240x128xf32, #tpu.memory_space<vmem_shared>>
            tpu.wait_indirect_dma semaphore(%arg12 : memref<!tpu.dma_semaphore, #tpu.memory_space<semaphore_mem>>) src(%arg8 : memref<80x128xf32, #tpu.memory_space<vmem>>) dst(%dma_wait3A_95 : memref<10240x128xf32, #tpu.memory_space<vmem_shared>>)
          } else {
          }
          %add3A_80 = arith.constant 1 : i32
          %add3A_81 = arith.addi %add3A_58, %add3A_80 : i32
          %mul3A_82 = arith.constant 80 : i32
          %mul3A_83 = arith.muli %add3A_81, %mul3A_82 : i32
          %add3A_84 = arith.addi %mul3A_2, %mul3A_83 : i32
          %dma_start3A_85 = arith.constant 0 : i32
          %dma_start3A_86 = tpu.memref_slice %arg2[%add3A_84, %dma_start3A_85] : memref<320000x128xf32, #tpu.memory_space<hbm>> -> memref<80x128xf32, #tpu.memory_space<hbm>>
          %dma_start3A_87 = arith.constant 0 : i32
          %dma_start3A_88 = tpu.memref_slice %arg2[%add3A_84, %dma_start3A_87] : memref<320000x128xf32, #tpu.memory_space<hbm>> -> memref<80x128xf32, #tpu.memory_space<hbm>>
          tpu.enqueue_dma source(%dma_start3A_88 : memref<80x128xf32, #tpu.memory_space<hbm>>) target(%arg8 : memref<80x128xf32, #tpu.memory_space<vmem>>) target_semaphore(%arg10 : memref<!tpu.dma_semaphore, #tpu.memory_space<semaphore_mem>>)
        } else {
        }
        %dma_wait3A_66 = arith.constant 0 : i32
        %dma_wait3A_67 = tpu.memref_slice %arg2[%mul3A_2, %dma_wait3A_66] : memref<320000x128xf32, #tpu.memory_space<hbm>> -> memref<80x128xf32, #tpu.memory_space<hbm>>
        %dma_wait3A_68 = arith.constant 0 : i32
        %dma_wait3A_69 = tpu.memref_slice %arg2[%mul3A_2, %dma_wait3A_68] : memref<320000x128xf32, #tpu.memory_space<hbm>> -> memref<80x128xf32, #tpu.memory_space<hbm>>
        tpu.wait_dma2 semaphore(%arg11 : memref<!tpu.dma_semaphore, #tpu.memory_space<semaphore_mem>>) src(%dma_wait3A_69 : memref<80x128xf32, #tpu.memory_space<hbm>>) dst(%arg9 : memref<80x128xf32, #tpu.memory_space<vmem>>)
        %dma_start3A_70 = arith.constant 0 : i32
        %dma_start3A_71 = tpu.memref_slice %arg7[%add3A_58, %dma_start3A_70] : memref<125x80xi32, #tpu.memory_space<vmem>> -> memref<1x80xi32, #tpu.memory_space<vmem>>
        %dma_start3A_72 = tpu.memref_squeeze %dma_start3A_71 : memref<1x80xi32, #tpu.memory_space<vmem>> -> memref<80xi32, #tpu.memory_space<vmem>>
        %dma_start3A_73 = arith.constant 0 : i32
        %dma_start3A_74 = arith.constant 0 : i32
        %dma_start3A_75 = tpu.memref_slice %arg6[%dma_start3A_73, %dma_start3A_74] : memref<10240x128xf32, #tpu.memory_space<vmem_shared>> -> memref<10240x128xf32, #tpu.memory_space<vmem_shared>>
        tpu.enqueue_indirect_dma source(%arg9 : memref<80x128xf32, #tpu.memory_space<vmem>>) target(%dma_start3A_75 : memref<10240x128xf32, #tpu.memory_space<vmem_shared>>) offsets(%dma_start3A_72 : memref<80xi32, #tpu.memory_space<vmem>>) semaphore(%arg13 : memref<!tpu.dma_semaphore, #tpu.memory_space<semaphore_mem>>) {add = true}
      } else {
      }
    }
    %scan3A_14 = arith.constant 63 : i32
    %dma_wait3A = arith.constant 0 : i32
    %dma_wait3A_15 = arith.constant 0 : i32
    %dma_wait3A_16 = tpu.memref_slice %arg7[%dma_wait3A, %dma_wait3A_15] : memref<125x80xi32, #tpu.memory_space<vmem>> -> memref<1x80xi32, #tpu.memory_space<vmem>>
    %dma_wait3A_17 = tpu.memref_squeeze %dma_wait3A_16 : memref<1x80xi32, #tpu.memory_space<vmem>> -> memref<80xi32, #tpu.memory_space<vmem>>
    %dma_wait3A_18 = arith.constant 0 : i32
    %dma_wait3A_19 = arith.constant 0 : i32
    %dma_wait3A_20 = tpu.memref_slice %arg6[%dma_wait3A_18, %dma_wait3A_19] : memref<10240x128xf32, #tpu.memory_space<vmem_shared>> -> memref<10240x128xf32, #tpu.memory_space<vmem_shared>>
    tpu.wait_indirect_dma semaphore(%arg12 : memref<!tpu.dma_semaphore, #tpu.memory_space<semaphore_mem>>) src(%arg8 : memref<80x128xf32, #tpu.memory_space<vmem>>) dst(%dma_wait3A_20 : memref<10240x128xf32, #tpu.memory_space<vmem_shared>>)
    %dma_wait3A_21 = arith.constant 0 : i32
    %dma_wait3A_22 = arith.constant 0 : i32
    %dma_wait3A_23 = tpu.memref_slice %arg7[%dma_wait3A_21, %dma_wait3A_22] : memref<125x80xi32, #tpu.memory_space<vmem>> -> memref<1x80xi32, #tpu.memory_space<vmem>>
    %dma_wait3A_24 = tpu.memref_squeeze %dma_wait3A_23 : memref<1x80xi32, #tpu.memory_space<vmem>> -> memref<80xi32, #tpu.memory_space<vmem>>
    %dma_wait3A_25 = arith.constant 0 : i32
    %dma_wait3A_26 = arith.constant 0 : i32
    %dma_wait3A_27 = tpu.memref_slice %arg6[%dma_wait3A_25, %dma_wait3A_26] : memref<10240x128xf32, #tpu.memory_space<vmem_shared>> -> memref<10240x128xf32, #tpu.memory_space<vmem_shared>>
    tpu.wait_indirect_dma semaphore(%arg13 : memref<!tpu.dma_semaphore, #tpu.memory_space<semaphore_mem>>) src(%arg9 : memref<80x128xf32, #tpu.memory_space<vmem>>) dst(%dma_wait3A_27 : memref<10240x128xf32, #tpu.memory_space<vmem_shared>>)
    %barrier3A_28 = arith.constant 0 : index
    tpu.barrier barrier_id(%barrier3A_28)
    %mul3A_29 = arith.constant 640 : i32
    %mul3A_30 = arith.muli %arg1, %mul3A_29 : i32
    %mul3A_31 = arith.constant 640 : i32
    %mul3A_32 = arith.muli %arg1, %mul3A_31 : i32
    "tpu.region"() ({
      %run_scoped3A = tpu.sem_alloc : memref<!tpu.dma_semaphore, #tpu.memory_space<semaphore_mem>>
      %dma_start3A_33 = arith.constant 0 : i32
      %dma_start3A_34 = tpu.memref_slice %arg5[%arg0, %mul3A_32, %dma_start3A_33] : memref<2x10240x128xf32, #tpu.memory_space<hbm>> -> memref<1x640x128xf32, #tpu.memory_space<hbm>>
      %dma_start3A_35 = tpu.memref_squeeze %dma_start3A_34 : memref<1x640x128xf32, #tpu.memory_space<hbm>> -> memref<640x128xf32, #tpu.memory_space<hbm>>
      %dma_start3A_36 = arith.constant 0 : i32
      %dma_start3A_37 = tpu.memref_slice %arg6[%mul3A_30, %dma_start3A_36] : memref<10240x128xf32, #tpu.memory_space<vmem_shared>> -> memref<640x128xf32, #tpu.memory_space<vmem_shared>>
      tpu.enqueue_dma source(%dma_start3A_37 : memref<640x128xf32, #tpu.memory_space<vmem_shared>>) target(%dma_start3A_35 : memref<640x128xf32, #tpu.memory_space<hbm>>) target_semaphore(%run_scoped3A : memref<!tpu.dma_semaphore, #tpu.memory_space<semaphore_mem>>)
      %dma_wait3A_38 = arith.constant 0 : i32
      %dma_wait3A_39 = tpu.memref_slice %arg5[%arg0, %mul3A_32, %dma_wait3A_38] : memref<2x10240x128xf32, #tpu.memory_space<hbm>> -> memref<1x640x128xf32, #tpu.memory_space<hbm>>
      %dma_wait3A_40 = tpu.memref_squeeze %dma_wait3A_39 : memref<1x640x128xf32, #tpu.memory_space<hbm>> -> memref<640x128xf32, #tpu.memory_space<hbm>>
      %dma_wait3A_41 = arith.constant 0 : i32
      %dma_wait3A_42 = tpu.memref_slice %arg6[%mul3A_30, %dma_wait3A_41] : memref<10240x128xf32, #tpu.memory_space<vmem_shared>> -> memref<640x128xf32, #tpu.memory_space<vmem_shared>>
      tpu.wait_dma2 semaphore(%run_scoped3A : memref<!tpu.dma_semaphore, #tpu.memory_space<semaphore_mem>>) src(%dma_wait3A_42 : memref<640x128xf32, #tpu.memory_space<vmem_shared>>) dst(%dma_wait3A_40 : memref<640x128xf32, #tpu.memory_space<hbm>>)
      tpu.yield
    }) : () -> ()
    return
  }
}

#map = affine_map<(d0, d1) -> (0, 0)>
#map1 = affine_map<(d0, d1) -> (0, 0, 0)>
module attributes {stable_mosaic.version = 14 : i64} {
  func.func @_sc_gather_body(%arg0: i32, %arg1: i32, %arg2: memref<10000x128xf32, #tpu.memory_space<hbm>>, %arg3: memref<32x125x80xi32, #tpu.memory_space<hbm>>, %arg4: memref<32x125x80xi32, #tpu.memory_space<hbm>>, %arg5: memref<320000x128xf32, #tpu.memory_space<hbm>>, %arg6: memref<320000x128xf32, #tpu.memory_space<hbm>>, %arg7: memref<125x80xi32, #tpu.memory_space<vmem>>, %arg8: memref<125x80xi32, #tpu.memory_space<vmem>>, %arg9: memref<80x128xf32, #tpu.memory_space<vmem>>, %arg10: memref<80x128xf32, #tpu.memory_space<vmem>>, %arg11: memref<80x128xf32, #tpu.memory_space<vmem>>, %arg12: memref<80x128xf32, #tpu.memory_space<vmem>>, %arg13: memref<!tpu.dma_semaphore, #tpu.memory_space<semaphore_mem>>, %arg14: memref<!tpu.dma_semaphore, #tpu.memory_space<semaphore_mem>>, %arg15: memref<!tpu.dma_semaphore, #tpu.memory_space<semaphore_mem>>, %arg16: memref<!tpu.dma_semaphore, #tpu.memory_space<semaphore_mem>>, %arg17: memref<!tpu.dma_semaphore, #tpu.memory_space<semaphore_mem>>, %arg18: memref<!tpu.dma_semaphore, #tpu.memory_space<semaphore_mem>>, %arg19: memref<!tpu.dma_semaphore, #tpu.memory_space<semaphore_mem>>, %arg20: memref<!tpu.dma_semaphore, #tpu.memory_space<semaphore_mem>>) attributes {dimension_semantics = [#tpu.dimension_semantics<core_parallel>, #tpu.dimension_semantics<subcore_parallel>], iteration_bounds = array<i64: 2, 16>, scalar_prefetch = 0 : i64, scratch_operands = 14 : i64, tpu.core_type = #tpu.core_type<sc_vector_subcore>, window_params = [{transform_indices = #map}, {transform_indices = #map1}, {transform_indices = #map1}, {transform_indices = #map}, {transform_indices = #map}]} {
    %mul3A = arith.constant 2 : i32
    %mul3A_0 = arith.muli %arg1, %mul3A : i32
    %add3A = arith.addi %mul3A_0, %arg0 : i32
    %mul3A_1 = arith.constant 10000 : i32
    %mul3A_2 = arith.muli %add3A, %mul3A_1 : i32
    "tpu.region"() ({
      %run_scoped3A = tpu.sem_alloc : memref<!tpu.dma_semaphore, #tpu.memory_space<semaphore_mem>>
      %dma_start3A_36 = arith.constant 0 : i32
      %dma_start3A_37 = arith.constant 0 : i32
      %dma_start3A_38 = tpu.memref_slice %arg3[%add3A, %dma_start3A_36, %dma_start3A_37] : memref<32x125x80xi32, #tpu.memory_space<hbm>> -> memref<1x125x80xi32, #tpu.memory_space<hbm>>
      %dma_start3A_39 = tpu.memref_squeeze %dma_start3A_38 : memref<1x125x80xi32, #tpu.memory_space<hbm>> -> memref<125x80xi32, #tpu.memory_space<hbm>>
      %dma_start3A_40 = arith.constant 0 : i32
      %dma_start3A_41 = arith.constant 0 : i32
      %dma_start3A_42 = tpu.memref_slice %arg3[%add3A, %dma_start3A_40, %dma_start3A_41] : memref<32x125x80xi32, #tpu.memory_space<hbm>> -> memref<1x125x80xi32, #tpu.memory_space<hbm>>
      %dma_start3A_43 = tpu.memref_squeeze %dma_start3A_42 : memref<1x125x80xi32, #tpu.memory_space<hbm>> -> memref<125x80xi32, #tpu.memory_space<hbm>>
      tpu.enqueue_dma source(%dma_start3A_43 : memref<125x80xi32, #tpu.memory_space<hbm>>) target(%arg7 : memref<125x80xi32, #tpu.memory_space<vmem>>) target_semaphore(%run_scoped3A : memref<!tpu.dma_semaphore, #tpu.memory_space<semaphore_mem>>)
      %dma_wait3A_44 = arith.constant 0 : i32
      %dma_wait3A_45 = arith.constant 0 : i32
      %dma_wait3A_46 = tpu.memref_slice %arg3[%add3A, %dma_wait3A_44, %dma_wait3A_45] : memref<32x125x80xi32, #tpu.memory_space<hbm>> -> memref<1x125x80xi32, #tpu.memory_space<hbm>>
      %dma_wait3A_47 = tpu.memref_squeeze %dma_wait3A_46 : memref<1x125x80xi32, #tpu.memory_space<hbm>> -> memref<125x80xi32, #tpu.memory_space<hbm>>
      %dma_wait3A_48 = arith.constant 0 : i32
      %dma_wait3A_49 = arith.constant 0 : i32
      %dma_wait3A_50 = tpu.memref_slice %arg3[%add3A, %dma_wait3A_48, %dma_wait3A_49] : memref<32x125x80xi32, #tpu.memory_space<hbm>> -> memref<1x125x80xi32, #tpu.memory_space<hbm>>
      %dma_wait3A_51 = tpu.memref_squeeze %dma_wait3A_50 : memref<1x125x80xi32, #tpu.memory_space<hbm>> -> memref<125x80xi32, #tpu.memory_space<hbm>>
      tpu.wait_dma2 semaphore(%run_scoped3A : memref<!tpu.dma_semaphore, #tpu.memory_space<semaphore_mem>>) src(%dma_wait3A_51 : memref<125x80xi32, #tpu.memory_space<hbm>>) dst(%arg7 : memref<125x80xi32, #tpu.memory_space<vmem>>)
      tpu.yield
    }) : () -> ()
    "tpu.region"() ({
      %run_scoped3A = tpu.sem_alloc : memref<!tpu.dma_semaphore, #tpu.memory_space<semaphore_mem>>
      %dma_start3A_36 = arith.constant 0 : i32
      %dma_start3A_37 = arith.constant 0 : i32
      %dma_start3A_38 = tpu.memref_slice %arg4[%add3A, %dma_start3A_36, %dma_start3A_37] : memref<32x125x80xi32, #tpu.memory_space<hbm>> -> memref<1x125x80xi32, #tpu.memory_space<hbm>>
      %dma_start3A_39 = tpu.memref_squeeze %dma_start3A_38 : memref<1x125x80xi32, #tpu.memory_space<hbm>> -> memref<125x80xi32, #tpu.memory_space<hbm>>
      %dma_start3A_40 = arith.constant 0 : i32
      %dma_start3A_41 = arith.constant 0 : i32
      %dma_start3A_42 = tpu.memref_slice %arg4[%add3A, %dma_start3A_40, %dma_start3A_41] : memref<32x125x80xi32, #tpu.memory_space<hbm>> -> memref<1x125x80xi32, #tpu.memory_space<hbm>>
      %dma_start3A_43 = tpu.memref_squeeze %dma_start3A_42 : memref<1x125x80xi32, #tpu.memory_space<hbm>> -> memref<125x80xi32, #tpu.memory_space<hbm>>
      tpu.enqueue_dma source(%dma_start3A_43 : memref<125x80xi32, #tpu.memory_space<hbm>>) target(%arg8 : memref<125x80xi32, #tpu.memory_space<vmem>>) target_semaphore(%run_scoped3A : memref<!tpu.dma_semaphore, #tpu.memory_space<semaphore_mem>>)
      %dma_wait3A_44 = arith.constant 0 : i32
      %dma_wait3A_45 = arith.constant 0 : i32
      %dma_wait3A_46 = tpu.memref_slice %arg4[%add3A, %dma_wait3A_44, %dma_wait3A_45] : memref<32x125x80xi32, #tpu.memory_space<hbm>> -> memref<1x125x80xi32, #tpu.memory_space<hbm>>
      %dma_wait3A_47 = tpu.memref_squeeze %dma_wait3A_46 : memref<1x125x80xi32, #tpu.memory_space<hbm>> -> memref<125x80xi32, #tpu.memory_space<hbm>>
      %dma_wait3A_48 = arith.constant 0 : i32
      %dma_wait3A_49 = arith.constant 0 : i32
      %dma_wait3A_50 = tpu.memref_slice %arg4[%add3A, %dma_wait3A_48, %dma_wait3A_49] : memref<32x125x80xi32, #tpu.memory_space<hbm>> -> memref<1x125x80xi32, #tpu.memory_space<hbm>>
      %dma_wait3A_51 = tpu.memref_squeeze %dma_wait3A_50 : memref<1x125x80xi32, #tpu.memory_space<hbm>> -> memref<125x80xi32, #tpu.memory_space<hbm>>
      tpu.wait_dma2 semaphore(%run_scoped3A : memref<!tpu.dma_semaphore, #tpu.memory_space<semaphore_mem>>) src(%dma_wait3A_51 : memref<125x80xi32, #tpu.memory_space<hbm>>) dst(%arg8 : memref<125x80xi32, #tpu.memory_space<vmem>>)
      tpu.yield
    }) : () -> ()
    %dma_start3A = arith.constant 0 : i32
    %dma_start3A_3 = arith.constant 0 : i32
    %dma_start3A_4 = tpu.memref_slice %arg7[%dma_start3A, %dma_start3A_3] : memref<125x80xi32, #tpu.memory_space<vmem>> -> memref<1x80xi32, #tpu.memory_space<vmem>>
    %dma_start3A_5 = tpu.memref_squeeze %dma_start3A_4 : memref<1x80xi32, #tpu.memory_space<vmem>> -> memref<80xi32, #tpu.memory_space<vmem>>
    %dma_start3A_6 = arith.constant 0 : i32
    %dma_start3A_7 = arith.constant 0 : i32
    %dma_start3A_8 = tpu.memref_slice %arg2[%dma_start3A_6, %dma_start3A_7] : memref<10000x128xf32, #tpu.memory_space<hbm>> -> memref<10000x128xf32, #tpu.memory_space<hbm>>
    tpu.enqueue_indirect_dma source(%dma_start3A_8 : memref<10000x128xf32, #tpu.memory_space<hbm>>) target(%arg9 : memref<80x128xf32, #tpu.memory_space<vmem>>) offsets(%dma_start3A_5 : memref<80xi32, #tpu.memory_space<vmem>>) semaphore(%arg13 : memref<!tpu.dma_semaphore, #tpu.memory_space<semaphore_mem>>)
    %dma_start3A_9 = arith.constant 0 : i32
    %dma_start3A_10 = arith.constant 0 : i32
    %dma_start3A_11 = tpu.memref_slice %arg8[%dma_start3A_9, %dma_start3A_10] : memref<125x80xi32, #tpu.memory_space<vmem>> -> memref<1x80xi32, #tpu.memory_space<vmem>>
    %dma_start3A_12 = tpu.memref_squeeze %dma_start3A_11 : memref<1x80xi32, #tpu.memory_space<vmem>> -> memref<80xi32, #tpu.memory_space<vmem>>
    %dma_start3A_13 = arith.constant 0 : i32
    %dma_start3A_14 = arith.constant 0 : i32
    %dma_start3A_15 = tpu.memref_slice %arg2[%dma_start3A_13, %dma_start3A_14] : memref<10000x128xf32, #tpu.memory_space<hbm>> -> memref<10000x128xf32, #tpu.memory_space<hbm>>
    tpu.enqueue_indirect_dma source(%dma_start3A_15 : memref<10000x128xf32, #tpu.memory_space<hbm>>) target(%arg11 : memref<80x128xf32, #tpu.memory_space<vmem>>) offsets(%dma_start3A_12 : memref<80xi32, #tpu.memory_space<vmem>>) semaphore(%arg15 : memref<!tpu.dma_semaphore, #tpu.memory_space<semaphore_mem>>)
    %scan3A = arith.constant 0 : i32
    %scan3A_16 = arith.constant 0 : i32
    %scan3A_17 = arith.constant 63 : i32
    %scan3A_18 = arith.addi %scan3A_16, %scan3A_17 : i32
    %scan3A_19 = arith.constant 1 : i32
    scf.for %scan3A_36 = %scan3A_16 to %scan3A_18 step %scan3A_19  : i32 {
      %mul3A_37 = arith.constant 2 : i32
      %mul3A_38 = arith.muli %scan3A_36, %mul3A_37 : i32
      %add3A_39 = arith.constant 1 : i32
      %add3A_40 = arith.addi %mul3A_38, %add3A_39 : i32
      %lt3A = arith.constant 125 : i32
      %lt3A_41 = arith.cmpi slt, %add3A_40, %lt3A : i32
      %convert_element_type3A = arith.extui %lt3A_41 : i1 to i32
      %cond3A = arith.constant 0 : i32
      %cond3A_42 = arith.cmpi ne, %convert_element_type3A, %cond3A : i32
      scf.if %cond3A_42 {
        %ge3A = arith.constant 1 : i32
        %ge3A_73 = arith.cmpi sge, %mul3A_38, %ge3A : i32
        %convert_element_type3A_74 = arith.extui %ge3A_73 : i1 to i32
        %cond3A_75 = arith.constant 0 : i32
        %cond3A_76 = arith.cmpi ne, %convert_element_type3A_74, %cond3A_75 : i32
        scf.if %cond3A_76 {
          %dma_wait3A_91 = arith.constant 0 : i32
          %dma_wait3A_92 = tpu.memref_slice %arg5[%mul3A_2, %dma_wait3A_91] : memref<320000x128xf32, #tpu.memory_space<hbm>> -> memref<80x128xf32, #tpu.memory_space<hbm>>
          %dma_wait3A_93 = arith.constant 0 : i32
          %dma_wait3A_94 = tpu.memref_slice %arg5[%mul3A_2, %dma_wait3A_93] : memref<320000x128xf32, #tpu.memory_space<hbm>> -> memref<80x128xf32, #tpu.memory_space<hbm>>
          tpu.wait_dma2 semaphore(%arg18 : memref<!tpu.dma_semaphore, #tpu.memory_space<semaphore_mem>>) src(%arg10 : memref<80x128xf32, #tpu.memory_space<vmem>>) dst(%dma_wait3A_94 : memref<80x128xf32, #tpu.memory_space<hbm>>)
          %dma_wait3A_95 = arith.constant 0 : i32
          %dma_wait3A_96 = tpu.memref_slice %arg6[%mul3A_2, %dma_wait3A_95] : memref<320000x128xf32, #tpu.memory_space<hbm>> -> memref<80x128xf32, #tpu.memory_space<hbm>>
          %dma_wait3A_97 = arith.constant 0 : i32
          %dma_wait3A_98 = tpu.memref_slice %arg6[%mul3A_2, %dma_wait3A_97] : memref<320000x128xf32, #tpu.memory_space<hbm>> -> memref<80x128xf32, #tpu.memory_space<hbm>>
          tpu.wait_dma2 semaphore(%arg20 : memref<!tpu.dma_semaphore, #tpu.memory_space<semaphore_mem>>) src(%arg12 : memref<80x128xf32, #tpu.memory_space<vmem>>) dst(%dma_wait3A_98 : memref<80x128xf32, #tpu.memory_space<hbm>>)
        } else {
        }
        %add3A_77 = arith.constant 1 : i32
        %add3A_78 = arith.addi %mul3A_38, %add3A_77 : i32
        %dma_start3A_79 = arith.constant 0 : i32
        %dma_start3A_80 = tpu.memref_slice %arg7[%add3A_78, %dma_start3A_79] : memref<125x80xi32, #tpu.memory_space<vmem>> -> memref<1x80xi32, #tpu.memory_space<vmem>>
        %dma_start3A_81 = tpu.memref_squeeze %dma_start3A_80 : memref<1x80xi32, #tpu.memory_space<vmem>> -> memref<80xi32, #tpu.memory_space<vmem>>
        %dma_start3A_82 = arith.constant 0 : i32
        %dma_start3A_83 = arith.constant 0 : i32
        %dma_start3A_84 = tpu.memref_slice %arg2[%dma_start3A_82, %dma_start3A_83] : memref<10000x128xf32, #tpu.memory_space<hbm>> -> memref<10000x128xf32, #tpu.memory_space<hbm>>
        tpu.enqueue_indirect_dma source(%dma_start3A_84 : memref<10000x128xf32, #tpu.memory_space<hbm>>) target(%arg10 : memref<80x128xf32, #tpu.memory_space<vmem>>) offsets(%dma_start3A_81 : memref<80xi32, #tpu.memory_space<vmem>>) semaphore(%arg14 : memref<!tpu.dma_semaphore, #tpu.memory_space<semaphore_mem>>)
        %dma_start3A_85 = arith.constant 0 : i32
        %dma_start3A_86 = tpu.memref_slice %arg8[%add3A_78, %dma_start3A_85] : memref<125x80xi32, #tpu.memory_space<vmem>> -> memref<1x80xi32, #tpu.memory_space<vmem>>
        %dma_start3A_87 = tpu.memref_squeeze %dma_start3A_86 : memref<1x80xi32, #tpu.memory_space<vmem>> -> memref<80xi32, #tpu.memory_space<vmem>>
        %dma_start3A_88 = arith.constant 0 : i32
        %dma_start3A_89 = arith.constant 0 : i32
        %dma_start3A_90 = tpu.memref_slice %arg2[%dma_start3A_88, %dma_start3A_89] : memref<10000x128xf32, #tpu.memory_space<hbm>> -> memref<10000x128xf32, #tpu.memory_space<hbm>>
        tpu.enqueue_indirect_dma source(%dma_start3A_90 : memref<10000x128xf32, #tpu.memory_space<hbm>>) target(%arg12 : memref<80x128xf32, #tpu.memory_space<vmem>>) offsets(%dma_start3A_87 : memref<80xi32, #tpu.memory_space<vmem>>) semaphore(%arg16 : memref<!tpu.dma_semaphore, #tpu.memory_space<semaphore_mem>>)
      } else {
      }
      %dma_wait3A_43 = arith.constant 0 : i32
      %dma_wait3A_44 = tpu.memref_slice %arg7[%mul3A_38, %dma_wait3A_43] : memref<125x80xi32, #tpu.memory_space<vmem>> -> memref<1x80xi32, #tpu.memory_space<vmem>>
      %dma_wait3A_45 = tpu.memref_squeeze %dma_wait3A_44 : memref<1x80xi32, #tpu.memory_space<vmem>> -> memref<80xi32, #tpu.memory_space<vmem>>
      %dma_wait3A_46 = arith.constant 0 : i32
      %dma_wait3A_47 = arith.constant 0 : i32
      %dma_wait3A_48 = tpu.memref_slice %arg2[%dma_wait3A_46, %dma_wait3A_47] : memref<10000x128xf32, #tpu.memory_space<hbm>> -> memref<10000x128xf32, #tpu.memory_space<hbm>>
      tpu.wait_indirect_dma semaphore(%arg13 : memref<!tpu.dma_semaphore, #tpu.memory_space<semaphore_mem>>) src(%dma_wait3A_48 : memref<10000x128xf32, #tpu.memory_space<hbm>>) dst(%arg9 : memref<80x128xf32, #tpu.memory_space<vmem>>)
      %dma_wait3A_49 = arith.constant 0 : i32
      %dma_wait3A_50 = tpu.memref_slice %arg8[%mul3A_38, %dma_wait3A_49] : memref<125x80xi32, #tpu.memory_space<vmem>> -> memref<1x80xi32, #tpu.memory_space<vmem>>
      %dma_wait3A_51 = tpu.memref_squeeze %dma_wait3A_50 : memref<1x80xi32, #tpu.memory_space<vmem>> -> memref<80xi32, #tpu.memory_space<vmem>>
      %dma_wait3A_52 = arith.constant 0 : i32
      %dma_wait3A_53 = arith.constant 0 : i32
      %dma_wait3A_54 = tpu.memref_slice %arg2[%dma_wait3A_52, %dma_wait3A_53] : memref<10000x128xf32, #tpu.memory_space<hbm>> -> memref<10000x128xf32, #tpu.memory_space<hbm>>
      tpu.wait_indirect_dma semaphore(%arg15 : memref<!tpu.dma_semaphore, #tpu.memory_space<semaphore_mem>>) src(%dma_wait3A_54 : memref<10000x128xf32, #tpu.memory_space<hbm>>) dst(%arg11 : memref<80x128xf32, #tpu.memory_space<vmem>>)
      %mul3A_55 = arith.constant 80 : i32
      %mul3A_56 = arith.muli %mul3A_38, %mul3A_55 : i32
      %add3A_57 = arith.addi %mul3A_2, %mul3A_56 : i32
      %dma_start3A_58 = arith.constant 0 : i32
      %dma_start3A_59 = tpu.memref_slice %arg5[%add3A_57, %dma_start3A_58] : memref<320000x128xf32, #tpu.memory_space<hbm>> -> memref<80x128xf32, #tpu.memory_space<hbm>>
      %dma_start3A_60 = arith.constant 0 : i32
      %dma_start3A_61 = tpu.memref_slice %arg5[%add3A_57, %dma_start3A_60] : memref<320000x128xf32, #tpu.memory_space<hbm>> -> memref<80x128xf32, #tpu.memory_space<hbm>>
      tpu.enqueue_dma source(%arg9 : memref<80x128xf32, #tpu.memory_space<vmem>>) target(%dma_start3A_61 : memref<80x128xf32, #tpu.memory_space<hbm>>) target_semaphore(%arg17 : memref<!tpu.dma_semaphore, #tpu.memory_space<semaphore_mem>>)
      %dma_start3A_62 = arith.constant 0 : i32
      %dma_start3A_63 = tpu.memref_slice %arg6[%add3A_57, %dma_start3A_62] : memref<320000x128xf32, #tpu.memory_space<hbm>> -> memref<80x128xf32, #tpu.memory_space<hbm>>
      %dma_start3A_64 = arith.constant 0 : i32
      %dma_start3A_65 = tpu.memref_slice %arg6[%add3A_57, %dma_start3A_64] : memref<320000x128xf32, #tpu.memory_space<hbm>> -> memref<80x128xf32, #tpu.memory_space<hbm>>
      tpu.enqueue_dma source(%arg11 : memref<80x128xf32, #tpu.memory_space<vmem>>) target(%dma_start3A_65 : memref<80x128xf32, #tpu.memory_space<hbm>>) target_semaphore(%arg19 : memref<!tpu.dma_semaphore, #tpu.memory_space<semaphore_mem>>)
      %add3A_66 = arith.constant 1 : i32
      %add3A_67 = arith.addi %mul3A_38, %add3A_66 : i32
      %lt3A_68 = arith.constant 125 : i32
      %lt3A_69 = arith.cmpi slt, %add3A_67, %lt3A_68 : i32
      %convert_element_type3A_70 = arith.extui %lt3A_69 : i1 to i32
      %cond3A_71 = arith.constant 0 : i32
      %cond3A_72 = arith.cmpi ne, %convert_element_type3A_70, %cond3A_71 : i32
      scf.if %cond3A_72 {
        %add3A_73 = arith.constant 1 : i32
        %add3A_74 = arith.addi %mul3A_38, %add3A_73 : i32
        %add3A_75 = arith.constant 1 : i32
        %add3A_76 = arith.addi %add3A_74, %add3A_75 : i32
        %lt3A_77 = arith.constant 125 : i32
        %lt3A_78 = arith.cmpi slt, %add3A_76, %lt3A_77 : i32
        %convert_element_type3A_79 = arith.extui %lt3A_78 : i1 to i32
        %cond3A_80 = arith.constant 0 : i32
        %cond3A_81 = arith.cmpi ne, %convert_element_type3A_79, %cond3A_80 : i32
        scf.if %cond3A_81 {
          %ge3A = arith.constant 1 : i32
          %ge3A_105 = arith.cmpi sge, %add3A_74, %ge3A : i32
          %convert_element_type3A_106 = arith.extui %ge3A_105 : i1 to i32
          %cond3A_107 = arith.constant 0 : i32
          %cond3A_108 = arith.cmpi ne, %convert_element_type3A_106, %cond3A_107 : i32
          scf.if %cond3A_108 {
            %dma_wait3A_123 = arith.constant 0 : i32
            %dma_wait3A_124 = tpu.memref_slice %arg5[%mul3A_2, %dma_wait3A_123] : memref<320000x128xf32, #tpu.memory_space<hbm>> -> memref<80x128xf32, #tpu.memory_space<hbm>>
            %dma_wait3A_125 = arith.constant 0 : i32
            %dma_wait3A_126 = tpu.memref_slice %arg5[%mul3A_2, %dma_wait3A_125] : memref<320000x128xf32, #tpu.memory_space<hbm>> -> memref<80x128xf32, #tpu.memory_space<hbm>>
            tpu.wait_dma2 semaphore(%arg17 : memref<!tpu.dma_semaphore, #tpu.memory_space<semaphore_mem>>) src(%arg9 : memref<80x128xf32, #tpu.memory_space<vmem>>) dst(%dma_wait3A_126 : memref<80x128xf32, #tpu.memory_space<hbm>>)
            %dma_wait3A_127 = arith.constant 0 : i32
            %dma_wait3A_128 = tpu.memref_slice %arg6[%mul3A_2, %dma_wait3A_127] : memref<320000x128xf32, #tpu.memory_space<hbm>> -> memref<80x128xf32, #tpu.memory_space<hbm>>
            %dma_wait3A_129 = arith.constant 0 : i32
            %dma_wait3A_130 = tpu.memref_slice %arg6[%mul3A_2, %dma_wait3A_129] : memref<320000x128xf32, #tpu.memory_space<hbm>> -> memref<80x128xf32, #tpu.memory_space<hbm>>
            tpu.wait_dma2 semaphore(%arg19 : memref<!tpu.dma_semaphore, #tpu.memory_space<semaphore_mem>>) src(%arg11 : memref<80x128xf32, #tpu.memory_space<vmem>>) dst(%dma_wait3A_130 : memref<80x128xf32, #tpu.memory_space<hbm>>)
          } else {
          }
          %add3A_109 = arith.constant 1 : i32
          %add3A_110 = arith.addi %add3A_74, %add3A_109 : i32
          %dma_start3A_111 = arith.constant 0 : i32
          %dma_start3A_112 = tpu.memref_slice %arg7[%add3A_110, %dma_start3A_111] : memref<125x80xi32, #tpu.memory_space<vmem>> -> memref<1x80xi32, #tpu.memory_space<vmem>>
          %dma_start3A_113 = tpu.memref_squeeze %dma_start3A_112 : memref<1x80xi32, #tpu.memory_space<vmem>> -> memref<80xi32, #tpu.memory_space<vmem>>
          %dma_start3A_114 = arith.constant 0 : i32
          %dma_start3A_115 = arith.constant 0 : i32
          %dma_start3A_116 = tpu.memref_slice %arg2[%dma_start3A_114, %dma_start3A_115] : memref<10000x128xf32, #tpu.memory_space<hbm>> -> memref<10000x128xf32, #tpu.memory_space<hbm>>
          tpu.enqueue_indirect_dma source(%dma_start3A_116 : memref<10000x128xf32, #tpu.memory_space<hbm>>) target(%arg9 : memref<80x128xf32, #tpu.memory_space<vmem>>) offsets(%dma_start3A_113 : memref<80xi32, #tpu.memory_space<vmem>>) semaphore(%arg13 : memref<!tpu.dma_semaphore, #tpu.memory_space<semaphore_mem>>)
          %dma_start3A_117 = arith.constant 0 : i32
          %dma_start3A_118 = tpu.memref_slice %arg8[%add3A_110, %dma_start3A_117] : memref<125x80xi32, #tpu.memory_space<vmem>> -> memref<1x80xi32, #tpu.memory_space<vmem>>
          %dma_start3A_119 = tpu.memref_squeeze %dma_start3A_118 : memref<1x80xi32, #tpu.memory_space<vmem>> -> memref<80xi32, #tpu.memory_space<vmem>>
          %dma_start3A_120 = arith.constant 0 : i32
          %dma_start3A_121 = arith.constant 0 : i32
          %dma_start3A_122 = tpu.memref_slice %arg2[%dma_start3A_120, %dma_start3A_121] : memref<10000x128xf32, #tpu.memory_space<hbm>> -> memref<10000x128xf32, #tpu.memory_space<hbm>>
          tpu.enqueue_indirect_dma source(%dma_start3A_122 : memref<10000x128xf32, #tpu.memory_space<hbm>>) target(%arg11 : memref<80x128xf32, #tpu.memory_space<vmem>>) offsets(%dma_start3A_119 : memref<80xi32, #tpu.memory_space<vmem>>) semaphore(%arg15 : memref<!tpu.dma_semaphore, #tpu.memory_space<semaphore_mem>>)
        } else {
        }
        %dma_wait3A_82 = arith.constant 0 : i32
        %dma_wait3A_83 = tpu.memref_slice %arg7[%add3A_74, %dma_wait3A_82] : memref<125x80xi32, #tpu.memory_space<vmem>> -> memref<1x80xi32, #tpu.memory_space<vmem>>
        %dma_wait3A_84 = tpu.memref_squeeze %dma_wait3A_83 : memref<1x80xi32, #tpu.memory_space<vmem>> -> memref<80xi32, #tpu.memory_space<vmem>>
        %dma_wait3A_85 = arith.constant 0 : i32
        %dma_wait3A_86 = arith.constant 0 : i32
        %dma_wait3A_87 = tpu.memref_slice %arg2[%dma_wait3A_85, %dma_wait3A_86] : memref<10000x128xf32, #tpu.memory_space<hbm>> -> memref<10000x128xf32, #tpu.memory_space<hbm>>
        tpu.wait_indirect_dma semaphore(%arg14 : memref<!tpu.dma_semaphore, #tpu.memory_space<semaphore_mem>>) src(%dma_wait3A_87 : memref<10000x128xf32, #tpu.memory_space<hbm>>) dst(%arg10 : memref<80x128xf32, #tpu.memory_space<vmem>>)
        %dma_wait3A_88 = arith.constant 0 : i32
        %dma_wait3A_89 = tpu.memref_slice %arg8[%add3A_74, %dma_wait3A_88] : memref<125x80xi32, #tpu.memory_space<vmem>> -> memref<1x80xi32, #tpu.memory_space<vmem>>
        %dma_wait3A_90 = tpu.memref_squeeze %dma_wait3A_89 : memref<1x80xi32, #tpu.memory_space<vmem>> -> memref<80xi32, #tpu.memory_space<vmem>>
        %dma_wait3A_91 = arith.constant 0 : i32
        %dma_wait3A_92 = arith.constant 0 : i32
        %dma_wait3A_93 = tpu.memref_slice %arg2[%dma_wait3A_91, %dma_wait3A_92] : memref<10000x128xf32, #tpu.memory_space<hbm>> -> memref<10000x128xf32, #tpu.memory_space<hbm>>
        tpu.wait_indirect_dma semaphore(%arg16 : memref<!tpu.dma_semaphore, #tpu.memory_space<semaphore_mem>>) src(%dma_wait3A_93 : memref<10000x128xf32, #tpu.memory_space<hbm>>) dst(%arg12 : memref<80x128xf32, #tpu.memory_space<vmem>>)
        %mul3A_94 = arith.constant 80 : i32
        %mul3A_95 = arith.muli %add3A_74, %mul3A_94 : i32
        %add3A_96 = arith.addi %mul3A_2, %mul3A_95 : i32
        %dma_start3A_97 = arith.constant 0 : i32
        %dma_start3A_98 = tpu.memref_slice %arg5[%add3A_96, %dma_start3A_97] : memref<320000x128xf32, #tpu.memory_space<hbm>> -> memref<80x128xf32, #tpu.memory_space<hbm>>
        %dma_start3A_99 = arith.constant 0 : i32
        %dma_start3A_100 = tpu.memref_slice %arg5[%add3A_96, %dma_start3A_99] : memref<320000x128xf32, #tpu.memory_space<hbm>> -> memref<80x128xf32, #tpu.memory_space<hbm>>
        tpu.enqueue_dma source(%arg10 : memref<80x128xf32, #tpu.memory_space<vmem>>) target(%dma_start3A_100 : memref<80x128xf32, #tpu.memory_space<hbm>>) target_semaphore(%arg18 : memref<!tpu.dma_semaphore, #tpu.memory_space<semaphore_mem>>)
        %dma_start3A_101 = arith.constant 0 : i32
        %dma_start3A_102 = tpu.memref_slice %arg6[%add3A_96, %dma_start3A_101] : memref<320000x128xf32, #tpu.memory_space<hbm>> -> memref<80x128xf32, #tpu.memory_space<hbm>>
        %dma_start3A_103 = arith.constant 0 : i32
        %dma_start3A_104 = tpu.memref_slice %arg6[%add3A_96, %dma_start3A_103] : memref<320000x128xf32, #tpu.memory_space<hbm>> -> memref<80x128xf32, #tpu.memory_space<hbm>>
        tpu.enqueue_dma source(%arg12 : memref<80x128xf32, #tpu.memory_space<vmem>>) target(%dma_start3A_104 : memref<80x128xf32, #tpu.memory_space<hbm>>) target_semaphore(%arg20 : memref<!tpu.dma_semaphore, #tpu.memory_space<semaphore_mem>>)
      } else {
      }
    }
    %scan3A_20 = arith.constant 63 : i32
    %dma_wait3A = arith.constant 0 : i32
    %dma_wait3A_21 = tpu.memref_slice %arg5[%mul3A_2, %dma_wait3A] : memref<320000x128xf32, #tpu.memory_space<hbm>> -> memref<80x128xf32, #tpu.memory_space<hbm>>
    %dma_wait3A_22 = arith.constant 0 : i32
    %dma_wait3A_23 = tpu.memref_slice %arg5[%mul3A_2, %dma_wait3A_22] : memref<320000x128xf32, #tpu.memory_space<hbm>> -> memref<80x128xf32, #tpu.memory_space<hbm>>
    tpu.wait_dma2 semaphore(%arg17 : memref<!tpu.dma_semaphore, #tpu.memory_space<semaphore_mem>>) src(%arg9 : memref<80x128xf32, #tpu.memory_space<vmem>>) dst(%dma_wait3A_23 : memref<80x128xf32, #tpu.memory_space<hbm>>)
    %dma_wait3A_24 = arith.constant 0 : i32
    %dma_wait3A_25 = tpu.memref_slice %arg6[%mul3A_2, %dma_wait3A_24] : memref<320000x128xf32, #tpu.memory_space<hbm>> -> memref<80x128xf32, #tpu.memory_space<hbm>>
    %dma_wait3A_26 = arith.constant 0 : i32
    %dma_wait3A_27 = tpu.memref_slice %arg6[%mul3A_2, %dma_wait3A_26] : memref<320000x128xf32, #tpu.memory_space<hbm>> -> memref<80x128xf32, #tpu.memory_space<hbm>>
    tpu.wait_dma2 semaphore(%arg19 : memref<!tpu.dma_semaphore, #tpu.memory_space<semaphore_mem>>) src(%arg11 : memref<80x128xf32, #tpu.memory_space<vmem>>) dst(%dma_wait3A_27 : memref<80x128xf32, #tpu.memory_space<hbm>>)
    %dma_wait3A_28 = arith.constant 0 : i32
    %dma_wait3A_29 = tpu.memref_slice %arg5[%mul3A_2, %dma_wait3A_28] : memref<320000x128xf32, #tpu.memory_space<hbm>> -> memref<80x128xf32, #tpu.memory_space<hbm>>
    %dma_wait3A_30 = arith.constant 0 : i32
    %dma_wait3A_31 = tpu.memref_slice %arg5[%mul3A_2, %dma_wait3A_30] : memref<320000x128xf32, #tpu.memory_space<hbm>> -> memref<80x128xf32, #tpu.memory_space<hbm>>
    tpu.wait_dma2 semaphore(%arg18 : memref<!tpu.dma_semaphore, #tpu.memory_space<semaphore_mem>>) src(%arg10 : memref<80x128xf32, #tpu.memory_space<vmem>>) dst(%dma_wait3A_31 : memref<80x128xf32, #tpu.memory_space<hbm>>)
    %dma_wait3A_32 = arith.constant 0 : i32
    %dma_wait3A_33 = tpu.memref_slice %arg6[%mul3A_2, %dma_wait3A_32] : memref<320000x128xf32, #tpu.memory_space<hbm>> -> memref<80x128xf32, #tpu.memory_space<hbm>>
    %dma_wait3A_34 = arith.constant 0 : i32
    %dma_wait3A_35 = tpu.memref_slice %arg6[%mul3A_2, %dma_wait3A_34] : memref<320000x128xf32, #tpu.memory_space<hbm>> -> memref<80x128xf32, #tpu.memory_space<hbm>>
    tpu.wait_dma2 semaphore(%arg20 : memref<!tpu.dma_semaphore, #tpu.memory_space<semaphore_mem>>) src(%arg12 : memref<80x128xf32, #tpu.memory_space<vmem>>) dst(%dma_wait3A_35 : memref<80x128xf32, #tpu.memory_space<hbm>>)
    return
  }
}

#map = affine_map<(d0, d1) -> (0, 0)>
#map1 = affine_map<(d0, d1) -> (0, 0, 0)>
module attributes {stable_mosaic.version = 14 : i64} {
  func.func @_sc_gather_body(%arg0: i32, %arg1: i32, %arg2: memref<10000x128xf32, #tpu.memory_space<hbm>>, %arg3: memref<32x125x80xi32, #tpu.memory_space<hbm>>, %arg4: memref<32x125x80xi32, #tpu.memory_space<hbm>>, %arg5: memref<320000x128xf32, #tpu.memory_space<hbm>>, %arg6: memref<320000x128xf32, #tpu.memory_space<hbm>>, %arg7: memref<125x80xi32, #tpu.memory_space<vmem>>, %arg8: memref<125x80xi32, #tpu.memory_space<vmem>>, %arg9: memref<80x128xf32, #tpu.memory_space<vmem>>, %arg10: memref<80x128xf32, #tpu.memory_space<vmem>>, %arg11: memref<80x128xf32, #tpu.memory_space<vmem>>, %arg12: memref<80x128xf32, #tpu.memory_space<vmem>>, %arg13: memref<!tpu.dma_semaphore, #tpu.memory_space<semaphore_mem>>, %arg14: memref<!tpu.dma_semaphore, #tpu.memory_space<semaphore_mem>>, %arg15: memref<!tpu.dma_semaphore, #tpu.memory_space<semaphore_mem>>, %arg16: memref<!tpu.dma_semaphore, #tpu.memory_space<semaphore_mem>>, %arg17: memref<!tpu.dma_semaphore, #tpu.memory_space<semaphore_mem>>, %arg18: memref<!tpu.dma_semaphore, #tpu.memory_space<semaphore_mem>>, %arg19: memref<!tpu.dma_semaphore, #tpu.memory_space<semaphore_mem>>, %arg20: memref<!tpu.dma_semaphore, #tpu.memory_space<semaphore_mem>>) attributes {dimension_semantics = [#tpu.dimension_semantics<core_parallel>, #tpu.dimension_semantics<subcore_parallel>], iteration_bounds = array<i64: 2, 16>, scalar_prefetch = 0 : i64, scratch_operands = 14 : i64, tpu.core_type = #tpu.core_type<sc_vector_subcore>, window_params = [{transform_indices = #map}, {transform_indices = #map1}, {transform_indices = #map1}, {transform_indices = #map}, {transform_indices = #map}]} {
    %mul3A = arith.constant 2 : i32
    %mul3A_0 = arith.muli %arg1, %mul3A : i32
    %add3A = arith.addi %mul3A_0, %arg0 : i32
    %mul3A_1 = arith.constant 10000 : i32
    %mul3A_2 = arith.muli %add3A, %mul3A_1 : i32
    "tpu.region"() ({
      %run_scoped3A = tpu.sem_alloc : memref<!tpu.dma_semaphore, #tpu.memory_space<semaphore_mem>>
      %dma_start3A_36 = arith.constant 0 : i32
      %dma_start3A_37 = arith.constant 0 : i32
      %dma_start3A_38 = tpu.memref_slice %arg3[%add3A, %dma_start3A_36, %dma_start3A_37] : memref<32x125x80xi32, #tpu.memory_space<hbm>> -> memref<1x125x80xi32, #tpu.memory_space<hbm>>
      %dma_start3A_39 = tpu.memref_squeeze %dma_start3A_38 : memref<1x125x80xi32, #tpu.memory_space<hbm>> -> memref<125x80xi32, #tpu.memory_space<hbm>>
      %dma_start3A_40 = arith.constant 0 : i32
      %dma_start3A_41 = arith.constant 0 : i32
      %dma_start3A_42 = tpu.memref_slice %arg3[%add3A, %dma_start3A_40, %dma_start3A_41] : memref<32x125x80xi32, #tpu.memory_space<hbm>> -> memref<1x125x80xi32, #tpu.memory_space<hbm>>
      %dma_start3A_43 = tpu.memref_squeeze %dma_start3A_42 : memref<1x125x80xi32, #tpu.memory_space<hbm>> -> memref<125x80xi32, #tpu.memory_space<hbm>>
      tpu.enqueue_dma source(%dma_start3A_43 : memref<125x80xi32, #tpu.memory_space<hbm>>) target(%arg7 : memref<125x80xi32, #tpu.memory_space<vmem>>) target_semaphore(%run_scoped3A : memref<!tpu.dma_semaphore, #tpu.memory_space<semaphore_mem>>)
      %dma_wait3A_44 = arith.constant 0 : i32
      %dma_wait3A_45 = arith.constant 0 : i32
      %dma_wait3A_46 = tpu.memref_slice %arg3[%add3A, %dma_wait3A_44, %dma_wait3A_45] : memref<32x125x80xi32, #tpu.memory_space<hbm>> -> memref<1x125x80xi32, #tpu.memory_space<hbm>>
      %dma_wait3A_47 = tpu.memref_squeeze %dma_wait3A_46 : memref<1x125x80xi32, #tpu.memory_space<hbm>> -> memref<125x80xi32, #tpu.memory_space<hbm>>
      %dma_wait3A_48 = arith.constant 0 : i32
      %dma_wait3A_49 = arith.constant 0 : i32
      %dma_wait3A_50 = tpu.memref_slice %arg3[%add3A, %dma_wait3A_48, %dma_wait3A_49] : memref<32x125x80xi32, #tpu.memory_space<hbm>> -> memref<1x125x80xi32, #tpu.memory_space<hbm>>
      %dma_wait3A_51 = tpu.memref_squeeze %dma_wait3A_50 : memref<1x125x80xi32, #tpu.memory_space<hbm>> -> memref<125x80xi32, #tpu.memory_space<hbm>>
      tpu.wait_dma2 semaphore(%run_scoped3A : memref<!tpu.dma_semaphore, #tpu.memory_space<semaphore_mem>>) src(%dma_wait3A_51 : memref<125x80xi32, #tpu.memory_space<hbm>>) dst(%arg7 : memref<125x80xi32, #tpu.memory_space<vmem>>)
      tpu.yield
    }) : () -> ()
    "tpu.region"() ({
      %run_scoped3A = tpu.sem_alloc : memref<!tpu.dma_semaphore, #tpu.memory_space<semaphore_mem>>
      %dma_start3A_36 = arith.constant 0 : i32
      %dma_start3A_37 = arith.constant 0 : i32
      %dma_start3A_38 = tpu.memref_slice %arg4[%add3A, %dma_start3A_36, %dma_start3A_37] : memref<32x125x80xi32, #tpu.memory_space<hbm>> -> memref<1x125x80xi32, #tpu.memory_space<hbm>>
      %dma_start3A_39 = tpu.memref_squeeze %dma_start3A_38 : memref<1x125x80xi32, #tpu.memory_space<hbm>> -> memref<125x80xi32, #tpu.memory_space<hbm>>
      %dma_start3A_40 = arith.constant 0 : i32
      %dma_start3A_41 = arith.constant 0 : i32
      %dma_start3A_42 = tpu.memref_slice %arg4[%add3A, %dma_start3A_40, %dma_start3A_41] : memref<32x125x80xi32, #tpu.memory_space<hbm>> -> memref<1x125x80xi32, #tpu.memory_space<hbm>>
      %dma_start3A_43 = tpu.memref_squeeze %dma_start3A_42 : memref<1x125x80xi32, #tpu.memory_space<hbm>> -> memref<125x80xi32, #tpu.memory_space<hbm>>
      tpu.enqueue_dma source(%dma_start3A_43 : memref<125x80xi32, #tpu.memory_space<hbm>>) target(%arg8 : memref<125x80xi32, #tpu.memory_space<vmem>>) target_semaphore(%run_scoped3A : memref<!tpu.dma_semaphore, #tpu.memory_space<semaphore_mem>>)
      %dma_wait3A_44 = arith.constant 0 : i32
      %dma_wait3A_45 = arith.constant 0 : i32
      %dma_wait3A_46 = tpu.memref_slice %arg4[%add3A, %dma_wait3A_44, %dma_wait3A_45] : memref<32x125x80xi32, #tpu.memory_space<hbm>> -> memref<1x125x80xi32, #tpu.memory_space<hbm>>
      %dma_wait3A_47 = tpu.memref_squeeze %dma_wait3A_46 : memref<1x125x80xi32, #tpu.memory_space<hbm>> -> memref<125x80xi32, #tpu.memory_space<hbm>>
      %dma_wait3A_48 = arith.constant 0 : i32
      %dma_wait3A_49 = arith.constant 0 : i32
      %dma_wait3A_50 = tpu.memref_slice %arg4[%add3A, %dma_wait3A_48, %dma_wait3A_49] : memref<32x125x80xi32, #tpu.memory_space<hbm>> -> memref<1x125x80xi32, #tpu.memory_space<hbm>>
      %dma_wait3A_51 = tpu.memref_squeeze %dma_wait3A_50 : memref<1x125x80xi32, #tpu.memory_space<hbm>> -> memref<125x80xi32, #tpu.memory_space<hbm>>
      tpu.wait_dma2 semaphore(%run_scoped3A : memref<!tpu.dma_semaphore, #tpu.memory_space<semaphore_mem>>) src(%dma_wait3A_51 : memref<125x80xi32, #tpu.memory_space<hbm>>) dst(%arg8 : memref<125x80xi32, #tpu.memory_space<vmem>>)
      tpu.yield
    }) : () -> ()
    %dma_start3A = arith.constant 0 : i32
    %dma_start3A_3 = arith.constant 0 : i32
    %dma_start3A_4 = tpu.memref_slice %arg7[%dma_start3A, %dma_start3A_3] : memref<125x80xi32, #tpu.memory_space<vmem>> -> memref<1x80xi32, #tpu.memory_space<vmem>>
    %dma_start3A_5 = tpu.memref_squeeze %dma_start3A_4 : memref<1x80xi32, #tpu.memory_space<vmem>> -> memref<80xi32, #tpu.memory_space<vmem>>
    %dma_start3A_6 = arith.constant 0 : i32
    %dma_start3A_7 = arith.constant 0 : i32
    %dma_start3A_8 = tpu.memref_slice %arg2[%dma_start3A_6, %dma_start3A_7] : memref<10000x128xf32, #tpu.memory_space<hbm>> -> memref<10000x128xf32, #tpu.memory_space<hbm>>
    tpu.enqueue_indirect_dma source(%dma_start3A_8 : memref<10000x128xf32, #tpu.memory_space<hbm>>) target(%arg9 : memref<80x128xf32, #tpu.memory_space<vmem>>) offsets(%dma_start3A_5 : memref<80xi32, #tpu.memory_space<vmem>>) semaphore(%arg13 : memref<!tpu.dma_semaphore, #tpu.memory_space<semaphore_mem>>)
    %dma_start3A_9 = arith.constant 0 : i32
    %dma_start3A_10 = arith.constant 0 : i32
    %dma_start3A_11 = tpu.memref_slice %arg8[%dma_start3A_9, %dma_start3A_10] : memref<125x80xi32, #tpu.memory_space<vmem>> -> memref<1x80xi32, #tpu.memory_space<vmem>>
    %dma_start3A_12 = tpu.memref_squeeze %dma_start3A_11 : memref<1x80xi32, #tpu.memory_space<vmem>> -> memref<80xi32, #tpu.memory_space<vmem>>
    %dma_start3A_13 = arith.constant 0 : i32
    %dma_start3A_14 = arith.constant 0 : i32
    %dma_start3A_15 = tpu.memref_slice %arg2[%dma_start3A_13, %dma_start3A_14] : memref<10000x128xf32, #tpu.memory_space<hbm>> -> memref<10000x128xf32, #tpu.memory_space<hbm>>
    tpu.enqueue_indirect_dma source(%dma_start3A_15 : memref<10000x128xf32, #tpu.memory_space<hbm>>) target(%arg11 : memref<80x128xf32, #tpu.memory_space<vmem>>) offsets(%dma_start3A_12 : memref<80xi32, #tpu.memory_space<vmem>>) semaphore(%arg15 : memref<!tpu.dma_semaphore, #tpu.memory_space<semaphore_mem>>)
    %scan3A = arith.constant 0 : i32
    %scan3A_16 = arith.constant 0 : i32
    %scan3A_17 = arith.constant 63 : i32
    %scan3A_18 = arith.addi %scan3A_16, %scan3A_17 : i32
    %scan3A_19 = arith.constant 1 : i32
    scf.for %scan3A_36 = %scan3A_16 to %scan3A_18 step %scan3A_19  : i32 {
      %mul3A_37 = arith.constant 2 : i32
      %mul3A_38 = arith.muli %scan3A_36, %mul3A_37 : i32
      %add3A_39 = arith.constant 1 : i32
      %add3A_40 = arith.addi %mul3A_38, %add3A_39 : i32
      %lt3A = arith.constant 125 : i32
      %lt3A_41 = arith.cmpi slt, %add3A_40, %lt3A : i32
      %convert_element_type3A = arith.extui %lt3A_41 : i1 to i32
      %cond3A = arith.constant 0 : i32
      %cond3A_42 = arith.cmpi ne, %convert_element_type3A, %cond3A : i32
      scf.if %cond3A_42 {
        %ge3A = arith.constant 1 : i32
        %ge3A_73 = arith.cmpi sge, %mul3A_38, %ge3A : i32
        %convert_element_type3A_74 = arith.extui %ge3A_73 : i1 to i32
        %cond3A_75 = arith.constant 0 : i32
        %cond3A_76 = arith.cmpi ne, %convert_element_type3A_74, %cond3A_75 : i32
        scf.if %cond3A_76 {
          %dma_wait3A_91 = arith.constant 0 : i32
          %dma_wait3A_92 = tpu.memref_slice %arg5[%mul3A_2, %dma_wait3A_91] : memref<320000x128xf32, #tpu.memory_space<hbm>> -> memref<80x128xf32, #tpu.memory_space<hbm>>
          %dma_wait3A_93 = arith.constant 0 : i32
          %dma_wait3A_94 = tpu.memref_slice %arg5[%mul3A_2, %dma_wait3A_93] : memref<320000x128xf32, #tpu.memory_space<hbm>> -> memref<80x128xf32, #tpu.memory_space<hbm>>
          tpu.wait_dma2 semaphore(%arg18 : memref<!tpu.dma_semaphore, #tpu.memory_space<semaphore_mem>>) src(%arg10 : memref<80x128xf32, #tpu.memory_space<vmem>>) dst(%dma_wait3A_94 : memref<80x128xf32, #tpu.memory_space<hbm>>)
          %dma_wait3A_95 = arith.constant 0 : i32
          %dma_wait3A_96 = tpu.memref_slice %arg6[%mul3A_2, %dma_wait3A_95] : memref<320000x128xf32, #tpu.memory_space<hbm>> -> memref<80x128xf32, #tpu.memory_space<hbm>>
          %dma_wait3A_97 = arith.constant 0 : i32
          %dma_wait3A_98 = tpu.memref_slice %arg6[%mul3A_2, %dma_wait3A_97] : memref<320000x128xf32, #tpu.memory_space<hbm>> -> memref<80x128xf32, #tpu.memory_space<hbm>>
          tpu.wait_dma2 semaphore(%arg20 : memref<!tpu.dma_semaphore, #tpu.memory_space<semaphore_mem>>) src(%arg12 : memref<80x128xf32, #tpu.memory_space<vmem>>) dst(%dma_wait3A_98 : memref<80x128xf32, #tpu.memory_space<hbm>>)
        } else {
        }
        %add3A_77 = arith.constant 1 : i32
        %add3A_78 = arith.addi %mul3A_38, %add3A_77 : i32
        %dma_start3A_79 = arith.constant 0 : i32
        %dma_start3A_80 = tpu.memref_slice %arg7[%add3A_78, %dma_start3A_79] : memref<125x80xi32, #tpu.memory_space<vmem>> -> memref<1x80xi32, #tpu.memory_space<vmem>>
        %dma_start3A_81 = tpu.memref_squeeze %dma_start3A_80 : memref<1x80xi32, #tpu.memory_space<vmem>> -> memref<80xi32, #tpu.memory_space<vmem>>
        %dma_start3A_82 = arith.constant 0 : i32
        %dma_start3A_83 = arith.constant 0 : i32
        %dma_start3A_84 = tpu.memref_slice %arg2[%dma_start3A_82, %dma_start3A_83] : memref<10000x128xf32, #tpu.memory_space<hbm>> -> memref<10000x128xf32, #tpu.memory_space<hbm>>
        tpu.enqueue_indirect_dma source(%dma_start3A_84 : memref<10000x128xf32, #tpu.memory_space<hbm>>) target(%arg10 : memref<80x128xf32, #tpu.memory_space<vmem>>) offsets(%dma_start3A_81 : memref<80xi32, #tpu.memory_space<vmem>>) semaphore(%arg14 : memref<!tpu.dma_semaphore, #tpu.memory_space<semaphore_mem>>)
        %dma_start3A_85 = arith.constant 0 : i32
        %dma_start3A_86 = tpu.memref_slice %arg8[%add3A_78, %dma_start3A_85] : memref<125x80xi32, #tpu.memory_space<vmem>> -> memref<1x80xi32, #tpu.memory_space<vmem>>
        %dma_start3A_87 = tpu.memref_squeeze %dma_start3A_86 : memref<1x80xi32, #tpu.memory_space<vmem>> -> memref<80xi32, #tpu.memory_space<vmem>>
        %dma_start3A_88 = arith.constant 0 : i32
        %dma_start3A_89 = arith.constant 0 : i32
        %dma_start3A_90 = tpu.memref_slice %arg2[%dma_start3A_88, %dma_start3A_89] : memref<10000x128xf32, #tpu.memory_space<hbm>> -> memref<10000x128xf32, #tpu.memory_space<hbm>>
        tpu.enqueue_indirect_dma source(%dma_start3A_90 : memref<10000x128xf32, #tpu.memory_space<hbm>>) target(%arg12 : memref<80x128xf32, #tpu.memory_space<vmem>>) offsets(%dma_start3A_87 : memref<80xi32, #tpu.memory_space<vmem>>) semaphore(%arg16 : memref<!tpu.dma_semaphore, #tpu.memory_space<semaphore_mem>>)
      } else {
      }
      %dma_wait3A_43 = arith.constant 0 : i32
      %dma_wait3A_44 = tpu.memref_slice %arg7[%mul3A_38, %dma_wait3A_43] : memref<125x80xi32, #tpu.memory_space<vmem>> -> memref<1x80xi32, #tpu.memory_space<vmem>>
      %dma_wait3A_45 = tpu.memref_squeeze %dma_wait3A_44 : memref<1x80xi32, #tpu.memory_space<vmem>> -> memref<80xi32, #tpu.memory_space<vmem>>
      %dma_wait3A_46 = arith.constant 0 : i32
      %dma_wait3A_47 = arith.constant 0 : i32
      %dma_wait3A_48 = tpu.memref_slice %arg2[%dma_wait3A_46, %dma_wait3A_47] : memref<10000x128xf32, #tpu.memory_space<hbm>> -> memref<10000x128xf32, #tpu.memory_space<hbm>>
      tpu.wait_indirect_dma semaphore(%arg13 : memref<!tpu.dma_semaphore, #tpu.memory_space<semaphore_mem>>) src(%dma_wait3A_48 : memref<10000x128xf32, #tpu.memory_space<hbm>>) dst(%arg9 : memref<80x128xf32, #tpu.memory_space<vmem>>)
      %dma_wait3A_49 = arith.constant 0 : i32
      %dma_wait3A_50 = tpu.memref_slice %arg8[%mul3A_38, %dma_wait3A_49] : memref<125x80xi32, #tpu.memory_space<vmem>> -> memref<1x80xi32, #tpu.memory_space<vmem>>
      %dma_wait3A_51 = tpu.memref_squeeze %dma_wait3A_50 : memref<1x80xi32, #tpu.memory_space<vmem>> -> memref<80xi32, #tpu.memory_space<vmem>>
      %dma_wait3A_52 = arith.constant 0 : i32
      %dma_wait3A_53 = arith.constant 0 : i32
      %dma_wait3A_54 = tpu.memref_slice %arg2[%dma_wait3A_52, %dma_wait3A_53] : memref<10000x128xf32, #tpu.memory_space<hbm>> -> memref<10000x128xf32, #tpu.memory_space<hbm>>
      tpu.wait_indirect_dma semaphore(%arg15 : memref<!tpu.dma_semaphore, #tpu.memory_space<semaphore_mem>>) src(%dma_wait3A_54 : memref<10000x128xf32, #tpu.memory_space<hbm>>) dst(%arg11 : memref<80x128xf32, #tpu.memory_space<vmem>>)
      %mul3A_55 = arith.constant 80 : i32
      %mul3A_56 = arith.muli %mul3A_38, %mul3A_55 : i32
      %add3A_57 = arith.addi %mul3A_2, %mul3A_56 : i32
      %dma_start3A_58 = arith.constant 0 : i32
      %dma_start3A_59 = tpu.memref_slice %arg5[%add3A_57, %dma_start3A_58] : memref<320000x128xf32, #tpu.memory_space<hbm>> -> memref<80x128xf32, #tpu.memory_space<hbm>>
      %dma_start3A_60 = arith.constant 0 : i32
      %dma_start3A_61 = tpu.memref_slice %arg5[%add3A_57, %dma_start3A_60] : memref<320000x128xf32, #tpu.memory_space<hbm>> -> memref<80x128xf32, #tpu.memory_space<hbm>>
      tpu.enqueue_dma source(%arg9 : memref<80x128xf32, #tpu.memory_space<vmem>>) target(%dma_start3A_61 : memref<80x128xf32, #tpu.memory_space<hbm>>) target_semaphore(%arg17 : memref<!tpu.dma_semaphore, #tpu.memory_space<semaphore_mem>>)
      %dma_start3A_62 = arith.constant 0 : i32
      %dma_start3A_63 = tpu.memref_slice %arg6[%add3A_57, %dma_start3A_62] : memref<320000x128xf32, #tpu.memory_space<hbm>> -> memref<80x128xf32, #tpu.memory_space<hbm>>
      %dma_start3A_64 = arith.constant 0 : i32
      %dma_start3A_65 = tpu.memref_slice %arg6[%add3A_57, %dma_start3A_64] : memref<320000x128xf32, #tpu.memory_space<hbm>> -> memref<80x128xf32, #tpu.memory_space<hbm>>
      tpu.enqueue_dma source(%arg11 : memref<80x128xf32, #tpu.memory_space<vmem>>) target(%dma_start3A_65 : memref<80x128xf32, #tpu.memory_space<hbm>>) target_semaphore(%arg19 : memref<!tpu.dma_semaphore, #tpu.memory_space<semaphore_mem>>)
      %add3A_66 = arith.constant 1 : i32
      %add3A_67 = arith.addi %mul3A_38, %add3A_66 : i32
      %lt3A_68 = arith.constant 125 : i32
      %lt3A_69 = arith.cmpi slt, %add3A_67, %lt3A_68 : i32
      %convert_element_type3A_70 = arith.extui %lt3A_69 : i1 to i32
      %cond3A_71 = arith.constant 0 : i32
      %cond3A_72 = arith.cmpi ne, %convert_element_type3A_70, %cond3A_71 : i32
      scf.if %cond3A_72 {
        %add3A_73 = arith.constant 1 : i32
        %add3A_74 = arith.addi %mul3A_38, %add3A_73 : i32
        %add3A_75 = arith.constant 1 : i32
        %add3A_76 = arith.addi %add3A_74, %add3A_75 : i32
        %lt3A_77 = arith.constant 125 : i32
        %lt3A_78 = arith.cmpi slt, %add3A_76, %lt3A_77 : i32
        %convert_element_type3A_79 = arith.extui %lt3A_78 : i1 to i32
        %cond3A_80 = arith.constant 0 : i32
        %cond3A_81 = arith.cmpi ne, %convert_element_type3A_79, %cond3A_80 : i32
        scf.if %cond3A_81 {
          %ge3A = arith.constant 1 : i32
          %ge3A_105 = arith.cmpi sge, %add3A_74, %ge3A : i32
          %convert_element_type3A_106 = arith.extui %ge3A_105 : i1 to i32
          %cond3A_107 = arith.constant 0 : i32
          %cond3A_108 = arith.cmpi ne, %convert_element_type3A_106, %cond3A_107 : i32
          scf.if %cond3A_108 {
            %dma_wait3A_123 = arith.constant 0 : i32
            %dma_wait3A_124 = tpu.memref_slice %arg5[%mul3A_2, %dma_wait3A_123] : memref<320000x128xf32, #tpu.memory_space<hbm>> -> memref<80x128xf32, #tpu.memory_space<hbm>>
            %dma_wait3A_125 = arith.constant 0 : i32
            %dma_wait3A_126 = tpu.memref_slice %arg5[%mul3A_2, %dma_wait3A_125] : memref<320000x128xf32, #tpu.memory_space<hbm>> -> memref<80x128xf32, #tpu.memory_space<hbm>>
            tpu.wait_dma2 semaphore(%arg17 : memref<!tpu.dma_semaphore, #tpu.memory_space<semaphore_mem>>) src(%arg9 : memref<80x128xf32, #tpu.memory_space<vmem>>) dst(%dma_wait3A_126 : memref<80x128xf32, #tpu.memory_space<hbm>>)
            %dma_wait3A_127 = arith.constant 0 : i32
            %dma_wait3A_128 = tpu.memref_slice %arg6[%mul3A_2, %dma_wait3A_127] : memref<320000x128xf32, #tpu.memory_space<hbm>> -> memref<80x128xf32, #tpu.memory_space<hbm>>
            %dma_wait3A_129 = arith.constant 0 : i32
            %dma_wait3A_130 = tpu.memref_slice %arg6[%mul3A_2, %dma_wait3A_129] : memref<320000x128xf32, #tpu.memory_space<hbm>> -> memref<80x128xf32, #tpu.memory_space<hbm>>
            tpu.wait_dma2 semaphore(%arg19 : memref<!tpu.dma_semaphore, #tpu.memory_space<semaphore_mem>>) src(%arg11 : memref<80x128xf32, #tpu.memory_space<vmem>>) dst(%dma_wait3A_130 : memref<80x128xf32, #tpu.memory_space<hbm>>)
          } else {
          }
          %add3A_109 = arith.constant 1 : i32
          %add3A_110 = arith.addi %add3A_74, %add3A_109 : i32
          %dma_start3A_111 = arith.constant 0 : i32
          %dma_start3A_112 = tpu.memref_slice %arg7[%add3A_110, %dma_start3A_111] : memref<125x80xi32, #tpu.memory_space<vmem>> -> memref<1x80xi32, #tpu.memory_space<vmem>>
          %dma_start3A_113 = tpu.memref_squeeze %dma_start3A_112 : memref<1x80xi32, #tpu.memory_space<vmem>> -> memref<80xi32, #tpu.memory_space<vmem>>
          %dma_start3A_114 = arith.constant 0 : i32
          %dma_start3A_115 = arith.constant 0 : i32
          %dma_start3A_116 = tpu.memref_slice %arg2[%dma_start3A_114, %dma_start3A_115] : memref<10000x128xf32, #tpu.memory_space<hbm>> -> memref<10000x128xf32, #tpu.memory_space<hbm>>
          tpu.enqueue_indirect_dma source(%dma_start3A_116 : memref<10000x128xf32, #tpu.memory_space<hbm>>) target(%arg9 : memref<80x128xf32, #tpu.memory_space<vmem>>) offsets(%dma_start3A_113 : memref<80xi32, #tpu.memory_space<vmem>>) semaphore(%arg13 : memref<!tpu.dma_semaphore, #tpu.memory_space<semaphore_mem>>)
          %dma_start3A_117 = arith.constant 0 : i32
          %dma_start3A_118 = tpu.memref_slice %arg8[%add3A_110, %dma_start3A_117] : memref<125x80xi32, #tpu.memory_space<vmem>> -> memref<1x80xi32, #tpu.memory_space<vmem>>
          %dma_start3A_119 = tpu.memref_squeeze %dma_start3A_118 : memref<1x80xi32, #tpu.memory_space<vmem>> -> memref<80xi32, #tpu.memory_space<vmem>>
          %dma_start3A_120 = arith.constant 0 : i32
          %dma_start3A_121 = arith.constant 0 : i32
          %dma_start3A_122 = tpu.memref_slice %arg2[%dma_start3A_120, %dma_start3A_121] : memref<10000x128xf32, #tpu.memory_space<hbm>> -> memref<10000x128xf32, #tpu.memory_space<hbm>>
          tpu.enqueue_indirect_dma source(%dma_start3A_122 : memref<10000x128xf32, #tpu.memory_space<hbm>>) target(%arg11 : memref<80x128xf32, #tpu.memory_space<vmem>>) offsets(%dma_start3A_119 : memref<80xi32, #tpu.memory_space<vmem>>) semaphore(%arg15 : memref<!tpu.dma_semaphore, #tpu.memory_space<semaphore_mem>>)
        } else {
        }
        %dma_wait3A_82 = arith.constant 0 : i32
        %dma_wait3A_83 = tpu.memref_slice %arg7[%add3A_74, %dma_wait3A_82] : memref<125x80xi32, #tpu.memory_space<vmem>> -> memref<1x80xi32, #tpu.memory_space<vmem>>
        %dma_wait3A_84 = tpu.memref_squeeze %dma_wait3A_83 : memref<1x80xi32, #tpu.memory_space<vmem>> -> memref<80xi32, #tpu.memory_space<vmem>>
        %dma_wait3A_85 = arith.constant 0 : i32
        %dma_wait3A_86 = arith.constant 0 : i32
        %dma_wait3A_87 = tpu.memref_slice %arg2[%dma_wait3A_85, %dma_wait3A_86] : memref<10000x128xf32, #tpu.memory_space<hbm>> -> memref<10000x128xf32, #tpu.memory_space<hbm>>
        tpu.wait_indirect_dma semaphore(%arg14 : memref<!tpu.dma_semaphore, #tpu.memory_space<semaphore_mem>>) src(%dma_wait3A_87 : memref<10000x128xf32, #tpu.memory_space<hbm>>) dst(%arg10 : memref<80x128xf32, #tpu.memory_space<vmem>>)
        %dma_wait3A_88 = arith.constant 0 : i32
        %dma_wait3A_89 = tpu.memref_slice %arg8[%add3A_74, %dma_wait3A_88] : memref<125x80xi32, #tpu.memory_space<vmem>> -> memref<1x80xi32, #tpu.memory_space<vmem>>
        %dma_wait3A_90 = tpu.memref_squeeze %dma_wait3A_89 : memref<1x80xi32, #tpu.memory_space<vmem>> -> memref<80xi32, #tpu.memory_space<vmem>>
        %dma_wait3A_91 = arith.constant 0 : i32
        %dma_wait3A_92 = arith.constant 0 : i32
        %dma_wait3A_93 = tpu.memref_slice %arg2[%dma_wait3A_91, %dma_wait3A_92] : memref<10000x128xf32, #tpu.memory_space<hbm>> -> memref<10000x128xf32, #tpu.memory_space<hbm>>
        tpu.wait_indirect_dma semaphore(%arg16 : memref<!tpu.dma_semaphore, #tpu.memory_space<semaphore_mem>>) src(%dma_wait3A_93 : memref<10000x128xf32, #tpu.memory_space<hbm>>) dst(%arg12 : memref<80x128xf32, #tpu.memory_space<vmem>>)
        %mul3A_94 = arith.constant 80 : i32
        %mul3A_95 = arith.muli %add3A_74, %mul3A_94 : i32
        %add3A_96 = arith.addi %mul3A_2, %mul3A_95 : i32
        %dma_start3A_97 = arith.constant 0 : i32
        %dma_start3A_98 = tpu.memref_slice %arg5[%add3A_96, %dma_start3A_97] : memref<320000x128xf32, #tpu.memory_space<hbm>> -> memref<80x128xf32, #tpu.memory_space<hbm>>
        %dma_start3A_99 = arith.constant 0 : i32
        %dma_start3A_100 = tpu.memref_slice %arg5[%add3A_96, %dma_start3A_99] : memref<320000x128xf32, #tpu.memory_space<hbm>> -> memref<80x128xf32, #tpu.memory_space<hbm>>
        tpu.enqueue_dma source(%arg10 : memref<80x128xf32, #tpu.memory_space<vmem>>) target(%dma_start3A_100 : memref<80x128xf32, #tpu.memory_space<hbm>>) target_semaphore(%arg18 : memref<!tpu.dma_semaphore, #tpu.memory_space<semaphore_mem>>)
        %dma_start3A_101 = arith.constant 0 : i32
        %dma_start3A_102 = tpu.memref_slice %arg6[%add3A_96, %dma_start3A_101] : memref<320000x128xf32, #tpu.memory_space<hbm>> -> memref<80x128xf32, #tpu.memory_space<hbm>>
        %dma_start3A_103 = arith.constant 0 : i32
        %dma_start3A_104 = tpu.memref_slice %arg6[%add3A_96, %dma_start3A_103] : memref<320000x128xf32, #tpu.memory_space<hbm>> -> memref<80x128xf32, #tpu.memory_space<hbm>>
        tpu.enqueue_dma source(%arg12 : memref<80x128xf32, #tpu.memory_space<vmem>>) target(%dma_start3A_104 : memref<80x128xf32, #tpu.memory_space<hbm>>) target_semaphore(%arg20 : memref<!tpu.dma_semaphore, #tpu.memory_space<semaphore_mem>>)
      } else {
      }
    }
    %scan3A_20 = arith.constant 63 : i32
    %dma_wait3A = arith.constant 0 : i32
    %dma_wait3A_21 = tpu.memref_slice %arg5[%mul3A_2, %dma_wait3A] : memref<320000x128xf32, #tpu.memory_space<hbm>> -> memref<80x128xf32, #tpu.memory_space<hbm>>
    %dma_wait3A_22 = arith.constant 0 : i32
    %dma_wait3A_23 = tpu.memref_slice %arg5[%mul3A_2, %dma_wait3A_22] : memref<320000x128xf32, #tpu.memory_space<hbm>> -> memref<80x128xf32, #tpu.memory_space<hbm>>
    tpu.wait_dma2 semaphore(%arg17 : memref<!tpu.dma_semaphore, #tpu.memory_space<semaphore_mem>>) src(%arg9 : memref<80x128xf32, #tpu.memory_space<vmem>>) dst(%dma_wait3A_23 : memref<80x128xf32, #tpu.memory_space<hbm>>)
    %dma_wait3A_24 = arith.constant 0 : i32
    %dma_wait3A_25 = tpu.memref_slice %arg6[%mul3A_2, %dma_wait3A_24] : memref<320000x128xf32, #tpu.memory_space<hbm>> -> memref<80x128xf32, #tpu.memory_space<hbm>>
    %dma_wait3A_26 = arith.constant 0 : i32
    %dma_wait3A_27 = tpu.memref_slice %arg6[%mul3A_2, %dma_wait3A_26] : memref<320000x128xf32, #tpu.memory_space<hbm>> -> memref<80x128xf32, #tpu.memory_space<hbm>>
    tpu.wait_dma2 semaphore(%arg19 : memref<!tpu.dma_semaphore, #tpu.memory_space<semaphore_mem>>) src(%arg11 : memref<80x128xf32, #tpu.memory_space<vmem>>) dst(%dma_wait3A_27 : memref<80x128xf32, #tpu.memory_space<hbm>>)
    %dma_wait3A_28 = arith.constant 0 : i32
    %dma_wait3A_29 = tpu.memref_slice %arg5[%mul3A_2, %dma_wait3A_28] : memref<320000x128xf32, #tpu.memory_space<hbm>> -> memref<80x128xf32, #tpu.memory_space<hbm>>
    %dma_wait3A_30 = arith.constant 0 : i32
    %dma_wait3A_31 = tpu.memref_slice %arg5[%mul3A_2, %dma_wait3A_30] : memref<320000x128xf32, #tpu.memory_space<hbm>> -> memref<80x128xf32, #tpu.memory_space<hbm>>
    tpu.wait_dma2 semaphore(%arg18 : memref<!tpu.dma_semaphore, #tpu.memory_space<semaphore_mem>>) src(%arg10 : memref<80x128xf32, #tpu.memory_space<vmem>>) dst(%dma_wait3A_31 : memref<80x128xf32, #tpu.memory_space<hbm>>)
    %dma_wait3A_32 = arith.constant 0 : i32
    %dma_wait3A_33 = tpu.memref_slice %arg6[%mul3A_2, %dma_wait3A_32] : memref<320000x128xf32, #tpu.memory_space<hbm>> -> memref<80x128xf32, #tpu.memory_space<hbm>>
    %dma_wait3A_34 = arith.constant 0 : i32
    %dma_wait3A_35 = tpu.memref_slice %arg6[%mul3A_2, %dma_wait3A_34] : memref<320000x128xf32, #tpu.memory_space<hbm>> -> memref<80x128xf32, #tpu.memory_space<hbm>>
    tpu.wait_dma2 semaphore(%arg20 : memref<!tpu.dma_semaphore, #tpu.memory_space<semaphore_mem>>) src(%arg12 : memref<80x128xf32, #tpu.memory_space<vmem>>) dst(%dma_wait3A_35 : memref<80x128xf32, #tpu.memory_space<hbm>>)
    return
  }
}

#map = affine_map<(d0, d1) -> (0, 0)>
#map1 = affine_map<(d0, d1) -> (0, 0, 0)>
module attributes {stable_mosaic.version = 14 : i64} {
  func.func @_sc_scatter_body(%arg0: i32, %arg1: i32, %arg2: memref<320000x128xf32, #tpu.memory_space<hbm>>, %arg3: memref<32x125x80xi32, #tpu.memory_space<hbm>>, %arg4: memref<640x128xf32, #tpu.memory_space<hbm>>, %arg5: memref<2x10240x128xf32, #tpu.memory_space<hbm>>, %arg6: memref<10240x128xf32, #tpu.memory_space<vmem_shared>>, %arg7: memref<125x80xi32, #tpu.memory_space<vmem>>, %arg8: memref<80x128xf32, #tpu.memory_space<vmem>>, %arg9: memref<80x128xf32, #tpu.memory_space<vmem>>, %arg10: memref<!tpu.dma_semaphore, #tpu.memory_space<semaphore_mem>>, %arg11: memref<!tpu.dma_semaphore, #tpu.memory_space<semaphore_mem>>, %arg12: memref<!tpu.dma_semaphore, #tpu.memory_space<semaphore_mem>>, %arg13: memref<!tpu.dma_semaphore, #tpu.memory_space<semaphore_mem>>) attributes {dimension_semantics = [#tpu.dimension_semantics<core_parallel>, #tpu.dimension_semantics<subcore_parallel>], iteration_bounds = array<i64: 2, 16>, scalar_prefetch = 0 : i64, scratch_operands = 8 : i64, tpu.core_type = #tpu.core_type<sc_vector_subcore>, window_params = [{transform_indices = #map}, {transform_indices = #map1}, {transform_indices = #map}, {transform_indices = #map1}]} {
    %mul3A = arith.constant 2 : i32
    %mul3A_0 = arith.muli %arg1, %mul3A : i32
    %add3A = arith.addi %mul3A_0, %arg0 : i32
    %mul3A_1 = arith.constant 10000 : i32
    %mul3A_2 = arith.muli %add3A, %mul3A_1 : i32
    %mul3A_3 = arith.constant 640 : i32
    %mul3A_4 = arith.muli %arg1, %mul3A_3 : i32
    "tpu.region"() ({
      %run_scoped3A = tpu.sem_alloc : memref<!tpu.dma_semaphore, #tpu.memory_space<semaphore_mem>>
      %dma_start3A_33 = arith.constant 0 : i32
      %dma_start3A_34 = tpu.memref_slice %arg6[%mul3A_4, %dma_start3A_33] : memref<10240x128xf32, #tpu.memory_space<vmem_shared>> -> memref<640x128xf32, #tpu.memory_space<vmem_shared>>
      %dma_start3A_35 = arith.constant 0 : i32
      %dma_start3A_36 = arith.constant 0 : i32
      %dma_start3A_37 = tpu.memref_slice %arg4[%dma_start3A_35, %dma_start3A_36] : memref<640x128xf32, #tpu.memory_space<hbm>> -> memref<640x128xf32, #tpu.memory_space<hbm>>
      tpu.enqueue_dma source(%dma_start3A_37 : memref<640x128xf32, #tpu.memory_space<hbm>>) target(%dma_start3A_34 : memref<640x128xf32, #tpu.memory_space<vmem_shared>>) target_semaphore(%run_scoped3A : memref<!tpu.dma_semaphore, #tpu.memory_space<semaphore_mem>>)
      %dma_wait3A_38 = arith.constant 0 : i32
      %dma_wait3A_39 = tpu.memref_slice %arg6[%mul3A_4, %dma_wait3A_38] : memref<10240x128xf32, #tpu.memory_space<vmem_shared>> -> memref<640x128xf32, #tpu.memory_space<vmem_shared>>
      %dma_wait3A_40 = arith.constant 0 : i32
      %dma_wait3A_41 = arith.constant 0 : i32
      %dma_wait3A_42 = tpu.memref_slice %arg4[%dma_wait3A_40, %dma_wait3A_41] : memref<640x128xf32, #tpu.memory_space<hbm>> -> memref<640x128xf32, #tpu.memory_space<hbm>>
      tpu.wait_dma2 semaphore(%run_scoped3A : memref<!tpu.dma_semaphore, #tpu.memory_space<semaphore_mem>>) src(%dma_wait3A_42 : memref<640x128xf32, #tpu.memory_space<hbm>>) dst(%dma_wait3A_39 : memref<640x128xf32, #tpu.memory_space<vmem_shared>>)
      tpu.yield
    }) : () -> ()
    "tpu.region"() ({
      %run_scoped3A = tpu.sem_alloc : memref<!tpu.dma_semaphore, #tpu.memory_space<semaphore_mem>>
      %dma_start3A_33 = arith.constant 0 : i32
      %dma_start3A_34 = arith.constant 0 : i32
      %dma_start3A_35 = tpu.memref_slice %arg3[%add3A, %dma_start3A_33, %dma_start3A_34] : memref<32x125x80xi32, #tpu.memory_space<hbm>> -> memref<1x125x80xi32, #tpu.memory_space<hbm>>
      %dma_start3A_36 = tpu.memref_squeeze %dma_start3A_35 : memref<1x125x80xi32, #tpu.memory_space<hbm>> -> memref<125x80xi32, #tpu.memory_space<hbm>>
      %dma_start3A_37 = arith.constant 0 : i32
      %dma_start3A_38 = arith.constant 0 : i32
      %dma_start3A_39 = tpu.memref_slice %arg3[%add3A, %dma_start3A_37, %dma_start3A_38] : memref<32x125x80xi32, #tpu.memory_space<hbm>> -> memref<1x125x80xi32, #tpu.memory_space<hbm>>
      %dma_start3A_40 = tpu.memref_squeeze %dma_start3A_39 : memref<1x125x80xi32, #tpu.memory_space<hbm>> -> memref<125x80xi32, #tpu.memory_space<hbm>>
      tpu.enqueue_dma source(%dma_start3A_40 : memref<125x80xi32, #tpu.memory_space<hbm>>) target(%arg7 : memref<125x80xi32, #tpu.memory_space<vmem>>) target_semaphore(%run_scoped3A : memref<!tpu.dma_semaphore, #tpu.memory_space<semaphore_mem>>)
      %dma_wait3A_41 = arith.constant 0 : i32
      %dma_wait3A_42 = arith.constant 0 : i32
      %dma_wait3A_43 = tpu.memref_slice %arg3[%add3A, %dma_wait3A_41, %dma_wait3A_42] : memref<32x125x80xi32, #tpu.memory_space<hbm>> -> memref<1x125x80xi32, #tpu.memory_space<hbm>>
      %dma_wait3A_44 = tpu.memref_squeeze %dma_wait3A_43 : memref<1x125x80xi32, #tpu.memory_space<hbm>> -> memref<125x80xi32, #tpu.memory_space<hbm>>
      %dma_wait3A_45 = arith.constant 0 : i32
      %dma_wait3A_46 = arith.constant 0 : i32
      %dma_wait3A_47 = tpu.memref_slice %arg3[%add3A, %dma_wait3A_45, %dma_wait3A_46] : memref<32x125x80xi32, #tpu.memory_space<hbm>> -> memref<1x125x80xi32, #tpu.memory_space<hbm>>
      %dma_wait3A_48 = tpu.memref_squeeze %dma_wait3A_47 : memref<1x125x80xi32, #tpu.memory_space<hbm>> -> memref<125x80xi32, #tpu.memory_space<hbm>>
      tpu.wait_dma2 semaphore(%run_scoped3A : memref<!tpu.dma_semaphore, #tpu.memory_space<semaphore_mem>>) src(%dma_wait3A_48 : memref<125x80xi32, #tpu.memory_space<hbm>>) dst(%arg7 : memref<125x80xi32, #tpu.memory_space<vmem>>)
      tpu.yield
    }) : () -> ()
    %barrier3A = arith.constant 0 : index
    tpu.barrier barrier_id(%barrier3A)
    %add3A_5 = arith.constant 0 : i32
    %add3A_6 = arith.addi %mul3A_2, %add3A_5 : i32
    %dma_start3A = arith.constant 0 : i32
    %dma_start3A_7 = tpu.memref_slice %arg2[%add3A_6, %dma_start3A] : memref<320000x128xf32, #tpu.memory_space<hbm>> -> memref<80x128xf32, #tpu.memory_space<hbm>>
    %dma_start3A_8 = arith.constant 0 : i32
    %dma_start3A_9 = tpu.memref_slice %arg2[%add3A_6, %dma_start3A_8] : memref<320000x128xf32, #tpu.memory_space<hbm>> -> memref<80x128xf32, #tpu.memory_space<hbm>>
    tpu.enqueue_dma source(%dma_start3A_9 : memref<80x128xf32, #tpu.memory_space<hbm>>) target(%arg8 : memref<80x128xf32, #tpu.memory_space<vmem>>) target_semaphore(%arg10 : memref<!tpu.dma_semaphore, #tpu.memory_space<semaphore_mem>>)
    %scan3A = arith.constant 0 : i32
    %scan3A_10 = arith.constant 0 : i32
    %scan3A_11 = arith.constant 63 : i32
    %scan3A_12 = arith.addi %scan3A_10, %scan3A_11 : i32
    %scan3A_13 = arith.constant 1 : i32
    scf.for %scan3A_33 = %scan3A_10 to %scan3A_12 step %scan3A_13  : i32 {
      %mul3A_34 = arith.constant 2 : i32
      %mul3A_35 = arith.muli %scan3A_33, %mul3A_34 : i32
      %add3A_36 = arith.constant 1 : i32
      %add3A_37 = arith.addi %mul3A_35, %add3A_36 : i32
      %lt3A = arith.constant 125 : i32
      %lt3A_38 = arith.cmpi slt, %add3A_37, %lt3A : i32
      %convert_element_type3A = arith.extui %lt3A_38 : i1 to i32
      %cond3A = arith.constant 0 : i32
      %cond3A_39 = arith.cmpi ne, %convert_element_type3A, %cond3A : i32
      scf.if %cond3A_39 {
        %ge3A = arith.constant 1 : i32
        %ge3A_57 = arith.cmpi sge, %mul3A_35, %ge3A : i32
        %convert_element_type3A_58 = arith.extui %ge3A_57 : i1 to i32
        %cond3A_59 = arith.constant 0 : i32
        %cond3A_60 = arith.cmpi ne, %convert_element_type3A_58, %cond3A_59 : i32
        scf.if %cond3A_60 {
          %dma_wait3A_70 = arith.constant 0 : i32
          %dma_wait3A_71 = arith.constant 0 : i32
          %dma_wait3A_72 = tpu.memref_slice %arg7[%dma_wait3A_70, %dma_wait3A_71] : memref<125x80xi32, #tpu.memory_space<vmem>> -> memref<1x80xi32, #tpu.memory_space<vmem>>
          %dma_wait3A_73 = tpu.memref_squeeze %dma_wait3A_72 : memref<1x80xi32, #tpu.memory_space<vmem>> -> memref<80xi32, #tpu.memory_space<vmem>>
          %dma_wait3A_74 = arith.constant 0 : i32
          %dma_wait3A_75 = arith.constant 0 : i32
          %dma_wait3A_76 = tpu.memref_slice %arg6[%dma_wait3A_74, %dma_wait3A_75] : memref<10240x128xf32, #tpu.memory_space<vmem_shared>> -> memref<10240x128xf32, #tpu.memory_space<vmem_shared>>
          tpu.wait_indirect_dma semaphore(%arg13 : memref<!tpu.dma_semaphore, #tpu.memory_space<semaphore_mem>>) src(%arg9 : memref<80x128xf32, #tpu.memory_space<vmem>>) dst(%dma_wait3A_76 : memref<10240x128xf32, #tpu.memory_space<vmem_shared>>)
        } else {
        }
        %add3A_61 = arith.constant 1 : i32
        %add3A_62 = arith.addi %mul3A_35, %add3A_61 : i32
        %mul3A_63 = arith.constant 80 : i32
        %mul3A_64 = arith.muli %add3A_62, %mul3A_63 : i32
        %add3A_65 = arith.addi %mul3A_2, %mul3A_64 : i32
        %dma_start3A_66 = arith.constant 0 : i32
        %dma_start3A_67 = tpu.memref_slice %arg2[%add3A_65, %dma_start3A_66] : memref<320000x128xf32, #tpu.memory_space<hbm>> -> memref<80x128xf32, #tpu.memory_space<hbm>>
        %dma_start3A_68 = arith.constant 0 : i32
        %dma_start3A_69 = tpu.memref_slice %arg2[%add3A_65, %dma_start3A_68] : memref<320000x128xf32, #tpu.memory_space<hbm>> -> memref<80x128xf32, #tpu.memory_space<hbm>>
        tpu.enqueue_dma source(%dma_start3A_69 : memref<80x128xf32, #tpu.memory_space<hbm>>) target(%arg9 : memref<80x128xf32, #tpu.memory_space<vmem>>) target_semaphore(%arg11 : memref<!tpu.dma_semaphore, #tpu.memory_space<semaphore_mem>>)
      } else {
      }
      %dma_wait3A_40 = arith.constant 0 : i32
      %dma_wait3A_41 = tpu.memref_slice %arg2[%mul3A_2, %dma_wait3A_40] : memref<320000x128xf32, #tpu.memory_space<hbm>> -> memref<80x128xf32, #tpu.memory_space<hbm>>
      %dma_wait3A_42 = arith.constant 0 : i32
      %dma_wait3A_43 = tpu.memref_slice %arg2[%mul3A_2, %dma_wait3A_42] : memref<320000x128xf32, #tpu.memory_space<hbm>> -> memref<80x128xf32, #tpu.memory_space<hbm>>
      tpu.wait_dma2 semaphore(%arg10 : memref<!tpu.dma_semaphore, #tpu.memory_space<semaphore_mem>>) src(%dma_wait3A_43 : memref<80x128xf32, #tpu.memory_space<hbm>>) dst(%arg8 : memref<80x128xf32, #tpu.memory_space<vmem>>)
      %dma_start3A_44 = arith.constant 0 : i32
      %dma_start3A_45 = tpu.memref_slice %arg7[%mul3A_35, %dma_start3A_44] : memref<125x80xi32, #tpu.memory_space<vmem>> -> memref<1x80xi32, #tpu.memory_space<vmem>>
      %dma_start3A_46 = tpu.memref_squeeze %dma_start3A_45 : memref<1x80xi32, #tpu.memory_space<vmem>> -> memref<80xi32, #tpu.memory_space<vmem>>
      %dma_start3A_47 = arith.constant 0 : i32
      %dma_start3A_48 = arith.constant 0 : i32
      %dma_start3A_49 = tpu.memref_slice %arg6[%dma_start3A_47, %dma_start3A_48] : memref<10240x128xf32, #tpu.memory_space<vmem_shared>> -> memref<10240x128xf32, #tpu.memory_space<vmem_shared>>
      tpu.enqueue_indirect_dma source(%arg8 : memref<80x128xf32, #tpu.memory_space<vmem>>) target(%dma_start3A_49 : memref<10240x128xf32, #tpu.memory_space<vmem_shared>>) offsets(%dma_start3A_46 : memref<80xi32, #tpu.memory_space<vmem>>) semaphore(%arg12 : memref<!tpu.dma_semaphore, #tpu.memory_space<semaphore_mem>>) {add = true}
      %add3A_50 = arith.constant 1 : i32
      %add3A_51 = arith.addi %mul3A_35, %add3A_50 : i32
      %lt3A_52 = arith.constant 125 : i32
      %lt3A_53 = arith.cmpi slt, %add3A_51, %lt3A_52 : i32
      %convert_element_type3A_54 = arith.extui %lt3A_53 : i1 to i32
      %cond3A_55 = arith.constant 0 : i32
      %cond3A_56 = arith.cmpi ne, %convert_element_type3A_54, %cond3A_55 : i32
      scf.if %cond3A_56 {
        %add3A_57 = arith.constant 1 : i32
        %add3A_58 = arith.addi %mul3A_35, %add3A_57 : i32
        %add3A_59 = arith.constant 1 : i32
        %add3A_60 = arith.addi %add3A_58, %add3A_59 : i32
        %lt3A_61 = arith.constant 125 : i32
        %lt3A_62 = arith.cmpi slt, %add3A_60, %lt3A_61 : i32
        %convert_element_type3A_63 = arith.extui %lt3A_62 : i1 to i32
        %cond3A_64 = arith.constant 0 : i32
        %cond3A_65 = arith.cmpi ne, %convert_element_type3A_63, %cond3A_64 : i32
        scf.if %cond3A_65 {
          %ge3A = arith.constant 1 : i32
          %ge3A_76 = arith.cmpi sge, %add3A_58, %ge3A : i32
          %convert_element_type3A_77 = arith.extui %ge3A_76 : i1 to i32
          %cond3A_78 = arith.constant 0 : i32
          %cond3A_79 = arith.cmpi ne, %convert_element_type3A_77, %cond3A_78 : i32
          scf.if %cond3A_79 {
            %dma_wait3A_89 = arith.constant 0 : i32
            %dma_wait3A_90 = arith.constant 0 : i32
            %dma_wait3A_91 = tpu.memref_slice %arg7[%dma_wait3A_89, %dma_wait3A_90] : memref<125x80xi32, #tpu.memory_space<vmem>> -> memref<1x80xi32, #tpu.memory_space<vmem>>
            %dma_wait3A_92 = tpu.memref_squeeze %dma_wait3A_91 : memref<1x80xi32, #tpu.memory_space<vmem>> -> memref<80xi32, #tpu.memory_space<vmem>>
            %dma_wait3A_93 = arith.constant 0 : i32
            %dma_wait3A_94 = arith.constant 0 : i32
            %dma_wait3A_95 = tpu.memref_slice %arg6[%dma_wait3A_93, %dma_wait3A_94] : memref<10240x128xf32, #tpu.memory_space<vmem_shared>> -> memref<10240x128xf32, #tpu.memory_space<vmem_shared>>
            tpu.wait_indirect_dma semaphore(%arg12 : memref<!tpu.dma_semaphore, #tpu.memory_space<semaphore_mem>>) src(%arg8 : memref<80x128xf32, #tpu.memory_space<vmem>>) dst(%dma_wait3A_95 : memref<10240x128xf32, #tpu.memory_space<vmem_shared>>)
          } else {
          }
          %add3A_80 = arith.constant 1 : i32
          %add3A_81 = arith.addi %add3A_58, %add3A_80 : i32
          %mul3A_82 = arith.constant 80 : i32
          %mul3A_83 = arith.muli %add3A_81, %mul3A_82 : i32
          %add3A_84 = arith.addi %mul3A_2, %mul3A_83 : i32
          %dma_start3A_85 = arith.constant 0 : i32
          %dma_start3A_86 = tpu.memref_slice %arg2[%add3A_84, %dma_start3A_85] : memref<320000x128xf32, #tpu.memory_space<hbm>> -> memref<80x128xf32, #tpu.memory_space<hbm>>
          %dma_start3A_87 = arith.constant 0 : i32
          %dma_start3A_88 = tpu.memref_slice %arg2[%add3A_84, %dma_start3A_87] : memref<320000x128xf32, #tpu.memory_space<hbm>> -> memref<80x128xf32, #tpu.memory_space<hbm>>
          tpu.enqueue_dma source(%dma_start3A_88 : memref<80x128xf32, #tpu.memory_space<hbm>>) target(%arg8 : memref<80x128xf32, #tpu.memory_space<vmem>>) target_semaphore(%arg10 : memref<!tpu.dma_semaphore, #tpu.memory_space<semaphore_mem>>)
        } else {
        }
        %dma_wait3A_66 = arith.constant 0 : i32
        %dma_wait3A_67 = tpu.memref_slice %arg2[%mul3A_2, %dma_wait3A_66] : memref<320000x128xf32, #tpu.memory_space<hbm>> -> memref<80x128xf32, #tpu.memory_space<hbm>>
        %dma_wait3A_68 = arith.constant 0 : i32
        %dma_wait3A_69 = tpu.memref_slice %arg2[%mul3A_2, %dma_wait3A_68] : memref<320000x128xf32, #tpu.memory_space<hbm>> -> memref<80x128xf32, #tpu.memory_space<hbm>>
        tpu.wait_dma2 semaphore(%arg11 : memref<!tpu.dma_semaphore, #tpu.memory_space<semaphore_mem>>) src(%dma_wait3A_69 : memref<80x128xf32, #tpu.memory_space<hbm>>) dst(%arg9 : memref<80x128xf32, #tpu.memory_space<vmem>>)
        %dma_start3A_70 = arith.constant 0 : i32
        %dma_start3A_71 = tpu.memref_slice %arg7[%add3A_58, %dma_start3A_70] : memref<125x80xi32, #tpu.memory_space<vmem>> -> memref<1x80xi32, #tpu.memory_space<vmem>>
        %dma_start3A_72 = tpu.memref_squeeze %dma_start3A_71 : memref<1x80xi32, #tpu.memory_space<vmem>> -> memref<80xi32, #tpu.memory_space<vmem>>
        %dma_start3A_73 = arith.constant 0 : i32
        %dma_start3A_74 = arith.constant 0 : i32
        %dma_start3A_75 = tpu.memref_slice %arg6[%dma_start3A_73, %dma_start3A_74] : memref<10240x128xf32, #tpu.memory_space<vmem_shared>> -> memref<10240x128xf32, #tpu.memory_space<vmem_shared>>
        tpu.enqueue_indirect_dma source(%arg9 : memref<80x128xf32, #tpu.memory_space<vmem>>) target(%dma_start3A_75 : memref<10240x128xf32, #tpu.memory_space<vmem_shared>>) offsets(%dma_start3A_72 : memref<80xi32, #tpu.memory_space<vmem>>) semaphore(%arg13 : memref<!tpu.dma_semaphore, #tpu.memory_space<semaphore_mem>>) {add = true}
      } else {
      }
    }
    %scan3A_14 = arith.constant 63 : i32
    %dma_wait3A = arith.constant 0 : i32
    %dma_wait3A_15 = arith.constant 0 : i32
    %dma_wait3A_16 = tpu.memref_slice %arg7[%dma_wait3A, %dma_wait3A_15] : memref<125x80xi32, #tpu.memory_space<vmem>> -> memref<1x80xi32, #tpu.memory_space<vmem>>
    %dma_wait3A_17 = tpu.memref_squeeze %dma_wait3A_16 : memref<1x80xi32, #tpu.memory_space<vmem>> -> memref<80xi32, #tpu.memory_space<vmem>>
    %dma_wait3A_18 = arith.constant 0 : i32
    %dma_wait3A_19 = arith.constant 0 : i32
    %dma_wait3A_20 = tpu.memref_slice %arg6[%dma_wait3A_18, %dma_wait3A_19] : memref<10240x128xf32, #tpu.memory_space<vmem_shared>> -> memref<10240x128xf32, #tpu.memory_space<vmem_shared>>
    tpu.wait_indirect_dma semaphore(%arg12 : memref<!tpu.dma_semaphore, #tpu.memory_space<semaphore_mem>>) src(%arg8 : memref<80x128xf32, #tpu.memory_space<vmem>>) dst(%dma_wait3A_20 : memref<10240x128xf32, #tpu.memory_space<vmem_shared>>)
    %dma_wait3A_21 = arith.constant 0 : i32
    %dma_wait3A_22 = arith.constant 0 : i32
    %dma_wait3A_23 = tpu.memref_slice %arg7[%dma_wait3A_21, %dma_wait3A_22] : memref<125x80xi32, #tpu.memory_space<vmem>> -> memref<1x80xi32, #tpu.memory_space<vmem>>
    %dma_wait3A_24 = tpu.memref_squeeze %dma_wait3A_23 : memref<1x80xi32, #tpu.memory_space<vmem>> -> memref<80xi32, #tpu.memory_space<vmem>>
    %dma_wait3A_25 = arith.constant 0 : i32
    %dma_wait3A_26 = arith.constant 0 : i32
    %dma_wait3A_27 = tpu.memref_slice %arg6[%dma_wait3A_25, %dma_wait3A_26] : memref<10240x128xf32, #tpu.memory_space<vmem_shared>> -> memref<10240x128xf32, #tpu.memory_space<vmem_shared>>
    tpu.wait_indirect_dma semaphore(%arg13 : memref<!tpu.dma_semaphore, #tpu.memory_space<semaphore_mem>>) src(%arg9 : memref<80x128xf32, #tpu.memory_space<vmem>>) dst(%dma_wait3A_27 : memref<10240x128xf32, #tpu.memory_space<vmem_shared>>)
    %barrier3A_28 = arith.constant 0 : index
    tpu.barrier barrier_id(%barrier3A_28)
    %mul3A_29 = arith.constant 640 : i32
    %mul3A_30 = arith.muli %arg1, %mul3A_29 : i32
    %mul3A_31 = arith.constant 640 : i32
    %mul3A_32 = arith.muli %arg1, %mul3A_31 : i32
    "tpu.region"() ({
      %run_scoped3A = tpu.sem_alloc : memref<!tpu.dma_semaphore, #tpu.memory_space<semaphore_mem>>
      %dma_start3A_33 = arith.constant 0 : i32
      %dma_start3A_34 = tpu.memref_slice %arg5[%arg0, %mul3A_32, %dma_start3A_33] : memref<2x10240x128xf32, #tpu.memory_space<hbm>> -> memref<1x640x128xf32, #tpu.memory_space<hbm>>
      %dma_start3A_35 = tpu.memref_squeeze %dma_start3A_34 : memref<1x640x128xf32, #tpu.memory_space<hbm>> -> memref<640x128xf32, #tpu.memory_space<hbm>>
      %dma_start3A_36 = arith.constant 0 : i32
      %dma_start3A_37 = tpu.memref_slice %arg6[%mul3A_30, %dma_start3A_36] : memref<10240x128xf32, #tpu.memory_space<vmem_shared>> -> memref<640x128xf32, #tpu.memory_space<vmem_shared>>
      tpu.enqueue_dma source(%dma_start3A_37 : memref<640x128xf32, #tpu.memory_space<vmem_shared>>) target(%dma_start3A_35 : memref<640x128xf32, #tpu.memory_space<hbm>>) target_semaphore(%run_scoped3A : memref<!tpu.dma_semaphore, #tpu.memory_space<semaphore_mem>>)
      %dma_wait3A_38 = arith.constant 0 : i32
      %dma_wait3A_39 = tpu.memref_slice %arg5[%arg0, %mul3A_32, %dma_wait3A_38] : memref<2x10240x128xf32, #tpu.memory_space<hbm>> -> memref<1x640x128xf32, #tpu.memory_space<hbm>>
      %dma_wait3A_40 = tpu.memref_squeeze %dma_wait3A_39 : memref<1x640x128xf32, #tpu.memory_space<hbm>> -> memref<640x128xf32, #tpu.memory_space<hbm>>
      %dma_wait3A_41 = arith.constant 0 : i32
      %dma_wait3A_42 = tpu.memref_slice %arg6[%mul3A_30, %dma_wait3A_41] : memref<10240x128xf32, #tpu.memory_space<vmem_shared>> -> memref<640x128xf32, #tpu.memory_space<vmem_shared>>
      tpu.wait_dma2 semaphore(%run_scoped3A : memref<!tpu.dma_semaphore, #tpu.memory_space<semaphore_mem>>) src(%dma_wait3A_42 : memref<640x128xf32, #tpu.memory_space<vmem_shared>>) dst(%dma_wait3A_40 : memref<640x128xf32, #tpu.memory_space<hbm>>)
      tpu.yield
    }) : () -> ()
    return
  }
}

#map = affine_map<(d0, d1) -> (0, 0)>
#map1 = affine_map<(d0, d1) -> (0, 0, 0)>
module attributes {stable_mosaic.version = 14 : i64} {
  func.func @_sc_gather_body(%arg0: i32, %arg1: i32, %arg2: memref<10000x128xf32, #tpu.memory_space<hbm>>, %arg3: memref<32x125x80xi32, #tpu.memory_space<hbm>>, %arg4: memref<32x125x80xi32, #tpu.memory_space<hbm>>, %arg5: memref<320000x128xf32, #tpu.memory_space<hbm>>, %arg6: memref<320000x128xf32, #tpu.memory_space<hbm>>, %arg7: memref<125x80xi32, #tpu.memory_space<vmem>>, %arg8: memref<125x80xi32, #tpu.memory_space<vmem>>, %arg9: memref<80x128xf32, #tpu.memory_space<vmem>>, %arg10: memref<80x128xf32, #tpu.memory_space<vmem>>, %arg11: memref<80x128xf32, #tpu.memory_space<vmem>>, %arg12: memref<80x128xf32, #tpu.memory_space<vmem>>, %arg13: memref<!tpu.dma_semaphore, #tpu.memory_space<semaphore_mem>>, %arg14: memref<!tpu.dma_semaphore, #tpu.memory_space<semaphore_mem>>, %arg15: memref<!tpu.dma_semaphore, #tpu.memory_space<semaphore_mem>>, %arg16: memref<!tpu.dma_semaphore, #tpu.memory_space<semaphore_mem>>, %arg17: memref<!tpu.dma_semaphore, #tpu.memory_space<semaphore_mem>>, %arg18: memref<!tpu.dma_semaphore, #tpu.memory_space<semaphore_mem>>, %arg19: memref<!tpu.dma_semaphore, #tpu.memory_space<semaphore_mem>>, %arg20: memref<!tpu.dma_semaphore, #tpu.memory_space<semaphore_mem>>) attributes {dimension_semantics = [#tpu.dimension_semantics<core_parallel>, #tpu.dimension_semantics<subcore_parallel>], iteration_bounds = array<i64: 2, 16>, scalar_prefetch = 0 : i64, scratch_operands = 14 : i64, tpu.core_type = #tpu.core_type<sc_vector_subcore>, window_params = [{transform_indices = #map}, {transform_indices = #map1}, {transform_indices = #map1}, {transform_indices = #map}, {transform_indices = #map}]} {
    %mul3A = arith.constant 2 : i32
    %mul3A_0 = arith.muli %arg1, %mul3A : i32
    %add3A = arith.addi %mul3A_0, %arg0 : i32
    %mul3A_1 = arith.constant 10000 : i32
    %mul3A_2 = arith.muli %add3A, %mul3A_1 : i32
    "tpu.region"() ({
      %run_scoped3A = tpu.sem_alloc : memref<!tpu.dma_semaphore, #tpu.memory_space<semaphore_mem>>
      %dma_start3A_36 = arith.constant 0 : i32
      %dma_start3A_37 = arith.constant 0 : i32
      %dma_start3A_38 = tpu.memref_slice %arg3[%add3A, %dma_start3A_36, %dma_start3A_37] : memref<32x125x80xi32, #tpu.memory_space<hbm>> -> memref<1x125x80xi32, #tpu.memory_space<hbm>>
      %dma_start3A_39 = tpu.memref_squeeze %dma_start3A_38 : memref<1x125x80xi32, #tpu.memory_space<hbm>> -> memref<125x80xi32, #tpu.memory_space<hbm>>
      %dma_start3A_40 = arith.constant 0 : i32
      %dma_start3A_41 = arith.constant 0 : i32
      %dma_start3A_42 = tpu.memref_slice %arg3[%add3A, %dma_start3A_40, %dma_start3A_41] : memref<32x125x80xi32, #tpu.memory_space<hbm>> -> memref<1x125x80xi32, #tpu.memory_space<hbm>>
      %dma_start3A_43 = tpu.memref_squeeze %dma_start3A_42 : memref<1x125x80xi32, #tpu.memory_space<hbm>> -> memref<125x80xi32, #tpu.memory_space<hbm>>
      tpu.enqueue_dma source(%dma_start3A_43 : memref<125x80xi32, #tpu.memory_space<hbm>>) target(%arg7 : memref<125x80xi32, #tpu.memory_space<vmem>>) target_semaphore(%run_scoped3A : memref<!tpu.dma_semaphore, #tpu.memory_space<semaphore_mem>>)
      %dma_wait3A_44 = arith.constant 0 : i32
      %dma_wait3A_45 = arith.constant 0 : i32
      %dma_wait3A_46 = tpu.memref_slice %arg3[%add3A, %dma_wait3A_44, %dma_wait3A_45] : memref<32x125x80xi32, #tpu.memory_space<hbm>> -> memref<1x125x80xi32, #tpu.memory_space<hbm>>
      %dma_wait3A_47 = tpu.memref_squeeze %dma_wait3A_46 : memref<1x125x80xi32, #tpu.memory_space<hbm>> -> memref<125x80xi32, #tpu.memory_space<hbm>>
      %dma_wait3A_48 = arith.constant 0 : i32
      %dma_wait3A_49 = arith.constant 0 : i32
      %dma_wait3A_50 = tpu.memref_slice %arg3[%add3A, %dma_wait3A_48, %dma_wait3A_49] : memref<32x125x80xi32, #tpu.memory_space<hbm>> -> memref<1x125x80xi32, #tpu.memory_space<hbm>>
      %dma_wait3A_51 = tpu.memref_squeeze %dma_wait3A_50 : memref<1x125x80xi32, #tpu.memory_space<hbm>> -> memref<125x80xi32, #tpu.memory_space<hbm>>
      tpu.wait_dma2 semaphore(%run_scoped3A : memref<!tpu.dma_semaphore, #tpu.memory_space<semaphore_mem>>) src(%dma_wait3A_51 : memref<125x80xi32, #tpu.memory_space<hbm>>) dst(%arg7 : memref<125x80xi32, #tpu.memory_space<vmem>>)
      tpu.yield
    }) : () -> ()
    "tpu.region"() ({
      %run_scoped3A = tpu.sem_alloc : memref<!tpu.dma_semaphore, #tpu.memory_space<semaphore_mem>>
      %dma_start3A_36 = arith.constant 0 : i32
      %dma_start3A_37 = arith.constant 0 : i32
      %dma_start3A_38 = tpu.memref_slice %arg4[%add3A, %dma_start3A_36, %dma_start3A_37] : memref<32x125x80xi32, #tpu.memory_space<hbm>> -> memref<1x125x80xi32, #tpu.memory_space<hbm>>
      %dma_start3A_39 = tpu.memref_squeeze %dma_start3A_38 : memref<1x125x80xi32, #tpu.memory_space<hbm>> -> memref<125x80xi32, #tpu.memory_space<hbm>>
      %dma_start3A_40 = arith.constant 0 : i32
      %dma_start3A_41 = arith.constant 0 : i32
      %dma_start3A_42 = tpu.memref_slice %arg4[%add3A, %dma_start3A_40, %dma_start3A_41] : memref<32x125x80xi32, #tpu.memory_space<hbm>> -> memref<1x125x80xi32, #tpu.memory_space<hbm>>
      %dma_start3A_43 = tpu.memref_squeeze %dma_start3A_42 : memref<1x125x80xi32, #tpu.memory_space<hbm>> -> memref<125x80xi32, #tpu.memory_space<hbm>>
      tpu.enqueue_dma source(%dma_start3A_43 : memref<125x80xi32, #tpu.memory_space<hbm>>) target(%arg8 : memref<125x80xi32, #tpu.memory_space<vmem>>) target_semaphore(%run_scoped3A : memref<!tpu.dma_semaphore, #tpu.memory_space<semaphore_mem>>)
      %dma_wait3A_44 = arith.constant 0 : i32
      %dma_wait3A_45 = arith.constant 0 : i32
      %dma_wait3A_46 = tpu.memref_slice %arg4[%add3A, %dma_wait3A_44, %dma_wait3A_45] : memref<32x125x80xi32, #tpu.memory_space<hbm>> -> memref<1x125x80xi32, #tpu.memory_space<hbm>>
      %dma_wait3A_47 = tpu.memref_squeeze %dma_wait3A_46 : memref<1x125x80xi32, #tpu.memory_space<hbm>> -> memref<125x80xi32, #tpu.memory_space<hbm>>
      %dma_wait3A_48 = arith.constant 0 : i32
      %dma_wait3A_49 = arith.constant 0 : i32
      %dma_wait3A_50 = tpu.memref_slice %arg4[%add3A, %dma_wait3A_48, %dma_wait3A_49] : memref<32x125x80xi32, #tpu.memory_space<hbm>> -> memref<1x125x80xi32, #tpu.memory_space<hbm>>
      %dma_wait3A_51 = tpu.memref_squeeze %dma_wait3A_50 : memref<1x125x80xi32, #tpu.memory_space<hbm>> -> memref<125x80xi32, #tpu.memory_space<hbm>>
      tpu.wait_dma2 semaphore(%run_scoped3A : memref<!tpu.dma_semaphore, #tpu.memory_space<semaphore_mem>>) src(%dma_wait3A_51 : memref<125x80xi32, #tpu.memory_space<hbm>>) dst(%arg8 : memref<125x80xi32, #tpu.memory_space<vmem>>)
      tpu.yield
    }) : () -> ()
    %dma_start3A = arith.constant 0 : i32
    %dma_start3A_3 = arith.constant 0 : i32
    %dma_start3A_4 = tpu.memref_slice %arg7[%dma_start3A, %dma_start3A_3] : memref<125x80xi32, #tpu.memory_space<vmem>> -> memref<1x80xi32, #tpu.memory_space<vmem>>
    %dma_start3A_5 = tpu.memref_squeeze %dma_start3A_4 : memref<1x80xi32, #tpu.memory_space<vmem>> -> memref<80xi32, #tpu.memory_space<vmem>>
    %dma_start3A_6 = arith.constant 0 : i32
    %dma_start3A_7 = arith.constant 0 : i32
    %dma_start3A_8 = tpu.memref_slice %arg2[%dma_start3A_6, %dma_start3A_7] : memref<10000x128xf32, #tpu.memory_space<hbm>> -> memref<10000x128xf32, #tpu.memory_space<hbm>>
    tpu.enqueue_indirect_dma source(%dma_start3A_8 : memref<10000x128xf32, #tpu.memory_space<hbm>>) target(%arg9 : memref<80x128xf32, #tpu.memory_space<vmem>>) offsets(%dma_start3A_5 : memref<80xi32, #tpu.memory_space<vmem>>) semaphore(%arg13 : memref<!tpu.dma_semaphore, #tpu.memory_space<semaphore_mem>>)
    %dma_start3A_9 = arith.constant 0 : i32
    %dma_start3A_10 = arith.constant 0 : i32
    %dma_start3A_11 = tpu.memref_slice %arg8[%dma_start3A_9, %dma_start3A_10] : memref<125x80xi32, #tpu.memory_space<vmem>> -> memref<1x80xi32, #tpu.memory_space<vmem>>
    %dma_start3A_12 = tpu.memref_squeeze %dma_start3A_11 : memref<1x80xi32, #tpu.memory_space<vmem>> -> memref<80xi32, #tpu.memory_space<vmem>>
    %dma_start3A_13 = arith.constant 0 : i32
    %dma_start3A_14 = arith.constant 0 : i32
    %dma_start3A_15 = tpu.memref_slice %arg2[%dma_start3A_13, %dma_start3A_14] : memref<10000x128xf32, #tpu.memory_space<hbm>> -> memref<10000x128xf32, #tpu.memory_space<hbm>>
    tpu.enqueue_indirect_dma source(%dma_start3A_15 : memref<10000x128xf32, #tpu.memory_space<hbm>>) target(%arg11 : memref<80x128xf32, #tpu.memory_space<vmem>>) offsets(%dma_start3A_12 : memref<80xi32, #tpu.memory_space<vmem>>) semaphore(%arg15 : memref<!tpu.dma_semaphore, #tpu.memory_space<semaphore_mem>>)
    %scan3A = arith.constant 0 : i32
    %scan3A_16 = arith.constant 0 : i32
    %scan3A_17 = arith.constant 63 : i32
    %scan3A_18 = arith.addi %scan3A_16, %scan3A_17 : i32
    %scan3A_19 = arith.constant 1 : i32
    scf.for %scan3A_36 = %scan3A_16 to %scan3A_18 step %scan3A_19  : i32 {
      %mul3A_37 = arith.constant 2 : i32
      %mul3A_38 = arith.muli %scan3A_36, %mul3A_37 : i32
      %add3A_39 = arith.constant 1 : i32
      %add3A_40 = arith.addi %mul3A_38, %add3A_39 : i32
      %lt3A = arith.constant 125 : i32
      %lt3A_41 = arith.cmpi slt, %add3A_40, %lt3A : i32
      %convert_element_type3A = arith.extui %lt3A_41 : i1 to i32
      %cond3A = arith.constant 0 : i32
      %cond3A_42 = arith.cmpi ne, %convert_element_type3A, %cond3A : i32
      scf.if %cond3A_42 {
        %ge3A = arith.constant 1 : i32
        %ge3A_73 = arith.cmpi sge, %mul3A_38, %ge3A : i32
        %convert_element_type3A_74 = arith.extui %ge3A_73 : i1 to i32
        %cond3A_75 = arith.constant 0 : i32
        %cond3A_76 = arith.cmpi ne, %convert_element_type3A_74, %cond3A_75 : i32
        scf.if %cond3A_76 {
          %dma_wait3A_91 = arith.constant 0 : i32
          %dma_wait3A_92 = tpu.memref_slice %arg5[%mul3A_2, %dma_wait3A_91] : memref<320000x128xf32, #tpu.memory_space<hbm>> -> memref<80x128xf32, #tpu.memory_space<hbm>>
          %dma_wait3A_93 = arith.constant 0 : i32
          %dma_wait3A_94 = tpu.memref_slice %arg5[%mul3A_2, %dma_wait3A_93] : memref<320000x128xf32, #tpu.memory_space<hbm>> -> memref<80x128xf32, #tpu.memory_space<hbm>>
          tpu.wait_dma2 semaphore(%arg18 : memref<!tpu.dma_semaphore, #tpu.memory_space<semaphore_mem>>) src(%arg10 : memref<80x128xf32, #tpu.memory_space<vmem>>) dst(%dma_wait3A_94 : memref<80x128xf32, #tpu.memory_space<hbm>>)
          %dma_wait3A_95 = arith.constant 0 : i32
          %dma_wait3A_96 = tpu.memref_slice %arg6[%mul3A_2, %dma_wait3A_95] : memref<320000x128xf32, #tpu.memory_space<hbm>> -> memref<80x128xf32, #tpu.memory_space<hbm>>
          %dma_wait3A_97 = arith.constant 0 : i32
          %dma_wait3A_98 = tpu.memref_slice %arg6[%mul3A_2, %dma_wait3A_97] : memref<320000x128xf32, #tpu.memory_space<hbm>> -> memref<80x128xf32, #tpu.memory_space<hbm>>
          tpu.wait_dma2 semaphore(%arg20 : memref<!tpu.dma_semaphore, #tpu.memory_space<semaphore_mem>>) src(%arg12 : memref<80x128xf32, #tpu.memory_space<vmem>>) dst(%dma_wait3A_98 : memref<80x128xf32, #tpu.memory_space<hbm>>)
        } else {
        }
        %add3A_77 = arith.constant 1 : i32
        %add3A_78 = arith.addi %mul3A_38, %add3A_77 : i32
        %dma_start3A_79 = arith.constant 0 : i32
        %dma_start3A_80 = tpu.memref_slice %arg7[%add3A_78, %dma_start3A_79] : memref<125x80xi32, #tpu.memory_space<vmem>> -> memref<1x80xi32, #tpu.memory_space<vmem>>
        %dma_start3A_81 = tpu.memref_squeeze %dma_start3A_80 : memref<1x80xi32, #tpu.memory_space<vmem>> -> memref<80xi32, #tpu.memory_space<vmem>>
        %dma_start3A_82 = arith.constant 0 : i32
        %dma_start3A_83 = arith.constant 0 : i32
        %dma_start3A_84 = tpu.memref_slice %arg2[%dma_start3A_82, %dma_start3A_83] : memref<10000x128xf32, #tpu.memory_space<hbm>> -> memref<10000x128xf32, #tpu.memory_space<hbm>>
        tpu.enqueue_indirect_dma source(%dma_start3A_84 : memref<10000x128xf32, #tpu.memory_space<hbm>>) target(%arg10 : memref<80x128xf32, #tpu.memory_space<vmem>>) offsets(%dma_start3A_81 : memref<80xi32, #tpu.memory_space<vmem>>) semaphore(%arg14 : memref<!tpu.dma_semaphore, #tpu.memory_space<semaphore_mem>>)
        %dma_start3A_85 = arith.constant 0 : i32
        %dma_start3A_86 = tpu.memref_slice %arg8[%add3A_78, %dma_start3A_85] : memref<125x80xi32, #tpu.memory_space<vmem>> -> memref<1x80xi32, #tpu.memory_space<vmem>>
        %dma_start3A_87 = tpu.memref_squeeze %dma_start3A_86 : memref<1x80xi32, #tpu.memory_space<vmem>> -> memref<80xi32, #tpu.memory_space<vmem>>
        %dma_start3A_88 = arith.constant 0 : i32
        %dma_start3A_89 = arith.constant 0 : i32
        %dma_start3A_90 = tpu.memref_slice %arg2[%dma_start3A_88, %dma_start3A_89] : memref<10000x128xf32, #tpu.memory_space<hbm>> -> memref<10000x128xf32, #tpu.memory_space<hbm>>
        tpu.enqueue_indirect_dma source(%dma_start3A_90 : memref<10000x128xf32, #tpu.memory_space<hbm>>) target(%arg12 : memref<80x128xf32, #tpu.memory_space<vmem>>) offsets(%dma_start3A_87 : memref<80xi32, #tpu.memory_space<vmem>>) semaphore(%arg16 : memref<!tpu.dma_semaphore, #tpu.memory_space<semaphore_mem>>)
      } else {
      }
      %dma_wait3A_43 = arith.constant 0 : i32
      %dma_wait3A_44 = tpu.memref_slice %arg7[%mul3A_38, %dma_wait3A_43] : memref<125x80xi32, #tpu.memory_space<vmem>> -> memref<1x80xi32, #tpu.memory_space<vmem>>
      %dma_wait3A_45 = tpu.memref_squeeze %dma_wait3A_44 : memref<1x80xi32, #tpu.memory_space<vmem>> -> memref<80xi32, #tpu.memory_space<vmem>>
      %dma_wait3A_46 = arith.constant 0 : i32
      %dma_wait3A_47 = arith.constant 0 : i32
      %dma_wait3A_48 = tpu.memref_slice %arg2[%dma_wait3A_46, %dma_wait3A_47] : memref<10000x128xf32, #tpu.memory_space<hbm>> -> memref<10000x128xf32, #tpu.memory_space<hbm>>
      tpu.wait_indirect_dma semaphore(%arg13 : memref<!tpu.dma_semaphore, #tpu.memory_space<semaphore_mem>>) src(%dma_wait3A_48 : memref<10000x128xf32, #tpu.memory_space<hbm>>) dst(%arg9 : memref<80x128xf32, #tpu.memory_space<vmem>>)
      %dma_wait3A_49 = arith.constant 0 : i32
      %dma_wait3A_50 = tpu.memref_slice %arg8[%mul3A_38, %dma_wait3A_49] : memref<125x80xi32, #tpu.memory_space<vmem>> -> memref<1x80xi32, #tpu.memory_space<vmem>>
      %dma_wait3A_51 = tpu.memref_squeeze %dma_wait3A_50 : memref<1x80xi32, #tpu.memory_space<vmem>> -> memref<80xi32, #tpu.memory_space<vmem>>
      %dma_wait3A_52 = arith.constant 0 : i32
      %dma_wait3A_53 = arith.constant 0 : i32
      %dma_wait3A_54 = tpu.memref_slice %arg2[%dma_wait3A_52, %dma_wait3A_53] : memref<10000x128xf32, #tpu.memory_space<hbm>> -> memref<10000x128xf32, #tpu.memory_space<hbm>>
      tpu.wait_indirect_dma semaphore(%arg15 : memref<!tpu.dma_semaphore, #tpu.memory_space<semaphore_mem>>) src(%dma_wait3A_54 : memref<10000x128xf32, #tpu.memory_space<hbm>>) dst(%arg11 : memref<80x128xf32, #tpu.memory_space<vmem>>)
      %mul3A_55 = arith.constant 80 : i32
      %mul3A_56 = arith.muli %mul3A_38, %mul3A_55 : i32
      %add3A_57 = arith.addi %mul3A_2, %mul3A_56 : i32
      %dma_start3A_58 = arith.constant 0 : i32
      %dma_start3A_59 = tpu.memref_slice %arg5[%add3A_57, %dma_start3A_58] : memref<320000x128xf32, #tpu.memory_space<hbm>> -> memref<80x128xf32, #tpu.memory_space<hbm>>
      %dma_start3A_60 = arith.constant 0 : i32
      %dma_start3A_61 = tpu.memref_slice %arg5[%add3A_57, %dma_start3A_60] : memref<320000x128xf32, #tpu.memory_space<hbm>> -> memref<80x128xf32, #tpu.memory_space<hbm>>
      tpu.enqueue_dma source(%arg9 : memref<80x128xf32, #tpu.memory_space<vmem>>) target(%dma_start3A_61 : memref<80x128xf32, #tpu.memory_space<hbm>>) target_semaphore(%arg17 : memref<!tpu.dma_semaphore, #tpu.memory_space<semaphore_mem>>)
      %dma_start3A_62 = arith.constant 0 : i32
      %dma_start3A_63 = tpu.memref_slice %arg6[%add3A_57, %dma_start3A_62] : memref<320000x128xf32, #tpu.memory_space<hbm>> -> memref<80x128xf32, #tpu.memory_space<hbm>>
      %dma_start3A_64 = arith.constant 0 : i32
      %dma_start3A_65 = tpu.memref_slice %arg6[%add3A_57, %dma_start3A_64] : memref<320000x128xf32, #tpu.memory_space<hbm>> -> memref<80x128xf32, #tpu.memory_space<hbm>>
      tpu.enqueue_dma source(%arg11 : memref<80x128xf32, #tpu.memory_space<vmem>>) target(%dma_start3A_65 : memref<80x128xf32, #tpu.memory_space<hbm>>) target_semaphore(%arg19 : memref<!tpu.dma_semaphore, #tpu.memory_space<semaphore_mem>>)
      %add3A_66 = arith.constant 1 : i32
      %add3A_67 = arith.addi %mul3A_38, %add3A_66 : i32
      %lt3A_68 = arith.constant 125 : i32
      %lt3A_69 = arith.cmpi slt, %add3A_67, %lt3A_68 : i32
      %convert_element_type3A_70 = arith.extui %lt3A_69 : i1 to i32
      %cond3A_71 = arith.constant 0 : i32
      %cond3A_72 = arith.cmpi ne, %convert_element_type3A_70, %cond3A_71 : i32
      scf.if %cond3A_72 {
        %add3A_73 = arith.constant 1 : i32
        %add3A_74 = arith.addi %mul3A_38, %add3A_73 : i32
        %add3A_75 = arith.constant 1 : i32
        %add3A_76 = arith.addi %add3A_74, %add3A_75 : i32
        %lt3A_77 = arith.constant 125 : i32
        %lt3A_78 = arith.cmpi slt, %add3A_76, %lt3A_77 : i32
        %convert_element_type3A_79 = arith.extui %lt3A_78 : i1 to i32
        %cond3A_80 = arith.constant 0 : i32
        %cond3A_81 = arith.cmpi ne, %convert_element_type3A_79, %cond3A_80 : i32
        scf.if %cond3A_81 {
          %ge3A = arith.constant 1 : i32
          %ge3A_105 = arith.cmpi sge, %add3A_74, %ge3A : i32
          %convert_element_type3A_106 = arith.extui %ge3A_105 : i1 to i32
          %cond3A_107 = arith.constant 0 : i32
          %cond3A_108 = arith.cmpi ne, %convert_element_type3A_106, %cond3A_107 : i32
          scf.if %cond3A_108 {
            %dma_wait3A_123 = arith.constant 0 : i32
            %dma_wait3A_124 = tpu.memref_slice %arg5[%mul3A_2, %dma_wait3A_123] : memref<320000x128xf32, #tpu.memory_space<hbm>> -> memref<80x128xf32, #tpu.memory_space<hbm>>
            %dma_wait3A_125 = arith.constant 0 : i32
            %dma_wait3A_126 = tpu.memref_slice %arg5[%mul3A_2, %dma_wait3A_125] : memref<320000x128xf32, #tpu.memory_space<hbm>> -> memref<80x128xf32, #tpu.memory_space<hbm>>
            tpu.wait_dma2 semaphore(%arg17 : memref<!tpu.dma_semaphore, #tpu.memory_space<semaphore_mem>>) src(%arg9 : memref<80x128xf32, #tpu.memory_space<vmem>>) dst(%dma_wait3A_126 : memref<80x128xf32, #tpu.memory_space<hbm>>)
            %dma_wait3A_127 = arith.constant 0 : i32
            %dma_wait3A_128 = tpu.memref_slice %arg6[%mul3A_2, %dma_wait3A_127] : memref<320000x128xf32, #tpu.memory_space<hbm>> -> memref<80x128xf32, #tpu.memory_space<hbm>>
            %dma_wait3A_129 = arith.constant 0 : i32
            %dma_wait3A_130 = tpu.memref_slice %arg6[%mul3A_2, %dma_wait3A_129] : memref<320000x128xf32, #tpu.memory_space<hbm>> -> memref<80x128xf32, #tpu.memory_space<hbm>>
            tpu.wait_dma2 semaphore(%arg19 : memref<!tpu.dma_semaphore, #tpu.memory_space<semaphore_mem>>) src(%arg11 : memref<80x128xf32, #tpu.memory_space<vmem>>) dst(%dma_wait3A_130 : memref<80x128xf32, #tpu.memory_space<hbm>>)
          } else {
          }
          %add3A_109 = arith.constant 1 : i32
          %add3A_110 = arith.addi %add3A_74, %add3A_109 : i32
          %dma_start3A_111 = arith.constant 0 : i32
          %dma_start3A_112 = tpu.memref_slice %arg7[%add3A_110, %dma_start3A_111] : memref<125x80xi32, #tpu.memory_space<vmem>> -> memref<1x80xi32, #tpu.memory_space<vmem>>
          %dma_start3A_113 = tpu.memref_squeeze %dma_start3A_112 : memref<1x80xi32, #tpu.memory_space<vmem>> -> memref<80xi32, #tpu.memory_space<vmem>>
          %dma_start3A_114 = arith.constant 0 : i32
          %dma_start3A_115 = arith.constant 0 : i32
          %dma_start3A_116 = tpu.memref_slice %arg2[%dma_start3A_114, %dma_start3A_115] : memref<10000x128xf32, #tpu.memory_space<hbm>> -> memref<10000x128xf32, #tpu.memory_space<hbm>>
          tpu.enqueue_indirect_dma source(%dma_start3A_116 : memref<10000x128xf32, #tpu.memory_space<hbm>>) target(%arg9 : memref<80x128xf32, #tpu.memory_space<vmem>>) offsets(%dma_start3A_113 : memref<80xi32, #tpu.memory_space<vmem>>) semaphore(%arg13 : memref<!tpu.dma_semaphore, #tpu.memory_space<semaphore_mem>>)
          %dma_start3A_117 = arith.constant 0 : i32
          %dma_start3A_118 = tpu.memref_slice %arg8[%add3A_110, %dma_start3A_117] : memref<125x80xi32, #tpu.memory_space<vmem>> -> memref<1x80xi32, #tpu.memory_space<vmem>>
          %dma_start3A_119 = tpu.memref_squeeze %dma_start3A_118 : memref<1x80xi32, #tpu.memory_space<vmem>> -> memref<80xi32, #tpu.memory_space<vmem>>
          %dma_start3A_120 = arith.constant 0 : i32
          %dma_start3A_121 = arith.constant 0 : i32
          %dma_start3A_122 = tpu.memref_slice %arg2[%dma_start3A_120, %dma_start3A_121] : memref<10000x128xf32, #tpu.memory_space<hbm>> -> memref<10000x128xf32, #tpu.memory_space<hbm>>
          tpu.enqueue_indirect_dma source(%dma_start3A_122 : memref<10000x128xf32, #tpu.memory_space<hbm>>) target(%arg11 : memref<80x128xf32, #tpu.memory_space<vmem>>) offsets(%dma_start3A_119 : memref<80xi32, #tpu.memory_space<vmem>>) semaphore(%arg15 : memref<!tpu.dma_semaphore, #tpu.memory_space<semaphore_mem>>)
        } else {
        }
        %dma_wait3A_82 = arith.constant 0 : i32
        %dma_wait3A_83 = tpu.memref_slice %arg7[%add3A_74, %dma_wait3A_82] : memref<125x80xi32, #tpu.memory_space<vmem>> -> memref<1x80xi32, #tpu.memory_space<vmem>>
        %dma_wait3A_84 = tpu.memref_squeeze %dma_wait3A_83 : memref<1x80xi32, #tpu.memory_space<vmem>> -> memref<80xi32, #tpu.memory_space<vmem>>
        %dma_wait3A_85 = arith.constant 0 : i32
        %dma_wait3A_86 = arith.constant 0 : i32
        %dma_wait3A_87 = tpu.memref_slice %arg2[%dma_wait3A_85, %dma_wait3A_86] : memref<10000x128xf32, #tpu.memory_space<hbm>> -> memref<10000x128xf32, #tpu.memory_space<hbm>>
        tpu.wait_indirect_dma semaphore(%arg14 : memref<!tpu.dma_semaphore, #tpu.memory_space<semaphore_mem>>) src(%dma_wait3A_87 : memref<10000x128xf32, #tpu.memory_space<hbm>>) dst(%arg10 : memref<80x128xf32, #tpu.memory_space<vmem>>)
        %dma_wait3A_88 = arith.constant 0 : i32
        %dma_wait3A_89 = tpu.memref_slice %arg8[%add3A_74, %dma_wait3A_88] : memref<125x80xi32, #tpu.memory_space<vmem>> -> memref<1x80xi32, #tpu.memory_space<vmem>>
        %dma_wait3A_90 = tpu.memref_squeeze %dma_wait3A_89 : memref<1x80xi32, #tpu.memory_space<vmem>> -> memref<80xi32, #tpu.memory_space<vmem>>
        %dma_wait3A_91 = arith.constant 0 : i32
        %dma_wait3A_92 = arith.constant 0 : i32
        %dma_wait3A_93 = tpu.memref_slice %arg2[%dma_wait3A_91, %dma_wait3A_92] : memref<10000x128xf32, #tpu.memory_space<hbm>> -> memref<10000x128xf32, #tpu.memory_space<hbm>>
        tpu.wait_indirect_dma semaphore(%arg16 : memref<!tpu.dma_semaphore, #tpu.memory_space<semaphore_mem>>) src(%dma_wait3A_93 : memref<10000x128xf32, #tpu.memory_space<hbm>>) dst(%arg12 : memref<80x128xf32, #tpu.memory_space<vmem>>)
        %mul3A_94 = arith.constant 80 : i32
        %mul3A_95 = arith.muli %add3A_74, %mul3A_94 : i32
        %add3A_96 = arith.addi %mul3A_2, %mul3A_95 : i32
        %dma_start3A_97 = arith.constant 0 : i32
        %dma_start3A_98 = tpu.memref_slice %arg5[%add3A_96, %dma_start3A_97] : memref<320000x128xf32, #tpu.memory_space<hbm>> -> memref<80x128xf32, #tpu.memory_space<hbm>>
        %dma_start3A_99 = arith.constant 0 : i32
        %dma_start3A_100 = tpu.memref_slice %arg5[%add3A_96, %dma_start3A_99] : memref<320000x128xf32, #tpu.memory_space<hbm>> -> memref<80x128xf32, #tpu.memory_space<hbm>>
        tpu.enqueue_dma source(%arg10 : memref<80x128xf32, #tpu.memory_space<vmem>>) target(%dma_start3A_100 : memref<80x128xf32, #tpu.memory_space<hbm>>) target_semaphore(%arg18 : memref<!tpu.dma_semaphore, #tpu.memory_space<semaphore_mem>>)
        %dma_start3A_101 = arith.constant 0 : i32
        %dma_start3A_102 = tpu.memref_slice %arg6[%add3A_96, %dma_start3A_101] : memref<320000x128xf32, #tpu.memory_space<hbm>> -> memref<80x128xf32, #tpu.memory_space<hbm>>
        %dma_start3A_103 = arith.constant 0 : i32
        %dma_start3A_104 = tpu.memref_slice %arg6[%add3A_96, %dma_start3A_103] : memref<320000x128xf32, #tpu.memory_space<hbm>> -> memref<80x128xf32, #tpu.memory_space<hbm>>
        tpu.enqueue_dma source(%arg12 : memref<80x128xf32, #tpu.memory_space<vmem>>) target(%dma_start3A_104 : memref<80x128xf32, #tpu.memory_space<hbm>>) target_semaphore(%arg20 : memref<!tpu.dma_semaphore, #tpu.memory_space<semaphore_mem>>)
      } else {
      }
    }
    %scan3A_20 = arith.constant 63 : i32
    %dma_wait3A = arith.constant 0 : i32
    %dma_wait3A_21 = tpu.memref_slice %arg5[%mul3A_2, %dma_wait3A] : memref<320000x128xf32, #tpu.memory_space<hbm>> -> memref<80x128xf32, #tpu.memory_space<hbm>>
    %dma_wait3A_22 = arith.constant 0 : i32
    %dma_wait3A_23 = tpu.memref_slice %arg5[%mul3A_2, %dma_wait3A_22] : memref<320000x128xf32, #tpu.memory_space<hbm>> -> memref<80x128xf32, #tpu.memory_space<hbm>>
    tpu.wait_dma2 semaphore(%arg17 : memref<!tpu.dma_semaphore, #tpu.memory_space<semaphore_mem>>) src(%arg9 : memref<80x128xf32, #tpu.memory_space<vmem>>) dst(%dma_wait3A_23 : memref<80x128xf32, #tpu.memory_space<hbm>>)
    %dma_wait3A_24 = arith.constant 0 : i32
    %dma_wait3A_25 = tpu.memref_slice %arg6[%mul3A_2, %dma_wait3A_24] : memref<320000x128xf32, #tpu.memory_space<hbm>> -> memref<80x128xf32, #tpu.memory_space<hbm>>
    %dma_wait3A_26 = arith.constant 0 : i32
    %dma_wait3A_27 = tpu.memref_slice %arg6[%mul3A_2, %dma_wait3A_26] : memref<320000x128xf32, #tpu.memory_space<hbm>> -> memref<80x128xf32, #tpu.memory_space<hbm>>
    tpu.wait_dma2 semaphore(%arg19 : memref<!tpu.dma_semaphore, #tpu.memory_space<semaphore_mem>>) src(%arg11 : memref<80x128xf32, #tpu.memory_space<vmem>>) dst(%dma_wait3A_27 : memref<80x128xf32, #tpu.memory_space<hbm>>)
    %dma_wait3A_28 = arith.constant 0 : i32
    %dma_wait3A_29 = tpu.memref_slice %arg5[%mul3A_2, %dma_wait3A_28] : memref<320000x128xf32, #tpu.memory_space<hbm>> -> memref<80x128xf32, #tpu.memory_space<hbm>>
    %dma_wait3A_30 = arith.constant 0 : i32
    %dma_wait3A_31 = tpu.memref_slice %arg5[%mul3A_2, %dma_wait3A_30] : memref<320000x128xf32, #tpu.memory_space<hbm>> -> memref<80x128xf32, #tpu.memory_space<hbm>>
    tpu.wait_dma2 semaphore(%arg18 : memref<!tpu.dma_semaphore, #tpu.memory_space<semaphore_mem>>) src(%arg10 : memref<80x128xf32, #tpu.memory_space<vmem>>) dst(%dma_wait3A_31 : memref<80x128xf32, #tpu.memory_space<hbm>>)
    %dma_wait3A_32 = arith.constant 0 : i32
    %dma_wait3A_33 = tpu.memref_slice %arg6[%mul3A_2, %dma_wait3A_32] : memref<320000x128xf32, #tpu.memory_space<hbm>> -> memref<80x128xf32, #tpu.memory_space<hbm>>
    %dma_wait3A_34 = arith.constant 0 : i32
    %dma_wait3A_35 = tpu.memref_slice %arg6[%mul3A_2, %dma_wait3A_34] : memref<320000x128xf32, #tpu.memory_space<hbm>> -> memref<80x128xf32, #tpu.memory_space<hbm>>
    tpu.wait_dma2 semaphore(%arg20 : memref<!tpu.dma_semaphore, #tpu.memory_space<semaphore_mem>>) src(%arg12 : memref<80x128xf32, #tpu.memory_space<vmem>>) dst(%dma_wait3A_35 : memref<80x128xf32, #tpu.memory_space<hbm>>)
    return
  }
}

#map = affine_map<(d0, d1) -> (0, 0)>
#map1 = affine_map<(d0, d1) -> (0, 0, 0)>
module attributes {stable_mosaic.version = 14 : i64} {
  func.func @_sc_scatter_body(%arg0: i32, %arg1: i32, %arg2: memref<320000x128xf32, #tpu.memory_space<hbm>>, %arg3: memref<32x125x80xi32, #tpu.memory_space<hbm>>, %arg4: memref<640x128xf32, #tpu.memory_space<hbm>>, %arg5: memref<2x10240x128xf32, #tpu.memory_space<hbm>>, %arg6: memref<10240x128xf32, #tpu.memory_space<vmem_shared>>, %arg7: memref<125x80xi32, #tpu.memory_space<vmem>>, %arg8: memref<80x128xf32, #tpu.memory_space<vmem>>, %arg9: memref<80x128xf32, #tpu.memory_space<vmem>>, %arg10: memref<!tpu.dma_semaphore, #tpu.memory_space<semaphore_mem>>, %arg11: memref<!tpu.dma_semaphore, #tpu.memory_space<semaphore_mem>>, %arg12: memref<!tpu.dma_semaphore, #tpu.memory_space<semaphore_mem>>, %arg13: memref<!tpu.dma_semaphore, #tpu.memory_space<semaphore_mem>>) attributes {dimension_semantics = [#tpu.dimension_semantics<core_parallel>, #tpu.dimension_semantics<subcore_parallel>], iteration_bounds = array<i64: 2, 16>, scalar_prefetch = 0 : i64, scratch_operands = 8 : i64, tpu.core_type = #tpu.core_type<sc_vector_subcore>, window_params = [{transform_indices = #map}, {transform_indices = #map1}, {transform_indices = #map}, {transform_indices = #map1}]} {
    %mul3A = arith.constant 2 : i32
    %mul3A_0 = arith.muli %arg1, %mul3A : i32
    %add3A = arith.addi %mul3A_0, %arg0 : i32
    %mul3A_1 = arith.constant 10000 : i32
    %mul3A_2 = arith.muli %add3A, %mul3A_1 : i32
    %mul3A_3 = arith.constant 640 : i32
    %mul3A_4 = arith.muli %arg1, %mul3A_3 : i32
    "tpu.region"() ({
      %run_scoped3A = tpu.sem_alloc : memref<!tpu.dma_semaphore, #tpu.memory_space<semaphore_mem>>
      %dma_start3A_33 = arith.constant 0 : i32
      %dma_start3A_34 = tpu.memref_slice %arg6[%mul3A_4, %dma_start3A_33] : memref<10240x128xf32, #tpu.memory_space<vmem_shared>> -> memref<640x128xf32, #tpu.memory_space<vmem_shared>>
      %dma_start3A_35 = arith.constant 0 : i32
      %dma_start3A_36 = arith.constant 0 : i32
      %dma_start3A_37 = tpu.memref_slice %arg4[%dma_start3A_35, %dma_start3A_36] : memref<640x128xf32, #tpu.memory_space<hbm>> -> memref<640x128xf32, #tpu.memory_space<hbm>>
      tpu.enqueue_dma source(%dma_start3A_37 : memref<640x128xf32, #tpu.memory_space<hbm>>) target(%dma_start3A_34 : memref<640x128xf32, #tpu.memory_space<vmem_shared>>) target_semaphore(%run_scoped3A : memref<!tpu.dma_semaphore, #tpu.memory_space<semaphore_mem>>)
      %dma_wait3A_38 = arith.constant 0 : i32
      %dma_wait3A_39 = tpu.memref_slice %arg6[%mul3A_4, %dma_wait3A_38] : memref<10240x128xf32, #tpu.memory_space<vmem_shared>> -> memref<640x128xf32, #tpu.memory_space<vmem_shared>>
      %dma_wait3A_40 = arith.constant 0 : i32
      %dma_wait3A_41 = arith.constant 0 : i32
      %dma_wait3A_42 = tpu.memref_slice %arg4[%dma_wait3A_40, %dma_wait3A_41] : memref<640x128xf32, #tpu.memory_space<hbm>> -> memref<640x128xf32, #tpu.memory_space<hbm>>
      tpu.wait_dma2 semaphore(%run_scoped3A : memref<!tpu.dma_semaphore, #tpu.memory_space<semaphore_mem>>) src(%dma_wait3A_42 : memref<640x128xf32, #tpu.memory_space<hbm>>) dst(%dma_wait3A_39 : memref<640x128xf32, #tpu.memory_space<vmem_shared>>)
      tpu.yield
    }) : () -> ()
    "tpu.region"() ({
      %run_scoped3A = tpu.sem_alloc : memref<!tpu.dma_semaphore, #tpu.memory_space<semaphore_mem>>
      %dma_start3A_33 = arith.constant 0 : i32
      %dma_start3A_34 = arith.constant 0 : i32
      %dma_start3A_35 = tpu.memref_slice %arg3[%add3A, %dma_start3A_33, %dma_start3A_34] : memref<32x125x80xi32, #tpu.memory_space<hbm>> -> memref<1x125x80xi32, #tpu.memory_space<hbm>>
      %dma_start3A_36 = tpu.memref_squeeze %dma_start3A_35 : memref<1x125x80xi32, #tpu.memory_space<hbm>> -> memref<125x80xi32, #tpu.memory_space<hbm>>
      %dma_start3A_37 = arith.constant 0 : i32
      %dma_start3A_38 = arith.constant 0 : i32
      %dma_start3A_39 = tpu.memref_slice %arg3[%add3A, %dma_start3A_37, %dma_start3A_38] : memref<32x125x80xi32, #tpu.memory_space<hbm>> -> memref<1x125x80xi32, #tpu.memory_space<hbm>>
      %dma_start3A_40 = tpu.memref_squeeze %dma_start3A_39 : memref<1x125x80xi32, #tpu.memory_space<hbm>> -> memref<125x80xi32, #tpu.memory_space<hbm>>
      tpu.enqueue_dma source(%dma_start3A_40 : memref<125x80xi32, #tpu.memory_space<hbm>>) target(%arg7 : memref<125x80xi32, #tpu.memory_space<vmem>>) target_semaphore(%run_scoped3A : memref<!tpu.dma_semaphore, #tpu.memory_space<semaphore_mem>>)
      %dma_wait3A_41 = arith.constant 0 : i32
      %dma_wait3A_42 = arith.constant 0 : i32
      %dma_wait3A_43 = tpu.memref_slice %arg3[%add3A, %dma_wait3A_41, %dma_wait3A_42] : memref<32x125x80xi32, #tpu.memory_space<hbm>> -> memref<1x125x80xi32, #tpu.memory_space<hbm>>
      %dma_wait3A_44 = tpu.memref_squeeze %dma_wait3A_43 : memref<1x125x80xi32, #tpu.memory_space<hbm>> -> memref<125x80xi32, #tpu.memory_space<hbm>>
      %dma_wait3A_45 = arith.constant 0 : i32
      %dma_wait3A_46 = arith.constant 0 : i32
      %dma_wait3A_47 = tpu.memref_slice %arg3[%add3A, %dma_wait3A_45, %dma_wait3A_46] : memref<32x125x80xi32, #tpu.memory_space<hbm>> -> memref<1x125x80xi32, #tpu.memory_space<hbm>>
      %dma_wait3A_48 = tpu.memref_squeeze %dma_wait3A_47 : memref<1x125x80xi32, #tpu.memory_space<hbm>> -> memref<125x80xi32, #tpu.memory_space<hbm>>
      tpu.wait_dma2 semaphore(%run_scoped3A : memref<!tpu.dma_semaphore, #tpu.memory_space<semaphore_mem>>) src(%dma_wait3A_48 : memref<125x80xi32, #tpu.memory_space<hbm>>) dst(%arg7 : memref<125x80xi32, #tpu.memory_space<vmem>>)
      tpu.yield
    }) : () -> ()
    %barrier3A = arith.constant 0 : index
    tpu.barrier barrier_id(%barrier3A)
    %add3A_5 = arith.constant 0 : i32
    %add3A_6 = arith.addi %mul3A_2, %add3A_5 : i32
    %dma_start3A = arith.constant 0 : i32
    %dma_start3A_7 = tpu.memref_slice %arg2[%add3A_6, %dma_start3A] : memref<320000x128xf32, #tpu.memory_space<hbm>> -> memref<80x128xf32, #tpu.memory_space<hbm>>
    %dma_start3A_8 = arith.constant 0 : i32
    %dma_start3A_9 = tpu.memref_slice %arg2[%add3A_6, %dma_start3A_8] : memref<320000x128xf32, #tpu.memory_space<hbm>> -> memref<80x128xf32, #tpu.memory_space<hbm>>
    tpu.enqueue_dma source(%dma_start3A_9 : memref<80x128xf32, #tpu.memory_space<hbm>>) target(%arg8 : memref<80x128xf32, #tpu.memory_space<vmem>>) target_semaphore(%arg10 : memref<!tpu.dma_semaphore, #tpu.memory_space<semaphore_mem>>)
    %scan3A = arith.constant 0 : i32
    %scan3A_10 = arith.constant 0 : i32
    %scan3A_11 = arith.constant 63 : i32
    %scan3A_12 = arith.addi %scan3A_10, %scan3A_11 : i32
    %scan3A_13 = arith.constant 1 : i32
    scf.for %scan3A_33 = %scan3A_10 to %scan3A_12 step %scan3A_13  : i32 {
      %mul3A_34 = arith.constant 2 : i32
      %mul3A_35 = arith.muli %scan3A_33, %mul3A_34 : i32
      %add3A_36 = arith.constant 1 : i32
      %add3A_37 = arith.addi %mul3A_35, %add3A_36 : i32
      %lt3A = arith.constant 125 : i32
      %lt3A_38 = arith.cmpi slt, %add3A_37, %lt3A : i32
      %convert_element_type3A = arith.extui %lt3A_38 : i1 to i32
      %cond3A = arith.constant 0 : i32
      %cond3A_39 = arith.cmpi ne, %convert_element_type3A, %cond3A : i32
      scf.if %cond3A_39 {
        %ge3A = arith.constant 1 : i32
        %ge3A_57 = arith.cmpi sge, %mul3A_35, %ge3A : i32
        %convert_element_type3A_58 = arith.extui %ge3A_57 : i1 to i32
        %cond3A_59 = arith.constant 0 : i32
        %cond3A_60 = arith.cmpi ne, %convert_element_type3A_58, %cond3A_59 : i32
        scf.if %cond3A_60 {
          %dma_wait3A_70 = arith.constant 0 : i32
          %dma_wait3A_71 = arith.constant 0 : i32
          %dma_wait3A_72 = tpu.memref_slice %arg7[%dma_wait3A_70, %dma_wait3A_71] : memref<125x80xi32, #tpu.memory_space<vmem>> -> memref<1x80xi32, #tpu.memory_space<vmem>>
          %dma_wait3A_73 = tpu.memref_squeeze %dma_wait3A_72 : memref<1x80xi32, #tpu.memory_space<vmem>> -> memref<80xi32, #tpu.memory_space<vmem>>
          %dma_wait3A_74 = arith.constant 0 : i32
          %dma_wait3A_75 = arith.constant 0 : i32
          %dma_wait3A_76 = tpu.memref_slice %arg6[%dma_wait3A_74, %dma_wait3A_75] : memref<10240x128xf32, #tpu.memory_space<vmem_shared>> -> memref<10240x128xf32, #tpu.memory_space<vmem_shared>>
          tpu.wait_indirect_dma semaphore(%arg13 : memref<!tpu.dma_semaphore, #tpu.memory_space<semaphore_mem>>) src(%arg9 : memref<80x128xf32, #tpu.memory_space<vmem>>) dst(%dma_wait3A_76 : memref<10240x128xf32, #tpu.memory_space<vmem_shared>>)
        } else {
        }
        %add3A_61 = arith.constant 1 : i32
        %add3A_62 = arith.addi %mul3A_35, %add3A_61 : i32
        %mul3A_63 = arith.constant 80 : i32
        %mul3A_64 = arith.muli %add3A_62, %mul3A_63 : i32
        %add3A_65 = arith.addi %mul3A_2, %mul3A_64 : i32
        %dma_start3A_66 = arith.constant 0 : i32
        %dma_start3A_67 = tpu.memref_slice %arg2[%add3A_65, %dma_start3A_66] : memref<320000x128xf32, #tpu.memory_space<hbm>> -> memref<80x128xf32, #tpu.memory_space<hbm>>
        %dma_start3A_68 = arith.constant 0 : i32
        %dma_start3A_69 = tpu.memref_slice %arg2[%add3A_65, %dma_start3A_68] : memref<320000x128xf32, #tpu.memory_space<hbm>> -> memref<80x128xf32, #tpu.memory_space<hbm>>
        tpu.enqueue_dma source(%dma_start3A_69 : memref<80x128xf32, #tpu.memory_space<hbm>>) target(%arg9 : memref<80x128xf32, #tpu.memory_space<vmem>>) target_semaphore(%arg11 : memref<!tpu.dma_semaphore, #tpu.memory_space<semaphore_mem>>)
      } else {
      }
      %dma_wait3A_40 = arith.constant 0 : i32
      %dma_wait3A_41 = tpu.memref_slice %arg2[%mul3A_2, %dma_wait3A_40] : memref<320000x128xf32, #tpu.memory_space<hbm>> -> memref<80x128xf32, #tpu.memory_space<hbm>>
      %dma_wait3A_42 = arith.constant 0 : i32
      %dma_wait3A_43 = tpu.memref_slice %arg2[%mul3A_2, %dma_wait3A_42] : memref<320000x128xf32, #tpu.memory_space<hbm>> -> memref<80x128xf32, #tpu.memory_space<hbm>>
      tpu.wait_dma2 semaphore(%arg10 : memref<!tpu.dma_semaphore, #tpu.memory_space<semaphore_mem>>) src(%dma_wait3A_43 : memref<80x128xf32, #tpu.memory_space<hbm>>) dst(%arg8 : memref<80x128xf32, #tpu.memory_space<vmem>>)
      %dma_start3A_44 = arith.constant 0 : i32
      %dma_start3A_45 = tpu.memref_slice %arg7[%mul3A_35, %dma_start3A_44] : memref<125x80xi32, #tpu.memory_space<vmem>> -> memref<1x80xi32, #tpu.memory_space<vmem>>
      %dma_start3A_46 = tpu.memref_squeeze %dma_start3A_45 : memref<1x80xi32, #tpu.memory_space<vmem>> -> memref<80xi32, #tpu.memory_space<vmem>>
      %dma_start3A_47 = arith.constant 0 : i32
      %dma_start3A_48 = arith.constant 0 : i32
      %dma_start3A_49 = tpu.memref_slice %arg6[%dma_start3A_47, %dma_start3A_48] : memref<10240x128xf32, #tpu.memory_space<vmem_shared>> -> memref<10240x128xf32, #tpu.memory_space<vmem_shared>>
      tpu.enqueue_indirect_dma source(%arg8 : memref<80x128xf32, #tpu.memory_space<vmem>>) target(%dma_start3A_49 : memref<10240x128xf32, #tpu.memory_space<vmem_shared>>) offsets(%dma_start3A_46 : memref<80xi32, #tpu.memory_space<vmem>>) semaphore(%arg12 : memref<!tpu.dma_semaphore, #tpu.memory_space<semaphore_mem>>) {add = true}
      %add3A_50 = arith.constant 1 : i32
      %add3A_51 = arith.addi %mul3A_35, %add3A_50 : i32
      %lt3A_52 = arith.constant 125 : i32
      %lt3A_53 = arith.cmpi slt, %add3A_51, %lt3A_52 : i32
      %convert_element_type3A_54 = arith.extui %lt3A_53 : i1 to i32
      %cond3A_55 = arith.constant 0 : i32
      %cond3A_56 = arith.cmpi ne, %convert_element_type3A_54, %cond3A_55 : i32
      scf.if %cond3A_56 {
        %add3A_57 = arith.constant 1 : i32
        %add3A_58 = arith.addi %mul3A_35, %add3A_57 : i32
        %add3A_59 = arith.constant 1 : i32
        %add3A_60 = arith.addi %add3A_58, %add3A_59 : i32
        %lt3A_61 = arith.constant 125 : i32
        %lt3A_62 = arith.cmpi slt, %add3A_60, %lt3A_61 : i32
        %convert_element_type3A_63 = arith.extui %lt3A_62 : i1 to i32
        %cond3A_64 = arith.constant 0 : i32
        %cond3A_65 = arith.cmpi ne, %convert_element_type3A_63, %cond3A_64 : i32
        scf.if %cond3A_65 {
          %ge3A = arith.constant 1 : i32
          %ge3A_76 = arith.cmpi sge, %add3A_58, %ge3A : i32
          %convert_element_type3A_77 = arith.extui %ge3A_76 : i1 to i32
          %cond3A_78 = arith.constant 0 : i32
          %cond3A_79 = arith.cmpi ne, %convert_element_type3A_77, %cond3A_78 : i32
          scf.if %cond3A_79 {
            %dma_wait3A_89 = arith.constant 0 : i32
            %dma_wait3A_90 = arith.constant 0 : i32
            %dma_wait3A_91 = tpu.memref_slice %arg7[%dma_wait3A_89, %dma_wait3A_90] : memref<125x80xi32, #tpu.memory_space<vmem>> -> memref<1x80xi32, #tpu.memory_space<vmem>>
            %dma_wait3A_92 = tpu.memref_squeeze %dma_wait3A_91 : memref<1x80xi32, #tpu.memory_space<vmem>> -> memref<80xi32, #tpu.memory_space<vmem>>
            %dma_wait3A_93 = arith.constant 0 : i32
            %dma_wait3A_94 = arith.constant 0 : i32
            %dma_wait3A_95 = tpu.memref_slice %arg6[%dma_wait3A_93, %dma_wait3A_94] : memref<10240x128xf32, #tpu.memory_space<vmem_shared>> -> memref<10240x128xf32, #tpu.memory_space<vmem_shared>>
            tpu.wait_indirect_dma semaphore(%arg12 : memref<!tpu.dma_semaphore, #tpu.memory_space<semaphore_mem>>) src(%arg8 : memref<80x128xf32, #tpu.memory_space<vmem>>) dst(%dma_wait3A_95 : memref<10240x128xf32, #tpu.memory_space<vmem_shared>>)
          } else {
          }
          %add3A_80 = arith.constant 1 : i32
          %add3A_81 = arith.addi %add3A_58, %add3A_80 : i32
          %mul3A_82 = arith.constant 80 : i32
          %mul3A_83 = arith.muli %add3A_81, %mul3A_82 : i32
          %add3A_84 = arith.addi %mul3A_2, %mul3A_83 : i32
          %dma_start3A_85 = arith.constant 0 : i32
          %dma_start3A_86 = tpu.memref_slice %arg2[%add3A_84, %dma_start3A_85] : memref<320000x128xf32, #tpu.memory_space<hbm>> -> memref<80x128xf32, #tpu.memory_space<hbm>>
          %dma_start3A_87 = arith.constant 0 : i32
          %dma_start3A_88 = tpu.memref_slice %arg2[%add3A_84, %dma_start3A_87] : memref<320000x128xf32, #tpu.memory_space<hbm>> -> memref<80x128xf32, #tpu.memory_space<hbm>>
          tpu.enqueue_dma source(%dma_start3A_88 : memref<80x128xf32, #tpu.memory_space<hbm>>) target(%arg8 : memref<80x128xf32, #tpu.memory_space<vmem>>) target_semaphore(%arg10 : memref<!tpu.dma_semaphore, #tpu.memory_space<semaphore_mem>>)
        } else {
        }
        %dma_wait3A_66 = arith.constant 0 : i32
        %dma_wait3A_67 = tpu.memref_slice %arg2[%mul3A_2, %dma_wait3A_66] : memref<320000x128xf32, #tpu.memory_space<hbm>> -> memref<80x128xf32, #tpu.memory_space<hbm>>
        %dma_wait3A_68 = arith.constant 0 : i32
        %dma_wait3A_69 = tpu.memref_slice %arg2[%mul3A_2, %dma_wait3A_68] : memref<320000x128xf32, #tpu.memory_space<hbm>> -> memref<80x128xf32, #tpu.memory_space<hbm>>
        tpu.wait_dma2 semaphore(%arg11 : memref<!tpu.dma_semaphore, #tpu.memory_space<semaphore_mem>>) src(%dma_wait3A_69 : memref<80x128xf32, #tpu.memory_space<hbm>>) dst(%arg9 : memref<80x128xf32, #tpu.memory_space<vmem>>)
        %dma_start3A_70 = arith.constant 0 : i32
        %dma_start3A_71 = tpu.memref_slice %arg7[%add3A_58, %dma_start3A_70] : memref<125x80xi32, #tpu.memory_space<vmem>> -> memref<1x80xi32, #tpu.memory_space<vmem>>
        %dma_start3A_72 = tpu.memref_squeeze %dma_start3A_71 : memref<1x80xi32, #tpu.memory_space<vmem>> -> memref<80xi32, #tpu.memory_space<vmem>>
        %dma_start3A_73 = arith.constant 0 : i32
        %dma_start3A_74 = arith.constant 0 : i32
        %dma_start3A_75 = tpu.memref_slice %arg6[%dma_start3A_73, %dma_start3A_74] : memref<10240x128xf32, #tpu.memory_space<vmem_shared>> -> memref<10240x128xf32, #tpu.memory_space<vmem_shared>>
        tpu.enqueue_indirect_dma source(%arg9 : memref<80x128xf32, #tpu.memory_space<vmem>>) target(%dma_start3A_75 : memref<10240x128xf32, #tpu.memory_space<vmem_shared>>) offsets(%dma_start3A_72 : memref<80xi32, #tpu.memory_space<vmem>>) semaphore(%arg13 : memref<!tpu.dma_semaphore, #tpu.memory_space<semaphore_mem>>) {add = true}
      } else {
      }
    }
    %scan3A_14 = arith.constant 63 : i32
    %dma_wait3A = arith.constant 0 : i32
    %dma_wait3A_15 = arith.constant 0 : i32
    %dma_wait3A_16 = tpu.memref_slice %arg7[%dma_wait3A, %dma_wait3A_15] : memref<125x80xi32, #tpu.memory_space<vmem>> -> memref<1x80xi32, #tpu.memory_space<vmem>>
    %dma_wait3A_17 = tpu.memref_squeeze %dma_wait3A_16 : memref<1x80xi32, #tpu.memory_space<vmem>> -> memref<80xi32, #tpu.memory_space<vmem>>
    %dma_wait3A_18 = arith.constant 0 : i32
    %dma_wait3A_19 = arith.constant 0 : i32
    %dma_wait3A_20 = tpu.memref_slice %arg6[%dma_wait3A_18, %dma_wait3A_19] : memref<10240x128xf32, #tpu.memory_space<vmem_shared>> -> memref<10240x128xf32, #tpu.memory_space<vmem_shared>>
    tpu.wait_indirect_dma semaphore(%arg12 : memref<!tpu.dma_semaphore, #tpu.memory_space<semaphore_mem>>) src(%arg8 : memref<80x128xf32, #tpu.memory_space<vmem>>) dst(%dma_wait3A_20 : memref<10240x128xf32, #tpu.memory_space<vmem_shared>>)
    %dma_wait3A_21 = arith.constant 0 : i32
    %dma_wait3A_22 = arith.constant 0 : i32
    %dma_wait3A_23 = tpu.memref_slice %arg7[%dma_wait3A_21, %dma_wait3A_22] : memref<125x80xi32, #tpu.memory_space<vmem>> -> memref<1x80xi32, #tpu.memory_space<vmem>>
    %dma_wait3A_24 = tpu.memref_squeeze %dma_wait3A_23 : memref<1x80xi32, #tpu.memory_space<vmem>> -> memref<80xi32, #tpu.memory_space<vmem>>
    %dma_wait3A_25 = arith.constant 0 : i32
    %dma_wait3A_26 = arith.constant 0 : i32
    %dma_wait3A_27 = tpu.memref_slice %arg6[%dma_wait3A_25, %dma_wait3A_26] : memref<10240x128xf32, #tpu.memory_space<vmem_shared>> -> memref<10240x128xf32, #tpu.memory_space<vmem_shared>>
    tpu.wait_indirect_dma semaphore(%arg13 : memref<!tpu.dma_semaphore, #tpu.memory_space<semaphore_mem>>) src(%arg9 : memref<80x128xf32, #tpu.memory_space<vmem>>) dst(%dma_wait3A_27 : memref<10240x128xf32, #tpu.memory_space<vmem_shared>>)
    %barrier3A_28 = arith.constant 0 : index
    tpu.barrier barrier_id(%barrier3A_28)
    %mul3A_29 = arith.constant 640 : i32
    %mul3A_30 = arith.muli %arg1, %mul3A_29 : i32
    %mul3A_31 = arith.constant 640 : i32
    %mul3A_32 = arith.muli %arg1, %mul3A_31 : i32
    "tpu.region"() ({
      %run_scoped3A = tpu.sem_alloc : memref<!tpu.dma_semaphore, #tpu.memory_space<semaphore_mem>>
      %dma_start3A_33 = arith.constant 0 : i32
      %dma_start3A_34 = tpu.memref_slice %arg5[%arg0, %mul3A_32, %dma_start3A_33] : memref<2x10240x128xf32, #tpu.memory_space<hbm>> -> memref<1x640x128xf32, #tpu.memory_space<hbm>>
      %dma_start3A_35 = tpu.memref_squeeze %dma_start3A_34 : memref<1x640x128xf32, #tpu.memory_space<hbm>> -> memref<640x128xf32, #tpu.memory_space<hbm>>
      %dma_start3A_36 = arith.constant 0 : i32
      %dma_start3A_37 = tpu.memref_slice %arg6[%mul3A_30, %dma_start3A_36] : memref<10240x128xf32, #tpu.memory_space<vmem_shared>> -> memref<640x128xf32, #tpu.memory_space<vmem_shared>>
      tpu.enqueue_dma source(%dma_start3A_37 : memref<640x128xf32, #tpu.memory_space<vmem_shared>>) target(%dma_start3A_35 : memref<640x128xf32, #tpu.memory_space<hbm>>) target_semaphore(%run_scoped3A : memref<!tpu.dma_semaphore, #tpu.memory_space<semaphore_mem>>)
      %dma_wait3A_38 = arith.constant 0 : i32
      %dma_wait3A_39 = tpu.memref_slice %arg5[%arg0, %mul3A_32, %dma_wait3A_38] : memref<2x10240x128xf32, #tpu.memory_space<hbm>> -> memref<1x640x128xf32, #tpu.memory_space<hbm>>
      %dma_wait3A_40 = tpu.memref_squeeze %dma_wait3A_39 : memref<1x640x128xf32, #tpu.memory_space<hbm>> -> memref<640x128xf32, #tpu.memory_space<hbm>>
      %dma_wait3A_41 = arith.constant 0 : i32
      %dma_wait3A_42 = tpu.memref_slice %arg6[%mul3A_30, %dma_wait3A_41] : memref<10240x128xf32, #tpu.memory_space<vmem_shared>> -> memref<640x128xf32, #tpu.memory_space<vmem_shared>>
      tpu.wait_dma2 semaphore(%run_scoped3A : memref<!tpu.dma_semaphore, #tpu.memory_space<semaphore_mem>>) src(%dma_wait3A_42 : memref<640x128xf32, #tpu.memory_space<vmem_shared>>) dst(%dma_wait3A_40 : memref<640x128xf32, #tpu.memory_space<hbm>>)
      tpu.yield
    }) : () -> ()
    return
  }
}

#map = affine_map<(d0, d1) -> (0, 0)>
#map1 = affine_map<(d0, d1) -> (0, 0, 0)>
module attributes {stable_mosaic.version = 14 : i64} {
  func.func @_sc_gather_body(%arg0: i32, %arg1: i32, %arg2: memref<10000x128xf32, #tpu.memory_space<hbm>>, %arg3: memref<32x125x80xi32, #tpu.memory_space<hbm>>, %arg4: memref<32x125x80xi32, #tpu.memory_space<hbm>>, %arg5: memref<320000x128xf32, #tpu.memory_space<hbm>>, %arg6: memref<320000x128xf32, #tpu.memory_space<hbm>>, %arg7: memref<125x80xi32, #tpu.memory_space<vmem>>, %arg8: memref<125x80xi32, #tpu.memory_space<vmem>>, %arg9: memref<80x128xf32, #tpu.memory_space<vmem>>, %arg10: memref<80x128xf32, #tpu.memory_space<vmem>>, %arg11: memref<80x128xf32, #tpu.memory_space<vmem>>, %arg12: memref<80x128xf32, #tpu.memory_space<vmem>>, %arg13: memref<!tpu.dma_semaphore, #tpu.memory_space<semaphore_mem>>, %arg14: memref<!tpu.dma_semaphore, #tpu.memory_space<semaphore_mem>>, %arg15: memref<!tpu.dma_semaphore, #tpu.memory_space<semaphore_mem>>, %arg16: memref<!tpu.dma_semaphore, #tpu.memory_space<semaphore_mem>>, %arg17: memref<!tpu.dma_semaphore, #tpu.memory_space<semaphore_mem>>, %arg18: memref<!tpu.dma_semaphore, #tpu.memory_space<semaphore_mem>>, %arg19: memref<!tpu.dma_semaphore, #tpu.memory_space<semaphore_mem>>, %arg20: memref<!tpu.dma_semaphore, #tpu.memory_space<semaphore_mem>>) attributes {dimension_semantics = [#tpu.dimension_semantics<core_parallel>, #tpu.dimension_semantics<subcore_parallel>], iteration_bounds = array<i64: 2, 16>, scalar_prefetch = 0 : i64, scratch_operands = 14 : i64, tpu.core_type = #tpu.core_type<sc_vector_subcore>, window_params = [{transform_indices = #map}, {transform_indices = #map1}, {transform_indices = #map1}, {transform_indices = #map}, {transform_indices = #map}]} {
    %mul3A = arith.constant 2 : i32
    %mul3A_0 = arith.muli %arg1, %mul3A : i32
    %add3A = arith.addi %mul3A_0, %arg0 : i32
    %mul3A_1 = arith.constant 10000 : i32
    %mul3A_2 = arith.muli %add3A, %mul3A_1 : i32
    "tpu.region"() ({
      %run_scoped3A = tpu.sem_alloc : memref<!tpu.dma_semaphore, #tpu.memory_space<semaphore_mem>>
      %dma_start3A_36 = arith.constant 0 : i32
      %dma_start3A_37 = arith.constant 0 : i32
      %dma_start3A_38 = tpu.memref_slice %arg3[%add3A, %dma_start3A_36, %dma_start3A_37] : memref<32x125x80xi32, #tpu.memory_space<hbm>> -> memref<1x125x80xi32, #tpu.memory_space<hbm>>
      %dma_start3A_39 = tpu.memref_squeeze %dma_start3A_38 : memref<1x125x80xi32, #tpu.memory_space<hbm>> -> memref<125x80xi32, #tpu.memory_space<hbm>>
      %dma_start3A_40 = arith.constant 0 : i32
      %dma_start3A_41 = arith.constant 0 : i32
      %dma_start3A_42 = tpu.memref_slice %arg3[%add3A, %dma_start3A_40, %dma_start3A_41] : memref<32x125x80xi32, #tpu.memory_space<hbm>> -> memref<1x125x80xi32, #tpu.memory_space<hbm>>
      %dma_start3A_43 = tpu.memref_squeeze %dma_start3A_42 : memref<1x125x80xi32, #tpu.memory_space<hbm>> -> memref<125x80xi32, #tpu.memory_space<hbm>>
      tpu.enqueue_dma source(%dma_start3A_43 : memref<125x80xi32, #tpu.memory_space<hbm>>) target(%arg7 : memref<125x80xi32, #tpu.memory_space<vmem>>) target_semaphore(%run_scoped3A : memref<!tpu.dma_semaphore, #tpu.memory_space<semaphore_mem>>)
      %dma_wait3A_44 = arith.constant 0 : i32
      %dma_wait3A_45 = arith.constant 0 : i32
      %dma_wait3A_46 = tpu.memref_slice %arg3[%add3A, %dma_wait3A_44, %dma_wait3A_45] : memref<32x125x80xi32, #tpu.memory_space<hbm>> -> memref<1x125x80xi32, #tpu.memory_space<hbm>>
      %dma_wait3A_47 = tpu.memref_squeeze %dma_wait3A_46 : memref<1x125x80xi32, #tpu.memory_space<hbm>> -> memref<125x80xi32, #tpu.memory_space<hbm>>
      %dma_wait3A_48 = arith.constant 0 : i32
      %dma_wait3A_49 = arith.constant 0 : i32
      %dma_wait3A_50 = tpu.memref_slice %arg3[%add3A, %dma_wait3A_48, %dma_wait3A_49] : memref<32x125x80xi32, #tpu.memory_space<hbm>> -> memref<1x125x80xi32, #tpu.memory_space<hbm>>
      %dma_wait3A_51 = tpu.memref_squeeze %dma_wait3A_50 : memref<1x125x80xi32, #tpu.memory_space<hbm>> -> memref<125x80xi32, #tpu.memory_space<hbm>>
      tpu.wait_dma2 semaphore(%run_scoped3A : memref<!tpu.dma_semaphore, #tpu.memory_space<semaphore_mem>>) src(%dma_wait3A_51 : memref<125x80xi32, #tpu.memory_space<hbm>>) dst(%arg7 : memref<125x80xi32, #tpu.memory_space<vmem>>)
      tpu.yield
    }) : () -> ()
    "tpu.region"() ({
      %run_scoped3A = tpu.sem_alloc : memref<!tpu.dma_semaphore, #tpu.memory_space<semaphore_mem>>
      %dma_start3A_36 = arith.constant 0 : i32
      %dma_start3A_37 = arith.constant 0 : i32
      %dma_start3A_38 = tpu.memref_slice %arg4[%add3A, %dma_start3A_36, %dma_start3A_37] : memref<32x125x80xi32, #tpu.memory_space<hbm>> -> memref<1x125x80xi32, #tpu.memory_space<hbm>>
      %dma_start3A_39 = tpu.memref_squeeze %dma_start3A_38 : memref<1x125x80xi32, #tpu.memory_space<hbm>> -> memref<125x80xi32, #tpu.memory_space<hbm>>
      %dma_start3A_40 = arith.constant 0 : i32
      %dma_start3A_41 = arith.constant 0 : i32
      %dma_start3A_42 = tpu.memref_slice %arg4[%add3A, %dma_start3A_40, %dma_start3A_41] : memref<32x125x80xi32, #tpu.memory_space<hbm>> -> memref<1x125x80xi32, #tpu.memory_space<hbm>>
      %dma_start3A_43 = tpu.memref_squeeze %dma_start3A_42 : memref<1x125x80xi32, #tpu.memory_space<hbm>> -> memref<125x80xi32, #tpu.memory_space<hbm>>
      tpu.enqueue_dma source(%dma_start3A_43 : memref<125x80xi32, #tpu.memory_space<hbm>>) target(%arg8 : memref<125x80xi32, #tpu.memory_space<vmem>>) target_semaphore(%run_scoped3A : memref<!tpu.dma_semaphore, #tpu.memory_space<semaphore_mem>>)
      %dma_wait3A_44 = arith.constant 0 : i32
      %dma_wait3A_45 = arith.constant 0 : i32
      %dma_wait3A_46 = tpu.memref_slice %arg4[%add3A, %dma_wait3A_44, %dma_wait3A_45] : memref<32x125x80xi32, #tpu.memory_space<hbm>> -> memref<1x125x80xi32, #tpu.memory_space<hbm>>
      %dma_wait3A_47 = tpu.memref_squeeze %dma_wait3A_46 : memref<1x125x80xi32, #tpu.memory_space<hbm>> -> memref<125x80xi32, #tpu.memory_space<hbm>>
      %dma_wait3A_48 = arith.constant 0 : i32
      %dma_wait3A_49 = arith.constant 0 : i32
      %dma_wait3A_50 = tpu.memref_slice %arg4[%add3A, %dma_wait3A_48, %dma_wait3A_49] : memref<32x125x80xi32, #tpu.memory_space<hbm>> -> memref<1x125x80xi32, #tpu.memory_space<hbm>>
      %dma_wait3A_51 = tpu.memref_squeeze %dma_wait3A_50 : memref<1x125x80xi32, #tpu.memory_space<hbm>> -> memref<125x80xi32, #tpu.memory_space<hbm>>
      tpu.wait_dma2 semaphore(%run_scoped3A : memref<!tpu.dma_semaphore, #tpu.memory_space<semaphore_mem>>) src(%dma_wait3A_51 : memref<125x80xi32, #tpu.memory_space<hbm>>) dst(%arg8 : memref<125x80xi32, #tpu.memory_space<vmem>>)
      tpu.yield
    }) : () -> ()
    %dma_start3A = arith.constant 0 : i32
    %dma_start3A_3 = arith.constant 0 : i32
    %dma_start3A_4 = tpu.memref_slice %arg7[%dma_start3A, %dma_start3A_3] : memref<125x80xi32, #tpu.memory_space<vmem>> -> memref<1x80xi32, #tpu.memory_space<vmem>>
    %dma_start3A_5 = tpu.memref_squeeze %dma_start3A_4 : memref<1x80xi32, #tpu.memory_space<vmem>> -> memref<80xi32, #tpu.memory_space<vmem>>
    %dma_start3A_6 = arith.constant 0 : i32
    %dma_start3A_7 = arith.constant 0 : i32
    %dma_start3A_8 = tpu.memref_slice %arg2[%dma_start3A_6, %dma_start3A_7] : memref<10000x128xf32, #tpu.memory_space<hbm>> -> memref<10000x128xf32, #tpu.memory_space<hbm>>
    tpu.enqueue_indirect_dma source(%dma_start3A_8 : memref<10000x128xf32, #tpu.memory_space<hbm>>) target(%arg9 : memref<80x128xf32, #tpu.memory_space<vmem>>) offsets(%dma_start3A_5 : memref<80xi32, #tpu.memory_space<vmem>>) semaphore(%arg13 : memref<!tpu.dma_semaphore, #tpu.memory_space<semaphore_mem>>)
    %dma_start3A_9 = arith.constant 0 : i32
    %dma_start3A_10 = arith.constant 0 : i32
    %dma_start3A_11 = tpu.memref_slice %arg8[%dma_start3A_9, %dma_start3A_10] : memref<125x80xi32, #tpu.memory_space<vmem>> -> memref<1x80xi32, #tpu.memory_space<vmem>>
    %dma_start3A_12 = tpu.memref_squeeze %dma_start3A_11 : memref<1x80xi32, #tpu.memory_space<vmem>> -> memref<80xi32, #tpu.memory_space<vmem>>
    %dma_start3A_13 = arith.constant 0 : i32
    %dma_start3A_14 = arith.constant 0 : i32
    %dma_start3A_15 = tpu.memref_slice %arg2[%dma_start3A_13, %dma_start3A_14] : memref<10000x128xf32, #tpu.memory_space<hbm>> -> memref<10000x128xf32, #tpu.memory_space<hbm>>
    tpu.enqueue_indirect_dma source(%dma_start3A_15 : memref<10000x128xf32, #tpu.memory_space<hbm>>) target(%arg11 : memref<80x128xf32, #tpu.memory_space<vmem>>) offsets(%dma_start3A_12 : memref<80xi32, #tpu.memory_space<vmem>>) semaphore(%arg15 : memref<!tpu.dma_semaphore, #tpu.memory_space<semaphore_mem>>)
    %scan3A = arith.constant 0 : i32
    %scan3A_16 = arith.constant 0 : i32
    %scan3A_17 = arith.constant 63 : i32
    %scan3A_18 = arith.addi %scan3A_16, %scan3A_17 : i32
    %scan3A_19 = arith.constant 1 : i32
    scf.for %scan3A_36 = %scan3A_16 to %scan3A_18 step %scan3A_19  : i32 {
      %mul3A_37 = arith.constant 2 : i32
      %mul3A_38 = arith.muli %scan3A_36, %mul3A_37 : i32
      %add3A_39 = arith.constant 1 : i32
      %add3A_40 = arith.addi %mul3A_38, %add3A_39 : i32
      %lt3A = arith.constant 125 : i32
      %lt3A_41 = arith.cmpi slt, %add3A_40, %lt3A : i32
      %convert_element_type3A = arith.extui %lt3A_41 : i1 to i32
      %cond3A = arith.constant 0 : i32
      %cond3A_42 = arith.cmpi ne, %convert_element_type3A, %cond3A : i32
      scf.if %cond3A_42 {
        %ge3A = arith.constant 1 : i32
        %ge3A_73 = arith.cmpi sge, %mul3A_38, %ge3A : i32
        %convert_element_type3A_74 = arith.extui %ge3A_73 : i1 to i32
        %cond3A_75 = arith.constant 0 : i32
        %cond3A_76 = arith.cmpi ne, %convert_element_type3A_74, %cond3A_75 : i32
        scf.if %cond3A_76 {
          %dma_wait3A_91 = arith.constant 0 : i32
          %dma_wait3A_92 = tpu.memref_slice %arg5[%mul3A_2, %dma_wait3A_91] : memref<320000x128xf32, #tpu.memory_space<hbm>> -> memref<80x128xf32, #tpu.memory_space<hbm>>
          %dma_wait3A_93 = arith.constant 0 : i32
          %dma_wait3A_94 = tpu.memref_slice %arg5[%mul3A_2, %dma_wait3A_93] : memref<320000x128xf32, #tpu.memory_space<hbm>> -> memref<80x128xf32, #tpu.memory_space<hbm>>
          tpu.wait_dma2 semaphore(%arg18 : memref<!tpu.dma_semaphore, #tpu.memory_space<semaphore_mem>>) src(%arg10 : memref<80x128xf32, #tpu.memory_space<vmem>>) dst(%dma_wait3A_94 : memref<80x128xf32, #tpu.memory_space<hbm>>)
          %dma_wait3A_95 = arith.constant 0 : i32
          %dma_wait3A_96 = tpu.memref_slice %arg6[%mul3A_2, %dma_wait3A_95] : memref<320000x128xf32, #tpu.memory_space<hbm>> -> memref<80x128xf32, #tpu.memory_space<hbm>>
          %dma_wait3A_97 = arith.constant 0 : i32
          %dma_wait3A_98 = tpu.memref_slice %arg6[%mul3A_2, %dma_wait3A_97] : memref<320000x128xf32, #tpu.memory_space<hbm>> -> memref<80x128xf32, #tpu.memory_space<hbm>>
          tpu.wait_dma2 semaphore(%arg20 : memref<!tpu.dma_semaphore, #tpu.memory_space<semaphore_mem>>) src(%arg12 : memref<80x128xf32, #tpu.memory_space<vmem>>) dst(%dma_wait3A_98 : memref<80x128xf32, #tpu.memory_space<hbm>>)
        } else {
        }
        %add3A_77 = arith.constant 1 : i32
        %add3A_78 = arith.addi %mul3A_38, %add3A_77 : i32
        %dma_start3A_79 = arith.constant 0 : i32
        %dma_start3A_80 = tpu.memref_slice %arg7[%add3A_78, %dma_start3A_79] : memref<125x80xi32, #tpu.memory_space<vmem>> -> memref<1x80xi32, #tpu.memory_space<vmem>>
        %dma_start3A_81 = tpu.memref_squeeze %dma_start3A_80 : memref<1x80xi32, #tpu.memory_space<vmem>> -> memref<80xi32, #tpu.memory_space<vmem>>
        %dma_start3A_82 = arith.constant 0 : i32
        %dma_start3A_83 = arith.constant 0 : i32
        %dma_start3A_84 = tpu.memref_slice %arg2[%dma_start3A_82, %dma_start3A_83] : memref<10000x128xf32, #tpu.memory_space<hbm>> -> memref<10000x128xf32, #tpu.memory_space<hbm>>
        tpu.enqueue_indirect_dma source(%dma_start3A_84 : memref<10000x128xf32, #tpu.memory_space<hbm>>) target(%arg10 : memref<80x128xf32, #tpu.memory_space<vmem>>) offsets(%dma_start3A_81 : memref<80xi32, #tpu.memory_space<vmem>>) semaphore(%arg14 : memref<!tpu.dma_semaphore, #tpu.memory_space<semaphore_mem>>)
        %dma_start3A_85 = arith.constant 0 : i32
        %dma_start3A_86 = tpu.memref_slice %arg8[%add3A_78, %dma_start3A_85] : memref<125x80xi32, #tpu.memory_space<vmem>> -> memref<1x80xi32, #tpu.memory_space<vmem>>
        %dma_start3A_87 = tpu.memref_squeeze %dma_start3A_86 : memref<1x80xi32, #tpu.memory_space<vmem>> -> memref<80xi32, #tpu.memory_space<vmem>>
        %dma_start3A_88 = arith.constant 0 : i32
        %dma_start3A_89 = arith.constant 0 : i32
        %dma_start3A_90 = tpu.memref_slice %arg2[%dma_start3A_88, %dma_start3A_89] : memref<10000x128xf32, #tpu.memory_space<hbm>> -> memref<10000x128xf32, #tpu.memory_space<hbm>>
        tpu.enqueue_indirect_dma source(%dma_start3A_90 : memref<10000x128xf32, #tpu.memory_space<hbm>>) target(%arg12 : memref<80x128xf32, #tpu.memory_space<vmem>>) offsets(%dma_start3A_87 : memref<80xi32, #tpu.memory_space<vmem>>) semaphore(%arg16 : memref<!tpu.dma_semaphore, #tpu.memory_space<semaphore_mem>>)
      } else {
      }
      %dma_wait3A_43 = arith.constant 0 : i32
      %dma_wait3A_44 = tpu.memref_slice %arg7[%mul3A_38, %dma_wait3A_43] : memref<125x80xi32, #tpu.memory_space<vmem>> -> memref<1x80xi32, #tpu.memory_space<vmem>>
      %dma_wait3A_45 = tpu.memref_squeeze %dma_wait3A_44 : memref<1x80xi32, #tpu.memory_space<vmem>> -> memref<80xi32, #tpu.memory_space<vmem>>
      %dma_wait3A_46 = arith.constant 0 : i32
      %dma_wait3A_47 = arith.constant 0 : i32
      %dma_wait3A_48 = tpu.memref_slice %arg2[%dma_wait3A_46, %dma_wait3A_47] : memref<10000x128xf32, #tpu.memory_space<hbm>> -> memref<10000x128xf32, #tpu.memory_space<hbm>>
      tpu.wait_indirect_dma semaphore(%arg13 : memref<!tpu.dma_semaphore, #tpu.memory_space<semaphore_mem>>) src(%dma_wait3A_48 : memref<10000x128xf32, #tpu.memory_space<hbm>>) dst(%arg9 : memref<80x128xf32, #tpu.memory_space<vmem>>)
      %dma_wait3A_49 = arith.constant 0 : i32
      %dma_wait3A_50 = tpu.memref_slice %arg8[%mul3A_38, %dma_wait3A_49] : memref<125x80xi32, #tpu.memory_space<vmem>> -> memref<1x80xi32, #tpu.memory_space<vmem>>
      %dma_wait3A_51 = tpu.memref_squeeze %dma_wait3A_50 : memref<1x80xi32, #tpu.memory_space<vmem>> -> memref<80xi32, #tpu.memory_space<vmem>>
      %dma_wait3A_52 = arith.constant 0 : i32
      %dma_wait3A_53 = arith.constant 0 : i32
      %dma_wait3A_54 = tpu.memref_slice %arg2[%dma_wait3A_52, %dma_wait3A_53] : memref<10000x128xf32, #tpu.memory_space<hbm>> -> memref<10000x128xf32, #tpu.memory_space<hbm>>
      tpu.wait_indirect_dma semaphore(%arg15 : memref<!tpu.dma_semaphore, #tpu.memory_space<semaphore_mem>>) src(%dma_wait3A_54 : memref<10000x128xf32, #tpu.memory_space<hbm>>) dst(%arg11 : memref<80x128xf32, #tpu.memory_space<vmem>>)
      %mul3A_55 = arith.constant 80 : i32
      %mul3A_56 = arith.muli %mul3A_38, %mul3A_55 : i32
      %add3A_57 = arith.addi %mul3A_2, %mul3A_56 : i32
      %dma_start3A_58 = arith.constant 0 : i32
      %dma_start3A_59 = tpu.memref_slice %arg5[%add3A_57, %dma_start3A_58] : memref<320000x128xf32, #tpu.memory_space<hbm>> -> memref<80x128xf32, #tpu.memory_space<hbm>>
      %dma_start3A_60 = arith.constant 0 : i32
      %dma_start3A_61 = tpu.memref_slice %arg5[%add3A_57, %dma_start3A_60] : memref<320000x128xf32, #tpu.memory_space<hbm>> -> memref<80x128xf32, #tpu.memory_space<hbm>>
      tpu.enqueue_dma source(%arg9 : memref<80x128xf32, #tpu.memory_space<vmem>>) target(%dma_start3A_61 : memref<80x128xf32, #tpu.memory_space<hbm>>) target_semaphore(%arg17 : memref<!tpu.dma_semaphore, #tpu.memory_space<semaphore_mem>>)
      %dma_start3A_62 = arith.constant 0 : i32
      %dma_start3A_63 = tpu.memref_slice %arg6[%add3A_57, %dma_start3A_62] : memref<320000x128xf32, #tpu.memory_space<hbm>> -> memref<80x128xf32, #tpu.memory_space<hbm>>
      %dma_start3A_64 = arith.constant 0 : i32
      %dma_start3A_65 = tpu.memref_slice %arg6[%add3A_57, %dma_start3A_64] : memref<320000x128xf32, #tpu.memory_space<hbm>> -> memref<80x128xf32, #tpu.memory_space<hbm>>
      tpu.enqueue_dma source(%arg11 : memref<80x128xf32, #tpu.memory_space<vmem>>) target(%dma_start3A_65 : memref<80x128xf32, #tpu.memory_space<hbm>>) target_semaphore(%arg19 : memref<!tpu.dma_semaphore, #tpu.memory_space<semaphore_mem>>)
      %add3A_66 = arith.constant 1 : i32
      %add3A_67 = arith.addi %mul3A_38, %add3A_66 : i32
      %lt3A_68 = arith.constant 125 : i32
      %lt3A_69 = arith.cmpi slt, %add3A_67, %lt3A_68 : i32
      %convert_element_type3A_70 = arith.extui %lt3A_69 : i1 to i32
      %cond3A_71 = arith.constant 0 : i32
      %cond3A_72 = arith.cmpi ne, %convert_element_type3A_70, %cond3A_71 : i32
      scf.if %cond3A_72 {
        %add3A_73 = arith.constant 1 : i32
        %add3A_74 = arith.addi %mul3A_38, %add3A_73 : i32
        %add3A_75 = arith.constant 1 : i32
        %add3A_76 = arith.addi %add3A_74, %add3A_75 : i32
        %lt3A_77 = arith.constant 125 : i32
        %lt3A_78 = arith.cmpi slt, %add3A_76, %lt3A_77 : i32
        %convert_element_type3A_79 = arith.extui %lt3A_78 : i1 to i32
        %cond3A_80 = arith.constant 0 : i32
        %cond3A_81 = arith.cmpi ne, %convert_element_type3A_79, %cond3A_80 : i32
        scf.if %cond3A_81 {
          %ge3A = arith.constant 1 : i32
          %ge3A_105 = arith.cmpi sge, %add3A_74, %ge3A : i32
          %convert_element_type3A_106 = arith.extui %ge3A_105 : i1 to i32
          %cond3A_107 = arith.constant 0 : i32
          %cond3A_108 = arith.cmpi ne, %convert_element_type3A_106, %cond3A_107 : i32
          scf.if %cond3A_108 {
            %dma_wait3A_123 = arith.constant 0 : i32
            %dma_wait3A_124 = tpu.memref_slice %arg5[%mul3A_2, %dma_wait3A_123] : memref<320000x128xf32, #tpu.memory_space<hbm>> -> memref<80x128xf32, #tpu.memory_space<hbm>>
            %dma_wait3A_125 = arith.constant 0 : i32
            %dma_wait3A_126 = tpu.memref_slice %arg5[%mul3A_2, %dma_wait3A_125] : memref<320000x128xf32, #tpu.memory_space<hbm>> -> memref<80x128xf32, #tpu.memory_space<hbm>>
            tpu.wait_dma2 semaphore(%arg17 : memref<!tpu.dma_semaphore, #tpu.memory_space<semaphore_mem>>) src(%arg9 : memref<80x128xf32, #tpu.memory_space<vmem>>) dst(%dma_wait3A_126 : memref<80x128xf32, #tpu.memory_space<hbm>>)
            %dma_wait3A_127 = arith.constant 0 : i32
            %dma_wait3A_128 = tpu.memref_slice %arg6[%mul3A_2, %dma_wait3A_127] : memref<320000x128xf32, #tpu.memory_space<hbm>> -> memref<80x128xf32, #tpu.memory_space<hbm>>
            %dma_wait3A_129 = arith.constant 0 : i32
            %dma_wait3A_130 = tpu.memref_slice %arg6[%mul3A_2, %dma_wait3A_129] : memref<320000x128xf32, #tpu.memory_space<hbm>> -> memref<80x128xf32, #tpu.memory_space<hbm>>
            tpu.wait_dma2 semaphore(%arg19 : memref<!tpu.dma_semaphore, #tpu.memory_space<semaphore_mem>>) src(%arg11 : memref<80x128xf32, #tpu.memory_space<vmem>>) dst(%dma_wait3A_130 : memref<80x128xf32, #tpu.memory_space<hbm>>)
          } else {
          }
          %add3A_109 = arith.constant 1 : i32
          %add3A_110 = arith.addi %add3A_74, %add3A_109 : i32
          %dma_start3A_111 = arith.constant 0 : i32
          %dma_start3A_112 = tpu.memref_slice %arg7[%add3A_110, %dma_start3A_111] : memref<125x80xi32, #tpu.memory_space<vmem>> -> memref<1x80xi32, #tpu.memory_space<vmem>>
          %dma_start3A_113 = tpu.memref_squeeze %dma_start3A_112 : memref<1x80xi32, #tpu.memory_space<vmem>> -> memref<80xi32, #tpu.memory_space<vmem>>
          %dma_start3A_114 = arith.constant 0 : i32
          %dma_start3A_115 = arith.constant 0 : i32
          %dma_start3A_116 = tpu.memref_slice %arg2[%dma_start3A_114, %dma_start3A_115] : memref<10000x128xf32, #tpu.memory_space<hbm>> -> memref<10000x128xf32, #tpu.memory_space<hbm>>
          tpu.enqueue_indirect_dma source(%dma_start3A_116 : memref<10000x128xf32, #tpu.memory_space<hbm>>) target(%arg9 : memref<80x128xf32, #tpu.memory_space<vmem>>) offsets(%dma_start3A_113 : memref<80xi32, #tpu.memory_space<vmem>>) semaphore(%arg13 : memref<!tpu.dma_semaphore, #tpu.memory_space<semaphore_mem>>)
          %dma_start3A_117 = arith.constant 0 : i32
          %dma_start3A_118 = tpu.memref_slice %arg8[%add3A_110, %dma_start3A_117] : memref<125x80xi32, #tpu.memory_space<vmem>> -> memref<1x80xi32, #tpu.memory_space<vmem>>
          %dma_start3A_119 = tpu.memref_squeeze %dma_start3A_118 : memref<1x80xi32, #tpu.memory_space<vmem>> -> memref<80xi32, #tpu.memory_space<vmem>>
          %dma_start3A_120 = arith.constant 0 : i32
          %dma_start3A_121 = arith.constant 0 : i32
          %dma_start3A_122 = tpu.memref_slice %arg2[%dma_start3A_120, %dma_start3A_121] : memref<10000x128xf32, #tpu.memory_space<hbm>> -> memref<10000x128xf32, #tpu.memory_space<hbm>>
          tpu.enqueue_indirect_dma source(%dma_start3A_122 : memref<10000x128xf32, #tpu.memory_space<hbm>>) target(%arg11 : memref<80x128xf32, #tpu.memory_space<vmem>>) offsets(%dma_start3A_119 : memref<80xi32, #tpu.memory_space<vmem>>) semaphore(%arg15 : memref<!tpu.dma_semaphore, #tpu.memory_space<semaphore_mem>>)
        } else {
        }
        %dma_wait3A_82 = arith.constant 0 : i32
        %dma_wait3A_83 = tpu.memref_slice %arg7[%add3A_74, %dma_wait3A_82] : memref<125x80xi32, #tpu.memory_space<vmem>> -> memref<1x80xi32, #tpu.memory_space<vmem>>
        %dma_wait3A_84 = tpu.memref_squeeze %dma_wait3A_83 : memref<1x80xi32, #tpu.memory_space<vmem>> -> memref<80xi32, #tpu.memory_space<vmem>>
        %dma_wait3A_85 = arith.constant 0 : i32
        %dma_wait3A_86 = arith.constant 0 : i32
        %dma_wait3A_87 = tpu.memref_slice %arg2[%dma_wait3A_85, %dma_wait3A_86] : memref<10000x128xf32, #tpu.memory_space<hbm>> -> memref<10000x128xf32, #tpu.memory_space<hbm>>
        tpu.wait_indirect_dma semaphore(%arg14 : memref<!tpu.dma_semaphore, #tpu.memory_space<semaphore_mem>>) src(%dma_wait3A_87 : memref<10000x128xf32, #tpu.memory_space<hbm>>) dst(%arg10 : memref<80x128xf32, #tpu.memory_space<vmem>>)
        %dma_wait3A_88 = arith.constant 0 : i32
        %dma_wait3A_89 = tpu.memref_slice %arg8[%add3A_74, %dma_wait3A_88] : memref<125x80xi32, #tpu.memory_space<vmem>> -> memref<1x80xi32, #tpu.memory_space<vmem>>
        %dma_wait3A_90 = tpu.memref_squeeze %dma_wait3A_89 : memref<1x80xi32, #tpu.memory_space<vmem>> -> memref<80xi32, #tpu.memory_space<vmem>>
        %dma_wait3A_91 = arith.constant 0 : i32
        %dma_wait3A_92 = arith.constant 0 : i32
        %dma_wait3A_93 = tpu.memref_slice %arg2[%dma_wait3A_91, %dma_wait3A_92] : memref<10000x128xf32, #tpu.memory_space<hbm>> -> memref<10000x128xf32, #tpu.memory_space<hbm>>
        tpu.wait_indirect_dma semaphore(%arg16 : memref<!tpu.dma_semaphore, #tpu.memory_space<semaphore_mem>>) src(%dma_wait3A_93 : memref<10000x128xf32, #tpu.memory_space<hbm>>) dst(%arg12 : memref<80x128xf32, #tpu.memory_space<vmem>>)
        %mul3A_94 = arith.constant 80 : i32
        %mul3A_95 = arith.muli %add3A_74, %mul3A_94 : i32
        %add3A_96 = arith.addi %mul3A_2, %mul3A_95 : i32
        %dma_start3A_97 = arith.constant 0 : i32
        %dma_start3A_98 = tpu.memref_slice %arg5[%add3A_96, %dma_start3A_97] : memref<320000x128xf32, #tpu.memory_space<hbm>> -> memref<80x128xf32, #tpu.memory_space<hbm>>
        %dma_start3A_99 = arith.constant 0 : i32
        %dma_start3A_100 = tpu.memref_slice %arg5[%add3A_96, %dma_start3A_99] : memref<320000x128xf32, #tpu.memory_space<hbm>> -> memref<80x128xf32, #tpu.memory_space<hbm>>
        tpu.enqueue_dma source(%arg10 : memref<80x128xf32, #tpu.memory_space<vmem>>) target(%dma_start3A_100 : memref<80x128xf32, #tpu.memory_space<hbm>>) target_semaphore(%arg18 : memref<!tpu.dma_semaphore, #tpu.memory_space<semaphore_mem>>)
        %dma_start3A_101 = arith.constant 0 : i32
        %dma_start3A_102 = tpu.memref_slice %arg6[%add3A_96, %dma_start3A_101] : memref<320000x128xf32, #tpu.memory_space<hbm>> -> memref<80x128xf32, #tpu.memory_space<hbm>>
        %dma_start3A_103 = arith.constant 0 : i32
        %dma_start3A_104 = tpu.memref_slice %arg6[%add3A_96, %dma_start3A_103] : memref<320000x128xf32, #tpu.memory_space<hbm>> -> memref<80x128xf32, #tpu.memory_space<hbm>>
        tpu.enqueue_dma source(%arg12 : memref<80x128xf32, #tpu.memory_space<vmem>>) target(%dma_start3A_104 : memref<80x128xf32, #tpu.memory_space<hbm>>) target_semaphore(%arg20 : memref<!tpu.dma_semaphore, #tpu.memory_space<semaphore_mem>>)
      } else {
      }
    }
    %scan3A_20 = arith.constant 63 : i32
    %dma_wait3A = arith.constant 0 : i32
    %dma_wait3A_21 = tpu.memref_slice %arg5[%mul3A_2, %dma_wait3A] : memref<320000x128xf32, #tpu.memory_space<hbm>> -> memref<80x128xf32, #tpu.memory_space<hbm>>
    %dma_wait3A_22 = arith.constant 0 : i32
    %dma_wait3A_23 = tpu.memref_slice %arg5[%mul3A_2, %dma_wait3A_22] : memref<320000x128xf32, #tpu.memory_space<hbm>> -> memref<80x128xf32, #tpu.memory_space<hbm>>
    tpu.wait_dma2 semaphore(%arg17 : memref<!tpu.dma_semaphore, #tpu.memory_space<semaphore_mem>>) src(%arg9 : memref<80x128xf32, #tpu.memory_space<vmem>>) dst(%dma_wait3A_23 : memref<80x128xf32, #tpu.memory_space<hbm>>)
    %dma_wait3A_24 = arith.constant 0 : i32
    %dma_wait3A_25 = tpu.memref_slice %arg6[%mul3A_2, %dma_wait3A_24] : memref<320000x128xf32, #tpu.memory_space<hbm>> -> memref<80x128xf32, #tpu.memory_space<hbm>>
    %dma_wait3A_26 = arith.constant 0 : i32
    %dma_wait3A_27 = tpu.memref_slice %arg6[%mul3A_2, %dma_wait3A_26] : memref<320000x128xf32, #tpu.memory_space<hbm>> -> memref<80x128xf32, #tpu.memory_space<hbm>>
    tpu.wait_dma2 semaphore(%arg19 : memref<!tpu.dma_semaphore, #tpu.memory_space<semaphore_mem>>) src(%arg11 : memref<80x128xf32, #tpu.memory_space<vmem>>) dst(%dma_wait3A_27 : memref<80x128xf32, #tpu.memory_space<hbm>>)
    %dma_wait3A_28 = arith.constant 0 : i32
    %dma_wait3A_29 = tpu.memref_slice %arg5[%mul3A_2, %dma_wait3A_28] : memref<320000x128xf32, #tpu.memory_space<hbm>> -> memref<80x128xf32, #tpu.memory_space<hbm>>
    %dma_wait3A_30 = arith.constant 0 : i32
    %dma_wait3A_31 = tpu.memref_slice %arg5[%mul3A_2, %dma_wait3A_30] : memref<320000x128xf32, #tpu.memory_space<hbm>> -> memref<80x128xf32, #tpu.memory_space<hbm>>
    tpu.wait_dma2 semaphore(%arg18 : memref<!tpu.dma_semaphore, #tpu.memory_space<semaphore_mem>>) src(%arg10 : memref<80x128xf32, #tpu.memory_space<vmem>>) dst(%dma_wait3A_31 : memref<80x128xf32, #tpu.memory_space<hbm>>)
    %dma_wait3A_32 = arith.constant 0 : i32
    %dma_wait3A_33 = tpu.memref_slice %arg6[%mul3A_2, %dma_wait3A_32] : memref<320000x128xf32, #tpu.memory_space<hbm>> -> memref<80x128xf32, #tpu.memory_space<hbm>>
    %dma_wait3A_34 = arith.constant 0 : i32
    %dma_wait3A_35 = tpu.memref_slice %arg6[%mul3A_2, %dma_wait3A_34] : memref<320000x128xf32, #tpu.memory_space<hbm>> -> memref<80x128xf32, #tpu.memory_space<hbm>>
    tpu.wait_dma2 semaphore(%arg20 : memref<!tpu.dma_semaphore, #tpu.memory_space<semaphore_mem>>) src(%arg12 : memref<80x128xf32, #tpu.memory_space<vmem>>) dst(%dma_wait3A_35 : memref<80x128xf32, #tpu.memory_space<hbm>>)
    return
  }
}

#map = affine_map<(d0, d1) -> (0, 0)>
#map1 = affine_map<(d0, d1) -> (0, 0, 0)>
module attributes {stable_mosaic.version = 14 : i64} {
  func.func @_sc_scatter_body(%arg0: i32, %arg1: i32, %arg2: memref<320000x128xf32, #tpu.memory_space<hbm>>, %arg3: memref<32x125x80xi32, #tpu.memory_space<hbm>>, %arg4: memref<640x128xf32, #tpu.memory_space<hbm>>, %arg5: memref<2x10240x128xf32, #tpu.memory_space<hbm>>, %arg6: memref<10240x128xf32, #tpu.memory_space<vmem_shared>>, %arg7: memref<125x80xi32, #tpu.memory_space<vmem>>, %arg8: memref<80x128xf32, #tpu.memory_space<vmem>>, %arg9: memref<80x128xf32, #tpu.memory_space<vmem>>, %arg10: memref<!tpu.dma_semaphore, #tpu.memory_space<semaphore_mem>>, %arg11: memref<!tpu.dma_semaphore, #tpu.memory_space<semaphore_mem>>, %arg12: memref<!tpu.dma_semaphore, #tpu.memory_space<semaphore_mem>>, %arg13: memref<!tpu.dma_semaphore, #tpu.memory_space<semaphore_mem>>) attributes {dimension_semantics = [#tpu.dimension_semantics<core_parallel>, #tpu.dimension_semantics<subcore_parallel>], iteration_bounds = array<i64: 2, 16>, scalar_prefetch = 0 : i64, scratch_operands = 8 : i64, tpu.core_type = #tpu.core_type<sc_vector_subcore>, window_params = [{transform_indices = #map}, {transform_indices = #map1}, {transform_indices = #map}, {transform_indices = #map1}]} {
    %mul3A = arith.constant 2 : i32
    %mul3A_0 = arith.muli %arg1, %mul3A : i32
    %add3A = arith.addi %mul3A_0, %arg0 : i32
    %mul3A_1 = arith.constant 10000 : i32
    %mul3A_2 = arith.muli %add3A, %mul3A_1 : i32
    %mul3A_3 = arith.constant 640 : i32
    %mul3A_4 = arith.muli %arg1, %mul3A_3 : i32
    "tpu.region"() ({
      %run_scoped3A = tpu.sem_alloc : memref<!tpu.dma_semaphore, #tpu.memory_space<semaphore_mem>>
      %dma_start3A_33 = arith.constant 0 : i32
      %dma_start3A_34 = tpu.memref_slice %arg6[%mul3A_4, %dma_start3A_33] : memref<10240x128xf32, #tpu.memory_space<vmem_shared>> -> memref<640x128xf32, #tpu.memory_space<vmem_shared>>
      %dma_start3A_35 = arith.constant 0 : i32
      %dma_start3A_36 = arith.constant 0 : i32
      %dma_start3A_37 = tpu.memref_slice %arg4[%dma_start3A_35, %dma_start3A_36] : memref<640x128xf32, #tpu.memory_space<hbm>> -> memref<640x128xf32, #tpu.memory_space<hbm>>
      tpu.enqueue_dma source(%dma_start3A_37 : memref<640x128xf32, #tpu.memory_space<hbm>>) target(%dma_start3A_34 : memref<640x128xf32, #tpu.memory_space<vmem_shared>>) target_semaphore(%run_scoped3A : memref<!tpu.dma_semaphore, #tpu.memory_space<semaphore_mem>>)
      %dma_wait3A_38 = arith.constant 0 : i32
      %dma_wait3A_39 = tpu.memref_slice %arg6[%mul3A_4, %dma_wait3A_38] : memref<10240x128xf32, #tpu.memory_space<vmem_shared>> -> memref<640x128xf32, #tpu.memory_space<vmem_shared>>
      %dma_wait3A_40 = arith.constant 0 : i32
      %dma_wait3A_41 = arith.constant 0 : i32
      %dma_wait3A_42 = tpu.memref_slice %arg4[%dma_wait3A_40, %dma_wait3A_41] : memref<640x128xf32, #tpu.memory_space<hbm>> -> memref<640x128xf32, #tpu.memory_space<hbm>>
      tpu.wait_dma2 semaphore(%run_scoped3A : memref<!tpu.dma_semaphore, #tpu.memory_space<semaphore_mem>>) src(%dma_wait3A_42 : memref<640x128xf32, #tpu.memory_space<hbm>>) dst(%dma_wait3A_39 : memref<640x128xf32, #tpu.memory_space<vmem_shared>>)
      tpu.yield
    }) : () -> ()
    "tpu.region"() ({
      %run_scoped3A = tpu.sem_alloc : memref<!tpu.dma_semaphore, #tpu.memory_space<semaphore_mem>>
      %dma_start3A_33 = arith.constant 0 : i32
      %dma_start3A_34 = arith.constant 0 : i32
      %dma_start3A_35 = tpu.memref_slice %arg3[%add3A, %dma_start3A_33, %dma_start3A_34] : memref<32x125x80xi32, #tpu.memory_space<hbm>> -> memref<1x125x80xi32, #tpu.memory_space<hbm>>
      %dma_start3A_36 = tpu.memref_squeeze %dma_start3A_35 : memref<1x125x80xi32, #tpu.memory_space<hbm>> -> memref<125x80xi32, #tpu.memory_space<hbm>>
      %dma_start3A_37 = arith.constant 0 : i32
      %dma_start3A_38 = arith.constant 0 : i32
      %dma_start3A_39 = tpu.memref_slice %arg3[%add3A, %dma_start3A_37, %dma_start3A_38] : memref<32x125x80xi32, #tpu.memory_space<hbm>> -> memref<1x125x80xi32, #tpu.memory_space<hbm>>
      %dma_start3A_40 = tpu.memref_squeeze %dma_start3A_39 : memref<1x125x80xi32, #tpu.memory_space<hbm>> -> memref<125x80xi32, #tpu.memory_space<hbm>>
      tpu.enqueue_dma source(%dma_start3A_40 : memref<125x80xi32, #tpu.memory_space<hbm>>) target(%arg7 : memref<125x80xi32, #tpu.memory_space<vmem>>) target_semaphore(%run_scoped3A : memref<!tpu.dma_semaphore, #tpu.memory_space<semaphore_mem>>)
      %dma_wait3A_41 = arith.constant 0 : i32
      %dma_wait3A_42 = arith.constant 0 : i32
      %dma_wait3A_43 = tpu.memref_slice %arg3[%add3A, %dma_wait3A_41, %dma_wait3A_42] : memref<32x125x80xi32, #tpu.memory_space<hbm>> -> memref<1x125x80xi32, #tpu.memory_space<hbm>>
      %dma_wait3A_44 = tpu.memref_squeeze %dma_wait3A_43 : memref<1x125x80xi32, #tpu.memory_space<hbm>> -> memref<125x80xi32, #tpu.memory_space<hbm>>
      %dma_wait3A_45 = arith.constant 0 : i32
      %dma_wait3A_46 = arith.constant 0 : i32
      %dma_wait3A_47 = tpu.memref_slice %arg3[%add3A, %dma_wait3A_45, %dma_wait3A_46] : memref<32x125x80xi32, #tpu.memory_space<hbm>> -> memref<1x125x80xi32, #tpu.memory_space<hbm>>
      %dma_wait3A_48 = tpu.memref_squeeze %dma_wait3A_47 : memref<1x125x80xi32, #tpu.memory_space<hbm>> -> memref<125x80xi32, #tpu.memory_space<hbm>>
      tpu.wait_dma2 semaphore(%run_scoped3A : memref<!tpu.dma_semaphore, #tpu.memory_space<semaphore_mem>>) src(%dma_wait3A_48 : memref<125x80xi32, #tpu.memory_space<hbm>>) dst(%arg7 : memref<125x80xi32, #tpu.memory_space<vmem>>)
      tpu.yield
    }) : () -> ()
    %barrier3A = arith.constant 0 : index
    tpu.barrier barrier_id(%barrier3A)
    %add3A_5 = arith.constant 0 : i32
    %add3A_6 = arith.addi %mul3A_2, %add3A_5 : i32
    %dma_start3A = arith.constant 0 : i32
    %dma_start3A_7 = tpu.memref_slice %arg2[%add3A_6, %dma_start3A] : memref<320000x128xf32, #tpu.memory_space<hbm>> -> memref<80x128xf32, #tpu.memory_space<hbm>>
    %dma_start3A_8 = arith.constant 0 : i32
    %dma_start3A_9 = tpu.memref_slice %arg2[%add3A_6, %dma_start3A_8] : memref<320000x128xf32, #tpu.memory_space<hbm>> -> memref<80x128xf32, #tpu.memory_space<hbm>>
    tpu.enqueue_dma source(%dma_start3A_9 : memref<80x128xf32, #tpu.memory_space<hbm>>) target(%arg8 : memref<80x128xf32, #tpu.memory_space<vmem>>) target_semaphore(%arg10 : memref<!tpu.dma_semaphore, #tpu.memory_space<semaphore_mem>>)
    %scan3A = arith.constant 0 : i32
    %scan3A_10 = arith.constant 0 : i32
    %scan3A_11 = arith.constant 63 : i32
    %scan3A_12 = arith.addi %scan3A_10, %scan3A_11 : i32
    %scan3A_13 = arith.constant 1 : i32
    scf.for %scan3A_33 = %scan3A_10 to %scan3A_12 step %scan3A_13  : i32 {
      %mul3A_34 = arith.constant 2 : i32
      %mul3A_35 = arith.muli %scan3A_33, %mul3A_34 : i32
      %add3A_36 = arith.constant 1 : i32
      %add3A_37 = arith.addi %mul3A_35, %add3A_36 : i32
      %lt3A = arith.constant 125 : i32
      %lt3A_38 = arith.cmpi slt, %add3A_37, %lt3A : i32
      %convert_element_type3A = arith.extui %lt3A_38 : i1 to i32
      %cond3A = arith.constant 0 : i32
      %cond3A_39 = arith.cmpi ne, %convert_element_type3A, %cond3A : i32
      scf.if %cond3A_39 {
        %ge3A = arith.constant 1 : i32
        %ge3A_57 = arith.cmpi sge, %mul3A_35, %ge3A : i32
        %convert_element_type3A_58 = arith.extui %ge3A_57 : i1 to i32
        %cond3A_59 = arith.constant 0 : i32
        %cond3A_60 = arith.cmpi ne, %convert_element_type3A_58, %cond3A_59 : i32
        scf.if %cond3A_60 {
          %dma_wait3A_70 = arith.constant 0 : i32
          %dma_wait3A_71 = arith.constant 0 : i32
          %dma_wait3A_72 = tpu.memref_slice %arg7[%dma_wait3A_70, %dma_wait3A_71] : memref<125x80xi32, #tpu.memory_space<vmem>> -> memref<1x80xi32, #tpu.memory_space<vmem>>
          %dma_wait3A_73 = tpu.memref_squeeze %dma_wait3A_72 : memref<1x80xi32, #tpu.memory_space<vmem>> -> memref<80xi32, #tpu.memory_space<vmem>>
          %dma_wait3A_74 = arith.constant 0 : i32
          %dma_wait3A_75 = arith.constant 0 : i32
          %dma_wait3A_76 = tpu.memref_slice %arg6[%dma_wait3A_74, %dma_wait3A_75] : memref<10240x128xf32, #tpu.memory_space<vmem_shared>> -> memref<10240x128xf32, #tpu.memory_space<vmem_shared>>
          tpu.wait_indirect_dma semaphore(%arg13 : memref<!tpu.dma_semaphore, #tpu.memory_space<semaphore_mem>>) src(%arg9 : memref<80x128xf32, #tpu.memory_space<vmem>>) dst(%dma_wait3A_76 : memref<10240x128xf32, #tpu.memory_space<vmem_shared>>)
        } else {
        }
        %add3A_61 = arith.constant 1 : i32
        %add3A_62 = arith.addi %mul3A_35, %add3A_61 : i32
        %mul3A_63 = arith.constant 80 : i32
        %mul3A_64 = arith.muli %add3A_62, %mul3A_63 : i32
        %add3A_65 = arith.addi %mul3A_2, %mul3A_64 : i32
        %dma_start3A_66 = arith.constant 0 : i32
        %dma_start3A_67 = tpu.memref_slice %arg2[%add3A_65, %dma_start3A_66] : memref<320000x128xf32, #tpu.memory_space<hbm>> -> memref<80x128xf32, #tpu.memory_space<hbm>>
        %dma_start3A_68 = arith.constant 0 : i32
        %dma_start3A_69 = tpu.memref_slice %arg2[%add3A_65, %dma_start3A_68] : memref<320000x128xf32, #tpu.memory_space<hbm>> -> memref<80x128xf32, #tpu.memory_space<hbm>>
        tpu.enqueue_dma source(%dma_start3A_69 : memref<80x128xf32, #tpu.memory_space<hbm>>) target(%arg9 : memref<80x128xf32, #tpu.memory_space<vmem>>) target_semaphore(%arg11 : memref<!tpu.dma_semaphore, #tpu.memory_space<semaphore_mem>>)
      } else {
      }
      %dma_wait3A_40 = arith.constant 0 : i32
      %dma_wait3A_41 = tpu.memref_slice %arg2[%mul3A_2, %dma_wait3A_40] : memref<320000x128xf32, #tpu.memory_space<hbm>> -> memref<80x128xf32, #tpu.memory_space<hbm>>
      %dma_wait3A_42 = arith.constant 0 : i32
      %dma_wait3A_43 = tpu.memref_slice %arg2[%mul3A_2, %dma_wait3A_42] : memref<320000x128xf32, #tpu.memory_space<hbm>> -> memref<80x128xf32, #tpu.memory_space<hbm>>
      tpu.wait_dma2 semaphore(%arg10 : memref<!tpu.dma_semaphore, #tpu.memory_space<semaphore_mem>>) src(%dma_wait3A_43 : memref<80x128xf32, #tpu.memory_space<hbm>>) dst(%arg8 : memref<80x128xf32, #tpu.memory_space<vmem>>)
      %dma_start3A_44 = arith.constant 0 : i32
      %dma_start3A_45 = tpu.memref_slice %arg7[%mul3A_35, %dma_start3A_44] : memref<125x80xi32, #tpu.memory_space<vmem>> -> memref<1x80xi32, #tpu.memory_space<vmem>>
      %dma_start3A_46 = tpu.memref_squeeze %dma_start3A_45 : memref<1x80xi32, #tpu.memory_space<vmem>> -> memref<80xi32, #tpu.memory_space<vmem>>
      %dma_start3A_47 = arith.constant 0 : i32
      %dma_start3A_48 = arith.constant 0 : i32
      %dma_start3A_49 = tpu.memref_slice %arg6[%dma_start3A_47, %dma_start3A_48] : memref<10240x128xf32, #tpu.memory_space<vmem_shared>> -> memref<10240x128xf32, #tpu.memory_space<vmem_shared>>
      tpu.enqueue_indirect_dma source(%arg8 : memref<80x128xf32, #tpu.memory_space<vmem>>) target(%dma_start3A_49 : memref<10240x128xf32, #tpu.memory_space<vmem_shared>>) offsets(%dma_start3A_46 : memref<80xi32, #tpu.memory_space<vmem>>) semaphore(%arg12 : memref<!tpu.dma_semaphore, #tpu.memory_space<semaphore_mem>>) {add = true}
      %add3A_50 = arith.constant 1 : i32
      %add3A_51 = arith.addi %mul3A_35, %add3A_50 : i32
      %lt3A_52 = arith.constant 125 : i32
      %lt3A_53 = arith.cmpi slt, %add3A_51, %lt3A_52 : i32
      %convert_element_type3A_54 = arith.extui %lt3A_53 : i1 to i32
      %cond3A_55 = arith.constant 0 : i32
      %cond3A_56 = arith.cmpi ne, %convert_element_type3A_54, %cond3A_55 : i32
      scf.if %cond3A_56 {
        %add3A_57 = arith.constant 1 : i32
        %add3A_58 = arith.addi %mul3A_35, %add3A_57 : i32
        %add3A_59 = arith.constant 1 : i32
        %add3A_60 = arith.addi %add3A_58, %add3A_59 : i32
        %lt3A_61 = arith.constant 125 : i32
        %lt3A_62 = arith.cmpi slt, %add3A_60, %lt3A_61 : i32
        %convert_element_type3A_63 = arith.extui %lt3A_62 : i1 to i32
        %cond3A_64 = arith.constant 0 : i32
        %cond3A_65 = arith.cmpi ne, %convert_element_type3A_63, %cond3A_64 : i32
        scf.if %cond3A_65 {
          %ge3A = arith.constant 1 : i32
          %ge3A_76 = arith.cmpi sge, %add3A_58, %ge3A : i32
          %convert_element_type3A_77 = arith.extui %ge3A_76 : i1 to i32
          %cond3A_78 = arith.constant 0 : i32
          %cond3A_79 = arith.cmpi ne, %convert_element_type3A_77, %cond3A_78 : i32
          scf.if %cond3A_79 {
            %dma_wait3A_89 = arith.constant 0 : i32
            %dma_wait3A_90 = arith.constant 0 : i32
            %dma_wait3A_91 = tpu.memref_slice %arg7[%dma_wait3A_89, %dma_wait3A_90] : memref<125x80xi32, #tpu.memory_space<vmem>> -> memref<1x80xi32, #tpu.memory_space<vmem>>
            %dma_wait3A_92 = tpu.memref_squeeze %dma_wait3A_91 : memref<1x80xi32, #tpu.memory_space<vmem>> -> memref<80xi32, #tpu.memory_space<vmem>>
            %dma_wait3A_93 = arith.constant 0 : i32
            %dma_wait3A_94 = arith.constant 0 : i32
            %dma_wait3A_95 = tpu.memref_slice %arg6[%dma_wait3A_93, %dma_wait3A_94] : memref<10240x128xf32, #tpu.memory_space<vmem_shared>> -> memref<10240x128xf32, #tpu.memory_space<vmem_shared>>
            tpu.wait_indirect_dma semaphore(%arg12 : memref<!tpu.dma_semaphore, #tpu.memory_space<semaphore_mem>>) src(%arg8 : memref<80x128xf32, #tpu.memory_space<vmem>>) dst(%dma_wait3A_95 : memref<10240x128xf32, #tpu.memory_space<vmem_shared>>)
          } else {
          }
          %add3A_80 = arith.constant 1 : i32
          %add3A_81 = arith.addi %add3A_58, %add3A_80 : i32
          %mul3A_82 = arith.constant 80 : i32
          %mul3A_83 = arith.muli %add3A_81, %mul3A_82 : i32
          %add3A_84 = arith.addi %mul3A_2, %mul3A_83 : i32
          %dma_start3A_85 = arith.constant 0 : i32
          %dma_start3A_86 = tpu.memref_slice %arg2[%add3A_84, %dma_start3A_85] : memref<320000x128xf32, #tpu.memory_space<hbm>> -> memref<80x128xf32, #tpu.memory_space<hbm>>
          %dma_start3A_87 = arith.constant 0 : i32
          %dma_start3A_88 = tpu.memref_slice %arg2[%add3A_84, %dma_start3A_87] : memref<320000x128xf32, #tpu.memory_space<hbm>> -> memref<80x128xf32, #tpu.memory_space<hbm>>
          tpu.enqueue_dma source(%dma_start3A_88 : memref<80x128xf32, #tpu.memory_space<hbm>>) target(%arg8 : memref<80x128xf32, #tpu.memory_space<vmem>>) target_semaphore(%arg10 : memref<!tpu.dma_semaphore, #tpu.memory_space<semaphore_mem>>)
        } else {
        }
        %dma_wait3A_66 = arith.constant 0 : i32
        %dma_wait3A_67 = tpu.memref_slice %arg2[%mul3A_2, %dma_wait3A_66] : memref<320000x128xf32, #tpu.memory_space<hbm>> -> memref<80x128xf32, #tpu.memory_space<hbm>>
        %dma_wait3A_68 = arith.constant 0 : i32
        %dma_wait3A_69 = tpu.memref_slice %arg2[%mul3A_2, %dma_wait3A_68] : memref<320000x128xf32, #tpu.memory_space<hbm>> -> memref<80x128xf32, #tpu.memory_space<hbm>>
        tpu.wait_dma2 semaphore(%arg11 : memref<!tpu.dma_semaphore, #tpu.memory_space<semaphore_mem>>) src(%dma_wait3A_69 : memref<80x128xf32, #tpu.memory_space<hbm>>) dst(%arg9 : memref<80x128xf32, #tpu.memory_space<vmem>>)
        %dma_start3A_70 = arith.constant 0 : i32
        %dma_start3A_71 = tpu.memref_slice %arg7[%add3A_58, %dma_start3A_70] : memref<125x80xi32, #tpu.memory_space<vmem>> -> memref<1x80xi32, #tpu.memory_space<vmem>>
        %dma_start3A_72 = tpu.memref_squeeze %dma_start3A_71 : memref<1x80xi32, #tpu.memory_space<vmem>> -> memref<80xi32, #tpu.memory_space<vmem>>
        %dma_start3A_73 = arith.constant 0 : i32
        %dma_start3A_74 = arith.constant 0 : i32
        %dma_start3A_75 = tpu.memref_slice %arg6[%dma_start3A_73, %dma_start3A_74] : memref<10240x128xf32, #tpu.memory_space<vmem_shared>> -> memref<10240x128xf32, #tpu.memory_space<vmem_shared>>
        tpu.enqueue_indirect_dma source(%arg9 : memref<80x128xf32, #tpu.memory_space<vmem>>) target(%dma_start3A_75 : memref<10240x128xf32, #tpu.memory_space<vmem_shared>>) offsets(%dma_start3A_72 : memref<80xi32, #tpu.memory_space<vmem>>) semaphore(%arg13 : memref<!tpu.dma_semaphore, #tpu.memory_space<semaphore_mem>>) {add = true}
      } else {
      }
    }
    %scan3A_14 = arith.constant 63 : i32
    %dma_wait3A = arith.constant 0 : i32
    %dma_wait3A_15 = arith.constant 0 : i32
    %dma_wait3A_16 = tpu.memref_slice %arg7[%dma_wait3A, %dma_wait3A_15] : memref<125x80xi32, #tpu.memory_space<vmem>> -> memref<1x80xi32, #tpu.memory_space<vmem>>
    %dma_wait3A_17 = tpu.memref_squeeze %dma_wait3A_16 : memref<1x80xi32, #tpu.memory_space<vmem>> -> memref<80xi32, #tpu.memory_space<vmem>>
    %dma_wait3A_18 = arith.constant 0 : i32
    %dma_wait3A_19 = arith.constant 0 : i32
    %dma_wait3A_20 = tpu.memref_slice %arg6[%dma_wait3A_18, %dma_wait3A_19] : memref<10240x128xf32, #tpu.memory_space<vmem_shared>> -> memref<10240x128xf32, #tpu.memory_space<vmem_shared>>
    tpu.wait_indirect_dma semaphore(%arg12 : memref<!tpu.dma_semaphore, #tpu.memory_space<semaphore_mem>>) src(%arg8 : memref<80x128xf32, #tpu.memory_space<vmem>>) dst(%dma_wait3A_20 : memref<10240x128xf32, #tpu.memory_space<vmem_shared>>)
    %dma_wait3A_21 = arith.constant 0 : i32
    %dma_wait3A_22 = arith.constant 0 : i32
    %dma_wait3A_23 = tpu.memref_slice %arg7[%dma_wait3A_21, %dma_wait3A_22] : memref<125x80xi32, #tpu.memory_space<vmem>> -> memref<1x80xi32, #tpu.memory_space<vmem>>
    %dma_wait3A_24 = tpu.memref_squeeze %dma_wait3A_23 : memref<1x80xi32, #tpu.memory_space<vmem>> -> memref<80xi32, #tpu.memory_space<vmem>>
    %dma_wait3A_25 = arith.constant 0 : i32
    %dma_wait3A_26 = arith.constant 0 : i32
    %dma_wait3A_27 = tpu.memref_slice %arg6[%dma_wait3A_25, %dma_wait3A_26] : memref<10240x128xf32, #tpu.memory_space<vmem_shared>> -> memref<10240x128xf32, #tpu.memory_space<vmem_shared>>
    tpu.wait_indirect_dma semaphore(%arg13 : memref<!tpu.dma_semaphore, #tpu.memory_space<semaphore_mem>>) src(%arg9 : memref<80x128xf32, #tpu.memory_space<vmem>>) dst(%dma_wait3A_27 : memref<10240x128xf32, #tpu.memory_space<vmem_shared>>)
    %barrier3A_28 = arith.constant 0 : index
    tpu.barrier barrier_id(%barrier3A_28)
    %mul3A_29 = arith.constant 640 : i32
    %mul3A_30 = arith.muli %arg1, %mul3A_29 : i32
    %mul3A_31 = arith.constant 640 : i32
    %mul3A_32 = arith.muli %arg1, %mul3A_31 : i32
    "tpu.region"() ({
      %run_scoped3A = tpu.sem_alloc : memref<!tpu.dma_semaphore, #tpu.memory_space<semaphore_mem>>
      %dma_start3A_33 = arith.constant 0 : i32
      %dma_start3A_34 = tpu.memref_slice %arg5[%arg0, %mul3A_32, %dma_start3A_33] : memref<2x10240x128xf32, #tpu.memory_space<hbm>> -> memref<1x640x128xf32, #tpu.memory_space<hbm>>
      %dma_start3A_35 = tpu.memref_squeeze %dma_start3A_34 : memref<1x640x128xf32, #tpu.memory_space<hbm>> -> memref<640x128xf32, #tpu.memory_space<hbm>>
      %dma_start3A_36 = arith.constant 0 : i32
      %dma_start3A_37 = tpu.memref_slice %arg6[%mul3A_30, %dma_start3A_36] : memref<10240x128xf32, #tpu.memory_space<vmem_shared>> -> memref<640x128xf32, #tpu.memory_space<vmem_shared>>
      tpu.enqueue_dma source(%dma_start3A_37 : memref<640x128xf32, #tpu.memory_space<vmem_shared>>) target(%dma_start3A_35 : memref<640x128xf32, #tpu.memory_space<hbm>>) target_semaphore(%run_scoped3A : memref<!tpu.dma_semaphore, #tpu.memory_space<semaphore_mem>>)
      %dma_wait3A_38 = arith.constant 0 : i32
      %dma_wait3A_39 = tpu.memref_slice %arg5[%arg0, %mul3A_32, %dma_wait3A_38] : memref<2x10240x128xf32, #tpu.memory_space<hbm>> -> memref<1x640x128xf32, #tpu.memory_space<hbm>>
      %dma_wait3A_40 = tpu.memref_squeeze %dma_wait3A_39 : memref<1x640x128xf32, #tpu.memory_space<hbm>> -> memref<640x128xf32, #tpu.memory_space<hbm>>
      %dma_wait3A_41 = arith.constant 0 : i32
      %dma_wait3A_42 = tpu.memref_slice %arg6[%mul3A_30, %dma_wait3A_41] : memref<10240x128xf32, #tpu.memory_space<vmem_shared>> -> memref<640x128xf32, #tpu.memory_space<vmem_shared>>
      tpu.wait_dma2 semaphore(%run_scoped3A : memref<!tpu.dma_semaphore, #tpu.memory_space<semaphore_mem>>) src(%dma_wait3A_42 : memref<640x128xf32, #tpu.memory_space<vmem_shared>>) dst(%dma_wait3A_40 : memref<640x128xf32, #tpu.memory_space<hbm>>)
      tpu.yield
    }) : () -> ()
    return
  }
}

#map = affine_map<(d0, d1) -> (0, 0)>
#map1 = affine_map<(d0, d1) -> (0, 0, 0)>
module attributes {stable_mosaic.version = 14 : i64} {
  func.func @_sc_gather_body(%arg0: i32, %arg1: i32, %arg2: memref<10000x128xf32, #tpu.memory_space<hbm>>, %arg3: memref<32x125x80xi32, #tpu.memory_space<hbm>>, %arg4: memref<32x125x80xi32, #tpu.memory_space<hbm>>, %arg5: memref<320000x128xf32, #tpu.memory_space<hbm>>, %arg6: memref<320000x128xf32, #tpu.memory_space<hbm>>, %arg7: memref<125x80xi32, #tpu.memory_space<vmem>>, %arg8: memref<125x80xi32, #tpu.memory_space<vmem>>, %arg9: memref<80x128xf32, #tpu.memory_space<vmem>>, %arg10: memref<80x128xf32, #tpu.memory_space<vmem>>, %arg11: memref<80x128xf32, #tpu.memory_space<vmem>>, %arg12: memref<80x128xf32, #tpu.memory_space<vmem>>, %arg13: memref<!tpu.dma_semaphore, #tpu.memory_space<semaphore_mem>>, %arg14: memref<!tpu.dma_semaphore, #tpu.memory_space<semaphore_mem>>, %arg15: memref<!tpu.dma_semaphore, #tpu.memory_space<semaphore_mem>>, %arg16: memref<!tpu.dma_semaphore, #tpu.memory_space<semaphore_mem>>, %arg17: memref<!tpu.dma_semaphore, #tpu.memory_space<semaphore_mem>>, %arg18: memref<!tpu.dma_semaphore, #tpu.memory_space<semaphore_mem>>, %arg19: memref<!tpu.dma_semaphore, #tpu.memory_space<semaphore_mem>>, %arg20: memref<!tpu.dma_semaphore, #tpu.memory_space<semaphore_mem>>) attributes {dimension_semantics = [#tpu.dimension_semantics<core_parallel>, #tpu.dimension_semantics<subcore_parallel>], iteration_bounds = array<i64: 2, 16>, scalar_prefetch = 0 : i64, scratch_operands = 14 : i64, tpu.core_type = #tpu.core_type<sc_vector_subcore>, window_params = [{transform_indices = #map}, {transform_indices = #map1}, {transform_indices = #map1}, {transform_indices = #map}, {transform_indices = #map}]} {
    %mul3A = arith.constant 2 : i32
    %mul3A_0 = arith.muli %arg1, %mul3A : i32
    %add3A = arith.addi %mul3A_0, %arg0 : i32
    %mul3A_1 = arith.constant 10000 : i32
    %mul3A_2 = arith.muli %add3A, %mul3A_1 : i32
    "tpu.region"() ({
      %run_scoped3A = tpu.sem_alloc : memref<!tpu.dma_semaphore, #tpu.memory_space<semaphore_mem>>
      %dma_start3A_36 = arith.constant 0 : i32
      %dma_start3A_37 = arith.constant 0 : i32
      %dma_start3A_38 = tpu.memref_slice %arg3[%add3A, %dma_start3A_36, %dma_start3A_37] : memref<32x125x80xi32, #tpu.memory_space<hbm>> -> memref<1x125x80xi32, #tpu.memory_space<hbm>>
      %dma_start3A_39 = tpu.memref_squeeze %dma_start3A_38 : memref<1x125x80xi32, #tpu.memory_space<hbm>> -> memref<125x80xi32, #tpu.memory_space<hbm>>
      %dma_start3A_40 = arith.constant 0 : i32
      %dma_start3A_41 = arith.constant 0 : i32
      %dma_start3A_42 = tpu.memref_slice %arg3[%add3A, %dma_start3A_40, %dma_start3A_41] : memref<32x125x80xi32, #tpu.memory_space<hbm>> -> memref<1x125x80xi32, #tpu.memory_space<hbm>>
      %dma_start3A_43 = tpu.memref_squeeze %dma_start3A_42 : memref<1x125x80xi32, #tpu.memory_space<hbm>> -> memref<125x80xi32, #tpu.memory_space<hbm>>
      tpu.enqueue_dma source(%dma_start3A_43 : memref<125x80xi32, #tpu.memory_space<hbm>>) target(%arg7 : memref<125x80xi32, #tpu.memory_space<vmem>>) target_semaphore(%run_scoped3A : memref<!tpu.dma_semaphore, #tpu.memory_space<semaphore_mem>>)
      %dma_wait3A_44 = arith.constant 0 : i32
      %dma_wait3A_45 = arith.constant 0 : i32
      %dma_wait3A_46 = tpu.memref_slice %arg3[%add3A, %dma_wait3A_44, %dma_wait3A_45] : memref<32x125x80xi32, #tpu.memory_space<hbm>> -> memref<1x125x80xi32, #tpu.memory_space<hbm>>
      %dma_wait3A_47 = tpu.memref_squeeze %dma_wait3A_46 : memref<1x125x80xi32, #tpu.memory_space<hbm>> -> memref<125x80xi32, #tpu.memory_space<hbm>>
      %dma_wait3A_48 = arith.constant 0 : i32
      %dma_wait3A_49 = arith.constant 0 : i32
      %dma_wait3A_50 = tpu.memref_slice %arg3[%add3A, %dma_wait3A_48, %dma_wait3A_49] : memref<32x125x80xi32, #tpu.memory_space<hbm>> -> memref<1x125x80xi32, #tpu.memory_space<hbm>>
      %dma_wait3A_51 = tpu.memref_squeeze %dma_wait3A_50 : memref<1x125x80xi32, #tpu.memory_space<hbm>> -> memref<125x80xi32, #tpu.memory_space<hbm>>
      tpu.wait_dma2 semaphore(%run_scoped3A : memref<!tpu.dma_semaphore, #tpu.memory_space<semaphore_mem>>) src(%dma_wait3A_51 : memref<125x80xi32, #tpu.memory_space<hbm>>) dst(%arg7 : memref<125x80xi32, #tpu.memory_space<vmem>>)
      tpu.yield
    }) : () -> ()
    "tpu.region"() ({
      %run_scoped3A = tpu.sem_alloc : memref<!tpu.dma_semaphore, #tpu.memory_space<semaphore_mem>>
      %dma_start3A_36 = arith.constant 0 : i32
      %dma_start3A_37 = arith.constant 0 : i32
      %dma_start3A_38 = tpu.memref_slice %arg4[%add3A, %dma_start3A_36, %dma_start3A_37] : memref<32x125x80xi32, #tpu.memory_space<hbm>> -> memref<1x125x80xi32, #tpu.memory_space<hbm>>
      %dma_start3A_39 = tpu.memref_squeeze %dma_start3A_38 : memref<1x125x80xi32, #tpu.memory_space<hbm>> -> memref<125x80xi32, #tpu.memory_space<hbm>>
      %dma_start3A_40 = arith.constant 0 : i32
      %dma_start3A_41 = arith.constant 0 : i32
      %dma_start3A_42 = tpu.memref_slice %arg4[%add3A, %dma_start3A_40, %dma_start3A_41] : memref<32x125x80xi32, #tpu.memory_space<hbm>> -> memref<1x125x80xi32, #tpu.memory_space<hbm>>
      %dma_start3A_43 = tpu.memref_squeeze %dma_start3A_42 : memref<1x125x80xi32, #tpu.memory_space<hbm>> -> memref<125x80xi32, #tpu.memory_space<hbm>>
      tpu.enqueue_dma source(%dma_start3A_43 : memref<125x80xi32, #tpu.memory_space<hbm>>) target(%arg8 : memref<125x80xi32, #tpu.memory_space<vmem>>) target_semaphore(%run_scoped3A : memref<!tpu.dma_semaphore, #tpu.memory_space<semaphore_mem>>)
      %dma_wait3A_44 = arith.constant 0 : i32
      %dma_wait3A_45 = arith.constant 0 : i32
      %dma_wait3A_46 = tpu.memref_slice %arg4[%add3A, %dma_wait3A_44, %dma_wait3A_45] : memref<32x125x80xi32, #tpu.memory_space<hbm>> -> memref<1x125x80xi32, #tpu.memory_space<hbm>>
      %dma_wait3A_47 = tpu.memref_squeeze %dma_wait3A_46 : memref<1x125x80xi32, #tpu.memory_space<hbm>> -> memref<125x80xi32, #tpu.memory_space<hbm>>
      %dma_wait3A_48 = arith.constant 0 : i32
      %dma_wait3A_49 = arith.constant 0 : i32
      %dma_wait3A_50 = tpu.memref_slice %arg4[%add3A, %dma_wait3A_48, %dma_wait3A_49] : memref<32x125x80xi32, #tpu.memory_space<hbm>> -> memref<1x125x80xi32, #tpu.memory_space<hbm>>
      %dma_wait3A_51 = tpu.memref_squeeze %dma_wait3A_50 : memref<1x125x80xi32, #tpu.memory_space<hbm>> -> memref<125x80xi32, #tpu.memory_space<hbm>>
      tpu.wait_dma2 semaphore(%run_scoped3A : memref<!tpu.dma_semaphore, #tpu.memory_space<semaphore_mem>>) src(%dma_wait3A_51 : memref<125x80xi32, #tpu.memory_space<hbm>>) dst(%arg8 : memref<125x80xi32, #tpu.memory_space<vmem>>)
      tpu.yield
    }) : () -> ()
    %dma_start3A = arith.constant 0 : i32
    %dma_start3A_3 = arith.constant 0 : i32
    %dma_start3A_4 = tpu.memref_slice %arg7[%dma_start3A, %dma_start3A_3] : memref<125x80xi32, #tpu.memory_space<vmem>> -> memref<1x80xi32, #tpu.memory_space<vmem>>
    %dma_start3A_5 = tpu.memref_squeeze %dma_start3A_4 : memref<1x80xi32, #tpu.memory_space<vmem>> -> memref<80xi32, #tpu.memory_space<vmem>>
    %dma_start3A_6 = arith.constant 0 : i32
    %dma_start3A_7 = arith.constant 0 : i32
    %dma_start3A_8 = tpu.memref_slice %arg2[%dma_start3A_6, %dma_start3A_7] : memref<10000x128xf32, #tpu.memory_space<hbm>> -> memref<10000x128xf32, #tpu.memory_space<hbm>>
    tpu.enqueue_indirect_dma source(%dma_start3A_8 : memref<10000x128xf32, #tpu.memory_space<hbm>>) target(%arg9 : memref<80x128xf32, #tpu.memory_space<vmem>>) offsets(%dma_start3A_5 : memref<80xi32, #tpu.memory_space<vmem>>) semaphore(%arg13 : memref<!tpu.dma_semaphore, #tpu.memory_space<semaphore_mem>>)
    %dma_start3A_9 = arith.constant 0 : i32
    %dma_start3A_10 = arith.constant 0 : i32
    %dma_start3A_11 = tpu.memref_slice %arg8[%dma_start3A_9, %dma_start3A_10] : memref<125x80xi32, #tpu.memory_space<vmem>> -> memref<1x80xi32, #tpu.memory_space<vmem>>
    %dma_start3A_12 = tpu.memref_squeeze %dma_start3A_11 : memref<1x80xi32, #tpu.memory_space<vmem>> -> memref<80xi32, #tpu.memory_space<vmem>>
    %dma_start3A_13 = arith.constant 0 : i32
    %dma_start3A_14 = arith.constant 0 : i32
    %dma_start3A_15 = tpu.memref_slice %arg2[%dma_start3A_13, %dma_start3A_14] : memref<10000x128xf32, #tpu.memory_space<hbm>> -> memref<10000x128xf32, #tpu.memory_space<hbm>>
    tpu.enqueue_indirect_dma source(%dma_start3A_15 : memref<10000x128xf32, #tpu.memory_space<hbm>>) target(%arg11 : memref<80x128xf32, #tpu.memory_space<vmem>>) offsets(%dma_start3A_12 : memref<80xi32, #tpu.memory_space<vmem>>) semaphore(%arg15 : memref<!tpu.dma_semaphore, #tpu.memory_space<semaphore_mem>>)
    %scan3A = arith.constant 0 : i32
    %scan3A_16 = arith.constant 0 : i32
    %scan3A_17 = arith.constant 63 : i32
    %scan3A_18 = arith.addi %scan3A_16, %scan3A_17 : i32
    %scan3A_19 = arith.constant 1 : i32
    scf.for %scan3A_36 = %scan3A_16 to %scan3A_18 step %scan3A_19  : i32 {
      %mul3A_37 = arith.constant 2 : i32
      %mul3A_38 = arith.muli %scan3A_36, %mul3A_37 : i32
      %add3A_39 = arith.constant 1 : i32
      %add3A_40 = arith.addi %mul3A_38, %add3A_39 : i32
      %lt3A = arith.constant 125 : i32
      %lt3A_41 = arith.cmpi slt, %add3A_40, %lt3A : i32
      %convert_element_type3A = arith.extui %lt3A_41 : i1 to i32
      %cond3A = arith.constant 0 : i32
      %cond3A_42 = arith.cmpi ne, %convert_element_type3A, %cond3A : i32
      scf.if %cond3A_42 {
        %ge3A = arith.constant 1 : i32
        %ge3A_73 = arith.cmpi sge, %mul3A_38, %ge3A : i32
        %convert_element_type3A_74 = arith.extui %ge3A_73 : i1 to i32
        %cond3A_75 = arith.constant 0 : i32
        %cond3A_76 = arith.cmpi ne, %convert_element_type3A_74, %cond3A_75 : i32
        scf.if %cond3A_76 {
          %dma_wait3A_91 = arith.constant 0 : i32
          %dma_wait3A_92 = tpu.memref_slice %arg5[%mul3A_2, %dma_wait3A_91] : memref<320000x128xf32, #tpu.memory_space<hbm>> -> memref<80x128xf32, #tpu.memory_space<hbm>>
          %dma_wait3A_93 = arith.constant 0 : i32
          %dma_wait3A_94 = tpu.memref_slice %arg5[%mul3A_2, %dma_wait3A_93] : memref<320000x128xf32, #tpu.memory_space<hbm>> -> memref<80x128xf32, #tpu.memory_space<hbm>>
          tpu.wait_dma2 semaphore(%arg18 : memref<!tpu.dma_semaphore, #tpu.memory_space<semaphore_mem>>) src(%arg10 : memref<80x128xf32, #tpu.memory_space<vmem>>) dst(%dma_wait3A_94 : memref<80x128xf32, #tpu.memory_space<hbm>>)
          %dma_wait3A_95 = arith.constant 0 : i32
          %dma_wait3A_96 = tpu.memref_slice %arg6[%mul3A_2, %dma_wait3A_95] : memref<320000x128xf32, #tpu.memory_space<hbm>> -> memref<80x128xf32, #tpu.memory_space<hbm>>
          %dma_wait3A_97 = arith.constant 0 : i32
          %dma_wait3A_98 = tpu.memref_slice %arg6[%mul3A_2, %dma_wait3A_97] : memref<320000x128xf32, #tpu.memory_space<hbm>> -> memref<80x128xf32, #tpu.memory_space<hbm>>
          tpu.wait_dma2 semaphore(%arg20 : memref<!tpu.dma_semaphore, #tpu.memory_space<semaphore_mem>>) src(%arg12 : memref<80x128xf32, #tpu.memory_space<vmem>>) dst(%dma_wait3A_98 : memref<80x128xf32, #tpu.memory_space<hbm>>)
        } else {
        }
        %add3A_77 = arith.constant 1 : i32
        %add3A_78 = arith.addi %mul3A_38, %add3A_77 : i32
        %dma_start3A_79 = arith.constant 0 : i32
        %dma_start3A_80 = tpu.memref_slice %arg7[%add3A_78, %dma_start3A_79] : memref<125x80xi32, #tpu.memory_space<vmem>> -> memref<1x80xi32, #tpu.memory_space<vmem>>
        %dma_start3A_81 = tpu.memref_squeeze %dma_start3A_80 : memref<1x80xi32, #tpu.memory_space<vmem>> -> memref<80xi32, #tpu.memory_space<vmem>>
        %dma_start3A_82 = arith.constant 0 : i32
        %dma_start3A_83 = arith.constant 0 : i32
        %dma_start3A_84 = tpu.memref_slice %arg2[%dma_start3A_82, %dma_start3A_83] : memref<10000x128xf32, #tpu.memory_space<hbm>> -> memref<10000x128xf32, #tpu.memory_space<hbm>>
        tpu.enqueue_indirect_dma source(%dma_start3A_84 : memref<10000x128xf32, #tpu.memory_space<hbm>>) target(%arg10 : memref<80x128xf32, #tpu.memory_space<vmem>>) offsets(%dma_start3A_81 : memref<80xi32, #tpu.memory_space<vmem>>) semaphore(%arg14 : memref<!tpu.dma_semaphore, #tpu.memory_space<semaphore_mem>>)
        %dma_start3A_85 = arith.constant 0 : i32
        %dma_start3A_86 = tpu.memref_slice %arg8[%add3A_78, %dma_start3A_85] : memref<125x80xi32, #tpu.memory_space<vmem>> -> memref<1x80xi32, #tpu.memory_space<vmem>>
        %dma_start3A_87 = tpu.memref_squeeze %dma_start3A_86 : memref<1x80xi32, #tpu.memory_space<vmem>> -> memref<80xi32, #tpu.memory_space<vmem>>
        %dma_start3A_88 = arith.constant 0 : i32
        %dma_start3A_89 = arith.constant 0 : i32
        %dma_start3A_90 = tpu.memref_slice %arg2[%dma_start3A_88, %dma_start3A_89] : memref<10000x128xf32, #tpu.memory_space<hbm>> -> memref<10000x128xf32, #tpu.memory_space<hbm>>
        tpu.enqueue_indirect_dma source(%dma_start3A_90 : memref<10000x128xf32, #tpu.memory_space<hbm>>) target(%arg12 : memref<80x128xf32, #tpu.memory_space<vmem>>) offsets(%dma_start3A_87 : memref<80xi32, #tpu.memory_space<vmem>>) semaphore(%arg16 : memref<!tpu.dma_semaphore, #tpu.memory_space<semaphore_mem>>)
      } else {
      }
      %dma_wait3A_43 = arith.constant 0 : i32
      %dma_wait3A_44 = tpu.memref_slice %arg7[%mul3A_38, %dma_wait3A_43] : memref<125x80xi32, #tpu.memory_space<vmem>> -> memref<1x80xi32, #tpu.memory_space<vmem>>
      %dma_wait3A_45 = tpu.memref_squeeze %dma_wait3A_44 : memref<1x80xi32, #tpu.memory_space<vmem>> -> memref<80xi32, #tpu.memory_space<vmem>>
      %dma_wait3A_46 = arith.constant 0 : i32
      %dma_wait3A_47 = arith.constant 0 : i32
      %dma_wait3A_48 = tpu.memref_slice %arg2[%dma_wait3A_46, %dma_wait3A_47] : memref<10000x128xf32, #tpu.memory_space<hbm>> -> memref<10000x128xf32, #tpu.memory_space<hbm>>
      tpu.wait_indirect_dma semaphore(%arg13 : memref<!tpu.dma_semaphore, #tpu.memory_space<semaphore_mem>>) src(%dma_wait3A_48 : memref<10000x128xf32, #tpu.memory_space<hbm>>) dst(%arg9 : memref<80x128xf32, #tpu.memory_space<vmem>>)
      %dma_wait3A_49 = arith.constant 0 : i32
      %dma_wait3A_50 = tpu.memref_slice %arg8[%mul3A_38, %dma_wait3A_49] : memref<125x80xi32, #tpu.memory_space<vmem>> -> memref<1x80xi32, #tpu.memory_space<vmem>>
      %dma_wait3A_51 = tpu.memref_squeeze %dma_wait3A_50 : memref<1x80xi32, #tpu.memory_space<vmem>> -> memref<80xi32, #tpu.memory_space<vmem>>
      %dma_wait3A_52 = arith.constant 0 : i32
      %dma_wait3A_53 = arith.constant 0 : i32
      %dma_wait3A_54 = tpu.memref_slice %arg2[%dma_wait3A_52, %dma_wait3A_53] : memref<10000x128xf32, #tpu.memory_space<hbm>> -> memref<10000x128xf32, #tpu.memory_space<hbm>>
      tpu.wait_indirect_dma semaphore(%arg15 : memref<!tpu.dma_semaphore, #tpu.memory_space<semaphore_mem>>) src(%dma_wait3A_54 : memref<10000x128xf32, #tpu.memory_space<hbm>>) dst(%arg11 : memref<80x128xf32, #tpu.memory_space<vmem>>)
      %mul3A_55 = arith.constant 80 : i32
      %mul3A_56 = arith.muli %mul3A_38, %mul3A_55 : i32
      %add3A_57 = arith.addi %mul3A_2, %mul3A_56 : i32
      %dma_start3A_58 = arith.constant 0 : i32
      %dma_start3A_59 = tpu.memref_slice %arg5[%add3A_57, %dma_start3A_58] : memref<320000x128xf32, #tpu.memory_space<hbm>> -> memref<80x128xf32, #tpu.memory_space<hbm>>
      %dma_start3A_60 = arith.constant 0 : i32
      %dma_start3A_61 = tpu.memref_slice %arg5[%add3A_57, %dma_start3A_60] : memref<320000x128xf32, #tpu.memory_space<hbm>> -> memref<80x128xf32, #tpu.memory_space<hbm>>
      tpu.enqueue_dma source(%arg9 : memref<80x128xf32, #tpu.memory_space<vmem>>) target(%dma_start3A_61 : memref<80x128xf32, #tpu.memory_space<hbm>>) target_semaphore(%arg17 : memref<!tpu.dma_semaphore, #tpu.memory_space<semaphore_mem>>)
      %dma_start3A_62 = arith.constant 0 : i32
      %dma_start3A_63 = tpu.memref_slice %arg6[%add3A_57, %dma_start3A_62] : memref<320000x128xf32, #tpu.memory_space<hbm>> -> memref<80x128xf32, #tpu.memory_space<hbm>>
      %dma_start3A_64 = arith.constant 0 : i32
      %dma_start3A_65 = tpu.memref_slice %arg6[%add3A_57, %dma_start3A_64] : memref<320000x128xf32, #tpu.memory_space<hbm>> -> memref<80x128xf32, #tpu.memory_space<hbm>>
      tpu.enqueue_dma source(%arg11 : memref<80x128xf32, #tpu.memory_space<vmem>>) target(%dma_start3A_65 : memref<80x128xf32, #tpu.memory_space<hbm>>) target_semaphore(%arg19 : memref<!tpu.dma_semaphore, #tpu.memory_space<semaphore_mem>>)
      %add3A_66 = arith.constant 1 : i32
      %add3A_67 = arith.addi %mul3A_38, %add3A_66 : i32
      %lt3A_68 = arith.constant 125 : i32
      %lt3A_69 = arith.cmpi slt, %add3A_67, %lt3A_68 : i32
      %convert_element_type3A_70 = arith.extui %lt3A_69 : i1 to i32
      %cond3A_71 = arith.constant 0 : i32
      %cond3A_72 = arith.cmpi ne, %convert_element_type3A_70, %cond3A_71 : i32
      scf.if %cond3A_72 {
        %add3A_73 = arith.constant 1 : i32
        %add3A_74 = arith.addi %mul3A_38, %add3A_73 : i32
        %add3A_75 = arith.constant 1 : i32
        %add3A_76 = arith.addi %add3A_74, %add3A_75 : i32
        %lt3A_77 = arith.constant 125 : i32
        %lt3A_78 = arith.cmpi slt, %add3A_76, %lt3A_77 : i32
        %convert_element_type3A_79 = arith.extui %lt3A_78 : i1 to i32
        %cond3A_80 = arith.constant 0 : i32
        %cond3A_81 = arith.cmpi ne, %convert_element_type3A_79, %cond3A_80 : i32
        scf.if %cond3A_81 {
          %ge3A = arith.constant 1 : i32
          %ge3A_105 = arith.cmpi sge, %add3A_74, %ge3A : i32
          %convert_element_type3A_106 = arith.extui %ge3A_105 : i1 to i32
          %cond3A_107 = arith.constant 0 : i32
          %cond3A_108 = arith.cmpi ne, %convert_element_type3A_106, %cond3A_107 : i32
          scf.if %cond3A_108 {
            %dma_wait3A_123 = arith.constant 0 : i32
            %dma_wait3A_124 = tpu.memref_slice %arg5[%mul3A_2, %dma_wait3A_123] : memref<320000x128xf32, #tpu.memory_space<hbm>> -> memref<80x128xf32, #tpu.memory_space<hbm>>
            %dma_wait3A_125 = arith.constant 0 : i32
            %dma_wait3A_126 = tpu.memref_slice %arg5[%mul3A_2, %dma_wait3A_125] : memref<320000x128xf32, #tpu.memory_space<hbm>> -> memref<80x128xf32, #tpu.memory_space<hbm>>
            tpu.wait_dma2 semaphore(%arg17 : memref<!tpu.dma_semaphore, #tpu.memory_space<semaphore_mem>>) src(%arg9 : memref<80x128xf32, #tpu.memory_space<vmem>>) dst(%dma_wait3A_126 : memref<80x128xf32, #tpu.memory_space<hbm>>)
            %dma_wait3A_127 = arith.constant 0 : i32
            %dma_wait3A_128 = tpu.memref_slice %arg6[%mul3A_2, %dma_wait3A_127] : memref<320000x128xf32, #tpu.memory_space<hbm>> -> memref<80x128xf32, #tpu.memory_space<hbm>>
            %dma_wait3A_129 = arith.constant 0 : i32
            %dma_wait3A_130 = tpu.memref_slice %arg6[%mul3A_2, %dma_wait3A_129] : memref<320000x128xf32, #tpu.memory_space<hbm>> -> memref<80x128xf32, #tpu.memory_space<hbm>>
            tpu.wait_dma2 semaphore(%arg19 : memref<!tpu.dma_semaphore, #tpu.memory_space<semaphore_mem>>) src(%arg11 : memref<80x128xf32, #tpu.memory_space<vmem>>) dst(%dma_wait3A_130 : memref<80x128xf32, #tpu.memory_space<hbm>>)
          } else {
          }
          %add3A_109 = arith.constant 1 : i32
          %add3A_110 = arith.addi %add3A_74, %add3A_109 : i32
          %dma_start3A_111 = arith.constant 0 : i32
          %dma_start3A_112 = tpu.memref_slice %arg7[%add3A_110, %dma_start3A_111] : memref<125x80xi32, #tpu.memory_space<vmem>> -> memref<1x80xi32, #tpu.memory_space<vmem>>
          %dma_start3A_113 = tpu.memref_squeeze %dma_start3A_112 : memref<1x80xi32, #tpu.memory_space<vmem>> -> memref<80xi32, #tpu.memory_space<vmem>>
          %dma_start3A_114 = arith.constant 0 : i32
          %dma_start3A_115 = arith.constant 0 : i32
          %dma_start3A_116 = tpu.memref_slice %arg2[%dma_start3A_114, %dma_start3A_115] : memref<10000x128xf32, #tpu.memory_space<hbm>> -> memref<10000x128xf32, #tpu.memory_space<hbm>>
          tpu.enqueue_indirect_dma source(%dma_start3A_116 : memref<10000x128xf32, #tpu.memory_space<hbm>>) target(%arg9 : memref<80x128xf32, #tpu.memory_space<vmem>>) offsets(%dma_start3A_113 : memref<80xi32, #tpu.memory_space<vmem>>) semaphore(%arg13 : memref<!tpu.dma_semaphore, #tpu.memory_space<semaphore_mem>>)
          %dma_start3A_117 = arith.constant 0 : i32
          %dma_start3A_118 = tpu.memref_slice %arg8[%add3A_110, %dma_start3A_117] : memref<125x80xi32, #tpu.memory_space<vmem>> -> memref<1x80xi32, #tpu.memory_space<vmem>>
          %dma_start3A_119 = tpu.memref_squeeze %dma_start3A_118 : memref<1x80xi32, #tpu.memory_space<vmem>> -> memref<80xi32, #tpu.memory_space<vmem>>
          %dma_start3A_120 = arith.constant 0 : i32
          %dma_start3A_121 = arith.constant 0 : i32
          %dma_start3A_122 = tpu.memref_slice %arg2[%dma_start3A_120, %dma_start3A_121] : memref<10000x128xf32, #tpu.memory_space<hbm>> -> memref<10000x128xf32, #tpu.memory_space<hbm>>
          tpu.enqueue_indirect_dma source(%dma_start3A_122 : memref<10000x128xf32, #tpu.memory_space<hbm>>) target(%arg11 : memref<80x128xf32, #tpu.memory_space<vmem>>) offsets(%dma_start3A_119 : memref<80xi32, #tpu.memory_space<vmem>>) semaphore(%arg15 : memref<!tpu.dma_semaphore, #tpu.memory_space<semaphore_mem>>)
        } else {
        }
        %dma_wait3A_82 = arith.constant 0 : i32
        %dma_wait3A_83 = tpu.memref_slice %arg7[%add3A_74, %dma_wait3A_82] : memref<125x80xi32, #tpu.memory_space<vmem>> -> memref<1x80xi32, #tpu.memory_space<vmem>>
        %dma_wait3A_84 = tpu.memref_squeeze %dma_wait3A_83 : memref<1x80xi32, #tpu.memory_space<vmem>> -> memref<80xi32, #tpu.memory_space<vmem>>
        %dma_wait3A_85 = arith.constant 0 : i32
        %dma_wait3A_86 = arith.constant 0 : i32
        %dma_wait3A_87 = tpu.memref_slice %arg2[%dma_wait3A_85, %dma_wait3A_86] : memref<10000x128xf32, #tpu.memory_space<hbm>> -> memref<10000x128xf32, #tpu.memory_space<hbm>>
        tpu.wait_indirect_dma semaphore(%arg14 : memref<!tpu.dma_semaphore, #tpu.memory_space<semaphore_mem>>) src(%dma_wait3A_87 : memref<10000x128xf32, #tpu.memory_space<hbm>>) dst(%arg10 : memref<80x128xf32, #tpu.memory_space<vmem>>)
        %dma_wait3A_88 = arith.constant 0 : i32
        %dma_wait3A_89 = tpu.memref_slice %arg8[%add3A_74, %dma_wait3A_88] : memref<125x80xi32, #tpu.memory_space<vmem>> -> memref<1x80xi32, #tpu.memory_space<vmem>>
        %dma_wait3A_90 = tpu.memref_squeeze %dma_wait3A_89 : memref<1x80xi32, #tpu.memory_space<vmem>> -> memref<80xi32, #tpu.memory_space<vmem>>
        %dma_wait3A_91 = arith.constant 0 : i32
        %dma_wait3A_92 = arith.constant 0 : i32
        %dma_wait3A_93 = tpu.memref_slice %arg2[%dma_wait3A_91, %dma_wait3A_92] : memref<10000x128xf32, #tpu.memory_space<hbm>> -> memref<10000x128xf32, #tpu.memory_space<hbm>>
        tpu.wait_indirect_dma semaphore(%arg16 : memref<!tpu.dma_semaphore, #tpu.memory_space<semaphore_mem>>) src(%dma_wait3A_93 : memref<10000x128xf32, #tpu.memory_space<hbm>>) dst(%arg12 : memref<80x128xf32, #tpu.memory_space<vmem>>)
        %mul3A_94 = arith.constant 80 : i32
        %mul3A_95 = arith.muli %add3A_74, %mul3A_94 : i32
        %add3A_96 = arith.addi %mul3A_2, %mul3A_95 : i32
        %dma_start3A_97 = arith.constant 0 : i32
        %dma_start3A_98 = tpu.memref_slice %arg5[%add3A_96, %dma_start3A_97] : memref<320000x128xf32, #tpu.memory_space<hbm>> -> memref<80x128xf32, #tpu.memory_space<hbm>>
        %dma_start3A_99 = arith.constant 0 : i32
        %dma_start3A_100 = tpu.memref_slice %arg5[%add3A_96, %dma_start3A_99] : memref<320000x128xf32, #tpu.memory_space<hbm>> -> memref<80x128xf32, #tpu.memory_space<hbm>>
        tpu.enqueue_dma source(%arg10 : memref<80x128xf32, #tpu.memory_space<vmem>>) target(%dma_start3A_100 : memref<80x128xf32, #tpu.memory_space<hbm>>) target_semaphore(%arg18 : memref<!tpu.dma_semaphore, #tpu.memory_space<semaphore_mem>>)
        %dma_start3A_101 = arith.constant 0 : i32
        %dma_start3A_102 = tpu.memref_slice %arg6[%add3A_96, %dma_start3A_101] : memref<320000x128xf32, #tpu.memory_space<hbm>> -> memref<80x128xf32, #tpu.memory_space<hbm>>
        %dma_start3A_103 = arith.constant 0 : i32
        %dma_start3A_104 = tpu.memref_slice %arg6[%add3A_96, %dma_start3A_103] : memref<320000x128xf32, #tpu.memory_space<hbm>> -> memref<80x128xf32, #tpu.memory_space<hbm>>
        tpu.enqueue_dma source(%arg12 : memref<80x128xf32, #tpu.memory_space<vmem>>) target(%dma_start3A_104 : memref<80x128xf32, #tpu.memory_space<hbm>>) target_semaphore(%arg20 : memref<!tpu.dma_semaphore, #tpu.memory_space<semaphore_mem>>)
      } else {
      }
    }
    %scan3A_20 = arith.constant 63 : i32
    %dma_wait3A = arith.constant 0 : i32
    %dma_wait3A_21 = tpu.memref_slice %arg5[%mul3A_2, %dma_wait3A] : memref<320000x128xf32, #tpu.memory_space<hbm>> -> memref<80x128xf32, #tpu.memory_space<hbm>>
    %dma_wait3A_22 = arith.constant 0 : i32
    %dma_wait3A_23 = tpu.memref_slice %arg5[%mul3A_2, %dma_wait3A_22] : memref<320000x128xf32, #tpu.memory_space<hbm>> -> memref<80x128xf32, #tpu.memory_space<hbm>>
    tpu.wait_dma2 semaphore(%arg17 : memref<!tpu.dma_semaphore, #tpu.memory_space<semaphore_mem>>) src(%arg9 : memref<80x128xf32, #tpu.memory_space<vmem>>) dst(%dma_wait3A_23 : memref<80x128xf32, #tpu.memory_space<hbm>>)
    %dma_wait3A_24 = arith.constant 0 : i32
    %dma_wait3A_25 = tpu.memref_slice %arg6[%mul3A_2, %dma_wait3A_24] : memref<320000x128xf32, #tpu.memory_space<hbm>> -> memref<80x128xf32, #tpu.memory_space<hbm>>
    %dma_wait3A_26 = arith.constant 0 : i32
    %dma_wait3A_27 = tpu.memref_slice %arg6[%mul3A_2, %dma_wait3A_26] : memref<320000x128xf32, #tpu.memory_space<hbm>> -> memref<80x128xf32, #tpu.memory_space<hbm>>
    tpu.wait_dma2 semaphore(%arg19 : memref<!tpu.dma_semaphore, #tpu.memory_space<semaphore_mem>>) src(%arg11 : memref<80x128xf32, #tpu.memory_space<vmem>>) dst(%dma_wait3A_27 : memref<80x128xf32, #tpu.memory_space<hbm>>)
    %dma_wait3A_28 = arith.constant 0 : i32
    %dma_wait3A_29 = tpu.memref_slice %arg5[%mul3A_2, %dma_wait3A_28] : memref<320000x128xf32, #tpu.memory_space<hbm>> -> memref<80x128xf32, #tpu.memory_space<hbm>>
    %dma_wait3A_30 = arith.constant 0 : i32
    %dma_wait3A_31 = tpu.memref_slice %arg5[%mul3A_2, %dma_wait3A_30] : memref<320000x128xf32, #tpu.memory_space<hbm>> -> memref<80x128xf32, #tpu.memory_space<hbm>>
    tpu.wait_dma2 semaphore(%arg18 : memref<!tpu.dma_semaphore, #tpu.memory_space<semaphore_mem>>) src(%arg10 : memref<80x128xf32, #tpu.memory_space<vmem>>) dst(%dma_wait3A_31 : memref<80x128xf32, #tpu.memory_space<hbm>>)
    %dma_wait3A_32 = arith.constant 0 : i32
    %dma_wait3A_33 = tpu.memref_slice %arg6[%mul3A_2, %dma_wait3A_32] : memref<320000x128xf32, #tpu.memory_space<hbm>> -> memref<80x128xf32, #tpu.memory_space<hbm>>
    %dma_wait3A_34 = arith.constant 0 : i32
    %dma_wait3A_35 = tpu.memref_slice %arg6[%mul3A_2, %dma_wait3A_34] : memref<320000x128xf32, #tpu.memory_space<hbm>> -> memref<80x128xf32, #tpu.memory_space<hbm>>
    tpu.wait_dma2 semaphore(%arg20 : memref<!tpu.dma_semaphore, #tpu.memory_space<semaphore_mem>>) src(%arg12 : memref<80x128xf32, #tpu.memory_space<vmem>>) dst(%dma_wait3A_35 : memref<80x128xf32, #tpu.memory_space<hbm>>)
    return
  }
}

#map = affine_map<(d0, d1) -> (0, 0)>
#map1 = affine_map<(d0, d1) -> (0, 0, 0)>
module attributes {stable_mosaic.version = 14 : i64} {
  func.func @_sc_scatter_body(%arg0: i32, %arg1: i32, %arg2: memref<320000x128xf32, #tpu.memory_space<hbm>>, %arg3: memref<32x125x80xi32, #tpu.memory_space<hbm>>, %arg4: memref<640x128xf32, #tpu.memory_space<hbm>>, %arg5: memref<2x10240x128xf32, #tpu.memory_space<hbm>>, %arg6: memref<10240x128xf32, #tpu.memory_space<vmem_shared>>, %arg7: memref<125x80xi32, #tpu.memory_space<vmem>>, %arg8: memref<80x128xf32, #tpu.memory_space<vmem>>, %arg9: memref<80x128xf32, #tpu.memory_space<vmem>>, %arg10: memref<!tpu.dma_semaphore, #tpu.memory_space<semaphore_mem>>, %arg11: memref<!tpu.dma_semaphore, #tpu.memory_space<semaphore_mem>>, %arg12: memref<!tpu.dma_semaphore, #tpu.memory_space<semaphore_mem>>, %arg13: memref<!tpu.dma_semaphore, #tpu.memory_space<semaphore_mem>>) attributes {dimension_semantics = [#tpu.dimension_semantics<core_parallel>, #tpu.dimension_semantics<subcore_parallel>], iteration_bounds = array<i64: 2, 16>, scalar_prefetch = 0 : i64, scratch_operands = 8 : i64, tpu.core_type = #tpu.core_type<sc_vector_subcore>, window_params = [{transform_indices = #map}, {transform_indices = #map1}, {transform_indices = #map}, {transform_indices = #map1}]} {
    %mul3A = arith.constant 2 : i32
    %mul3A_0 = arith.muli %arg1, %mul3A : i32
    %add3A = arith.addi %mul3A_0, %arg0 : i32
    %mul3A_1 = arith.constant 10000 : i32
    %mul3A_2 = arith.muli %add3A, %mul3A_1 : i32
    %mul3A_3 = arith.constant 640 : i32
    %mul3A_4 = arith.muli %arg1, %mul3A_3 : i32
    "tpu.region"() ({
      %run_scoped3A = tpu.sem_alloc : memref<!tpu.dma_semaphore, #tpu.memory_space<semaphore_mem>>
      %dma_start3A_33 = arith.constant 0 : i32
      %dma_start3A_34 = tpu.memref_slice %arg6[%mul3A_4, %dma_start3A_33] : memref<10240x128xf32, #tpu.memory_space<vmem_shared>> -> memref<640x128xf32, #tpu.memory_space<vmem_shared>>
      %dma_start3A_35 = arith.constant 0 : i32
      %dma_start3A_36 = arith.constant 0 : i32
      %dma_start3A_37 = tpu.memref_slice %arg4[%dma_start3A_35, %dma_start3A_36] : memref<640x128xf32, #tpu.memory_space<hbm>> -> memref<640x128xf32, #tpu.memory_space<hbm>>
      tpu.enqueue_dma source(%dma_start3A_37 : memref<640x128xf32, #tpu.memory_space<hbm>>) target(%dma_start3A_34 : memref<640x128xf32, #tpu.memory_space<vmem_shared>>) target_semaphore(%run_scoped3A : memref<!tpu.dma_semaphore, #tpu.memory_space<semaphore_mem>>)
      %dma_wait3A_38 = arith.constant 0 : i32
      %dma_wait3A_39 = tpu.memref_slice %arg6[%mul3A_4, %dma_wait3A_38] : memref<10240x128xf32, #tpu.memory_space<vmem_shared>> -> memref<640x128xf32, #tpu.memory_space<vmem_shared>>
      %dma_wait3A_40 = arith.constant 0 : i32
      %dma_wait3A_41 = arith.constant 0 : i32
      %dma_wait3A_42 = tpu.memref_slice %arg4[%dma_wait3A_40, %dma_wait3A_41] : memref<640x128xf32, #tpu.memory_space<hbm>> -> memref<640x128xf32, #tpu.memory_space<hbm>>
      tpu.wait_dma2 semaphore(%run_scoped3A : memref<!tpu.dma_semaphore, #tpu.memory_space<semaphore_mem>>) src(%dma_wait3A_42 : memref<640x128xf32, #tpu.memory_space<hbm>>) dst(%dma_wait3A_39 : memref<640x128xf32, #tpu.memory_space<vmem_shared>>)
      tpu.yield
    }) : () -> ()
    "tpu.region"() ({
      %run_scoped3A = tpu.sem_alloc : memref<!tpu.dma_semaphore, #tpu.memory_space<semaphore_mem>>
      %dma_start3A_33 = arith.constant 0 : i32
      %dma_start3A_34 = arith.constant 0 : i32
      %dma_start3A_35 = tpu.memref_slice %arg3[%add3A, %dma_start3A_33, %dma_start3A_34] : memref<32x125x80xi32, #tpu.memory_space<hbm>> -> memref<1x125x80xi32, #tpu.memory_space<hbm>>
      %dma_start3A_36 = tpu.memref_squeeze %dma_start3A_35 : memref<1x125x80xi32, #tpu.memory_space<hbm>> -> memref<125x80xi32, #tpu.memory_space<hbm>>
      %dma_start3A_37 = arith.constant 0 : i32
      %dma_start3A_38 = arith.constant 0 : i32
      %dma_start3A_39 = tpu.memref_slice %arg3[%add3A, %dma_start3A_37, %dma_start3A_38] : memref<32x125x80xi32, #tpu.memory_space<hbm>> -> memref<1x125x80xi32, #tpu.memory_space<hbm>>
      %dma_start3A_40 = tpu.memref_squeeze %dma_start3A_39 : memref<1x125x80xi32, #tpu.memory_space<hbm>> -> memref<125x80xi32, #tpu.memory_space<hbm>>
      tpu.enqueue_dma source(%dma_start3A_40 : memref<125x80xi32, #tpu.memory_space<hbm>>) target(%arg7 : memref<125x80xi32, #tpu.memory_space<vmem>>) target_semaphore(%run_scoped3A : memref<!tpu.dma_semaphore, #tpu.memory_space<semaphore_mem>>)
      %dma_wait3A_41 = arith.constant 0 : i32
      %dma_wait3A_42 = arith.constant 0 : i32
      %dma_wait3A_43 = tpu.memref_slice %arg3[%add3A, %dma_wait3A_41, %dma_wait3A_42] : memref<32x125x80xi32, #tpu.memory_space<hbm>> -> memref<1x125x80xi32, #tpu.memory_space<hbm>>
      %dma_wait3A_44 = tpu.memref_squeeze %dma_wait3A_43 : memref<1x125x80xi32, #tpu.memory_space<hbm>> -> memref<125x80xi32, #tpu.memory_space<hbm>>
      %dma_wait3A_45 = arith.constant 0 : i32
      %dma_wait3A_46 = arith.constant 0 : i32
      %dma_wait3A_47 = tpu.memref_slice %arg3[%add3A, %dma_wait3A_45, %dma_wait3A_46] : memref<32x125x80xi32, #tpu.memory_space<hbm>> -> memref<1x125x80xi32, #tpu.memory_space<hbm>>
      %dma_wait3A_48 = tpu.memref_squeeze %dma_wait3A_47 : memref<1x125x80xi32, #tpu.memory_space<hbm>> -> memref<125x80xi32, #tpu.memory_space<hbm>>
      tpu.wait_dma2 semaphore(%run_scoped3A : memref<!tpu.dma_semaphore, #tpu.memory_space<semaphore_mem>>) src(%dma_wait3A_48 : memref<125x80xi32, #tpu.memory_space<hbm>>) dst(%arg7 : memref<125x80xi32, #tpu.memory_space<vmem>>)
      tpu.yield
    }) : () -> ()
    %barrier3A = arith.constant 0 : index
    tpu.barrier barrier_id(%barrier3A)
    %add3A_5 = arith.constant 0 : i32
    %add3A_6 = arith.addi %mul3A_2, %add3A_5 : i32
    %dma_start3A = arith.constant 0 : i32
    %dma_start3A_7 = tpu.memref_slice %arg2[%add3A_6, %dma_start3A] : memref<320000x128xf32, #tpu.memory_space<hbm>> -> memref<80x128xf32, #tpu.memory_space<hbm>>
    %dma_start3A_8 = arith.constant 0 : i32
    %dma_start3A_9 = tpu.memref_slice %arg2[%add3A_6, %dma_start3A_8] : memref<320000x128xf32, #tpu.memory_space<hbm>> -> memref<80x128xf32, #tpu.memory_space<hbm>>
    tpu.enqueue_dma source(%dma_start3A_9 : memref<80x128xf32, #tpu.memory_space<hbm>>) target(%arg8 : memref<80x128xf32, #tpu.memory_space<vmem>>) target_semaphore(%arg10 : memref<!tpu.dma_semaphore, #tpu.memory_space<semaphore_mem>>)
    %scan3A = arith.constant 0 : i32
    %scan3A_10 = arith.constant 0 : i32
    %scan3A_11 = arith.constant 63 : i32
    %scan3A_12 = arith.addi %scan3A_10, %scan3A_11 : i32
    %scan3A_13 = arith.constant 1 : i32
    scf.for %scan3A_33 = %scan3A_10 to %scan3A_12 step %scan3A_13  : i32 {
      %mul3A_34 = arith.constant 2 : i32
      %mul3A_35 = arith.muli %scan3A_33, %mul3A_34 : i32
      %add3A_36 = arith.constant 1 : i32
      %add3A_37 = arith.addi %mul3A_35, %add3A_36 : i32
      %lt3A = arith.constant 125 : i32
      %lt3A_38 = arith.cmpi slt, %add3A_37, %lt3A : i32
      %convert_element_type3A = arith.extui %lt3A_38 : i1 to i32
      %cond3A = arith.constant 0 : i32
      %cond3A_39 = arith.cmpi ne, %convert_element_type3A, %cond3A : i32
      scf.if %cond3A_39 {
        %ge3A = arith.constant 1 : i32
        %ge3A_57 = arith.cmpi sge, %mul3A_35, %ge3A : i32
        %convert_element_type3A_58 = arith.extui %ge3A_57 : i1 to i32
        %cond3A_59 = arith.constant 0 : i32
        %cond3A_60 = arith.cmpi ne, %convert_element_type3A_58, %cond3A_59 : i32
        scf.if %cond3A_60 {
          %dma_wait3A_70 = arith.constant 0 : i32
          %dma_wait3A_71 = arith.constant 0 : i32
          %dma_wait3A_72 = tpu.memref_slice %arg7[%dma_wait3A_70, %dma_wait3A_71] : memref<125x80xi32, #tpu.memory_space<vmem>> -> memref<1x80xi32, #tpu.memory_space<vmem>>
          %dma_wait3A_73 = tpu.memref_squeeze %dma_wait3A_72 : memref<1x80xi32, #tpu.memory_space<vmem>> -> memref<80xi32, #tpu.memory_space<vmem>>
          %dma_wait3A_74 = arith.constant 0 : i32
          %dma_wait3A_75 = arith.constant 0 : i32
          %dma_wait3A_76 = tpu.memref_slice %arg6[%dma_wait3A_74, %dma_wait3A_75] : memref<10240x128xf32, #tpu.memory_space<vmem_shared>> -> memref<10240x128xf32, #tpu.memory_space<vmem_shared>>
          tpu.wait_indirect_dma semaphore(%arg13 : memref<!tpu.dma_semaphore, #tpu.memory_space<semaphore_mem>>) src(%arg9 : memref<80x128xf32, #tpu.memory_space<vmem>>) dst(%dma_wait3A_76 : memref<10240x128xf32, #tpu.memory_space<vmem_shared>>)
        } else {
        }
        %add3A_61 = arith.constant 1 : i32
        %add3A_62 = arith.addi %mul3A_35, %add3A_61 : i32
        %mul3A_63 = arith.constant 80 : i32
        %mul3A_64 = arith.muli %add3A_62, %mul3A_63 : i32
        %add3A_65 = arith.addi %mul3A_2, %mul3A_64 : i32
        %dma_start3A_66 = arith.constant 0 : i32
        %dma_start3A_67 = tpu.memref_slice %arg2[%add3A_65, %dma_start3A_66] : memref<320000x128xf32, #tpu.memory_space<hbm>> -> memref<80x128xf32, #tpu.memory_space<hbm>>
        %dma_start3A_68 = arith.constant 0 : i32
        %dma_start3A_69 = tpu.memref_slice %arg2[%add3A_65, %dma_start3A_68] : memref<320000x128xf32, #tpu.memory_space<hbm>> -> memref<80x128xf32, #tpu.memory_space<hbm>>
        tpu.enqueue_dma source(%dma_start3A_69 : memref<80x128xf32, #tpu.memory_space<hbm>>) target(%arg9 : memref<80x128xf32, #tpu.memory_space<vmem>>) target_semaphore(%arg11 : memref<!tpu.dma_semaphore, #tpu.memory_space<semaphore_mem>>)
      } else {
      }
      %dma_wait3A_40 = arith.constant 0 : i32
      %dma_wait3A_41 = tpu.memref_slice %arg2[%mul3A_2, %dma_wait3A_40] : memref<320000x128xf32, #tpu.memory_space<hbm>> -> memref<80x128xf32, #tpu.memory_space<hbm>>
      %dma_wait3A_42 = arith.constant 0 : i32
      %dma_wait3A_43 = tpu.memref_slice %arg2[%mul3A_2, %dma_wait3A_42] : memref<320000x128xf32, #tpu.memory_space<hbm>> -> memref<80x128xf32, #tpu.memory_space<hbm>>
      tpu.wait_dma2 semaphore(%arg10 : memref<!tpu.dma_semaphore, #tpu.memory_space<semaphore_mem>>) src(%dma_wait3A_43 : memref<80x128xf32, #tpu.memory_space<hbm>>) dst(%arg8 : memref<80x128xf32, #tpu.memory_space<vmem>>)
      %dma_start3A_44 = arith.constant 0 : i32
      %dma_start3A_45 = tpu.memref_slice %arg7[%mul3A_35, %dma_start3A_44] : memref<125x80xi32, #tpu.memory_space<vmem>> -> memref<1x80xi32, #tpu.memory_space<vmem>>
      %dma_start3A_46 = tpu.memref_squeeze %dma_start3A_45 : memref<1x80xi32, #tpu.memory_space<vmem>> -> memref<80xi32, #tpu.memory_space<vmem>>
      %dma_start3A_47 = arith.constant 0 : i32
      %dma_start3A_48 = arith.constant 0 : i32
      %dma_start3A_49 = tpu.memref_slice %arg6[%dma_start3A_47, %dma_start3A_48] : memref<10240x128xf32, #tpu.memory_space<vmem_shared>> -> memref<10240x128xf32, #tpu.memory_space<vmem_shared>>
      tpu.enqueue_indirect_dma source(%arg8 : memref<80x128xf32, #tpu.memory_space<vmem>>) target(%dma_start3A_49 : memref<10240x128xf32, #tpu.memory_space<vmem_shared>>) offsets(%dma_start3A_46 : memref<80xi32, #tpu.memory_space<vmem>>) semaphore(%arg12 : memref<!tpu.dma_semaphore, #tpu.memory_space<semaphore_mem>>) {add = true}
      %add3A_50 = arith.constant 1 : i32
      %add3A_51 = arith.addi %mul3A_35, %add3A_50 : i32
      %lt3A_52 = arith.constant 125 : i32
      %lt3A_53 = arith.cmpi slt, %add3A_51, %lt3A_52 : i32
      %convert_element_type3A_54 = arith.extui %lt3A_53 : i1 to i32
      %cond3A_55 = arith.constant 0 : i32
      %cond3A_56 = arith.cmpi ne, %convert_element_type3A_54, %cond3A_55 : i32
      scf.if %cond3A_56 {
        %add3A_57 = arith.constant 1 : i32
        %add3A_58 = arith.addi %mul3A_35, %add3A_57 : i32
        %add3A_59 = arith.constant 1 : i32
        %add3A_60 = arith.addi %add3A_58, %add3A_59 : i32
        %lt3A_61 = arith.constant 125 : i32
        %lt3A_62 = arith.cmpi slt, %add3A_60, %lt3A_61 : i32
        %convert_element_type3A_63 = arith.extui %lt3A_62 : i1 to i32
        %cond3A_64 = arith.constant 0 : i32
        %cond3A_65 = arith.cmpi ne, %convert_element_type3A_63, %cond3A_64 : i32
        scf.if %cond3A_65 {
          %ge3A = arith.constant 1 : i32
          %ge3A_76 = arith.cmpi sge, %add3A_58, %ge3A : i32
          %convert_element_type3A_77 = arith.extui %ge3A_76 : i1 to i32
          %cond3A_78 = arith.constant 0 : i32
          %cond3A_79 = arith.cmpi ne, %convert_element_type3A_77, %cond3A_78 : i32
          scf.if %cond3A_79 {
            %dma_wait3A_89 = arith.constant 0 : i32
            %dma_wait3A_90 = arith.constant 0 : i32
            %dma_wait3A_91 = tpu.memref_slice %arg7[%dma_wait3A_89, %dma_wait3A_90] : memref<125x80xi32, #tpu.memory_space<vmem>> -> memref<1x80xi32, #tpu.memory_space<vmem>>
            %dma_wait3A_92 = tpu.memref_squeeze %dma_wait3A_91 : memref<1x80xi32, #tpu.memory_space<vmem>> -> memref<80xi32, #tpu.memory_space<vmem>>
            %dma_wait3A_93 = arith.constant 0 : i32
            %dma_wait3A_94 = arith.constant 0 : i32
            %dma_wait3A_95 = tpu.memref_slice %arg6[%dma_wait3A_93, %dma_wait3A_94] : memref<10240x128xf32, #tpu.memory_space<vmem_shared>> -> memref<10240x128xf32, #tpu.memory_space<vmem_shared>>
            tpu.wait_indirect_dma semaphore(%arg12 : memref<!tpu.dma_semaphore, #tpu.memory_space<semaphore_mem>>) src(%arg8 : memref<80x128xf32, #tpu.memory_space<vmem>>) dst(%dma_wait3A_95 : memref<10240x128xf32, #tpu.memory_space<vmem_shared>>)
          } else {
          }
          %add3A_80 = arith.constant 1 : i32
          %add3A_81 = arith.addi %add3A_58, %add3A_80 : i32
          %mul3A_82 = arith.constant 80 : i32
          %mul3A_83 = arith.muli %add3A_81, %mul3A_82 : i32
          %add3A_84 = arith.addi %mul3A_2, %mul3A_83 : i32
          %dma_start3A_85 = arith.constant 0 : i32
          %dma_start3A_86 = tpu.memref_slice %arg2[%add3A_84, %dma_start3A_85] : memref<320000x128xf32, #tpu.memory_space<hbm>> -> memref<80x128xf32, #tpu.memory_space<hbm>>
          %dma_start3A_87 = arith.constant 0 : i32
          %dma_start3A_88 = tpu.memref_slice %arg2[%add3A_84, %dma_start3A_87] : memref<320000x128xf32, #tpu.memory_space<hbm>> -> memref<80x128xf32, #tpu.memory_space<hbm>>
          tpu.enqueue_dma source(%dma_start3A_88 : memref<80x128xf32, #tpu.memory_space<hbm>>) target(%arg8 : memref<80x128xf32, #tpu.memory_space<vmem>>) target_semaphore(%arg10 : memref<!tpu.dma_semaphore, #tpu.memory_space<semaphore_mem>>)
        } else {
        }
        %dma_wait3A_66 = arith.constant 0 : i32
        %dma_wait3A_67 = tpu.memref_slice %arg2[%mul3A_2, %dma_wait3A_66] : memref<320000x128xf32, #tpu.memory_space<hbm>> -> memref<80x128xf32, #tpu.memory_space<hbm>>
        %dma_wait3A_68 = arith.constant 0 : i32
        %dma_wait3A_69 = tpu.memref_slice %arg2[%mul3A_2, %dma_wait3A_68] : memref<320000x128xf32, #tpu.memory_space<hbm>> -> memref<80x128xf32, #tpu.memory_space<hbm>>
        tpu.wait_dma2 semaphore(%arg11 : memref<!tpu.dma_semaphore, #tpu.memory_space<semaphore_mem>>) src(%dma_wait3A_69 : memref<80x128xf32, #tpu.memory_space<hbm>>) dst(%arg9 : memref<80x128xf32, #tpu.memory_space<vmem>>)
        %dma_start3A_70 = arith.constant 0 : i32
        %dma_start3A_71 = tpu.memref_slice %arg7[%add3A_58, %dma_start3A_70] : memref<125x80xi32, #tpu.memory_space<vmem>> -> memref<1x80xi32, #tpu.memory_space<vmem>>
        %dma_start3A_72 = tpu.memref_squeeze %dma_start3A_71 : memref<1x80xi32, #tpu.memory_space<vmem>> -> memref<80xi32, #tpu.memory_space<vmem>>
        %dma_start3A_73 = arith.constant 0 : i32
        %dma_start3A_74 = arith.constant 0 : i32
        %dma_start3A_75 = tpu.memref_slice %arg6[%dma_start3A_73, %dma_start3A_74] : memref<10240x128xf32, #tpu.memory_space<vmem_shared>> -> memref<10240x128xf32, #tpu.memory_space<vmem_shared>>
        tpu.enqueue_indirect_dma source(%arg9 : memref<80x128xf32, #tpu.memory_space<vmem>>) target(%dma_start3A_75 : memref<10240x128xf32, #tpu.memory_space<vmem_shared>>) offsets(%dma_start3A_72 : memref<80xi32, #tpu.memory_space<vmem>>) semaphore(%arg13 : memref<!tpu.dma_semaphore, #tpu.memory_space<semaphore_mem>>) {add = true}
      } else {
      }
    }
    %scan3A_14 = arith.constant 63 : i32
    %dma_wait3A = arith.constant 0 : i32
    %dma_wait3A_15 = arith.constant 0 : i32
    %dma_wait3A_16 = tpu.memref_slice %arg7[%dma_wait3A, %dma_wait3A_15] : memref<125x80xi32, #tpu.memory_space<vmem>> -> memref<1x80xi32, #tpu.memory_space<vmem>>
    %dma_wait3A_17 = tpu.memref_squeeze %dma_wait3A_16 : memref<1x80xi32, #tpu.memory_space<vmem>> -> memref<80xi32, #tpu.memory_space<vmem>>
    %dma_wait3A_18 = arith.constant 0 : i32
    %dma_wait3A_19 = arith.constant 0 : i32
    %dma_wait3A_20 = tpu.memref_slice %arg6[%dma_wait3A_18, %dma_wait3A_19] : memref<10240x128xf32, #tpu.memory_space<vmem_shared>> -> memref<10240x128xf32, #tpu.memory_space<vmem_shared>>
    tpu.wait_indirect_dma semaphore(%arg12 : memref<!tpu.dma_semaphore, #tpu.memory_space<semaphore_mem>>) src(%arg8 : memref<80x128xf32, #tpu.memory_space<vmem>>) dst(%dma_wait3A_20 : memref<10240x128xf32, #tpu.memory_space<vmem_shared>>)
    %dma_wait3A_21 = arith.constant 0 : i32
    %dma_wait3A_22 = arith.constant 0 : i32
    %dma_wait3A_23 = tpu.memref_slice %arg7[%dma_wait3A_21, %dma_wait3A_22] : memref<125x80xi32, #tpu.memory_space<vmem>> -> memref<1x80xi32, #tpu.memory_space<vmem>>
    %dma_wait3A_24 = tpu.memref_squeeze %dma_wait3A_23 : memref<1x80xi32, #tpu.memory_space<vmem>> -> memref<80xi32, #tpu.memory_space<vmem>>
    %dma_wait3A_25 = arith.constant 0 : i32
    %dma_wait3A_26 = arith.constant 0 : i32
    %dma_wait3A_27 = tpu.memref_slice %arg6[%dma_wait3A_25, %dma_wait3A_26] : memref<10240x128xf32, #tpu.memory_space<vmem_shared>> -> memref<10240x128xf32, #tpu.memory_space<vmem_shared>>
    tpu.wait_indirect_dma semaphore(%arg13 : memref<!tpu.dma_semaphore, #tpu.memory_space<semaphore_mem>>) src(%arg9 : memref<80x128xf32, #tpu.memory_space<vmem>>) dst(%dma_wait3A_27 : memref<10240x128xf32, #tpu.memory_space<vmem_shared>>)
    %barrier3A_28 = arith.constant 0 : index
    tpu.barrier barrier_id(%barrier3A_28)
    %mul3A_29 = arith.constant 640 : i32
    %mul3A_30 = arith.muli %arg1, %mul3A_29 : i32
    %mul3A_31 = arith.constant 640 : i32
    %mul3A_32 = arith.muli %arg1, %mul3A_31 : i32
    "tpu.region"() ({
      %run_scoped3A = tpu.sem_alloc : memref<!tpu.dma_semaphore, #tpu.memory_space<semaphore_mem>>
      %dma_start3A_33 = arith.constant 0 : i32
      %dma_start3A_34 = tpu.memref_slice %arg5[%arg0, %mul3A_32, %dma_start3A_33] : memref<2x10240x128xf32, #tpu.memory_space<hbm>> -> memref<1x640x128xf32, #tpu.memory_space<hbm>>
      %dma_start3A_35 = tpu.memref_squeeze %dma_start3A_34 : memref<1x640x128xf32, #tpu.memory_space<hbm>> -> memref<640x128xf32, #tpu.memory_space<hbm>>
      %dma_start3A_36 = arith.constant 0 : i32
      %dma_start3A_37 = tpu.memref_slice %arg6[%mul3A_30, %dma_start3A_36] : memref<10240x128xf32, #tpu.memory_space<vmem_shared>> -> memref<640x128xf32, #tpu.memory_space<vmem_shared>>
      tpu.enqueue_dma source(%dma_start3A_37 : memref<640x128xf32, #tpu.memory_space<vmem_shared>>) target(%dma_start3A_35 : memref<640x128xf32, #tpu.memory_space<hbm>>) target_semaphore(%run_scoped3A : memref<!tpu.dma_semaphore, #tpu.memory_space<semaphore_mem>>)
      %dma_wait3A_38 = arith.constant 0 : i32
      %dma_wait3A_39 = tpu.memref_slice %arg5[%arg0, %mul3A_32, %dma_wait3A_38] : memref<2x10240x128xf32, #tpu.memory_space<hbm>> -> memref<1x640x128xf32, #tpu.memory_space<hbm>>
      %dma_wait3A_40 = tpu.memref_squeeze %dma_wait3A_39 : memref<1x640x128xf32, #tpu.memory_space<hbm>> -> memref<640x128xf32, #tpu.memory_space<hbm>>
      %dma_wait3A_41 = arith.constant 0 : i32
      %dma_wait3A_42 = tpu.memref_slice %arg6[%mul3A_30, %dma_wait3A_41] : memref<10240x128xf32, #tpu.memory_space<vmem_shared>> -> memref<640x128xf32, #tpu.memory_space<vmem_shared>>
      tpu.wait_dma2 semaphore(%run_scoped3A : memref<!tpu.dma_semaphore, #tpu.memory_space<semaphore_mem>>) src(%dma_wait3A_42 : memref<640x128xf32, #tpu.memory_space<vmem_shared>>) dst(%dma_wait3A_40 : memref<640x128xf32, #tpu.memory_space<hbm>>)
      tpu.yield
    }) : () -> ()
    return
  }
}

module attributes {stable_mosaic.version = 14 : i64} {
  func.func @_embed_body(%arg0: i32, %arg1: memref<1x1x1000xi32, #tpu.memory_space<vmem>>, %arg2: memref<10x128xf32, #tpu.memory_space<vmem>>, %arg3: memref<1000x128xf32, #tpu.memory_space<vmem>>) attributes {dimension_semantics = [#tpu.dimension_semantics<arbitrary>], iteration_bounds = array<i64: 10>, scalar_prefetch = 0 : i64, scratch_operands = 0 : i64, tpu.core_type = #tpu.core_type<tc>, window_params = [{transform_indices = @transform_0, window_bounds = array<i64: 1, 1, 1000>}, {pipeline_mode = #tpu.pipeline_mode<synchronous>, transform_indices = @transform_1, window_bounds = array<i64: 10, 128>}, {transform_indices = @transform_2, window_bounds = array<i64: 1000, 128>}]} {
    %get3A = arith.constant 0 : index
    %get3A_0 = arith.constant 0 : index
    %get3A_1 = arith.constant 0 : index
    %get3A_2 = vector.load %arg1[%get3A, %get3A_0, %get3A_1] : memref<1x1x1000xi32, #tpu.memory_space<vmem>>, vector<1x1x1000xi32>
    %get3A_3 = vector.shape_cast %get3A_2 : vector<1x1x1000xi32> to vector<1000xi32>
    %broadcast_in_dim3A = vector.shape_cast %get3A_3 : vector<1000xi32> to vector<1000x1xi32>
    %iota3A = tpu.iota {dimensions = array<i32: 1>} : vector<1000x10xi32>
    %eq3A = vector.broadcast %broadcast_in_dim3A : vector<1000x1xi32> to vector<1000x10xi32>
    %eq3A_4 = arith.cmpi eq, %eq3A, %iota3A : vector<1000x10xi32>
    %convert_element_type3A = arith.extui %eq3A_4 : vector<1000x10xi1> to vector<1000x10xi32>
    %convert_element_type3A_5 = arith.sitofp %convert_element_type3A : vector<1000x10xi32> to vector<1000x10xf32>
    %get3A_6 = arith.constant 0 : index
    %get3A_7 = arith.constant 0 : index
    %get3A_8 = vector.load %arg2[%get3A_6, %get3A_7] : memref<10x128xf32, #tpu.memory_space<vmem>>, vector<10x128xf32>
    %dot_general3A = arith.constant dense<0.000000e+00> : vector<1000x128xf32>
    %dot_general3A_9 = tpu.matmul %convert_element_type3A_5, %get3A_8, %dot_general3A {dimension_numbers = #tpu.dot_dimension_numbers<[1], [0], [0], [1], [0, 0, 1, 1], [], []>, precision = #tpu.contract_precision<fp32>, transpose_lhs_hint = false} : vector<1000x10xf32>, vector<10x128xf32>, vector<1000x128xf32> -> vector<1000x128xf32>
    %swap3A = arith.constant 0 : index
    %swap3A_10 = arith.constant 0 : index
    %swap3A_11 = vector.load %arg3[%swap3A, %swap3A_10] : memref<1000x128xf32, #tpu.memory_space<vmem>>, vector<1000x128xf32>
    tpu.vector_store %arg3[%swap3A, %swap3A_10], %dot_general3A_9 {strides = array<i32>} : memref<1000x128xf32, #tpu.memory_space<vmem>>, vector<1000x128xf32>,
    return
  }
  func.func @transform_0(%arg0: i32) -> (i32, i32, i32) {
    %c0_i32 = arith.constant 0 : i32
    %c0_i32_0 = arith.constant 0 : i32
    %c0_i32_1 = arith.constant 0 : i32
    return %arg0, %c0_i32, %c0_i32_0 : i32, i32, i32
  }
  func.func @transform_1(%arg0: i32) -> (i32, i32) {
    %c0_i32 = arith.constant 0 : i32
    %c0_i32_0 = arith.constant 0 : i32
    %c0_i32_1 = arith.constant 0 : i32
    return %c0_i32, %c0_i32_0 : i32, i32
  }
  func.func @transform_2(%arg0: i32) -> (i32, i32) {
    %c0_i32 = arith.constant 0 : i32
    %c0_i32_0 = arith.constant 0 : i32
    return %arg0, %c0_i32 : i32, i32
  }
}

module attributes {stable_mosaic.version = 14 : i64} {
  func.func @_edge_body(%arg0: i32, %arg1: memref<1000x128xf32, #tpu.memory_space<vmem>>, %arg2: memref<1000x128xf32, #tpu.memory_space<vmem>>, %arg3: memref<1x1x1000xi32, #tpu.memory_space<vmem>>, %arg4: memref<4x128xf32, #tpu.memory_space<vmem>>, %arg5: memref<128x256xf32, #tpu.memory_space<vmem>>, %arg6: memref<1x256xf32, #tpu.memory_space<vmem>>, %arg7: memref<128x256xf32, #tpu.memory_space<vmem>>, %arg8: memref<128x256xf32, #tpu.memory_space<vmem>>, %arg9: memref<128x128xf32, #tpu.memory_space<vmem>>, %arg10: memref<1x128xf32, #tpu.memory_space<vmem>>, %arg11: memref<1x128xf32, #tpu.memory_space<vmem>>, %arg12: memref<1x1xf32, #tpu.memory_space<vmem>>, %arg13: memref<1000x128xf32, #tpu.memory_space<vmem>>) attributes {dimension_semantics = [#tpu.dimension_semantics<arbitrary>], iteration_bounds = array<i64: 320>, scalar_prefetch = 0 : i64, scratch_operands = 0 : i64, tpu.core_type = #tpu.core_type<tc>, window_params = [{transform_indices = @transform_0, window_bounds = array<i64: 1000, 128>}, {transform_indices = @transform_1, window_bounds = array<i64: 1000, 128>}, {transform_indices = @transform_2, window_bounds = array<i64: 1, 1, 1000>}, {pipeline_mode = #tpu.pipeline_mode<synchronous>, transform_indices = @transform_3, window_bounds = array<i64: 4, 128>}, {pipeline_mode = #tpu.pipeline_mode<synchronous>, transform_indices = @transform_4, window_bounds = array<i64: 128, 256>}, {pipeline_mode = #tpu.pipeline_mode<synchronous>, transform_indices = @transform_5, window_bounds = array<i64: 1, 256>}, {pipeline_mode = #tpu.pipeline_mode<synchronous>, transform_indices = @transform_6, window_bounds = array<i64: 128, 256>}, {pipeline_mode = #tpu.pipeline_mode<synchronous>, transform_indices = @transform_7, window_bounds = array<i64: 128, 256>}, {pipeline_mode = #tpu.pipeline_mode<synchronous>, transform_indices = @transform_8, window_bounds = array<i64: 128, 128>}, {pipeline_mode = #tpu.pipeline_mode<synchronous>, transform_indices = @transform_9, window_bounds = array<i64: 1, 128>}, {pipeline_mode = #tpu.pipeline_mode<synchronous>, transform_indices = @transform_10, window_bounds = array<i64: 1, 128>}, {pipeline_mode = #tpu.pipeline_mode<synchronous>, transform_indices = @transform_11, window_bounds = array<i64: 1, 1>}, {transform_indices = @transform_12, window_bounds = array<i64: 1000, 128>}]} {
    %get3A = arith.constant 0 : index
    %get3A_0 = arith.constant 0 : index
    %get3A_1 = vector.load %arg1[%get3A, %get3A_0] : memref<1000x128xf32, #tpu.memory_space<vmem>>, vector<1000x128xf32>
    %get3A_2 = arith.constant 0 : index
    %get3A_3 = arith.constant 0 : index
    %get3A_4 = vector.load %arg2[%get3A_2, %get3A_3] : memref<1000x128xf32, #tpu.memory_space<vmem>>, vector<1000x128xf32>
    %get3A_5 = arith.constant 0 : index
    %get3A_6 = arith.constant 0 : index
    %get3A_7 = arith.constant 0 : index
    %get3A_8 = vector.load %arg3[%get3A_5, %get3A_6, %get3A_7] : memref<1x1x1000xi32, #tpu.memory_space<vmem>>, vector<1x1x1000xi32>
    %get3A_9 = vector.shape_cast %get3A_8 : vector<1x1x1000xi32> to vector<1000xi32>
    %broadcast_in_dim3A = vector.shape_cast %get3A_9 : vector<1000xi32> to vector<1000x1xi32>
    %iota3A = tpu.iota {dimensions = array<i32: 1>} : vector<1000x4xi32>
    %eq3A = vector.broadcast %broadcast_in_dim3A : vector<1000x1xi32> to vector<1000x4xi32>
    %eq3A_10 = arith.cmpi eq, %eq3A, %iota3A : vector<1000x4xi32>
    %convert_element_type3A = arith.extui %eq3A_10 : vector<1000x4xi1> to vector<1000x4xi32>
    %convert_element_type3A_11 = arith.sitofp %convert_element_type3A : vector<1000x4xi32> to vector<1000x4xf32>
    %get3A_12 = arith.constant 0 : index
    %get3A_13 = arith.constant 0 : index
    %get3A_14 = vector.load %arg4[%get3A_12, %get3A_13] : memref<4x128xf32, #tpu.memory_space<vmem>>, vector<4x128xf32>
    %convert_element_type3A_15 = arith.truncf %get3A_14 : vector<4x128xf32> to vector<4x128xbf16>
    %get3A_16 = arith.constant 0 : index
    %get3A_17 = arith.constant 0 : index
    %get3A_18 = vector.load %arg5[%get3A_16, %get3A_17] : memref<128x256xf32, #tpu.memory_space<vmem>>, vector<128x256xf32>
    %convert_element_type3A_19 = arith.truncf %get3A_18 : vector<128x256xf32> to vector<128x256xbf16>
    %dot_general3A = arith.constant dense<0.000000e+00> : vector<4x256xf32>
    %dot_general3A_20 = tpu.matmul %convert_element_type3A_15, %convert_element_type3A_19, %dot_general3A {dimension_numbers = #tpu.dot_dimension_numbers<[1], [0], [0], [1], [0, 0, 1, 1], [], []>, transpose_lhs_hint = false} : vector<4x128xbf16>, vector<128x256xbf16>, vector<4x256xf32> -> vector<4x256xf32>
    %get3A_21 = arith.constant 0 : index
    %get3A_22 = arith.constant 0 : index
    %get3A_23 = vector.load %arg6[%get3A_21, %get3A_22] : memref<1x256xf32, #tpu.memory_space<vmem>>, vector<1x256xf32>
    %add3A = vector.broadcast %get3A_23 : vector<1x256xf32> to vector<4x256xf32>
    %add3A_24 = arith.addf %dot_general3A_20, %add3A : vector<4x256xf32>
    %convert_element_type3A_25 = arith.truncf %get3A_1 : vector<1000x128xf32> to vector<1000x128xbf16>
    %get3A_26 = arith.constant 0 : index
    %get3A_27 = arith.constant 0 : index
    %get3A_28 = vector.load %arg7[%get3A_26, %get3A_27] : memref<128x256xf32, #tpu.memory_space<vmem>>, vector<128x256xf32>
    %convert_element_type3A_29 = arith.truncf %get3A_28 : vector<128x256xf32> to vector<128x256xbf16>
    %dot_general3A_30 = arith.constant dense<0.000000e+00> : vector<1000x256xf32>
    %dot_general3A_31 = tpu.matmul %convert_element_type3A_25, %convert_element_type3A_29, %dot_general3A_30 {dimension_numbers = #tpu.dot_dimension_numbers<[1], [0], [0], [1], [0, 0, 1, 1], [], []>, transpose_lhs_hint = false} : vector<1000x128xbf16>, vector<128x256xbf16>, vector<1000x256xf32> -> vector<1000x256xf32>
    %convert_element_type3A_32 = arith.truncf %get3A_4 : vector<1000x128xf32> to vector<1000x128xbf16>
    %get3A_33 = arith.constant 0 : index
    %get3A_34 = arith.constant 0 : index
    %get3A_35 = vector.load %arg8[%get3A_33, %get3A_34] : memref<128x256xf32, #tpu.memory_space<vmem>>, vector<128x256xf32>
    %convert_element_type3A_36 = arith.truncf %get3A_35 : vector<128x256xf32> to vector<128x256xbf16>
    %dot_general3A_37 = arith.constant dense<0.000000e+00> : vector<1000x256xf32>
    %dot_general3A_38 = tpu.matmul %convert_element_type3A_32, %convert_element_type3A_36, %dot_general3A_37 {dimension_numbers = #tpu.dot_dimension_numbers<[1], [0], [0], [1], [0, 0, 1, 1], [], []>, transpose_lhs_hint = false} : vector<1000x128xbf16>, vector<128x256xbf16>, vector<1000x256xf32> -> vector<1000x256xf32>
    %add3A_39 = arith.addf %dot_general3A_31, %dot_general3A_38 : vector<1000x256xf32>
    %dot_general3A_40 = arith.constant dense<0.000000e+00> : vector<1000x256xf32>
    %dot_general3A_41 = tpu.matmul %convert_element_type3A_11, %add3A_24, %dot_general3A_40 {dimension_numbers = #tpu.dot_dimension_numbers<[1], [0], [0], [1], [0, 0, 1, 1], [], []>, precision = #tpu.contract_precision<fp32>, transpose_lhs_hint = false} : vector<1000x4xf32>, vector<4x256xf32>, vector<1000x256xf32> -> vector<1000x256xf32>
    %add3A_42 = arith.addf %add3A_39, %dot_general3A_41 : vector<1000x256xf32>
    %slice3A = vector.extract_strided_slice %add3A_42 {offsets = [0, 0], sizes = [1000, 128], strides = [1, 1]} : vector<1000x256xf32> to vector<1000x128xf32>
    %max3A = arith.constant 0.000000e+00 : f32
    %max3A_43 = vector.broadcast %max3A : f32 to vector<1000x128xf32>
    %max3A_44 = arith.maximumf %slice3A, %max3A_43 : vector<1000x128xf32>
    %slice3A_45 = vector.extract_strided_slice %add3A_42 {offsets = [0, 128], sizes = [1000, 128], strides = [1, 1]} : vector<1000x256xf32> to vector<1000x128xf32>
    %max3A_46 = arith.constant 0.000000e+00 : f32
    %max3A_47 = vector.broadcast %max3A_46 : f32 to vector<1000x128xf32>
    %max3A_48 = arith.maximumf %slice3A_45, %max3A_47 : vector<1000x128xf32>
    %convert_element_type3A_49 = arith.truncf %max3A_44 : vector<1000x128xf32> to vector<1000x128xbf16>
    %get3A_50 = arith.constant 0 : index
    %get3A_51 = arith.constant 0 : index
    %get3A_52 = vector.load %arg9[%get3A_50, %get3A_51] : memref<128x128xf32, #tpu.memory_space<vmem>>, vector<128x128xf32>
    %convert_element_type3A_53 = arith.truncf %get3A_52 : vector<128x128xf32> to vector<128x128xbf16>
    %dot_general3A_54 = arith.constant dense<0.000000e+00> : vector<1000x128xf32>
    %dot_general3A_55 = tpu.matmul %convert_element_type3A_49, %convert_element_type3A_53, %dot_general3A_54 {dimension_numbers = #tpu.dot_dimension_numbers<[1], [0], [0], [1], [0, 0, 1, 1], [], []>, transpose_lhs_hint = false} : vector<1000x128xbf16>, vector<128x128xbf16>, vector<1000x128xf32> -> vector<1000x128xf32>
    %get3A_56 = arith.constant 0 : index
    %get3A_57 = arith.constant 0 : index
    %get3A_58 = vector.load %arg10[%get3A_56, %get3A_57] : memref<1x128xf32, #tpu.memory_space<vmem>>, vector<1x128xf32>
    %add3A_59 = vector.broadcast %get3A_58 : vector<1x128xf32> to vector<1000x128xf32>
    %add3A_60 = arith.addf %dot_general3A_55, %add3A_59 : vector<1000x128xf32>
    %convert_element_type3A_61 = arith.truncf %max3A_48 : vector<1000x128xf32> to vector<1000x128xbf16>
    %convert_element_type3A_62 = arith.extf %convert_element_type3A_61 : vector<1000x128xbf16> to vector<1000x128xf32>
    %get3A_63 = arith.constant 0 : index
    %get3A_64 = arith.constant 0 : index
    %get3A_65 = vector.load %arg11[%get3A_63, %get3A_64] : memref<1x128xf32, #tpu.memory_space<vmem>>, vector<1x128xf32>
    %convert_element_type3A_66 = arith.truncf %get3A_65 : vector<1x128xf32> to vector<1x128xbf16>
    %convert_element_type3A_67 = arith.extf %convert_element_type3A_66 : vector<1x128xbf16> to vector<1x128xf32>
    %mul3A = vector.broadcast %convert_element_type3A_67 : vector<1x128xf32> to vector<1000x128xf32>
    %mul3A_68 = arith.mulf %convert_element_type3A_62, %mul3A : vector<1000x128xf32>
    %reduce_sum3A = arith.constant dense<0.000000e+00> : vector<1000xf32>
    %reduce_sum3A_69 = vector.multi_reduction <add>, %mul3A_68, %reduce_sum3A [1] : vector<1000x128xf32> to vector<1000xf32>
    %broadcast_in_dim3A_70 = vector.shape_cast %reduce_sum3A_69 : vector<1000xf32> to vector<1000x1xf32>
    %get3A_71 = arith.constant 0 : index
    %get3A_72 = arith.constant 0 : index
    %get3A_73 = vector.load %arg12[%get3A_71, %get3A_72] : memref<1x1xf32, #tpu.memory_space<vmem>>, vector<1x1xf32>
    %add3A_74 = vector.broadcast %get3A_73 : vector<1x1xf32> to vector<1000x1xf32>
    %add3A_75 = arith.addf %broadcast_in_dim3A_70, %add3A_74 : vector<1000x1xf32>
    %logistic3A = arith.negf %add3A_75 : vector<1000x1xf32>
    %logistic3A_76 = math.exp %logistic3A : vector<1000x1xf32>
    %logistic3A_77 = arith.constant 1.000000e+00 : f32
    %logistic3A_78 = vector.broadcast %logistic3A_77 : f32 to vector<1000x1xf32>
    %logistic3A_79 = arith.addf %logistic3A_78, %logistic3A_76 : vector<1000x1xf32>
    %logistic3A_80 = arith.divf %logistic3A_78, %logistic3A_79 : vector<1000x1xf32>
    %mul3A_81 = vector.broadcast %logistic3A_80 : vector<1000x1xf32> to vector<1000x128xf32>
    %mul3A_82 = arith.mulf %add3A_60, %mul3A_81 : vector<1000x128xf32>
    %swap3A = arith.constant 0 : index
    %swap3A_83 = arith.constant 0 : index
    %swap3A_84 = vector.load %arg13[%swap3A, %swap3A_83] : memref<1000x128xf32, #tpu.memory_space<vmem>>, vector<1000x128xf32>
    tpu.vector_store %arg13[%swap3A, %swap3A_83], %mul3A_82 {strides = array<i32>} : memref<1000x128xf32, #tpu.memory_space<vmem>>, vector<1000x128xf32>,
    return
  }
  func.func @transform_0(%arg0: i32) -> (i32, i32) {
    %c0_i32 = arith.constant 0 : i32
    %c0_i32_0 = arith.constant 0 : i32
    return %arg0, %c0_i32 : i32, i32
  }
  func.func @transform_1(%arg0: i32) -> (i32, i32) {
    %c0_i32 = arith.constant 0 : i32
    %c0_i32_0 = arith.constant 0 : i32
    return %arg0, %c0_i32 : i32, i32
  }
  func.func @transform_2(%arg0: i32) -> (i32, i32, i32) {
    %c0_i32 = arith.constant 0 : i32
    %c0_i32_0 = arith.constant 0 : i32
    %c0_i32_1 = arith.constant 0 : i32
    return %arg0, %c0_i32, %c0_i32_0 : i32, i32, i32
  }
  func.func @transform_3(%arg0: i32) -> (i32, i32) {
    %c0_i32 = arith.constant 0 : i32
    %c0_i32_0 = arith.constant 0 : i32
    %c0_i32_1 = arith.constant 0 : i32
    return %c0_i32, %c0_i32_0 : i32, i32
  }
  func.func @transform_4(%arg0: i32) -> (i32, i32) {
    %c0_i32 = arith.constant 0 : i32
    %c0_i32_0 = arith.constant 0 : i32
    %c0_i32_1 = arith.constant 0 : i32
    return %c0_i32, %c0_i32_0 : i32, i32
  }
  func.func @transform_5(%arg0: i32) -> (i32, i32) {
    %c0_i32 = arith.constant 0 : i32
    %c0_i32_0 = arith.constant 0 : i32
    %c0_i32_1 = arith.constant 0 : i32
    return %c0_i32, %c0_i32_0 : i32, i32
  }
  func.func @transform_6(%arg0: i32) -> (i32, i32) {
    %c0_i32 = arith.constant 0 : i32
    %c0_i32_0 = arith.constant 0 : i32
    %c0_i32_1 = arith.constant 0 : i32
    return %c0_i32, %c0_i32_0 : i32, i32
  }
  func.func @transform_7(%arg0: i32) -> (i32, i32) {
    %c0_i32 = arith.constant 0 : i32
    %c0_i32_0 = arith.constant 0 : i32
    %c0_i32_1 = arith.constant 0 : i32
    return %c0_i32, %c0_i32_0 : i32, i32
  }
  func.func @transform_8(%arg0: i32) -> (i32, i32) {
    %c0_i32 = arith.constant 0 : i32
    %c0_i32_0 = arith.constant 0 : i32
    %c0_i32_1 = arith.constant 0 : i32
    return %c0_i32, %c0_i32_0 : i32, i32
  }
  func.func @transform_9(%arg0: i32) -> (i32, i32) {
    %c0_i32 = arith.constant 0 : i32
    %c0_i32_0 = arith.constant 0 : i32
    %c0_i32_1 = arith.constant 0 : i32
    return %c0_i32, %c0_i32_0 : i32, i32
  }
  func.func @transform_10(%arg0: i32) -> (i32, i32) {
    %c0_i32 = arith.constant 0 : i32
    %c0_i32_0 = arith.constant 0 : i32
    %c0_i32_1 = arith.constant 0 : i32
    return %c0_i32, %c0_i32_0 : i32, i32
  }
  func.func @transform_11(%arg0: i32) -> (i32, i32) {
    %c0_i32 = arith.constant 0 : i32
    %c0_i32_0 = arith.constant 0 : i32
    %c0_i32_1 = arith.constant 0 : i32
    return %c0_i32, %c0_i32_0 : i32, i32
  }
  func.func @transform_12(%arg0: i32) -> (i32, i32) {
    %c0_i32 = arith.constant 0 : i32
    %c0_i32_0 = arith.constant 0 : i32
    return %arg0, %c0_i32 : i32, i32
  }
}

module attributes {stable_mosaic.version = 14 : i64} {
  func.func @_gru_body(%arg0: i32, %arg1: memref<1000x128xf32, #tpu.memory_space<vmem>>, %arg2: memref<1x1000x128xf32, #tpu.memory_space<vmem>>, %arg3: memref<1x1000x128xf32, #tpu.memory_space<vmem>>, %arg4: memref<128x384xf32, #tpu.memory_space<vmem>>, %arg5: memref<1x384xf32, #tpu.memory_space<vmem>>, %arg6: memref<128x384xf32, #tpu.memory_space<vmem>>, %arg7: memref<1x384xf32, #tpu.memory_space<vmem>>, %arg8: memref<1000x128xf32, #tpu.memory_space<vmem>>) attributes {dimension_semantics = [#tpu.dimension_semantics<arbitrary>], iteration_bounds = array<i64: 10>, scalar_prefetch = 0 : i64, scratch_operands = 0 : i64, tpu.core_type = #tpu.core_type<tc>, window_params = [{transform_indices = @transform_0, window_bounds = array<i64: 1000, 128>}, {transform_indices = @transform_1, window_bounds = array<i64: 1, 1000, 128>}, {transform_indices = @transform_2, window_bounds = array<i64: 1, 1000, 128>}, {pipeline_mode = #tpu.pipeline_mode<synchronous>, transform_indices = @transform_3, window_bounds = array<i64: 128, 384>}, {pipeline_mode = #tpu.pipeline_mode<synchronous>, transform_indices = @transform_4, window_bounds = array<i64: 1, 384>}, {pipeline_mode = #tpu.pipeline_mode<synchronous>, transform_indices = @transform_5, window_bounds = array<i64: 128, 384>}, {pipeline_mode = #tpu.pipeline_mode<synchronous>, transform_indices = @transform_6, window_bounds = array<i64: 1, 384>}, {transform_indices = @transform_7, window_bounds = array<i64: 1000, 128>}]} {
    %get3A = arith.constant 0 : index
    %get3A_0 = arith.constant 0 : index
    %get3A_1 = vector.load %arg1[%get3A, %get3A_0] : memref<1000x128xf32, #tpu.memory_space<vmem>>, vector<1000x128xf32>
    %get3A_2 = arith.constant 0 : index
    %get3A_3 = arith.constant 0 : index
    %get3A_4 = arith.constant 0 : index
    %get3A_5 = vector.load %arg2[%get3A_2, %get3A_3, %get3A_4] : memref<1x1000x128xf32, #tpu.memory_space<vmem>>, vector<1x1000x128xf32>
    %get3A_6 = vector.shape_cast %get3A_5 : vector<1x1000x128xf32> to vector<1000x128xf32>
    %get3A_7 = arith.constant 0 : index
    %get3A_8 = arith.constant 0 : index
    %get3A_9 = arith.constant 0 : index
    %get3A_10 = vector.load %arg3[%get3A_7, %get3A_8, %get3A_9] : memref<1x1000x128xf32, #tpu.memory_space<vmem>>, vector<1x1000x128xf32>
    %get3A_11 = vector.shape_cast %get3A_10 : vector<1x1000x128xf32> to vector<1000x128xf32>
    %add3A = arith.addf %get3A_6, %get3A_11 : vector<1000x128xf32>
    %convert_element_type3A = arith.truncf %add3A : vector<1000x128xf32> to vector<1000x128xbf16>
    %get3A_12 = arith.constant 0 : index
    %get3A_13 = arith.constant 0 : index
    %get3A_14 = vector.load %arg4[%get3A_12, %get3A_13] : memref<128x384xf32, #tpu.memory_space<vmem>>, vector<128x384xf32>
    %convert_element_type3A_15 = arith.truncf %get3A_14 : vector<128x384xf32> to vector<128x384xbf16>
    %dot_general3A = arith.constant dense<0.000000e+00> : vector<1000x384xf32>
    %dot_general3A_16 = tpu.matmul %convert_element_type3A, %convert_element_type3A_15, %dot_general3A {dimension_numbers = #tpu.dot_dimension_numbers<[1], [0], [0], [1], [0, 0, 1, 1], [], []>, transpose_lhs_hint = false} : vector<1000x128xbf16>, vector<128x384xbf16>, vector<1000x384xf32> -> vector<1000x384xf32>
    %get3A_17 = arith.constant 0 : index
    %get3A_18 = arith.constant 0 : index
    %get3A_19 = vector.load %arg5[%get3A_17, %get3A_18] : memref<1x384xf32, #tpu.memory_space<vmem>>, vector<1x384xf32>
    %add3A_20 = vector.broadcast %get3A_19 : vector<1x384xf32> to vector<1000x384xf32>
    %add3A_21 = arith.addf %dot_general3A_16, %add3A_20 : vector<1000x384xf32>
    %convert_element_type3A_22 = arith.truncf %get3A_1 : vector<1000x128xf32> to vector<1000x128xbf16>
    %get3A_23 = arith.constant 0 : index
    %get3A_24 = arith.constant 0 : index
    %get3A_25 = vector.load %arg6[%get3A_23, %get3A_24] : memref<128x384xf32, #tpu.memory_space<vmem>>, vector<128x384xf32>
    %convert_element_type3A_26 = arith.truncf %get3A_25 : vector<128x384xf32> to vector<128x384xbf16>
    %dot_general3A_27 = arith.constant dense<0.000000e+00> : vector<1000x384xf32>
    %dot_general3A_28 = tpu.matmul %convert_element_type3A_22, %convert_element_type3A_26, %dot_general3A_27 {dimension_numbers = #tpu.dot_dimension_numbers<[1], [0], [0], [1], [0, 0, 1, 1], [], []>, transpose_lhs_hint = false} : vector<1000x128xbf16>, vector<128x384xbf16>, vector<1000x384xf32> -> vector<1000x384xf32>
    %get3A_29 = arith.constant 0 : index
    %get3A_30 = arith.constant 0 : index
    %get3A_31 = vector.load %arg7[%get3A_29, %get3A_30] : memref<1x384xf32, #tpu.memory_space<vmem>>, vector<1x384xf32>
    %add3A_32 = vector.broadcast %get3A_31 : vector<1x384xf32> to vector<1000x384xf32>
    %add3A_33 = arith.addf %dot_general3A_28, %add3A_32 : vector<1000x384xf32>
    %slice3A = vector.extract_strided_slice %add3A_21 {offsets = [0, 0], sizes = [1000, 128], strides = [1, 1]} : vector<1000x384xf32> to vector<1000x128xf32>
    %slice3A_34 = vector.extract_strided_slice %add3A_33 {offsets = [0, 0], sizes = [1000, 128], strides = [1, 1]} : vector<1000x384xf32> to vector<1000x128xf32>
    %add3A_35 = arith.addf %slice3A, %slice3A_34 : vector<1000x128xf32>
    %logistic3A = arith.negf %add3A_35 : vector<1000x128xf32>
    %logistic3A_36 = math.exp %logistic3A : vector<1000x128xf32>
    %logistic3A_37 = arith.constant 1.000000e+00 : f32
    %logistic3A_38 = vector.broadcast %logistic3A_37 : f32 to vector<1000x128xf32>
    %logistic3A_39 = arith.addf %logistic3A_38, %logistic3A_36 : vector<1000x128xf32>
    %logistic3A_40 = arith.divf %logistic3A_38, %logistic3A_39 : vector<1000x128xf32>
    %slice3A_41 = vector.extract_strided_slice %add3A_21 {offsets = [0, 128], sizes = [1000, 128], strides = [1, 1]} : vector<1000x384xf32> to vector<1000x128xf32>
    %slice3A_42 = vector.extract_strided_slice %add3A_33 {offsets = [0, 128], sizes = [1000, 128], strides = [1, 1]} : vector<1000x384xf32> to vector<1000x128xf32>
    %add3A_43 = arith.addf %slice3A_41, %slice3A_42 : vector<1000x128xf32>
    %logistic3A_44 = arith.negf %add3A_43 : vector<1000x128xf32>
    %logistic3A_45 = math.exp %logistic3A_44 : vector<1000x128xf32>
    %logistic3A_46 = arith.constant 1.000000e+00 : f32
    %logistic3A_47 = vector.broadcast %logistic3A_46 : f32 to vector<1000x128xf32>
    %logistic3A_48 = arith.addf %logistic3A_47, %logistic3A_45 : vector<1000x128xf32>
    %logistic3A_49 = arith.divf %logistic3A_47, %logistic3A_48 : vector<1000x128xf32>
    %slice3A_50 = vector.extract_strided_slice %add3A_21 {offsets = [0, 256], sizes = [1000, 128], strides = [1, 1]} : vector<1000x384xf32> to vector<1000x128xf32>
    %slice3A_51 = vector.extract_strided_slice %add3A_33 {offsets = [0, 256], sizes = [1000, 128], strides = [1, 1]} : vector<1000x384xf32> to vector<1000x128xf32>
    %mul3A = arith.mulf %logistic3A_40, %slice3A_51 : vector<1000x128xf32>
    %add3A_52 = arith.addf %slice3A_50, %mul3A : vector<1000x128xf32>
    %tanh3A = math.tanh %add3A_52 : vector<1000x128xf32>
    %sub3A = arith.constant 1.000000e+00 : f32
    %sub3A_53 = vector.broadcast %sub3A : f32 to vector<1000x128xf32>
    %sub3A_54 = arith.subf %sub3A_53, %logistic3A_49 : vector<1000x128xf32>
    %mul3A_55 = arith.mulf %sub3A_54, %tanh3A : vector<1000x128xf32>
    %mul3A_56 = arith.mulf %logistic3A_49, %get3A_1 : vector<1000x128xf32>
    %add3A_57 = arith.addf %mul3A_55, %mul3A_56 : vector<1000x128xf32>
    %swap3A = arith.constant 0 : index
    %swap3A_58 = arith.constant 0 : index
    %swap3A_59 = vector.load %arg8[%swap3A, %swap3A_58] : memref<1000x128xf32, #tpu.memory_space<vmem>>, vector<1000x128xf32>
    tpu.vector_store %arg8[%swap3A, %swap3A_58], %add3A_57 {strides = array<i32>} : memref<1000x128xf32, #tpu.memory_space<vmem>>, vector<1000x128xf32>,
    return
  }
  func.func @transform_0(%arg0: i32) -> (i32, i32) {
    %c0_i32 = arith.constant 0 : i32
    %c0_i32_0 = arith.constant 0 : i32
    return %arg0, %c0_i32 : i32, i32
  }
  func.func @transform_1(%arg0: i32) -> (i32, i32, i32) {
    %c0_i32 = arith.constant 0 : i32
    %c0_i32_0 = arith.constant 0 : i32
    %c0_i32_1 = arith.constant 0 : i32
    return %c0_i32, %arg0, %c0_i32_0 : i32, i32, i32
  }
  func.func @transform_2(%arg0: i32) -> (i32, i32, i32) {
    %c1_i32 = arith.constant 1 : i32
    %c0_i32 = arith.constant 0 : i32
    %c0_i32_0 = arith.constant 0 : i32
    return %c1_i32, %arg0, %c0_i32 : i32, i32, i32
  }
  func.func @transform_3(%arg0: i32) -> (i32, i32) {
    %c0_i32 = arith.constant 0 : i32
    %c0_i32_0 = arith.constant 0 : i32
    %c0_i32_1 = arith.constant 0 : i32
    return %c0_i32, %c0_i32_0 : i32, i32
  }
  func.func @transform_4(%arg0: i32) -> (i32, i32) {
    %c0_i32 = arith.constant 0 : i32
    %c0_i32_0 = arith.constant 0 : i32
    %c0_i32_1 = arith.constant 0 : i32
    return %c0_i32, %c0_i32_0 : i32, i32
  }
  func.func @transform_5(%arg0: i32) -> (i32, i32) {
    %c0_i32 = arith.constant 0 : i32
    %c0_i32_0 = arith.constant 0 : i32
    %c0_i32_1 = arith.constant 0 : i32
    return %c0_i32, %c0_i32_0 : i32, i32
  }
  func.func @transform_6(%arg0: i32) -> (i32, i32) {
    %c0_i32 = arith.constant 0 : i32
    %c0_i32_0 = arith.constant 0 : i32
    %c0_i32_1 = arith.constant 0 : i32
    return %c0_i32, %c0_i32_0 : i32, i32
  }
  func.func @transform_7(%arg0: i32) -> (i32, i32) {
    %c0_i32 = arith.constant 0 : i32
    %c0_i32_0 = arith.constant 0 : i32
    return %arg0, %c0_i32 : i32, i32
  }
}

module attributes {stable_mosaic.version = 14 : i64} {
  func.func @_mean_body(%arg0: i32, %arg1: memref<1000x128xf32, #tpu.memory_space<vmem>>, %arg2: memref<1x128xf32, #tpu.memory_space<vmem>>) attributes {dimension_semantics = [#tpu.dimension_semantics<arbitrary>], iteration_bounds = array<i64: 10>, scalar_prefetch = 0 : i64, scratch_operands = 0 : i64, tpu.core_type = #tpu.core_type<tc>, window_params = [{transform_indices = @transform_0, window_bounds = array<i64: 1000, 128>}, {pipeline_mode = #tpu.pipeline_mode<synchronous>, transform_indices = @transform_1, window_bounds = array<i64: 1, 128>}]} {
    %eq3A = arith.constant 0 : i32
    %eq3A_0 = arith.cmpi eq, %arg0, %eq3A : i32
    %convert_element_type3A = arith.extui %eq3A_0 : i1 to i32
    %cond3A = arith.constant 0 : i32
    %cond3A_1 = arith.cmpi ne, %convert_element_type3A, %cond3A : i32
    scf.if %cond3A_1 {
      %broadcast_in_dim3A_12 = arith.constant 0.000000e+00 : f32
      %broadcast_in_dim3A_13 = vector.broadcast %broadcast_in_dim3A_12 : f32 to vector<1x128xf32>
      %swap3A_14 = arith.constant 0 : index
      %swap3A_15 = arith.constant 0 : index
      %swap3A_16 = vector.load %arg2[%swap3A_14, %swap3A_15] : memref<1x128xf32, #tpu.memory_space<vmem>>, vector<1x128xf32>
      tpu.vector_store %arg2[%swap3A_14, %swap3A_15], %broadcast_in_dim3A_13 {strides = array<i32>} : memref<1x128xf32, #tpu.memory_space<vmem>>, vector<1x128xf32>,
    } else {
    }
    %get3A = arith.constant 0 : index
    %get3A_2 = arith.constant 0 : index
    %get3A_3 = vector.load %arg2[%get3A, %get3A_2] : memref<1x128xf32, #tpu.memory_space<vmem>>, vector<1x128xf32>
    %get3A_4 = arith.constant 0 : index
    %get3A_5 = arith.constant 0 : index
    %get3A_6 = vector.load %arg1[%get3A_4, %get3A_5] : memref<1000x128xf32, #tpu.memory_space<vmem>>, vector<1000x128xf32>
    %reduce_sum3A = arith.constant dense<0.000000e+00> : vector<128xf32>
    %reduce_sum3A_7 = vector.multi_reduction <add>, %get3A_6, %reduce_sum3A [0] : vector<1000x128xf32> to vector<128xf32>
    %broadcast_in_dim3A = vector.shape_cast %reduce_sum3A_7 : vector<128xf32> to vector<1x128xf32>
    %mul3A = arith.constant 9.99999974E-5 : f32
    %mul3A_8 = vector.broadcast %mul3A : f32 to vector<1x128xf32>
    %mul3A_9 = arith.mulf %broadcast_in_dim3A, %mul3A_8 : vector<1x128xf32>
    %add3A = arith.addf %get3A_3, %mul3A_9 : vector<1x128xf32>
    %swap3A = arith.constant 0 : index
    %swap3A_10 = arith.constant 0 : index
    %swap3A_11 = vector.load %arg2[%swap3A, %swap3A_10] : memref<1x128xf32, #tpu.memory_space<vmem>>, vector<1x128xf32>
    tpu.vector_store %arg2[%swap3A, %swap3A_10], %add3A {strides = array<i32>} : memref<1x128xf32, #tpu.memory_space<vmem>>, vector<1x128xf32>,
    return
  }
  func.func @transform_0(%arg0: i32) -> (i32, i32) {
    %c0_i32 = arith.constant 0 : i32
    %c0_i32_0 = arith.constant 0 : i32
    return %arg0, %c0_i32 : i32, i32
  }
  func.func @transform_1(%arg0: i32) -> (i32, i32) {
    %c0_i32 = arith.constant 0 : i32
    %c0_i32_0 = arith.constant 0 : i32
    %c0_i32_1 = arith.constant 0 : i32
    return %c0_i32, %c0_i32_0 : i32, i32
  }
}

module attributes {stable_mosaic.version = 14 : i64} {
  func.func @_readout_body(%arg0: i32, %arg1: memref<1000x128xf32, #tpu.memory_space<vmem>>, %arg2: memref<1x128xf32, #tpu.memory_space<vmem>>, %arg3: memref<128x128xf32, #tpu.memory_space<vmem>>, %arg4: memref<128x128xf32, #tpu.memory_space<vmem>>, %arg5: memref<1x128xf32, #tpu.memory_space<vmem>>, %arg6: memref<128x10xf32, #tpu.memory_space<vmem>>, %arg7: memref<1x10xf32, #tpu.memory_space<vmem>>, %arg8: memref<1000x10xf32, #tpu.memory_space<vmem>>) attributes {dimension_semantics = [#tpu.dimension_semantics<arbitrary>], iteration_bounds = array<i64: 10>, scalar_prefetch = 0 : i64, scratch_operands = 0 : i64, tpu.core_type = #tpu.core_type<tc>, window_params = [{transform_indices = @transform_0, window_bounds = array<i64: 1000, 128>}, {pipeline_mode = #tpu.pipeline_mode<synchronous>, transform_indices = @transform_1, window_bounds = array<i64: 1, 128>}, {pipeline_mode = #tpu.pipeline_mode<synchronous>, transform_indices = @transform_2, window_bounds = array<i64: 128, 128>}, {pipeline_mode = #tpu.pipeline_mode<synchronous>, transform_indices = @transform_3, window_bounds = array<i64: 128, 128>}, {pipeline_mode = #tpu.pipeline_mode<synchronous>, transform_indices = @transform_4, window_bounds = array<i64: 1, 128>}, {pipeline_mode = #tpu.pipeline_mode<synchronous>, transform_indices = @transform_5, window_bounds = array<i64: 128, 10>}, {pipeline_mode = #tpu.pipeline_mode<synchronous>, transform_indices = @transform_6, window_bounds = array<i64: 1, 10>}, {transform_indices = @transform_7, window_bounds = array<i64: 1000, 10>}]} {
    %get3A = arith.constant 0 : index
    %get3A_0 = arith.constant 0 : index
    %get3A_1 = vector.load %arg2[%get3A, %get3A_0] : memref<1x128xf32, #tpu.memory_space<vmem>>, vector<1x128xf32>
    %convert_element_type3A = arith.truncf %get3A_1 : vector<1x128xf32> to vector<1x128xbf16>
    %get3A_2 = arith.constant 0 : index
    %get3A_3 = arith.constant 0 : index
    %get3A_4 = vector.load %arg3[%get3A_2, %get3A_3] : memref<128x128xf32, #tpu.memory_space<vmem>>, vector<128x128xf32>
    %convert_element_type3A_5 = arith.truncf %get3A_4 : vector<128x128xf32> to vector<128x128xbf16>
    %dot_general3A = arith.constant dense<0.000000e+00> : vector<1x128xf32>
    %dot_general3A_6 = tpu.matmul %convert_element_type3A, %convert_element_type3A_5, %dot_general3A {dimension_numbers = #tpu.dot_dimension_numbers<[1], [0], [0], [1], [0, 0, 1, 1], [], []>, transpose_lhs_hint = false} : vector<1x128xbf16>, vector<128x128xbf16>, vector<1x128xf32> -> vector<1x128xf32>
    %get3A_7 = arith.constant 0 : index
    %get3A_8 = arith.constant 0 : index
    %get3A_9 = vector.load %arg1[%get3A_7, %get3A_8] : memref<1000x128xf32, #tpu.memory_space<vmem>>, vector<1000x128xf32>
    %convert_element_type3A_10 = arith.truncf %get3A_9 : vector<1000x128xf32> to vector<1000x128xbf16>
    %get3A_11 = arith.constant 0 : index
    %get3A_12 = arith.constant 0 : index
    %get3A_13 = vector.load %arg4[%get3A_11, %get3A_12] : memref<128x128xf32, #tpu.memory_space<vmem>>, vector<128x128xf32>
    %convert_element_type3A_14 = arith.truncf %get3A_13 : vector<128x128xf32> to vector<128x128xbf16>
    %dot_general3A_15 = arith.constant dense<0.000000e+00> : vector<1000x128xf32>
    %dot_general3A_16 = tpu.matmul %convert_element_type3A_10, %convert_element_type3A_14, %dot_general3A_15 {dimension_numbers = #tpu.dot_dimension_numbers<[1], [0], [0], [1], [0, 0, 1, 1], [], []>, transpose_lhs_hint = false} : vector<1000x128xbf16>, vector<128x128xbf16>, vector<1000x128xf32> -> vector<1000x128xf32>
    %add3A = vector.broadcast %dot_general3A_6 : vector<1x128xf32> to vector<1000x128xf32>
    %add3A_17 = arith.addf %dot_general3A_16, %add3A : vector<1000x128xf32>
    %get3A_18 = arith.constant 0 : index
    %get3A_19 = arith.constant 0 : index
    %get3A_20 = vector.load %arg5[%get3A_18, %get3A_19] : memref<1x128xf32, #tpu.memory_space<vmem>>, vector<1x128xf32>
    %add3A_21 = vector.broadcast %get3A_20 : vector<1x128xf32> to vector<1000x128xf32>
    %add3A_22 = arith.addf %add3A_17, %add3A_21 : vector<1000x128xf32>
    %max3A = arith.constant 0.000000e+00 : f32
    %max3A_23 = vector.broadcast %max3A : f32 to vector<1000x128xf32>
    %max3A_24 = arith.maximumf %add3A_22, %max3A_23 : vector<1000x128xf32>
    %convert_element_type3A_25 = arith.truncf %max3A_24 : vector<1000x128xf32> to vector<1000x128xbf16>
    %get3A_26 = arith.constant 0 : index
    %get3A_27 = arith.constant 0 : index
    %get3A_28 = vector.load %arg6[%get3A_26, %get3A_27] : memref<128x10xf32, #tpu.memory_space<vmem>>, vector<128x10xf32>
    %convert_element_type3A_29 = arith.truncf %get3A_28 : vector<128x10xf32> to vector<128x10xbf16>
    %dot_general3A_30 = arith.constant dense<0.000000e+00> : vector<1000x10xf32>
    %dot_general3A_31 = tpu.matmul %convert_element_type3A_25, %convert_element_type3A_29, %dot_general3A_30 {dimension_numbers = #tpu.dot_dimension_numbers<[1], [0], [0], [1], [0, 0, 1, 1], [], []>, transpose_lhs_hint = false} : vector<1000x128xbf16>, vector<128x10xbf16>, vector<1000x10xf32> -> vector<1000x10xf32>
    %get3A_32 = arith.constant 0 : index
    %get3A_33 = arith.constant 0 : index
    %get3A_34 = vector.load %arg7[%get3A_32, %get3A_33] : memref<1x10xf32, #tpu.memory_space<vmem>>, vector<1x10xf32>
    %add3A_35 = vector.broadcast %get3A_34 : vector<1x10xf32> to vector<1000x10xf32>
    %add3A_36 = arith.addf %dot_general3A_31, %add3A_35 : vector<1000x10xf32>
    %reduce_max3A = arith.constant dense<0xFF800000> : vector<1000xf32>
    %reduce_max3A_37 = vector.multi_reduction <maximumf>, %add3A_36, %reduce_max3A [1] : vector<1000x10xf32> to vector<1000xf32>
    %broadcast_in_dim3A = vector.shape_cast %reduce_max3A_37 : vector<1000xf32> to vector<1000x1xf32>
    %sub3A = vector.broadcast %broadcast_in_dim3A : vector<1000x1xf32> to vector<1000x10xf32>
    %sub3A_38 = arith.subf %add3A_36, %sub3A : vector<1000x10xf32>
    %exp3A = math.exp %sub3A_38 : vector<1000x10xf32>
    %reduce_sum3A = arith.constant dense<0.000000e+00> : vector<1000xf32>
    %reduce_sum3A_39 = vector.multi_reduction <add>, %exp3A, %reduce_sum3A [1] : vector<1000x10xf32> to vector<1000xf32>
    %broadcast_in_dim3A_40 = vector.shape_cast %reduce_sum3A_39 : vector<1000xf32> to vector<1000x1xf32>
    %div3A = vector.broadcast %broadcast_in_dim3A_40 : vector<1000x1xf32> to vector<1000x10xf32>
    %div3A_41 = arith.divf %exp3A, %div3A : vector<1000x10xf32>
    %swap3A = arith.constant 0 : index
    %swap3A_42 = arith.constant 0 : index
    %swap3A_43 = vector.load %arg8[%swap3A, %swap3A_42] : memref<1000x10xf32, #tpu.memory_space<vmem>>, vector<1000x10xf32>
    tpu.vector_store %arg8[%swap3A, %swap3A_42], %div3A_41 {strides = array<i32>} : memref<1000x10xf32, #tpu.memory_space<vmem>>, vector<1000x10xf32>,
    return
  }
  func.func @transform_0(%arg0: i32) -> (i32, i32) {
    %c0_i32 = arith.constant 0 : i32
    %c0_i32_0 = arith.constant 0 : i32
    return %arg0, %c0_i32 : i32, i32
  }
  func.func @transform_1(%arg0: i32) -> (i32, i32) {
    %c0_i32 = arith.constant 0 : i32
    %c0_i32_0 = arith.constant 0 : i32
    %c0_i32_1 = arith.constant 0 : i32
    return %c0_i32, %c0_i32_0 : i32, i32
  }
  func.func @transform_2(%arg0: i32) -> (i32, i32) {
    %c0_i32 = arith.constant 0 : i32
    %c0_i32_0 = arith.constant 0 : i32
    %c0_i32_1 = arith.constant 0 : i32
    return %c0_i32, %c0_i32_0 : i32, i32
  }
  func.func @transform_3(%arg0: i32) -> (i32, i32) {
    %c0_i32 = arith.constant 0 : i32
    %c0_i32_0 = arith.constant 0 : i32
    %c0_i32_1 = arith.constant 0 : i32
    return %c0_i32, %c0_i32_0 : i32, i32
  }
  func.func @transform_4(%arg0: i32) -> (i32, i32) {
    %c0_i32 = arith.constant 0 : i32
    %c0_i32_0 = arith.constant 0 : i32
    %c0_i32_1 = arith.constant 0 : i32
    return %c0_i32, %c0_i32_0 : i32, i32
  }
  func.func @transform_5(%arg0: i32) -> (i32, i32) {
    %c0_i32 = arith.constant 0 : i32
    %c0_i32_0 = arith.constant 0 : i32
    %c0_i32_1 = arith.constant 0 : i32
    return %c0_i32, %c0_i32_0 : i32, i32
  }
  func.func @transform_6(%arg0: i32) -> (i32, i32) {
    %c0_i32 = arith.constant 0 : i32
    %c0_i32_0 = arith.constant 0 : i32
    %c0_i32_1 = arith.constant 0 : i32
    return %c0_i32, %c0_i32_0 : i32, i32
  }
  func.func @transform_7(%arg0: i32) -> (i32, i32) {
    %c0_i32 = arith.constant 0 : i32
    %c0_i32_0 = arith.constant 0 : i32
    return %arg0, %c0_i32 : i32, i32
  }
}

</mosaic_0001>

<sc_bundles>
// kernel: kernel.25.cloned.1.call-start
scs
__scs_entry_jumppad:
0x0: {  	(pc) =	sbr.rel $0x88, $3  }
0x1: {  	(tag) =	ssettag $0x0;
	lr =	simm.s32 $0x1  }
0x2: {  	[smem:$0x3F8C] =	sst lr;
	_ =	strace $0xD0000000  }
0x3: {  	_ = 	snop  }
0x4: {  	_ = 	snop  }
0x5: {  	_ = 	snop  }
0x6: {  	_ = 	snop  }
0x7: {  	_ = 	snop  }
__scs_overlays_trampoline_lowered:
0x8: {  	[smem:$0x3F9B] =	sst s0  }
0x9: {  	[smem:$0x3F9C] =	sst s1  }
0xa: {  	[smem:$0x3F9D] =	sst s2  }
0xb: {  	[smem:$0x3F9E] =	sst s3  }
0xc: {  	[smem:$0x3F9F] =	sst s4  }
0xd: {  	[smem:$0x3FA0] =	sst s5  }
0xe: {  	[smem:$0x3FA1] =	sst s6  }
0xf: {  	[smem:$0x3FA2] =	sst s7  }
0x10: {  	[smem:$0x3FA3] =	sst s8  }
0x11: {  	[smem:$0x3FA4] =	sst s9;
	s0 =	simm.s32 @!p0 $0x0  }
0x12: {  	s1 =	sld [smem:$0x3F8A];
	s0 =	simm.s32 @p0 $0x1  }
0x13: {  	[smem:$0x3FA5] =	sst s0;
	s0 =	simm.s32 @!p1 $0x0  }
0x14: {  	s2 =	sld [smem:$0x3F89];
	s0 =	simm.s32 @p1 $0x1  }
0x15: {  	[smem:$0x3FA6] =	sst s0;
	s0 =	simm.s32 @!p2 $0x0  }
0x16: {  	s3 =	sld [smem:$0x3FDB];
	s0 =	simm.s32 @p2 $0x1  }
0x17: {  	s4 =	simm.s32 $0x1BF5;
	[smem:$0x3FA8] =	sst s0  }
0x18: {  	s0 =	sld [smem:$0x3F8B];
	_ =	swait.ge [sflag:s4], $0x0  }
0x19: {  	s7 =	sld [smem:$0x3F8C]  }
0x1a: {  	s8 =	sadd.s32 $0xFFFFE003, lr  }
0x1b: {  	s9 =	sadd.s32 $0xFFFFFEF7, lr;
	s5 =	simm.s32 $0xFFFFFFFF;
	p2 =	slt.u32 s8, $0xFFFFF086  }
0x1c: {  	p1 =	slt.u32 s9, $0xF7A;
	s5 =	simm.s32 @!p2 $0x0  }
0x1d: {  	s5 =	simm.s32 @p1 $0x1;
	p0 =	seq.s32 s7, s2  }
0x1e: {  	s7 =	smul.u32 @!p0 $0xF7A, s2;
	p2 =	seq.s32 @!p0 s5, $0x0  }
0x1f: {  	s9 =	smul.u32 $0xF7A, s1;
	s8 =	simm.s32 @!p0 $0x1BF5;
	p2 =	por !p2, p0  }
0x20: {  	[sflag:s8] =	ssyncset.s32 @!p0 $0xFFFFF086;
	s6 =	sadd.s32 @!p0 s3, s7;
	s7 =	simm.s32 @!p0 $0x108  }
0x21: {  	s3 =	sadd.s32 s3, s9;
	s6 =	sadd.s32 @!p0 $0x88, s6;
	s7 =	simm.s32 @p2 $0x1082  }
0x22: {  	[simem:s7], [sflag:s8] =	dma.local @!p0 [hbm:s6], $0xF7A  }
0x23: {  	s9 =	sor.u32 $0xD0000000, s2;
	s6 =	simm.s32 $0x108;
	_ =	swait.ge @!p0 [sflag:s8], $0x0  }
0x24: {  	s3 =	sadd.s32 $0x88, s3;
	s6 =	simm.s32 @!p1 $0x1082;
	[sflag:s4] =	ssyncset.s32 $0xFFFFF086  }
0x25: {  	[simem:s6], [sflag:s4] =	dma.local [hbm:s3], $0xF7A  }
0x26: {  	[smem:$0x3F8C] =	sst s1;
	(tag) =	ssettag s2;
	_ =	strace s9  }
0x27: {  	s1 =	sld [smem:$0x3F9C]  }
0x28: {  	s2 =	sld [smem:$0x3F9D]  }
0x29: {  	s4 =	sld [smem:$0x3F9F]  }
0x2a: {  	p0 =	seq.s32 s5, $0x0;
	s5 =	sld [smem:$0x3FA0]  }
0x2b: {  	s6 =	sld [smem:$0x3FA1]  }
0x2c: {  	s7 =	sld [smem:$0x3FA2]  }
0x2d: {  	s3 =	simm.s32 $0x108;
	s8 =	sld [smem:$0x3FA3]  }
0x2e: {  	s3 =	simm.s32 @!p0 $0x1082;
	s9 =	sld [smem:$0x3FA4]  }
0x2f: {  	lr =	sadd.s32 s0, s3;
	s0 =	sld [smem:$0x3F9B]  }
0x30: {  	s3 =	sld [smem:$0x3F9E]  }
0x31: {  	[smem:$0x3FA7] =	sst s10  }
0x32: {  	s10 =	sld [smem:$0x3FA5];
	_ =	sdelay $0x3  }
0x33: {  	p0 =	seq.s32 s10, $0x1;
	s10 =	sld [smem:$0x3FA7];
	_ =	sdelay $0x3  }
0x34: {  	[smem:$0x3FA7] =	sst s10  }
0x35: {  	s10 =	sld [smem:$0x3FA6];
	_ =	sdelay $0x3  }
0x36: {  	p1 =	seq.s32 s10, $0x1;
	s10 =	sld [smem:$0x3FA7];
	_ =	sdelay $0x3  }
0x37: {  	[smem:$0x3FA7] =	sst s10  }
0x38: {  	s10 =	sld [smem:$0x3FA8]  }
0x39: {  	_ = 	snop;
	(pc) =	sbr.ind lr, $3  }
0x3a: {  	_ = 	snop  }
0x3b: {  	_ = 	snop  }
0x3c: {  	p2 =	seq.s32 s10, $0x1;
	s10 =	sld [smem:$0x3FA7]  }
0x3d: {  	_ =	shalt  }
0x3e: {  	_ =	shalt  }
0x3f: {  	_ =	shalt  }
0x40: {  	_ =	shalt  }
0x41: {  	_ =	shalt  }
0x42: {  	_ =	shalt  }
0x43: {  	_ =	shalt  }
0x44: {  	_ =	shalt  }
0x45: {  	_ =	shalt  }
0x46: {  	_ =	shalt  }
0x47: {  	_ =	shalt  }
0x48: {  	_ =	shalt  }
0x49: {  	_ =	shalt  }
0x4a: {  	_ =	shalt  }
0x4b: {  	_ =	shalt  }
0x4c: {  	_ =	shalt  }
0x4d: {  	_ =	shalt  }
0x4e: {  	_ =	shalt  }
0x4f: {  	_ =	shalt  }
0x50: {  	_ =	shalt  }
0x51: {  	_ =	shalt  }
0x52: {  	_ =	shalt  }
0x53: {  	_ =	shalt  }
0x54: {  	_ =	shalt  }
0x55: {  	_ =	shalt  }
0x56: {  	_ =	shalt  }
0x57: {  	_ =	shalt  }
0x58: {  	_ =	shalt  }
0x59: {  	_ =	shalt  }
0x5a: {  	_ =	shalt  }
0x5b: {  	_ =	shalt  }
0x5c: {  	_ =	shalt  }
0x5d: {  	_ =	shalt  }
0x5e: {  	_ =	shalt  }
0x5f: {  	_ =	shalt  }
0x60: {  	_ =	shalt  }
0x61: {  	_ =	shalt  }
0x62: {  	_ =	shalt  }
0x63: {  	_ =	shalt  }
0x64: {  	_ =	shalt  }
0x65: {  	_ =	shalt  }
0x66: {  	_ =	shalt  }
0x67: {  	_ =	shalt  }
0x68: {  	_ =	shalt  }
0x69: {  	_ =	shalt  }
0x6a: {  	_ =	shalt  }
0x6b: {  	_ =	shalt  }
0x6c: {  	_ =	shalt  }
0x6d: {  	_ =	shalt  }
0x6e: {  	_ =	shalt  }
0x6f: {  	_ =	shalt  }
0x70: {  	_ =	shalt  }
0x71: {  	_ =	shalt  }
0x72: {  	_ =	shalt  }
0x73: {  	_ =	shalt  }
0x74: {  	_ =	shalt  }
0x75: {  	_ =	shalt  }
0x76: {  	_ =	shalt  }
0x77: {  	_ =	shalt  }
0x78: {  	_ =	shalt  }
0x79: {  	_ =	shalt  }
0x7a: {  	_ =	shalt  }
0x7b: {  	_ =	shalt  }
0x7c: {  	_ =	shalt  }
0x7d: {  	_ =	shalt  }
0x7e: {  	_ =	shalt  }
0x7f: {  	_ =	shalt  }
0x80: {  	_ =	shalt  }
0x81: {  	_ =	shalt  }
0x82: {  	_ =	shalt  }
0x83: {  	_ =	shalt  }
0x84: {  	_ =	shalt  }
0x85: {  	_ =	shalt  }
0x86: {  	_ =	shalt  }
0x87: {  	_ =	shalt  }
.Lfunc_end0:
.L_simem_size_0:
called_computation_lowered:
.L_overlay_start_0:
0x88: {  	s2 =	sld [smem:$0x3FD9]  }
0x89: {  	s3 =	sld [smem:$0x3FFE];
	_ =	sdelay $0x1  }
0x8a: {  	s1 =	srdreg.scid  }
0x8b: {  	s0 =	sand.u32 $0x1, s1  }
0x8c: {  	s16 =	sshll.u32 s0, $0xA;
	s2 =	sadd.s32 s3, s2  }
0x8d: {  	s2 =	sadd.s32 s2, s16  }
0x8e: {  	[smem:$0x3FB3] =	sst s2  }
0x8f: {  	_ = 	snop  }
0x90: {  	(tm) =	ssettm $0x1  }
0x91: {  	s17 =	sld [smem:$0x3FFB];
	_ =	sdelay $0x3  }
0x92: {  	_ =	strace s17  }
0x93: {  	s2 =	sld [smem:$0x3FFC];
	_ =	sdelay $0x3  }
0x94: {  	_ =	strace s2  }
0x95: {  	s2 =	sld [smem:$0x3FFD];
	_ =	sdelay $0x3  }
0x96: {  	_ =	strace s2  }
0x97: {  	_ =	strace $0x8FFFFFFF  }
0x98: {  	s18 =	sld [smem:$0x3FDB];
	_ =	sdelay $0x1  }
0x99: {  	s19 =	simm.s32 $_scs_section_size  }
0x9a: {  	s4 =	simm.s32 $_size__tile_overlayer_lowered;
	s5 =	simm.s32 $_tile_overlayer_lowered  }
0x9b: {  	s22 =	simm.s32 $0x1BFF;
	s21 =	sshll.u32 s5, $0x1;
	s2 =	sadd.s32 s19, s18  }
0x9c: {  	s6 =	simm.s32 $0x0;
	s20 =	sshll.u32 s4, $0x1;
	s4 =	sadd.s32 s21, s2  }
0x9d: {  	[timem:s6], [sflag:s22] =	dma.local [hbm:s4], s20  }
0x9e: {  	_ =	swait.ge [sflag:s22], s20  }
0x9f: {  	s3 =	ssub.s32 $0x0, s20;
	[sflag:s22] =	ssyncset.done $0x0  }
0xa0: {  	[sflag:s22] =	ssyncadd.s32 s3;
	_ =	sdelay $0x1  }
0xa1: {  	s23 =	simm.s32 $0x1B8B  }
0xa2: {  	_ =	swait.ge [sflag:s23], $0x1  }
0xa3: {  	[sflag:s23] =	ssyncset.done $0x0  }
0xa4: {  	s25 =	simm.s32 $0x1B8E;
	s24 =	sld [smem:$0x3FFE];
	[sflag:s23] =	ssyncadd.s32 $0xFFFFFFFF  }
0xa5: {  	s26 =	simm.s32 $execute0_lowered;
	[smem:$0x3FD2] =	sst s25  }
0xa6: {  	s4 =	sshll.u32 s26, $0x1;
	_ =	strace $0x80000046;
	[dreg:$0x1] =	wrdreg $0xFFFFFFFF  }
0xa7: {  	s28 =	simm.s32 $_size_execute0_lowered;
	s2 =	sadd.s32 s2, s4;
	[dreg:$0x0] =	wrdreg $0x0  }
0xa8: {  	s4 =	sshll.u32 s28, $0x1;
	[dreg:$0x2] =	wrdreg s2  }
0xa9: {  	[dreg:$0x3] =	wrdreg s4  }
0xaa: {  	[dreg:$0x4] =	wrdreg $0xC0  }
0xab: {  	_ =	task [dreg:s6], $0x5FFFF  }
0xac: {  	[dreg:$0x1] =	wrdreg $0xFFFFFFFF  }
0xad: {  	[dreg:$0x0] =	wrdreg $0x60  }
0xae: {  	[dreg:$0x2] =	wrdreg s24  }
0xaf: {  	[dreg:$0x3] =	wrdreg $0x9  }
0xb0: {  	_ =	task.clear_ibuf [dreg:s6], $0x4FFFF;
	_ =	strace $0x90000046  }
0xb1: {  	s29 =	simm.s32 $0x9;
	_ =	strace $0x80000048  }
0xb2: {  	_ =	swait.ge [sflag:s29], $0x1  }
0xb3: {  	[sflag:s29] =	ssyncadd.s32 $0xFFFFFFFF  }
0xb4: {  	_ =	strace $0x90000048  }
0xb5: {  	_ =	sfence  }
0xb6: {  	s30 =	sld [smem:$0x0];
	_ =	sdelay $0x2  }
0xb7: {  	s31 =	sshll.u32 s1, $0xD;
	s1 =	sshrl.u32 s1, $0x2  }
0xb8: {  	s3 =	sand.u32 $0x4000, s31;
	s1 =	sadd.s32 s1, s30  }
0xb9: {  	s0 =	sor.u32 s3, s0;
	s1 =	sshll.u32 s1, $0x11  }
0xba: {  	s0 =	sor.u32 s1, s0  }
0xbb: {  	s0 =	sadd.s32 $0x8F2B, s0  }
0xbc: {  	[sflag:s0] =	ssyncadd.remote.s32 $0x1  }
0xbd: {  	_ =	sfence.sel $0xFFFF  }
0xbe: {  	[dreg:$0x0] =	wrdreg $0xFFFFFFFF;
	(pc) =	sbr.abs _section_cstart, $3  }
0xbf: {  	[dreg:$0x1] =	wrdreg $0xFFFFFFFF  }
0xc0: {  	_ =	task.clear_ibuf [dreg:s6], $0x2FFFF;
	_ =	strace $0x9FFFFFFF  }
0xc1: {  	(tm) =	ssettm $0x7FFFFFFF  }
tec
execute0_lowered:
.L_overlay_start_1:
0x0: {  	(tag) =	ssettag $0x1  }
0x1: {  	s0 =	rddreg [dreg:$0x0]  }
0x2: {  	s1 =	srdreg.scid;
	s9 =	stileid.u32;
	s2 =	simm.s32 $0x0  }
0x3: {  	s15 =	simm.s32 $0x9;
	s16 =	simm.s32 $0x4000;
	s17 =	simm.s32 $0x50  }
0x4: {  	s18 =	simm.s32 $0x8000;
	s19 =	simm.s32 $0xD000;
	s21 =	simm.s32 $0xA800  }
0x5: {  	s23 =	simm.s32 $0xF800;
	s28 =	simm.s32 $0x7;
	s31 =	simm.s32 $0x2  }
0x6: {  	s20 =	simm.s32 $0x8;
	s22 =	simm.s32 $0x0;
	s1 =	sand.u32 $0x1, s1  }
0x7: {  	s3 =	sshll.u32 s9, $0x1;
	[smem:$0x7FF] =	sst s2;
	s12 =	sadd.s32 $0x59200, s0  }
0x8: {  	s14 =	smul.u32 $0x4E200, s9;
	s4 =	sor.u32 s1, s3;
	_ =	strace $0x80000047  }
0x9: {  	s3 =	sadd.s32 $0x32000, s0;
	s6 =	ssub.s32 $0x2, s1;
	s1 =	smul.u32 $0x27100, s1  }
0xa: {  	s5 =	sshll.u32 s4, $0xB;
	s7 =	sshrl.u32 s6, $0x1;
	s4 =	smul.u32 $0x27100, s4  }
0xb: {  	s30 =	sadd.s32 s14, s12;
	s5 =	sadd.s32 s5, s0;
	s0 =	sadd.s32 $0x53B200, s0  }
0xc: {  	s6 =	ssub.s32 s6, s7;
	s13 =	sadd.s32 s1, s30;
	s24 =	sadd.s32 $0x22000, s5  }
0xd: {  	s5 =	sadd.s32 $0x12000, s5;
	s25 =	smax.u32 s6, $0x1;
	[dreg:$0x2] =	wrdreg s24  }
0xe: {  	s26 =	sadd.s32 s12, s4;
	s8 =	sadd.s32 s0, s4;
	[dreg:$0x3] =	wrdreg s5  }
0xf: {  	s29 =	sadd.s32 $0x500, s4;
	s4 =	sadd.s32 $0x26C00, s4;
	[dreg:$0x4] =	wrdreg s25  }
0x10: {  	[dreg:$0x5] =	wrdreg s26;
	s9 =	sadd.s32 s12, s29;
	s10 =	sadd.s32 s0, s29  }
0x11: {  	s11 =	sadd.s32 s12, s4;
	s12 =	sadd.s32 s0, s4;
	s0 =	sadd.s32 s14, s0  }
0x12: {  	s24 =	simm.s32 $0x1;
	s25 =	simm.s32 $0x3;
	s26 =	simm.s32 $0x5  }
0x13: {  	s14 =	sadd.s32 s1, s0;
	s0 =	simm.s32 $0x4;
	s1 =	simm.s32 $0x6  }
.LBB2_1:
0x14: {  	s4 =	rddreg [dreg:$0x2]  }
0x15: {  	[tilespmem:s2], [sflag:$0x9] =	stream.linear.gather [hbm4b:s4+s2], $0x3E80, $0x38;
	[tilespmem:$0x12000] =	vst v63  }
0x16: {  	_ =	swait.ge [sflag:s15], $0x3E80  }
0x17: {  	[sflag:s15] =	ssyncset.done $0x0  }
0x18: {  	s5 =	rddreg [dreg:$0x3];
	[sflag:s15] =	ssyncadd.s32 $0xFFFFC180  }
0x19: {  	[tilespmem:s16], [sflag:$0x9] =	stream.linear.gather [hbm4b:s5+s2], $0x3E80, $0x38;
	[tilespmem:$0x12000] =	vst v63  }
0x1a: {  	_ =	swait.ge [sflag:s15], $0x3E80  }
0x1b: {  	[sflag:s15] =	ssyncset.done $0x0  }
0x1c: {  	[sflag:s15] =	ssyncadd.s32 $0xFFFFC180  }
0x1d: {  	[tilespmem:s18], [sflag:$0x1] =	stream.indirect.gather [hbm4b:s3+s17], $0x80, s2, s17, $0xb8;
	[tilespmem:$0x12000] =	vst v63  }
0x1e: {  	_ = 	snop  }
0x1f: {  	[tilespmem:s19], [sflag:$0x3] =	stream.indirect.gather [hbm4b:s3+s17], $0x80, s16, s17, $0xb8;
	[tilespmem:$0x12000] =	vst v63  }
0x20: {  	s6 =	simm.s32 $0x80  }
0x21: {  	[tilespmem:s21], [sflag:$0x2] =	stream.indirect.gather [hbm4b:s3+s17], $0x80, s6, s17, $0xb8;
	[tilespmem:$0x12000] =	vst v63  }
0x22: {  	s7 =	simm.s32 $0x4080  }
0x23: {  	[tilespmem:s23], [sflag:$0x4] =	stream.indirect.gather [hbm4b:s3+s17], $0x80, s7, s17, $0xb8;
	[tilespmem:$0x12000] =	vst v63  }
0x24: {  	_ =	swait.ge [sflag:s24], $0x2800  }
0x25: {  	[sflag:s24] =	ssyncset.done $0x0  }
0x26: {  	[sflag:s24] =	ssyncadd.s32 $0xFFFFD800  }
0x27: {  	_ =	swait.ge [sflag:s25], $0x2800  }
0x28: {  	[sflag:s25] =	ssyncset.done $0x0  }
0x29: {  	s5 =	rddreg [dreg:$0x5];
	[sflag:s25] =	ssyncadd.s32 $0xFFFFD800  }
0x2a: {  	[hbm4b:s5+s2] =	stream.linear.scatter [tilespmem:s18], [sflag:$0x5], $0x2800, $0x38;
	[tilespmem:$0x12000] =	vst v63  }
0x2b: {  	_ = 	snop  }
0x2c: {  	[hbm4b:s8+s2] =	stream.linear.scatter [tilespmem:s19], [sflag:$0x7], $0x2800, $0x38;
	[tilespmem:$0x12000] =	vst v63  }
0x2d: {  	_ =	swait.ge [sflag:s26], $0x2800  }
0x2e: {  	[sflag:s26] =	ssyncset.done $0x0  }
0x2f: {  	[sflag:s26] =	ssyncadd.s32 $0xFFFFD800  }
0x30: {  	_ =	swait.ge [sflag:s28], $0x2800  }
0x31: {  	[sflag:s28] =	ssyncset.done $0x0  }
0x32: {  	s6 =	simm.s32 $0x100;
	[sflag:s28] =	ssyncadd.s32 $0xFFFFD800  }
0x33: {  	[tilespmem:s18], [sflag:$0x1] =	stream.indirect.gather [hbm4b:s3+s17], $0x80, s6, s17, $0xb8;
	[tilespmem:$0x12000] =	vst v63  }
0x34: {  	s7 =	simm.s32 $0x4100  }
0x35: {  	[tilespmem:s19], [sflag:$0x3] =	stream.indirect.gather [hbm4b:s3+s17], $0x80, s7, s17, $0xb8;
	[tilespmem:$0x12000] =	vst v63  }
0x36: {  	_ =	swait.ge [sflag:s31], $0x2800  }
0x37: {  	[sflag:s31] =	ssyncset.done $0x0  }
0x38: {  	[sflag:s31] =	ssyncadd.s32 $0xFFFFD800  }
0x39: {  	_ =	swait.ge [sflag:s0], $0x2800  }
0x3a: {  	[sflag:s0] =	ssyncset.done $0x0  }
0x3b: {  	[sflag:s0] =	ssyncadd.s32 $0xFFFFD800  }
0x3c: {  	[hbm4b:s9+s2] =	stream.linear.scatter [tilespmem:s21], [sflag:$0x6], $0x2800, $0x38;
	[tilespmem:$0x12000] =	vst v63  }
0x3d: {  	_ = 	snop  }
0x3e: {  	[hbm4b:s10+s2] =	stream.linear.scatter [tilespmem:s23], [sflag:$0x8], $0x2800, $0x38;
	[tilespmem:$0x12000] =	vst v63  }
0x3f: {  	_ =	swait.ge [sflag:s1], $0x2800  }
0x40: {  	[sflag:s1] =	ssyncset.done $0x0  }
0x41: {  	[sflag:s1] =	ssyncadd.s32 $0xFFFFD800  }
0x42: {  	_ =	swait.ge [sflag:s20], $0x2800  }
0x43: {  	[sflag:s20] =	ssyncset.done $0x0  }
0x44: {  	s5 =	simm.s32 $0x180;
	[sflag:s20] =	ssyncadd.s32 $0xFFFFD800  }
0x45: {  	[tilespmem:s21], [sflag:$0x2] =	stream.indirect.gather [hbm4b:s3+s17], $0x80, s5, s17, $0xb8;
	[tilespmem:$0x12000] =	vst v63  }
0x46: {  	s6 =	simm.s32 $0x4180  }
0x47: {  	[tilespmem:s23], [sflag:$0x4] =	stream.indirect.gather [hbm4b:s3+s17], $0x80, s6, s17, $0xb8;
	[tilespmem:$0x12000] =	vst v63  }
0x48: {  	_ =	swait.ge [sflag:s24], $0x2800  }
0x49: {  	[sflag:s24] =	ssyncset.done $0x0  }
0x4a: {  	[sflag:s24] =	ssyncadd.s32 $0xFFFFD800  }
0x4b: {  	_ =	swait.ge [sflag:s25], $0x2800  }
0x4c: {  	s4 =	sadd.s32 $0x0, s13;
	[sflag:s25] =	ssyncset.done $0x0  }
0x4d: {  	s30 =	sadd.s32 $0x0, s14;
	s5 =	sadd.s32 $0xA00, s4;
	[sflag:s25] =	ssyncadd.s32 $0xFFFFD800  }
0x4e: {  	[hbm4b:s5+s2] =	stream.linear.scatter [tilespmem:s18], [sflag:$0x5], $0x2800, $0x38;
	[tilespmem:$0x12000] =	vst v63  }
0x4f: {  	s7 =	sadd.s32 $0xA00, s30  }
0x50: {  	[hbm4b:s7+s2] =	stream.linear.scatter [tilespmem:s19], [sflag:$0x7], $0x2800, $0x38;
	[tilespmem:$0x12000] =	vst v63  }
0x51: {  	_ =	swait.ge [sflag:s26], $0x2800  }
0x52: {  	[sflag:s26] =	ssyncset.done $0x0  }
0x53: {  	[sflag:s26] =	ssyncadd.s32 $0xFFFFD800  }
0x54: {  	_ =	swait.ge [sflag:s28], $0x2800  }
0x55: {  	[sflag:s28] =	ssyncset.done $0x0  }
0x56: {  	s6 =	simm.s32 $0x200;
	[sflag:s28] =	ssyncadd.s32 $0xFFFFD800  }
0x57: {  	[tilespmem:s18], [sflag:$0x1] =	stream.indirect.gather [hbm4b:s3+s17], $0x80, s6, s17, $0xb8;
	[tilespmem:$0x12000] =	vst v63  }
0x58: {  	s7 =	simm.s32 $0x4200  }
0x59: {  	[tilespmem:s19], [sflag:$0x3] =	stream.indirect.gather [hbm4b:s3+s17], $0x80, s7, s17, $0xb8;
	[tilespmem:$0x12000] =	vst v63  }
0x5a: {  	_ =	swait.ge [sflag:s31], $0x2800  }
0x5b: {  	[sflag:s31] =	ssyncset.done $0x0  }
0x5c: {  	[sflag:s31] =	ssyncadd.s32 $0xFFFFD800  }
0x5d: {  	_ =	swait.ge [sflag:s0], $0x2800  }
0x5e: {  	[sflag:s0] =	ssyncset.done $0x0  }
0x5f: {  	s29 =	simm.s32 $0xA00;
	s4 =	sadd.s32 $0xF00, s4;
	[sflag:s0] =	ssyncadd.s32 $0xFFFFD800  }
0x60: {  	[hbm4b:s4+s2] =	stream.linear.scatter [tilespmem:s21], [sflag:$0x6], $0x2800, $0x38;
	[tilespmem:$0x12000] =	vst v63  }
0x61: {  	s5 =	sadd.s32 $0xF00, s30;
	s30 =	simm.s32 $0x280;
	s4 =	simm.s32 $0x4280  }
.LBB2_2:
0x62: {  	[hbm4b:s5+s2] =	stream.linear.scatter [tilespmem:s23], [sflag:$0x8], $0x2800, $0x38;
	[tilespmem:$0x12000] =	vst v63  }
0x63: {  	s5 =	smov.u32 s29  }
0x64: {  	p0 =	sne.s32 s29, $0x25800;
	s29 =	sadd.s32 $0xA00, s29;
	_ =	swait.ge [sflag:s1], $0x2800  }
0x65: {  	[sflag:s1] =	ssyncset.done $0x0  }
0x66: {  	[sflag:s1] =	ssyncadd.s32 $0xFFFFD800  }
0x67: {  	_ =	swait.ge [sflag:s20], $0x2800  }
0x68: {  	[sflag:s20] =	ssyncset.done $0x0  }
0x69: {  	[sflag:s20] =	ssyncadd.s32 $0xFFFFD800  }
0x6a: {  	[tilespmem:s21], [sflag:$0x2] =	stream.indirect.gather [hbm4b:s3+s17], $0x80, s30, s17, $0xb8;
	[tilespmem:$0x12000] =	vst v63  }
0x6b: {  	_ = 	snop  }
0x6c: {  	[tilespmem:s23], [sflag:$0x4] =	stream.indirect.gather [hbm4b:s3+s17], $0x80, s4, s17, $0xb8;
	[tilespmem:$0x12000] =	vst v63  }
0x6d: {  	_ =	swait.ge [sflag:s24], $0x2800  }
0x6e: {  	[sflag:s24] =	ssyncset.done $0x0  }
0x6f: {  	[sflag:s24] =	ssyncadd.s32 $0xFFFFD800  }
0x70: {  	_ =	swait.ge [sflag:s25], $0x2800  }
0x71: {  	s6 =	sadd.s32 s5, s13;
	[sflag:s25] =	ssyncset.done $0x0  }
0x72: {  	s5 =	sadd.s32 s5, s14;
	s7 =	sadd.s32 $0xA00, s6;
	[sflag:s25] =	ssyncadd.s32 $0xFFFFD800  }
0x73: {  	[hbm4b:s7+s2] =	stream.linear.scatter [tilespmem:s18], [sflag:$0x5], $0x2800, $0x38;
	[tilespmem:$0x12000] =	vst v63  }
0x74: {  	s7 =	sadd.s32 $0xA00, s5  }
0x75: {  	[hbm4b:s7+s2] =	stream.linear.scatter [tilespmem:s19], [sflag:$0x7], $0x2800, $0x38;
	[tilespmem:$0x12000] =	vst v63  }
0x76: {  	_ =	swait.ge [sflag:s26], $0x2800  }
0x77: {  	[sflag:s26] =	ssyncset.done $0x0  }
0x78: {  	[sflag:s26] =	ssyncadd.s32 $0xFFFFD800  }
0x79: {  	_ =	swait.ge [sflag:s28], $0x2800  }
0x7a: {  	[sflag:s28] =	ssyncset.done $0x0  }
0x7b: {  	s7 =	sadd.s32 $0x80, s30;
	[sflag:s28] =	ssyncadd.s32 $0xFFFFD800  }
0x7c: {  	[tilespmem:s18], [sflag:$0x1] =	stream.indirect.gather [hbm4b:s3+s17], $0x80, s7, s17, $0xb8;
	[tilespmem:$0x12000] =	vst v63  }
0x7d: {  	s7 =	sadd.s32 $0x80, s4  }
0x7e: {  	[tilespmem:s19], [sflag:$0x3] =	stream.indirect.gather [hbm4b:s3+s17], $0x80, s7, s17, $0xb8;
	[tilespmem:$0x12000] =	vst v63  }
0x7f: {  	_ =	swait.ge [sflag:s31], $0x2800  }
0x80: {  	[sflag:s31] =	ssyncset.done $0x0  }
0x81: {  	[sflag:s31] =	ssyncadd.s32 $0xFFFFD800  }
.Ltmp0:
0x82: {  	_ =	swait.ge [sflag:s0], $0x2800;
	(pc) =	sbr.rel @p0 .LBB2_2-.Ltmp0, $4  }
0x83: {  	[sflag:s0] =	ssyncset.done $0x0  }
0x84: {  	s6 =	sadd.s32 $0xF00, s6;
	[sflag:s0] =	ssyncadd.s32 $0xFFFFD800  }
0x85: {  	[hbm4b:s6+s2] =	stream.linear.scatter [tilespmem:s21], [sflag:$0x6], $0x2800, $0x38;
	[tilespmem:$0x12000] =	vst v63  }
0x86: {  	s5 =	sadd.s32 $0xF00, s5;
	s30 =	sadd.s32 $0x100, s30;
	s4 =	sadd.s32 $0x100, s4  }
0x87: {  	[hbm4b:s5+s2] =	stream.linear.scatter [tilespmem:s23], [sflag:$0x8], $0x2800, $0x38;
	[tilespmem:$0x12000] =	vst v63  }
0x88: {  	_ =	swait.ge [sflag:s24], $0x2800  }
0x89: {  	[sflag:s24] =	ssyncset.done $0x0  }
0x8a: {  	[sflag:s24] =	ssyncadd.s32 $0xFFFFD800  }
0x8b: {  	_ =	swait.ge [sflag:s25], $0x2800  }
0x8c: {  	[sflag:s25] =	ssyncset.done $0x0  }
0x8d: {  	[sflag:s25] =	ssyncadd.s32 $0xFFFFD800  }
0x8e: {  	[hbm4b:s11+s2] =	stream.linear.scatter [tilespmem:s18], [sflag:$0x5], $0x2800, $0x38;
	[tilespmem:$0x12000] =	vst v63  }
0x8f: {  	_ = 	snop  }
0x90: {  	[hbm4b:s12+s2] =	stream.linear.scatter [tilespmem:s19], [sflag:$0x7], $0x2800, $0x38;
	[tilespmem:$0x12000] =	vst v63  }
0x91: {  	_ =	swait.ge [sflag:s26], $0x2800  }
0x92: {  	[sflag:s26] =	ssyncset.done $0x0  }
0x93: {  	[sflag:s26] =	ssyncadd.s32 $0xFFFFD800  }
0x94: {  	_ =	swait.ge [sflag:s28], $0x2800  }
0x95: {  	[sflag:s28] =	ssyncset.done $0x0  }
0x96: {  	[sflag:s28] =	ssyncadd.s32 $0xFFFFD800  }
0x97: {  	_ =	swait.ge [sflag:s1], $0x2800  }
0x98: {  	[sflag:s1] =	ssyncset.done $0x0  }
0x99: {  	[sflag:s1] =	ssyncadd.s32 $0xFFFFD800  }
0x9a: {  	_ =	swait.ge [sflag:s20], $0x2800  }
0x9b: {  	s22 =	sadd.s32 $0x1, s22;
	s4 =	rddreg [dreg:$0x4]  }
0x9c: {  	p0 =	sne.s32 s22, s4  }
.Ltmp1:
0x9d: {  	_ = 	snop;
	(pc) =	sbr.rel @p0 .LBB2_1-.Ltmp1, $3  }
0x9e: {  	_ =	sdelay $0x1  }
0x9f: {  	[sflag:s20] =	ssyncset.done $0x0  }
0xa0: {  	[sflag:s20] =	ssyncadd.s32 $0xFFFFD800  }
0xa1: {  	_ =	sfence.sel $0x180000  }
0xa2: {  	[bflag:$0x0] =	sbarrier.arrive $0xFFFF  }
0xa3: {  	_ =	strace $0x90000047  }
0xa4: {  	s0 =	stileid.u32;
	[bflag:$0x2] =	sbarrier.arrive $0xFFFF  }
0xa5: {  	p0 =	sne.s32 s0, $0x0;
	s0 =	rddreg [dreg:$0x1]  }
0xa6: {  	s0 =	sadd.s32 @!p0 $0x100000, s0  }
0xa7: {  	[sflag:s0] =	ssyncadd.tile.s32 @!p0 $0x1;
	_ =	shalt  }
.Lfunc_end2:
_tile_overlayer_lowered:
.L_overlay_start_2:
0xa8: {  	(tag) =	ssettag $0x2  }
0xa9: {  	s0 =	rddreg [dreg:$0x0];
	s2 =	stileid.u32  }
0xaa: {  	s1 =	rddreg [dreg:$0x1];
	p0 =	sne.s32 s2, $0x0  }
0xab: {  	s3 =	rddreg [dreg:$0x2];
	[bflag:$0x3] =	sbarrier.arrive $0xFFFF;
	s2 =	simm.s32 @!p0 $0x1C09  }
0xac: {  	[timem:s3], [sflag:s2] =	dma.local @!p0 [hbm:s0], s1  }
0xad: {  	s0 =	simm.s32 @!p0 $0x9  }
0xae: {  	_ =	swait.ge @!p0 [sflag:s0], s1  }
0xaf: {  	s1 =	ssub.s32 @!p0 $0x0, s1;
	[sflag:s0] =	ssyncset.done @!p0 $0x0  }
0xb0: {  	[sflag:s0] =	ssyncadd.s32 @!p0 s1  }
0xb1: {  	[bflag:$0x3] =	sbarrier.arrive $0xFFFF  }
0xb2: {  	_ =	shalt  }

// kernel: kernel.28.cloned.1.call-start
scs
__scs_entry_jumppad:
0x0: {  	(pc) =	sbr.rel $0x88, $3  }
0x1: {  	(tag) =	ssettag $0x0;
	lr =	simm.s32 $0x1  }
0x2: {  	[smem:$0x3F8C] =	sst lr;
	_ =	strace $0xD0000000  }
0x3: {  	_ = 	snop  }
0x4: {  	_ = 	snop  }
0x5: {  	_ = 	snop  }
0x6: {  	_ = 	snop  }
0x7: {  	_ = 	snop  }
__scs_overlays_trampoline_lowered:
0x8: {  	[smem:$0x3F9B] =	sst s0  }
0x9: {  	[smem:$0x3F9C] =	sst s1  }
0xa: {  	[smem:$0x3F9D] =	sst s2  }
0xb: {  	[smem:$0x3F9E] =	sst s3  }
0xc: {  	[smem:$0x3F9F] =	sst s4  }
0xd: {  	[smem:$0x3FA0] =	sst s5  }
0xe: {  	[smem:$0x3FA1] =	sst s6  }
0xf: {  	[smem:$0x3FA2] =	sst s7  }
0x10: {  	[smem:$0x3FA3] =	sst s8  }
0x11: {  	[smem:$0x3FA4] =	sst s9;
	s0 =	simm.s32 @!p0 $0x0  }
0x12: {  	s1 =	sld [smem:$0x3F8A];
	s0 =	simm.s32 @p0 $0x1  }
0x13: {  	[smem:$0x3FA5] =	sst s0;
	s0 =	simm.s32 @!p1 $0x0  }
0x14: {  	s2 =	sld [smem:$0x3F89];
	s0 =	simm.s32 @p1 $0x1  }
0x15: {  	[smem:$0x3FA6] =	sst s0;
	s0 =	simm.s32 @!p2 $0x0  }
0x16: {  	s3 =	sld [smem:$0x3FDB];
	s0 =	simm.s32 @p2 $0x1  }
0x17: {  	s4 =	simm.s32 $0x1BF5;
	[smem:$0x3FA8] =	sst s0  }
0x18: {  	s0 =	sld [smem:$0x3F8B];
	_ =	swait.ge [sflag:s4], $0x0  }
0x19: {  	s7 =	sld [smem:$0x3F8C]  }
0x1a: {  	s8 =	sadd.s32 $0xFFFFE003, lr  }
0x1b: {  	s9 =	sadd.s32 $0xFFFFFEF7, lr;
	s5 =	simm.s32 $0xFFFFFFFF;
	p2 =	slt.u32 s8, $0xFFFFF086  }
0x1c: {  	p1 =	slt.u32 s9, $0xF7A;
	s5 =	simm.s32 @!p2 $0x0  }
0x1d: {  	s5 =	simm.s32 @p1 $0x1;
	p0 =	seq.s32 s7, s2  }
0x1e: {  	s7 =	smul.u32 @!p0 $0xF7A, s2;
	p2 =	seq.s32 @!p0 s5, $0x0  }
0x1f: {  	s9 =	smul.u32 $0xF7A, s1;
	s8 =	simm.s32 @!p0 $0x1BF5;
	p2 =	por !p2, p0  }
0x20: {  	[sflag:s8] =	ssyncset.s32 @!p0 $0xFFFFF086;
	s6 =	sadd.s32 @!p0 s3, s7;
	s7 =	simm.s32 @!p0 $0x108  }
0x21: {  	s3 =	sadd.s32 s3, s9;
	s6 =	sadd.s32 @!p0 $0x88, s6;
	s7 =	simm.s32 @p2 $0x1082  }
0x22: {  	[simem:s7], [sflag:s8] =	dma.local @!p0 [hbm:s6], $0xF7A  }
0x23: {  	s9 =	sor.u32 $0xD0000000, s2;
	s6 =	simm.s32 $0x108;
	_ =	swait.ge @!p0 [sflag:s8], $0x0  }
0x24: {  	s3 =	sadd.s32 $0x88, s3;
	s6 =	simm.s32 @!p1 $0x1082;
	[sflag:s4] =	ssyncset.s32 $0xFFFFF086  }
0x25: {  	[simem:s6], [sflag:s4] =	dma.local [hbm:s3], $0xF7A  }
0x26: {  	[smem:$0x3F8C] =	sst s1;
	(tag) =	ssettag s2;
	_ =	strace s9  }
0x27: {  	s1 =	sld [smem:$0x3F9C]  }
0x28: {  	s2 =	sld [smem:$0x3F9D]  }
0x29: {  	s4 =	sld [smem:$0x3F9F]  }
0x2a: {  	p0 =	seq.s32 s5, $0x0;
	s5 =	sld [smem:$0x3FA0]  }
0x2b: {  	s6 =	sld [smem:$0x3FA1]  }
0x2c: {  	s7 =	sld [smem:$0x3FA2]  }
0x2d: {  	s3 =	simm.s32 $0x108;
	s8 =	sld [smem:$0x3FA3]  }
0x2e: {  	s3 =	simm.s32 @!p0 $0x1082;
	s9 =	sld [smem:$0x3FA4]  }
0x2f: {  	lr =	sadd.s32 s0, s3;
	s0 =	sld [smem:$0x3F9B]  }
0x30: {  	s3 =	sld [smem:$0x3F9E]  }
0x31: {  	[smem:$0x3FA7] =	sst s10  }
0x32: {  	s10 =	sld [smem:$0x3FA5];
	_ =	sdelay $0x3  }
0x33: {  	p0 =	seq.s32 s10, $0x1;
	s10 =	sld [smem:$0x3FA7];
	_ =	sdelay $0x3  }
0x34: {  	[smem:$0x3FA7] =	sst s10  }
0x35: {  	s10 =	sld [smem:$0x3FA6];
	_ =	sdelay $0x3  }
0x36: {  	p1 =	seq.s32 s10, $0x1;
	s10 =	sld [smem:$0x3FA7];
	_ =	sdelay $0x3  }
0x37: {  	[smem:$0x3FA7] =	sst s10  }
0x38: {  	s10 =	sld [smem:$0x3FA8]  }
0x39: {  	_ = 	snop;
	(pc) =	sbr.ind lr, $3  }
0x3a: {  	_ = 	snop  }
0x3b: {  	_ = 	snop  }
0x3c: {  	p2 =	seq.s32 s10, $0x1;
	s10 =	sld [smem:$0x3FA7]  }
0x3d: {  	_ =	shalt  }
0x3e: {  	_ =	shalt  }
0x3f: {  	_ =	shalt  }
0x40: {  	_ =	shalt  }
0x41: {  	_ =	shalt  }
0x42: {  	_ =	shalt  }
0x43: {  	_ =	shalt  }
0x44: {  	_ =	shalt  }
0x45: {  	_ =	shalt  }
0x46: {  	_ =	shalt  }
0x47: {  	_ =	shalt  }
0x48: {  	_ =	shalt  }
0x49: {  	_ =	shalt  }
0x4a: {  	_ =	shalt  }
0x4b: {  	_ =	shalt  }
0x4c: {  	_ =	shalt  }
0x4d: {  	_ =	shalt  }
0x4e: {  	_ =	shalt  }
0x4f: {  	_ =	shalt  }
0x50: {  	_ =	shalt  }
0x51: {  	_ =	shalt  }
0x52: {  	_ =	shalt  }
0x53: {  	_ =	shalt  }
0x54: {  	_ =	shalt  }
0x55: {  	_ =	shalt  }
0x56: {  	_ =	shalt  }
0x57: {  	_ =	shalt  }
0x58: {  	_ =	shalt  }
0x59: {  	_ =	shalt  }
0x5a: {  	_ =	shalt  }
0x5b: {  	_ =	shalt  }
0x5c: {  	_ =	shalt  }
0x5d: {  	_ =	shalt  }
0x5e: {  	_ =	shalt  }
0x5f: {  	_ =	shalt  }
0x60: {  	_ =	shalt  }
0x61: {  	_ =	shalt  }
0x62: {  	_ =	shalt  }
0x63: {  	_ =	shalt  }
0x64: {  	_ =	shalt  }
0x65: {  	_ =	shalt  }
0x66: {  	_ =	shalt  }
0x67: {  	_ =	shalt  }
0x68: {  	_ =	shalt  }
0x69: {  	_ =	shalt  }
0x6a: {  	_ =	shalt  }
0x6b: {  	_ =	shalt  }
0x6c: {  	_ =	shalt  }
0x6d: {  	_ =	shalt  }
0x6e: {  	_ =	shalt  }
0x6f: {  	_ =	shalt  }
0x70: {  	_ =	shalt  }
0x71: {  	_ =	shalt  }
0x72: {  	_ =	shalt  }
0x73: {  	_ =	shalt  }
0x74: {  	_ =	shalt  }
0x75: {  	_ =	shalt  }
0x76: {  	_ =	shalt  }
0x77: {  	_ =	shalt  }
0x78: {  	_ =	shalt  }
0x79: {  	_ =	shalt  }
0x7a: {  	_ =	shalt  }
0x7b: {  	_ =	shalt  }
0x7c: {  	_ =	shalt  }
0x7d: {  	_ =	shalt  }
0x7e: {  	_ =	shalt  }
0x7f: {  	_ =	shalt  }
0x80: {  	_ =	shalt  }
0x81: {  	_ =	shalt  }
0x82: {  	_ =	shalt  }
0x83: {  	_ =	shalt  }
0x84: {  	_ =	shalt  }
0x85: {  	_ =	shalt  }
0x86: {  	_ =	shalt  }
0x87: {  	_ =	shalt  }
.Lfunc_end0:
.L_simem_size_0:
called_computation.1_lowered:
.L_overlay_start_0:
0x88: {  	s2 =	sld [smem:$0x3FD9]  }
0x89: {  	s3 =	sld [smem:$0x3FFE];
	_ =	sdelay $0x1  }
0x8a: {  	s1 =	srdreg.scid  }
0x8b: {  	s0 =	sand.u32 $0x1, s1  }
0x8c: {  	s17 =	sshll.u32 s0, $0xA;
	s2 =	sadd.s32 s3, s2  }
0x8d: {  	s2 =	sadd.s32 s2, s17  }
0x8e: {  	[smem:$0x3FB3] =	sst s2  }
0x8f: {  	_ = 	snop  }
0x90: {  	s2 =	sld [smem:$0x3FD0];
	(tm) =	ssettm $0x1  }
0x91: {  	s18 =	sld [smem:$0x3FFB];
	_ =	sdelay $0x3  }
0x92: {  	_ =	strace s18  }
0x93: {  	s3 =	sld [smem:$0x3FFC];
	_ =	sdelay $0x3  }
0x94: {  	_ =	strace s3  }
0x95: {  	s3 =	sld [smem:$0x3FFD];
	_ =	sdelay $0x3  }
0x96: {  	_ =	strace s3  }
0x97: {  	_ =	strace $0x8FFFFFFF  }
0x98: {  	s19 =	sld [smem:$0x3FDB];
	_ =	sdelay $0x1  }
0x99: {  	s4 =	simm.s32 $_scs_section_size  }
0x9a: {  	s5 =	simm.s32 $_size__tile_overlayer_lowered;
	s6 =	simm.s32 $_tile_overlayer_lowered  }
0x9b: {  	s22 =	simm.s32 $0x1BFF;
	s21 =	sshll.u32 s6, $0x1;
	s3 =	sadd.s32 s4, s19  }
0x9c: {  	s7 =	simm.s32 $0x0;
	s20 =	sshll.u32 s5, $0x1;
	s5 =	sadd.s32 s21, s3  }
0x9d: {  	[timem:s7], [sflag:s22] =	dma.local [hbm:s5], s20  }
0x9e: {  	_ =	swait.ge [sflag:s22], s20  }
0x9f: {  	s4 =	ssub.s32 $0x0, s20;
	[sflag:s22] =	ssyncset.done $0x0  }
0xa0: {  	[sflag:s22] =	ssyncadd.s32 s4;
	_ =	sdelay $0x1  }
0xa1: {  	s23 =	simm.s32 $0x1B8B  }
0xa2: {  	_ =	swait.ge [sflag:s23], $0x1  }
0xa3: {  	[sflag:s23] =	ssyncset.done $0x0  }
0xa4: {  	s25 =	simm.s32 $0x1B8E;
	s24 =	sld [smem:$0x3FFE];
	[sflag:s23] =	ssyncadd.s32 $0xFFFFFFFF  }
0xa5: {  	s26 =	simm.s32 $execute0_lowered;
	[smem:$0x3FD2] =	sst s25  }
0xa6: {  	s5 =	sshll.u32 s26, $0x1;
	_ =	strace $0x80000049;
	[dreg:$0x1] =	wrdreg $0xFFFFFFFF  }
0xa7: {  	s28 =	simm.s32 $_size_execute0_lowered;
	s3 =	sadd.s32 s3, s5;
	[dreg:$0x0] =	wrdreg $0x0  }
0xa8: {  	s5 =	sshll.u32 s28, $0x1;
	[dreg:$0x2] =	wrdreg s3  }
0xa9: {  	[dreg:$0x3] =	wrdreg s5  }
0xaa: {  	[dreg:$0x4] =	wrdreg $0xC0  }
0xab: {  	_ =	task [dreg:s7], $0x5FFFF  }
0xac: {  	[dreg:$0x1] =	wrdreg $0xFFFFFFFF  }
0xad: {  	[dreg:$0x0] =	wrdreg $0x60  }
0xae: {  	[dreg:$0x2] =	wrdreg s24  }
0xaf: {  	[dreg:$0x3] =	wrdreg s2  }
0xb0: {  	[dreg:$0x4] =	wrdreg $0x0  }
0xb1: {  	[dreg:$0x5] =	wrdreg $0x9  }
0xb2: {  	_ =	task.clear_ibuf [dreg:s7], $0x6FFFF;
	_ =	strace $0x90000049  }
0xb3: {  	s29 =	simm.s32 $0x9;
	_ =	strace $0x8000004B  }
0xb4: {  	_ =	swait.ge [sflag:s29], $0x1  }
0xb5: {  	[sflag:s29] =	ssyncadd.s32 $0xFFFFFFFF  }
0xb6: {  	_ =	strace $0x9000004B  }
0xb7: {  	_ =	sfence  }
0xb8: {  	s30 =	sld [smem:$0x0];
	_ =	sdelay $0x2  }
0xb9: {  	s31 =	sshll.u32 s1, $0xD;
	s1 =	sshrl.u32 s1, $0x2  }
0xba: {  	s3 =	sand.u32 $0x4000, s31;
	s1 =	sadd.s32 s1, s30  }
0xbb: {  	s0 =	sor.u32 s3, s0;
	s1 =	sshll.u32 s1, $0x11  }
0xbc: {  	s0 =	sor.u32 s1, s0  }
0xbd: {  	s0 =	sadd.s32 $0x8F2B, s0  }
0xbe: {  	[sflag:s0] =	ssyncadd.remote.s32 $0x1  }
0xbf: {  	_ =	sfence.sel $0xFFFF  }
0xc0: {  	[dreg:$0x0] =	wrdreg $0xFFFFFFFF;
	(pc) =	sbr.abs _section_cstart, $3  }
0xc1: {  	[dreg:$0x1] =	wrdreg $0xFFFFFFFF  }
0xc2: {  	_ =	task.clear_ibuf [dreg:s7], $0x2FFFF;
	_ =	strace $0x9FFFFFFF  }
0xc3: {  	(tm) =	ssettm $0x7FFFFFFF  }
tec
execute0_lowered:
.L_overlay_start_1:
0x0: {  	(tag) =	ssettag $0x1  }
0x1: {  	s5 =	rddreg [dreg:$0x0]  }
0x2: {  	s1 =	rddreg [dreg:$0x1]  }
0x3: {  	s2 =	rddreg [dreg:$0x2]  }
0x4: {  	s3 =	srdreg.scid;
	s0 =	rddreg [dreg:$0x3]  }
0x5: {  	s4 =	simm.s32 $0x0;
	s15 =	simm.s32 $0x14000;
	s16 =	simm.s32 $0x18000  }
0x6: {  	s17 =	simm.s32 $0x1A800;
	s18 =	simm.s32 $0x1;
	s19 =	simm.s32 $0x50  }
0x7: {  	s20 =	simm.s32 $0x3;
	s21 =	simm.s32 $0x2;
	s22 =	simm.s32 $0x14080  }
0x8: {  	s23 =	simm.s32 $0x4;
	s7 =	sand.u32 $0x1, s3;
	s3 =	stileid.u32  }
0x9: {  	s24 =	simm.s32 $0x17E00;
	[smem:$0x7FF] =	sst s4;
	s6 =	smul.u32 $0x140000, s7  }
0xa: {  	s10 =	sadd.s32 $0xA37800, s5;
	s8 =	sshll.u32 s3, $0x1;
	s9 =	smul.u32 $0x14000, s3  }
0xb: {  	_ =	strace $0x8000004A;
	s25 =	ssub.s32 $0x2, s7;
	s12 =	smul.u32 $0x50000, s3  }
0xc: {  	s29 =	sshll.u32 s3, $0x6;
	s30 =	smul.u32 $0x4E200, s3;
	s8 =	sor.u32 s7, s8  }
0xd: {  	s31 =	smul.u32 $0x27100, s7;
	s26 =	sshrl.u32 s25, $0x1;
	s11 =	sshll.u32 s8, $0xB  }
0xe: {  	s6 =	sadd.s32 s9, s6;
	s9 =	ssub.s32 s25, s26;
	s28 =	sshrl.u32 s12, $0x2  }
0xf: {  	s8 =	smul.u32 $0x27100, s8;
	s12 =	sadd.s32 s30, s10;
	s25 =	simm.s32 $0x0  }
0x10: {  	s6 =	sshrl.u32 s6, $0x3;
	s11 =	sadd.s32 s11, s5;
	s14 =	sadd.s32 s28, s2  }
0x11: {  	s9 =	smax.u32 s9, $0x1;
	s12 =	sadd.s32 s31, s12;
	s13 =	sadd.s32 s6, s5  }
0x12: {  	s5 =	sor.u32 $0x1C05, s29;
	s6 =	sadd.s32 $0x12000, s11;
	s7 =	sadd.s32 s10, s8  }
0x13: {  	s12 =	sadd.s32 $0xF00, s12;
	s8 =	sadd.s32 $0x59200, s13;
	s10 =	sadd.s32 $0x500, s7  }
0x14: {  	s11 =	sadd.s32 $0xA00, s7;
	s13 =	sshrl.u32 s14, $0x3;
	s14 =	simm.s32 $0x5  }
.LBB2_1:
0x15: {  	[spmem:s13], [sflag:s5] =	dma.local [hbm:s1], $0x2800  }
0x16: {  	_ =	swait.ge [sflag:s14], $0x2800  }
0x17: {  	[sflag:s14] =	ssyncset.done $0x0  }
0x18: {  	[sflag:s14] =	ssyncadd.s32 $0xFFFFD800  }
0x19: {  	[tilespmem:s15], [sflag:$0x5] =	stream.linear.gather [hbm4b:s6+s4], $0x3E80, $0x38;
	[tilespmem:$0x1D000] =	vst v63  }
0x1a: {  	_ =	swait.ge [sflag:s14], $0x3E80  }
0x1b: {  	[sflag:s14] =	ssyncset.done $0x0  }
0x1c: {  	[sflag:s14] =	ssyncadd.s32 $0xFFFFC180  }
0x1d: {  	[bflag:$0x0] =	sbarrier.arrive $0xFFFF  }
0x1e: {  	[tilespmem:s16], [sflag:$0x1] =	stream.linear.gather [hbm4b:s7+s4], $0x2800, $0x38;
	[tilespmem:$0x1D000] =	vst v63  }
0x1f: {  	_ = 	snop  }
0x20: {  	[tilespmem:s17], [sflag:$0x2] =	stream.linear.gather [hbm4b:s10+s4], $0x2800, $0x38;
	[tilespmem:$0x1D000] =	vst v63  }
0x21: {  	_ =	swait.ge [sflag:s18], $0x2800  }
0x22: {  	[sflag:s18] =	ssyncset.done $0x0  }
0x23: {  	[sflag:s18] =	ssyncadd.s32 $0xFFFFD800  }
0x24: {  	[spmem:s2] =	stream.indirect.scatter.add.f32 [tilespmem:s16], [sflag:$0x3], $0x80, s15, s19, $0xb8;
	[tilespmem:$0x1D000] =	vst v63  }
0x25: {  	_ =	swait.ge [sflag:s20], $0x2800  }
0x26: {  	[sflag:s20] =	ssyncset.done $0x0  }
0x27: {  	[sflag:s20] =	ssyncadd.s32 $0xFFFFD800  }
0x28: {  	[tilespmem:s16], [sflag:$0x1] =	stream.linear.gather [hbm4b:s11+s4], $0x2800, $0x38;
	[tilespmem:$0x1D000] =	vst v63  }
0x29: {  	_ =	swait.ge [sflag:s21], $0x2800  }
0x2a: {  	[sflag:s21] =	ssyncset.done $0x0  }
0x2b: {  	[sflag:s21] =	ssyncadd.s32 $0xFFFFD800  }
0x2c: {  	[spmem:s2] =	stream.indirect.scatter.add.f32 [tilespmem:s17], [sflag:$0x4], $0x80, s22, s19, $0xb8;
	[tilespmem:$0x1D000] =	vst v63  }
0x2d: {  	_ =	swait.ge [sflag:s23], $0x2800  }
0x2e: {  	[sflag:s23] =	ssyncset.done $0x0  }
0x2f: {  	[sflag:s23] =	ssyncadd.s32 $0xFFFFD800  }
0x30: {  	[tilespmem:s17], [sflag:$0x2] =	stream.linear.gather [hbm4b:s12+s4], $0x2800, $0x38;
	[tilespmem:$0x1D000] =	vst v63  }
0x31: {  	_ =	swait.ge [sflag:s18], $0x2800  }
0x32: {  	[sflag:s18] =	ssyncset.done $0x0  }
0x33: {  	s26 =	simm.s32 $0x14100;
	[sflag:s18] =	ssyncadd.s32 $0xFFFFD800  }
0x34: {  	[spmem:s2] =	stream.indirect.scatter.add.f32 [tilespmem:s16], [sflag:$0x3], $0x80, s26, s19, $0xb8;
	[tilespmem:$0x1D000] =	vst v63  }
0x35: {  	_ =	swait.ge [sflag:s20], $0x2800  }
0x36: {  	[sflag:s20] =	ssyncset.done $0x0  }
0x37: {  	s31 =	sadd.s32 $0x500, s12;
	[sflag:s20] =	ssyncadd.s32 $0xFFFFD800  }
0x38: {  	[tilespmem:s16], [sflag:$0x1] =	stream.linear.gather [hbm4b:s31+s4], $0x2800, $0x38;
	[tilespmem:$0x1D000] =	vst v63  }
0x39: {  	_ =	swait.ge [sflag:s21], $0x2800  }
0x3a: {  	s29 =	simm.s32 $0x14180;
	[sflag:s21] =	ssyncset.done $0x0  }
0x3b: {  	s28 =	sadd.s32 $0xA00, s12;
	s26 =	simm.s32 $0x400;
	[sflag:s21] =	ssyncadd.s32 $0xFFFFD800  }
.LBB2_2:
0x3c: {  	[spmem:s2] =	stream.indirect.scatter.add.f32 [tilespmem:s17], [sflag:$0x4], $0x80, s29, s19, $0xb8;
	[tilespmem:$0x1D000] =	vst v63  }
0x3d: {  	s29 =	smov.u32 s26  }
0x3e: {  	p0 =	sne.s32 s26, $0xF000;
	s26 =	sadd.s32 $0x400, s26;
	_ =	swait.ge [sflag:s23], $0x2800  }
0x3f: {  	[sflag:s23] =	ssyncset.done $0x0  }
0x40: {  	[sflag:s23] =	ssyncadd.s32 $0xFFFFD800  }
0x41: {  	[tilespmem:s17], [sflag:$0x2] =	stream.linear.gather [hbm4b:s28+s4], $0x2800, $0x38;
	[tilespmem:$0x1D000] =	vst v63  }
0x42: {  	_ =	swait.ge [sflag:s18], $0x2800  }
0x43: {  	s29 =	sshra.s32 s29, $0x2;
	[sflag:s18] =	ssyncset.done $0x0  }
0x44: {  	s30 =	sadd.s32 $0x14100, s29;
	[sflag:s18] =	ssyncadd.s32 $0xFFFFD800  }
0x45: {  	[spmem:s2] =	stream.indirect.scatter.add.f32 [tilespmem:s16], [sflag:$0x3], $0x80, s30, s19, $0xb8;
	[tilespmem:$0x1D000] =	vst v63  }
0x46: {  	_ =	swait.ge [sflag:s20], $0x2800  }
0x47: {  	[sflag:s20] =	ssyncset.done $0x0  }
.Ltmp0:
0x48: {  	s30 =	sadd.s32 $0x500, s28;
	[sflag:s20] =	ssyncadd.s32 $0xFFFFD800;
	(pc) =	sbr.rel @p0 .LBB2_2-.Ltmp0, $4  }
0x49: {  	[tilespmem:s16], [sflag:$0x1] =	stream.linear.gather [hbm4b:s30+s4], $0x2800, $0x38;
	[tilespmem:$0x1D000] =	vst v63  }
0x4a: {  	_ =	swait.ge [sflag:s21], $0x2800  }
0x4b: {  	[sflag:s21] =	ssyncset.done $0x0  }
0x4c: {  	s29 =	sadd.s32 $0x14180, s29;
	s28 =	sadd.s32 $0xA00, s28;
	[sflag:s21] =	ssyncadd.s32 $0xFFFFD800  }
0x4d: {  	[spmem:s2] =	stream.indirect.scatter.add.f32 [tilespmem:s17], [sflag:$0x4], $0x80, s29, s19, $0xb8;
	[tilespmem:$0x1D000] =	vst v63  }
0x4e: {  	_ =	swait.ge [sflag:s18], $0x2800  }
0x4f: {  	[sflag:s18] =	ssyncset.done $0x0  }
0x50: {  	[sflag:s18] =	ssyncadd.s32 $0xFFFFD800  }
0x51: {  	[spmem:s2] =	stream.indirect.scatter.add.f32 [tilespmem:s16], [sflag:$0x3], $0x80, s24, s19, $0xb8;
	[tilespmem:$0x1D000] =	vst v63  }
0x52: {  	_ =	swait.ge [sflag:s20], $0x2800  }
0x53: {  	[sflag:s20] =	ssyncset.done $0x0  }
0x54: {  	[sflag:s20] =	ssyncadd.s32 $0xFFFFD800  }
0x55: {  	_ =	swait.ge [sflag:s23], $0x2800  }
0x56: {  	s25 =	sadd.s32 $0x1, s25;
	[sflag:s23] =	ssyncset.done $0x0  }
0x57: {  	p0 =	sne.s32 s25, s9;
	[sflag:s23] =	ssyncadd.s32 $0xFFFFD800  }
.Ltmp1:
0x58: {  	[bflag:$0x0] =	sbarrier.arrive $0xFFFF;
	(pc) =	sbr.rel @p0 .LBB2_1-.Ltmp1, $4  }
0x59: {  	[hbm:s8], [sflag:s5] =	dma.local [spmem:s13], $0x2800  }
0x5a: {  	_ =	swait.ge [sflag:s14], $0x2800  }
0x5b: {  	[sflag:s14] =	ssyncset.done $0x0  }
0x5c: {  	[sflag:s14] =	ssyncadd.s32 $0xFFFFD800  }
0x5d: {  	_ =	sfence.sel $0x180000  }
0x5e: {  	[bflag:$0x0] =	sbarrier.arrive $0xFFFF  }
0x5f: {  	p0 =	sne.s32 s3, $0x0;
	_ =	strace $0x9000004A  }
0x60: {  	s0 =	sadd.s32 @!p0 $0x100000, s0;
	[bflag:$0x2] =	sbarrier.arrive $0xFFFF  }
0x61: {  	[sflag:s0] =	ssyncadd.tile.s32 @!p0 $0x1;
	_ =	shalt  }
.Lfunc_end2:
_tile_overlayer_lowered:
.L_overlay_start_2:
0x62: {  	(tag) =	ssettag $0x2  }
0x63: {  	s0 =	rddreg [dreg:$0x0];
	s2 =	stileid.u32  }
0x64: {  	s1 =	rddreg [dreg:$0x1];
	p0 =	sne.s32 s2, $0x0  }
0x65: {  	s3 =	rddreg [dreg:$0x2];
	[bflag:$0x3] =	sbarrier.arrive $0xFFFF;
	s2 =	simm.s32 @!p0 $0x1C05  }
0x66: {  	[timem:s3], [sflag:s2] =	dma.local @!p0 [hbm:s0], s1  }
0x67: {  	s0 =	simm.s32 @!p0 $0x5  }
0x68: {  	_ =	swait.ge @!p0 [sflag:s0], s1  }
0x69: {  	s1 =	ssub.s32 @!p0 $0x0, s1;
	[sflag:s0] =	ssyncset.done @!p0 $0x0  }
0x6a: {  	[sflag:s0] =	ssyncadd.s32 @!p0 s1  }
0x6b: {  	[bflag:$0x3] =	sbarrier.arrive $0xFFFF  }
0x6c: {  	_ =	shalt  }

// kernel: kernel.31.cloned.1.call-start
scs
__scs_entry_jumppad:
0x0: {  	(pc) =	sbr.rel $0x88, $3  }
0x1: {  	(tag) =	ssettag $0x0;
	lr =	simm.s32 $0x1  }
0x2: {  	[smem:$0x3F8C] =	sst lr;
	_ =	strace $0xD0000000  }
0x3: {  	_ = 	snop  }
0x4: {  	_ = 	snop  }
0x5: {  	_ = 	snop  }
0x6: {  	_ = 	snop  }
0x7: {  	_ = 	snop  }
__scs_overlays_trampoline_lowered:
0x8: {  	[smem:$0x3F9B] =	sst s0  }
0x9: {  	[smem:$0x3F9C] =	sst s1  }
0xa: {  	[smem:$0x3F9D] =	sst s2  }
0xb: {  	[smem:$0x3F9E] =	sst s3  }
0xc: {  	[smem:$0x3F9F] =	sst s4  }
0xd: {  	[smem:$0x3FA0] =	sst s5  }
0xe: {  	[smem:$0x3FA1] =	sst s6  }
0xf: {  	[smem:$0x3FA2] =	sst s7  }
0x10: {  	[smem:$0x3FA3] =	sst s8  }
0x11: {  	[smem:$0x3FA4] =	sst s9;
	s0 =	simm.s32 @!p0 $0x0  }
0x12: {  	s1 =	sld [smem:$0x3F8A];
	s0 =	simm.s32 @p0 $0x1  }
0x13: {  	[smem:$0x3FA5] =	sst s0;
	s0 =	simm.s32 @!p1 $0x0  }
0x14: {  	s2 =	sld [smem:$0x3F89];
	s0 =	simm.s32 @p1 $0x1  }
0x15: {  	[smem:$0x3FA6] =	sst s0;
	s0 =	simm.s32 @!p2 $0x0  }
0x16: {  	s3 =	sld [smem:$0x3FDB];
	s0 =	simm.s32 @p2 $0x1  }
0x17: {  	s4 =	simm.s32 $0x1BF5;
	[smem:$0x3FA8] =	sst s0  }
0x18: {  	s0 =	sld [smem:$0x3F8B];
	_ =	swait.ge [sflag:s4], $0x0  }
0x19: {  	s7 =	sld [smem:$0x3F8C]  }
0x1a: {  	s8 =	sadd.s32 $0xFFFFE003, lr  }
0x1b: {  	s9 =	sadd.s32 $0xFFFFFEF7, lr;
	s5 =	simm.s32 $0xFFFFFFFF;
	p2 =	slt.u32 s8, $0xFFFFF086  }
0x1c: {  	p1 =	slt.u32 s9, $0xF7A;
	s5 =	simm.s32 @!p2 $0x0  }
0x1d: {  	s5 =	simm.s32 @p1 $0x1;
	p0 =	seq.s32 s7, s2  }
0x1e: {  	s7 =	smul.u32 @!p0 $0xF7A, s2;
	p2 =	seq.s32 @!p0 s5, $0x0  }
0x1f: {  	s9 =	smul.u32 $0xF7A, s1;
	s8 =	simm.s32 @!p0 $0x1BF5;
	p2 =	por !p2, p0  }
0x20: {  	[sflag:s8] =	ssyncset.s32 @!p0 $0xFFFFF086;
	s6 =	sadd.s32 @!p0 s3, s7;
	s7 =	simm.s32 @!p0 $0x108  }
0x21: {  	s3 =	sadd.s32 s3, s9;
	s6 =	sadd.s32 @!p0 $0x88, s6;
	s7 =	simm.s32 @p2 $0x1082  }
0x22: {  	[simem:s7], [sflag:s8] =	dma.local @!p0 [hbm:s6], $0xF7A  }
0x23: {  	s9 =	sor.u32 $0xD0000000, s2;
	s6 =	simm.s32 $0x108;
	_ =	swait.ge @!p0 [sflag:s8], $0x0  }
0x24: {  	s3 =	sadd.s32 $0x88, s3;
	s6 =	simm.s32 @!p1 $0x1082;
	[sflag:s4] =	ssyncset.s32 $0xFFFFF086  }
0x25: {  	[simem:s6], [sflag:s4] =	dma.local [hbm:s3], $0xF7A  }
0x26: {  	[smem:$0x3F8C] =	sst s1;
	(tag) =	ssettag s2;
	_ =	strace s9  }
0x27: {  	s1 =	sld [smem:$0x3F9C]  }
0x28: {  	s2 =	sld [smem:$0x3F9D]  }
0x29: {  	s4 =	sld [smem:$0x3F9F]  }
0x2a: {  	p0 =	seq.s32 s5, $0x0;
	s5 =	sld [smem:$0x3FA0]  }
0x2b: {  	s6 =	sld [smem:$0x3FA1]  }
0x2c: {  	s7 =	sld [smem:$0x3FA2]  }
0x2d: {  	s3 =	simm.s32 $0x108;
	s8 =	sld [smem:$0x3FA3]  }
0x2e: {  	s3 =	simm.s32 @!p0 $0x1082;
	s9 =	sld [smem:$0x3FA4]  }
0x2f: {  	lr =	sadd.s32 s0, s3;
	s0 =	sld [smem:$0x3F9B]  }
0x30: {  	s3 =	sld [smem:$0x3F9E]  }
0x31: {  	[smem:$0x3FA7] =	sst s10  }
0x32: {  	s10 =	sld [smem:$0x3FA5];
	_ =	sdelay $0x3  }
0x33: {  	p0 =	seq.s32 s10, $0x1;
	s10 =	sld [smem:$0x3FA7];
	_ =	sdelay $0x3  }
0x34: {  	[smem:$0x3FA7] =	sst s10  }
0x35: {  	s10 =	sld [smem:$0x3FA6];
	_ =	sdelay $0x3  }
0x36: {  	p1 =	seq.s32 s10, $0x1;
	s10 =	sld [smem:$0x3FA7];
	_ =	sdelay $0x3  }
0x37: {  	[smem:$0x3FA7] =	sst s10  }
0x38: {  	s10 =	sld [smem:$0x3FA8]  }
0x39: {  	_ = 	snop;
	(pc) =	sbr.ind lr, $3  }
0x3a: {  	_ = 	snop  }
0x3b: {  	_ = 	snop  }
0x3c: {  	p2 =	seq.s32 s10, $0x1;
	s10 =	sld [smem:$0x3FA7]  }
0x3d: {  	_ =	shalt  }
0x3e: {  	_ =	shalt  }
0x3f: {  	_ =	shalt  }
0x40: {  	_ =	shalt  }
0x41: {  	_ =	shalt  }
0x42: {  	_ =	shalt  }
0x43: {  	_ =	shalt  }
0x44: {  	_ =	shalt  }
0x45: {  	_ =	shalt  }
0x46: {  	_ =	shalt  }
0x47: {  	_ =	shalt  }
0x48: {  	_ =	shalt  }
0x49: {  	_ =	shalt  }
0x4a: {  	_ =	shalt  }
0x4b: {  	_ =	shalt  }
0x4c: {  	_ =	shalt  }
0x4d: {  	_ =	shalt  }
0x4e: {  	_ =	shalt  }
0x4f: {  	_ =	shalt  }
0x50: {  	_ =	shalt  }
0x51: {  	_ =	shalt  }
0x52: {  	_ =	shalt  }
0x53: {  	_ =	shalt  }
0x54: {  	_ =	shalt  }
0x55: {  	_ =	shalt  }
0x56: {  	_ =	shalt  }
0x57: {  	_ =	shalt  }
0x58: {  	_ =	shalt  }
0x59: {  	_ =	shalt  }
0x5a: {  	_ =	shalt  }
0x5b: {  	_ =	shalt  }
0x5c: {  	_ =	shalt  }
0x5d: {  	_ =	shalt  }
0x5e: {  	_ =	shalt  }
0x5f: {  	_ =	shalt  }
0x60: {  	_ =	shalt  }
0x61: {  	_ =	shalt  }
0x62: {  	_ =	shalt  }
0x63: {  	_ =	shalt  }
0x64: {  	_ =	shalt  }
0x65: {  	_ =	shalt  }
0x66: {  	_ =	shalt  }
0x67: {  	_ =	shalt  }
0x68: {  	_ =	shalt  }
0x69: {  	_ =	shalt  }
0x6a: {  	_ =	shalt  }
0x6b: {  	_ =	shalt  }
0x6c: {  	_ =	shalt  }
0x6d: {  	_ =	shalt  }
0x6e: {  	_ =	shalt  }
0x6f: {  	_ =	shalt  }
0x70: {  	_ =	shalt  }
0x71: {  	_ =	shalt  }
0x72: {  	_ =	shalt  }
0x73: {  	_ =	shalt  }
0x74: {  	_ =	shalt  }
0x75: {  	_ =	shalt  }
0x76: {  	_ =	shalt  }
0x77: {  	_ =	shalt  }
0x78: {  	_ =	shalt  }
0x79: {  	_ =	shalt  }
0x7a: {  	_ =	shalt  }
0x7b: {  	_ =	shalt  }
0x7c: {  	_ =	shalt  }
0x7d: {  	_ =	shalt  }
0x7e: {  	_ =	shalt  }
0x7f: {  	_ =	shalt  }
0x80: {  	_ =	shalt  }
0x81: {  	_ =	shalt  }
0x82: {  	_ =	shalt  }
0x83: {  	_ =	shalt  }
0x84: {  	_ =	shalt  }
0x85: {  	_ =	shalt  }
0x86: {  	_ =	shalt  }
0x87: {  	_ =	shalt  }
.Lfunc_end0:
.L_simem_size_0:
called_computation.2_lowered:
.L_overlay_start_0:
0x88: {  	s2 =	sld [smem:$0x3FD9]  }
0x89: {  	s3 =	sld [smem:$0x3FFE];
	_ =	sdelay $0x1  }
0x8a: {  	s1 =	srdreg.scid  }
0x8b: {  	s0 =	sand.u32 $0x1, s1  }
0x8c: {  	s16 =	sshll.u32 s0, $0xA;
	s2 =	sadd.s32 s3, s2  }
0x8d: {  	s2 =	sadd.s32 s2, s16  }
0x8e: {  	[smem:$0x3FB3] =	sst s2  }
0x8f: {  	_ = 	snop  }
0x90: {  	(tm) =	ssettm $0x1  }
0x91: {  	s17 =	sld [smem:$0x3FFB];
	_ =	sdelay $0x3  }
0x92: {  	_ =	strace s17  }
0x93: {  	s2 =	sld [smem:$0x3FFC];
	_ =	sdelay $0x3  }
0x94: {  	_ =	strace s2  }
0x95: {  	s2 =	sld [smem:$0x3FFD];
	_ =	sdelay $0x3  }
0x96: {  	_ =	strace s2  }
0x97: {  	_ =	strace $0x8FFFFFFF  }
0x98: {  	s18 =	sld [smem:$0x3FDB];
	_ =	sdelay $0x1  }
0x99: {  	s19 =	simm.s32 $_scs_section_size  }
0x9a: {  	s4 =	simm.s32 $_size__tile_overlayer_lowered;
	s5 =	simm.s32 $_tile_overlayer_lowered  }
0x9b: {  	s22 =	simm.s32 $0x1BFF;
	s21 =	sshll.u32 s5, $0x1;
	s2 =	sadd.s32 s19, s18  }
0x9c: {  	s6 =	simm.s32 $0x0;
	s20 =	sshll.u32 s4, $0x1;
	s4 =	sadd.s32 s21, s2  }
0x9d: {  	[timem:s6], [sflag:s22] =	dma.local [hbm:s4], s20  }
0x9e: {  	_ =	swait.ge [sflag:s22], s20  }
0x9f: {  	s3 =	ssub.s32 $0x0, s20;
	[sflag:s22] =	ssyncset.done $0x0  }
0xa0: {  	[sflag:s22] =	ssyncadd.s32 s3;
	_ =	sdelay $0x1  }
0xa1: {  	s23 =	simm.s32 $0x1B8B  }
0xa2: {  	_ =	swait.ge [sflag:s23], $0x1  }
0xa3: {  	[sflag:s23] =	ssyncset.done $0x0  }
0xa4: {  	s25 =	simm.s32 $0x1B8E;
	s24 =	sld [smem:$0x3FFE];
	[sflag:s23] =	ssyncadd.s32 $0xFFFFFFFF  }
0xa5: {  	s26 =	simm.s32 $execute0_lowered;
	[smem:$0x3FD2] =	sst s25  }
0xa6: {  	s4 =	sshll.u32 s26, $0x1;
	_ =	strace $0x8000004C;
	[dreg:$0x1] =	wrdreg $0xFFFFFFFF  }
0xa7: {  	s28 =	simm.s32 $_size_execute0_lowered;
	s2 =	sadd.s32 s2, s4;
	[dreg:$0x0] =	wrdreg $0x0  }
0xa8: {  	s4 =	sshll.u32 s28, $0x1;
	[dreg:$0x2] =	wrdreg s2  }
0xa9: {  	[dreg:$0x3] =	wrdreg s4  }
0xaa: {  	[dreg:$0x4] =	wrdreg $0xC0  }
0xab: {  	_ =	task [dreg:s6], $0x5FFFF  }
0xac: {  	[dreg:$0x1] =	wrdreg $0xFFFFFFFF  }
0xad: {  	[dreg:$0x0] =	wrdreg $0x60  }
0xae: {  	[dreg:$0x2] =	wrdreg s24  }
0xaf: {  	[dreg:$0x3] =	wrdreg $0x9  }
0xb0: {  	_ =	task.clear_ibuf [dreg:s6], $0x4FFFF;
	_ =	strace $0x9000004C  }
0xb1: {  	s29 =	simm.s32 $0x9;
	_ =	strace $0x8000004E  }
0xb2: {  	_ =	swait.ge [sflag:s29], $0x1  }
0xb3: {  	[sflag:s29] =	ssyncadd.s32 $0xFFFFFFFF  }
0xb4: {  	_ =	strace $0x9000004E  }
0xb5: {  	_ =	sfence  }
0xb6: {  	s30 =	sld [smem:$0x0];
	_ =	sdelay $0x2  }
0xb7: {  	s31 =	sshll.u32 s1, $0xD;
	s1 =	sshrl.u32 s1, $0x2  }
0xb8: {  	s3 =	sand.u32 $0x4000, s31;
	s1 =	sadd.s32 s1, s30  }
0xb9: {  	s0 =	sor.u32 s3, s0;
	s1 =	sshll.u32 s1, $0x11  }
0xba: {  	s0 =	sor.u32 s1, s0  }
0xbb: {  	s0 =	sadd.s32 $0x8F2B, s0  }
0xbc: {  	[sflag:s0] =	ssyncadd.remote.s32 $0x1  }
0xbd: {  	_ =	sfence.sel $0xFFFF  }
0xbe: {  	[dreg:$0x0] =	wrdreg $0xFFFFFFFF;
	(pc) =	sbr.abs _section_cstart, $3  }
0xbf: {  	[dreg:$0x1] =	wrdreg $0xFFFFFFFF  }
0xc0: {  	_ =	task.clear_ibuf [dreg:s6], $0x2FFFF;
	_ =	strace $0x9FFFFFFF  }
0xc1: {  	(tm) =	ssettm $0x7FFFFFFF  }
tec
execute0_lowered:
.L_overlay_start_1:
0x0: {  	(tag) =	ssettag $0x1  }
0x1: {  	s0 =	rddreg [dreg:$0x0]  }
0x2: {  	s1 =	srdreg.scid;
	s9 =	stileid.u32;
	s2 =	simm.s32 $0x0  }
0x3: {  	s15 =	simm.s32 $0x9;
	s16 =	simm.s32 $0x4000;
	s17 =	simm.s32 $0x50  }
0x4: {  	s18 =	simm.s32 $0x8000;
	s19 =	simm.s32 $0xD000;
	s21 =	simm.s32 $0xA800  }
0x5: {  	s23 =	simm.s32 $0xF800;
	s28 =	simm.s32 $0x7;
	s31 =	simm.s32 $0x2  }
0x6: {  	s20 =	simm.s32 $0x8;
	s22 =	simm.s32 $0x0;
	s1 =	sand.u32 $0x1, s1  }
0x7: {  	s3 =	sshll.u32 s9, $0x1;
	[smem:$0x7FF] =	sst s2;
	s12 =	sadd.s32 $0xB6200, s0  }
0x8: {  	s14 =	smul.u32 $0x4E200, s9;
	s4 =	sor.u32 s1, s3;
	_ =	strace $0x8000004D  }
0x9: {  	s3 =	sadd.s32 $0x32000, s0;
	s6 =	ssub.s32 $0x2, s1;
	s1 =	smul.u32 $0x27100, s1  }
0xa: {  	s5 =	sshll.u32 s4, $0xB;
	s7 =	sshrl.u32 s6, $0x1;
	s4 =	smul.u32 $0x27100, s4  }
0xb: {  	s30 =	sadd.s32 s14, s12;
	s5 =	sadd.s32 s5, s0;
	s0 =	sadd.s32 $0xA37800, s0  }
0xc: {  	s6 =	ssub.s32 s6, s7;
	s13 =	sadd.s32 s1, s30;
	s24 =	sadd.s32 $0x22000, s5  }
0xd: {  	s5 =	sadd.s32 $0x12000, s5;
	s25 =	smax.u32 s6, $0x1;
	[dreg:$0x2] =	wrdreg s24  }
0xe: {  	s26 =	sadd.s32 s12, s4;
	s8 =	sadd.s32 s0, s4;
	[dreg:$0x3] =	wrdreg s5  }
0xf: {  	s29 =	sadd.s32 $0x500, s4;
	s4 =	sadd.s32 $0x26C00, s4;
	[dreg:$0x4] =	wrdreg s25  }
0x10: {  	[dreg:$0x5] =	wrdreg s26;
	s9 =	sadd.s32 s12, s29;
	s10 =	sadd.s32 s0, s29  }
0x11: {  	s11 =	sadd.s32 s12, s4;
	s12 =	sadd.s32 s0, s4;
	s0 =	sadd.s32 s14, s0  }
0x12: {  	s24 =	simm.s32 $0x1;
	s25 =	simm.s32 $0x3;
	s26 =	simm.s32 $0x5  }
0x13: {  	s14 =	sadd.s32 s1, s0;
	s0 =	simm.s32 $0x4;
	s1 =	simm.s32 $0x6  }
.LBB2_1:
0x14: {  	s4 =	rddreg [dreg:$0x2]  }
0x15: {  	[tilespmem:s2], [sflag:$0x9] =	stream.linear.gather [hbm4b:s4+s2], $0x3E80, $0x38;
	[tilespmem:$0x12000] =	vst v63  }
0x16: {  	_ =	swait.ge [sflag:s15], $0x3E80  }
0x17: {  	[sflag:s15] =	ssyncset.done $0x0  }
0x18: {  	s5 =	rddreg [dreg:$0x3];
	[sflag:s15] =	ssyncadd.s32 $0xFFFFC180  }
0x19: {  	[tilespmem:s16], [sflag:$0x9] =	stream.linear.gather [hbm4b:s5+s2], $0x3E80, $0x38;
	[tilespmem:$0x12000] =	vst v63  }
0x1a: {  	_ =	swait.ge [sflag:s15], $0x3E80  }
0x1b: {  	[sflag:s15] =	ssyncset.done $0x0  }
0x1c: {  	[sflag:s15] =	ssyncadd.s32 $0xFFFFC180  }
0x1d: {  	[tilespmem:s18], [sflag:$0x1] =	stream.indirect.gather [hbm4b:s3+s17], $0x80, s2, s17, $0xb8;
	[tilespmem:$0x12000] =	vst v63  }
0x1e: {  	_ = 	snop  }
0x1f: {  	[tilespmem:s19], [sflag:$0x3] =	stream.indirect.gather [hbm4b:s3+s17], $0x80, s16, s17, $0xb8;
	[tilespmem:$0x12000] =	vst v63  }
0x20: {  	s6 =	simm.s32 $0x80  }
0x21: {  	[tilespmem:s21], [sflag:$0x2] =	stream.indirect.gather [hbm4b:s3+s17], $0x80, s6, s17, $0xb8;
	[tilespmem:$0x12000] =	vst v63  }
0x22: {  	s7 =	simm.s32 $0x4080  }
0x23: {  	[tilespmem:s23], [sflag:$0x4] =	stream.indirect.gather [hbm4b:s3+s17], $0x80, s7, s17, $0xb8;
	[tilespmem:$0x12000] =	vst v63  }
0x24: {  	_ =	swait.ge [sflag:s24], $0x2800  }
0x25: {  	[sflag:s24] =	ssyncset.done $0x0  }
0x26: {  	[sflag:s24] =	ssyncadd.s32 $0xFFFFD800  }
0x27: {  	_ =	swait.ge [sflag:s25], $0x2800  }
0x28: {  	[sflag:s25] =	ssyncset.done $0x0  }
0x29: {  	s5 =	rddreg [dreg:$0x5];
	[sflag:s25] =	ssyncadd.s32 $0xFFFFD800  }
0x2a: {  	[hbm4b:s5+s2] =	stream.linear.scatter [tilespmem:s18], [sflag:$0x5], $0x2800, $0x38;
	[tilespmem:$0x12000] =	vst v63  }
0x2b: {  	_ = 	snop  }
0x2c: {  	[hbm4b:s8+s2] =	stream.linear.scatter [tilespmem:s19], [sflag:$0x7], $0x2800, $0x38;
	[tilespmem:$0x12000] =	vst v63  }
0x2d: {  	_ =	swait.ge [sflag:s26], $0x2800  }
0x2e: {  	[sflag:s26] =	ssyncset.done $0x0  }
0x2f: {  	[sflag:s26] =	ssyncadd.s32 $0xFFFFD800  }
0x30: {  	_ =	swait.ge [sflag:s28], $0x2800  }
0x31: {  	[sflag:s28] =	ssyncset.done $0x0  }
0x32: {  	s6 =	simm.s32 $0x100;
	[sflag:s28] =	ssyncadd.s32 $0xFFFFD800  }
0x33: {  	[tilespmem:s18], [sflag:$0x1] =	stream.indirect.gather [hbm4b:s3+s17], $0x80, s6, s17, $0xb8;
	[tilespmem:$0x12000] =	vst v63  }
0x34: {  	s7 =	simm.s32 $0x4100  }
0x35: {  	[tilespmem:s19], [sflag:$0x3] =	stream.indirect.gather [hbm4b:s3+s17], $0x80, s7, s17, $0xb8;
	[tilespmem:$0x12000] =	vst v63  }
0x36: {  	_ =	swait.ge [sflag:s31], $0x2800  }
0x37: {  	[sflag:s31] =	ssyncset.done $0x0  }
0x38: {  	[sflag:s31] =	ssyncadd.s32 $0xFFFFD800  }
0x39: {  	_ =	swait.ge [sflag:s0], $0x2800  }
0x3a: {  	[sflag:s0] =	ssyncset.done $0x0  }
0x3b: {  	[sflag:s0] =	ssyncadd.s32 $0xFFFFD800  }
0x3c: {  	[hbm4b:s9+s2] =	stream.linear.scatter [tilespmem:s21], [sflag:$0x6], $0x2800, $0x38;
	[tilespmem:$0x12000] =	vst v63  }
0x3d: {  	_ = 	snop  }
0x3e: {  	[hbm4b:s10+s2] =	stream.linear.scatter [tilespmem:s23], [sflag:$0x8], $0x2800, $0x38;
	[tilespmem:$0x12000] =	vst v63  }
0x3f: {  	_ =	swait.ge [sflag:s1], $0x2800  }
0x40: {  	[sflag:s1] =	ssyncset.done $0x0  }
0x41: {  	[sflag:s1] =	ssyncadd.s32 $0xFFFFD800  }
0x42: {  	_ =	swait.ge [sflag:s20], $0x2800  }
0x43: {  	[sflag:s20] =	ssyncset.done $0x0  }
0x44: {  	s5 =	simm.s32 $0x180;
	[sflag:s20] =	ssyncadd.s32 $0xFFFFD800  }
0x45: {  	[tilespmem:s21], [sflag:$0x2] =	stream.indirect.gather [hbm4b:s3+s17], $0x80, s5, s17, $0xb8;
	[tilespmem:$0x12000] =	vst v63  }
0x46: {  	s6 =	simm.s32 $0x4180  }
0x47: {  	[tilespmem:s23], [sflag:$0x4] =	stream.indirect.gather [hbm4b:s3+s17], $0x80, s6, s17, $0xb8;
	[tilespmem:$0x12000] =	vst v63  }
0x48: {  	_ =	swait.ge [sflag:s24], $0x2800  }
0x49: {  	[sflag:s24] =	ssyncset.done $0x0  }
0x4a: {  	[sflag:s24] =	ssyncadd.s32 $0xFFFFD800  }
0x4b: {  	_ =	swait.ge [sflag:s25], $0x2800  }
0x4c: {  	s4 =	sadd.s32 $0x0, s13;
	[sflag:s25] =	ssyncset.done $0x0  }
0x4d: {  	s30 =	sadd.s32 $0x0, s14;
	s5 =	sadd.s32 $0xA00, s4;
	[sflag:s25] =	ssyncadd.s32 $0xFFFFD800  }
0x4e: {  	[hbm4b:s5+s2] =	stream.linear.scatter [tilespmem:s18], [sflag:$0x5], $0x2800, $0x38;
	[tilespmem:$0x12000] =	vst v63  }
0x4f: {  	s7 =	sadd.s32 $0xA00, s30  }
0x50: {  	[hbm4b:s7+s2] =	stream.linear.scatter [tilespmem:s19], [sflag:$0x7], $0x2800, $0x38;
	[tilespmem:$0x12000] =	vst v63  }
0x51: {  	_ =	swait.ge [sflag:s26], $0x2800  }
0x52: {  	[sflag:s26] =	ssyncset.done $0x0  }
0x53: {  	[sflag:s26] =	ssyncadd.s32 $0xFFFFD800  }
0x54: {  	_ =	swait.ge [sflag:s28], $0x2800  }
0x55: {  	[sflag:s28] =	ssyncset.done $0x0  }
0x56: {  	s6 =	simm.s32 $0x200;
	[sflag:s28] =	ssyncadd.s32 $0xFFFFD800  }
0x57: {  	[tilespmem:s18], [sflag:$0x1] =	stream.indirect.gather [hbm4b:s3+s17], $0x80, s6, s17, $0xb8;
	[tilespmem:$0x12000] =	vst v63  }
0x58: {  	s7 =	simm.s32 $0x4200  }
0x59: {  	[tilespmem:s19], [sflag:$0x3] =	stream.indirect.gather [hbm4b:s3+s17], $0x80, s7, s17, $0xb8;
	[tilespmem:$0x12000] =	vst v63  }
0x5a: {  	_ =	swait.ge [sflag:s31], $0x2800  }
0x5b: {  	[sflag:s31] =	ssyncset.done $0x0  }
0x5c: {  	[sflag:s31] =	ssyncadd.s32 $0xFFFFD800  }
0x5d: {  	_ =	swait.ge [sflag:s0], $0x2800  }
0x5e: {  	[sflag:s0] =	ssyncset.done $0x0  }
0x5f: {  	s29 =	simm.s32 $0xA00;
	s4 =	sadd.s32 $0xF00, s4;
	[sflag:s0] =	ssyncadd.s32 $0xFFFFD800  }
0x60: {  	[hbm4b:s4+s2] =	stream.linear.scatter [tilespmem:s21], [sflag:$0x6], $0x2800, $0x38;
	[tilespmem:$0x12000] =	vst v63  }
0x61: {  	s5 =	sadd.s32 $0xF00, s30;
	s30 =	simm.s32 $0x280;
	s4 =	simm.s32 $0x4280  }
.LBB2_2:
0x62: {  	[hbm4b:s5+s2] =	stream.linear.scatter [tilespmem:s23], [sflag:$0x8], $0x2800, $0x38;
	[tilespmem:$0x12000] =	vst v63  }
0x63: {  	s5 =	smov.u32 s29  }
0x64: {  	p0 =	sne.s32 s29, $0x25800;
	s29 =	sadd.s32 $0xA00, s29;
	_ =	swait.ge [sflag:s1], $0x2800  }
0x65: {  	[sflag:s1] =	ssyncset.done $0x0  }
0x66: {  	[sflag:s1] =	ssyncadd.s32 $0xFFFFD800  }
0x67: {  	_ =	swait.ge [sflag:s20], $0x2800  }
0x68: {  	[sflag:s20] =	ssyncset.done $0x0  }
0x69: {  	[sflag:s20] =	ssyncadd.s32 $0xFFFFD800  }
0x6a: {  	[tilespmem:s21], [sflag:$0x2] =	stream.indirect.gather [hbm4b:s3+s17], $0x80, s30, s17, $0xb8;
	[tilespmem:$0x12000] =	vst v63  }
0x6b: {  	_ = 	snop  }
0x6c: {  	[tilespmem:s23], [sflag:$0x4] =	stream.indirect.gather [hbm4b:s3+s17], $0x80, s4, s17, $0xb8;
	[tilespmem:$0x12000] =	vst v63  }
0x6d: {  	_ =	swait.ge [sflag:s24], $0x2800  }
0x6e: {  	[sflag:s24] =	ssyncset.done $0x0  }
0x6f: {  	[sflag:s24] =	ssyncadd.s32 $0xFFFFD800  }
0x70: {  	_ =	swait.ge [sflag:s25], $0x2800  }
0x71: {  	s6 =	sadd.s32 s5, s13;
	[sflag:s25] =	ssyncset.done $0x0  }
0x72: {  	s5 =	sadd.s32 s5, s14;
	s7 =	sadd.s32 $0xA00, s6;
	[sflag:s25] =	ssyncadd.s32 $0xFFFFD800  }
0x73: {  	[hbm4b:s7+s2] =	stream.linear.scatter [tilespmem:s18], [sflag:$0x5], $0x2800, $0x38;
	[tilespmem:$0x12000] =	vst v63  }
0x74: {  	s7 =	sadd.s32 $0xA00, s5  }
0x75: {  	[hbm4b:s7+s2] =	stream.linear.scatter [tilespmem:s19], [sflag:$0x7], $0x2800, $0x38;
	[tilespmem:$0x12000] =	vst v63  }
0x76: {  	_ =	swait.ge [sflag:s26], $0x2800  }
0x77: {  	[sflag:s26] =	ssyncset.done $0x0  }
0x78: {  	[sflag:s26] =	ssyncadd.s32 $0xFFFFD800  }
0x79: {  	_ =	swait.ge [sflag:s28], $0x2800  }
0x7a: {  	[sflag:s28] =	ssyncset.done $0x0  }
0x7b: {  	s7 =	sadd.s32 $0x80, s30;
	[sflag:s28] =	ssyncadd.s32 $0xFFFFD800  }
0x7c: {  	[tilespmem:s18], [sflag:$0x1] =	stream.indirect.gather [hbm4b:s3+s17], $0x80, s7, s17, $0xb8;
	[tilespmem:$0x12000] =	vst v63  }
0x7d: {  	s7 =	sadd.s32 $0x80, s4  }
0x7e: {  	[tilespmem:s19], [sflag:$0x3] =	stream.indirect.gather [hbm4b:s3+s17], $0x80, s7, s17, $0xb8;
	[tilespmem:$0x12000] =	vst v63  }
0x7f: {  	_ =	swait.ge [sflag:s31], $0x2800  }
0x80: {  	[sflag:s31] =	ssyncset.done $0x0  }
0x81: {  	[sflag:s31] =	ssyncadd.s32 $0xFFFFD800  }
.Ltmp0:
0x82: {  	_ =	swait.ge [sflag:s0], $0x2800;
	(pc) =	sbr.rel @p0 .LBB2_2-.Ltmp0, $4  }
0x83: {  	[sflag:s0] =	ssyncset.done $0x0  }
0x84: {  	s6 =	sadd.s32 $0xF00, s6;
	[sflag:s0] =	ssyncadd.s32 $0xFFFFD800  }
0x85: {  	[hbm4b:s6+s2] =	stream.linear.scatter [tilespmem:s21], [sflag:$0x6], $0x2800, $0x38;
	[tilespmem:$0x12000] =	vst v63  }
0x86: {  	s5 =	sadd.s32 $0xF00, s5;
	s30 =	sadd.s32 $0x100, s30;
	s4 =	sadd.s32 $0x100, s4  }
0x87: {  	[hbm4b:s5+s2] =	stream.linear.scatter [tilespmem:s23], [sflag:$0x8], $0x2800, $0x38;
	[tilespmem:$0x12000] =	vst v63  }
0x88: {  	_ =	swait.ge [sflag:s24], $0x2800  }
0x89: {  	[sflag:s24] =	ssyncset.done $0x0  }
0x8a: {  	[sflag:s24] =	ssyncadd.s32 $0xFFFFD800  }
0x8b: {  	_ =	swait.ge [sflag:s25], $0x2800  }
0x8c: {  	[sflag:s25] =	ssyncset.done $0x0  }
0x8d: {  	[sflag:s25] =	ssyncadd.s32 $0xFFFFD800  }
0x8e: {  	[hbm4b:s11+s2] =	stream.linear.scatter [tilespmem:s18], [sflag:$0x5], $0x2800, $0x38;
	[tilespmem:$0x12000] =	vst v63  }
0x8f: {  	_ = 	snop  }
0x90: {  	[hbm4b:s12+s2] =	stream.linear.scatter [tilespmem:s19], [sflag:$0x7], $0x2800, $0x38;
	[tilespmem:$0x12000] =	vst v63  }
0x91: {  	_ =	swait.ge [sflag:s26], $0x2800  }
0x92: {  	[sflag:s26] =	ssyncset.done $0x0  }
0x93: {  	[sflag:s26] =	ssyncadd.s32 $0xFFFFD800  }
0x94: {  	_ =	swait.ge [sflag:s28], $0x2800  }
0x95: {  	[sflag:s28] =	ssyncset.done $0x0  }
0x96: {  	[sflag:s28] =	ssyncadd.s32 $0xFFFFD800  }
0x97: {  	_ =	swait.ge [sflag:s1], $0x2800  }
0x98: {  	[sflag:s1] =	ssyncset.done $0x0  }
0x99: {  	[sflag:s1] =	ssyncadd.s32 $0xFFFFD800  }
0x9a: {  	_ =	swait.ge [sflag:s20], $0x2800  }
0x9b: {  	s22 =	sadd.s32 $0x1, s22;
	s4 =	rddreg [dreg:$0x4]  }
0x9c: {  	p0 =	sne.s32 s22, s4  }
.Ltmp1:
0x9d: {  	_ = 	snop;
	(pc) =	sbr.rel @p0 .LBB2_1-.Ltmp1, $3  }
0x9e: {  	_ =	sdelay $0x1  }
0x9f: {  	[sflag:s20] =	ssyncset.done $0x0  }
0xa0: {  	[sflag:s20] =	ssyncadd.s32 $0xFFFFD800  }
0xa1: {  	_ =	sfence.sel $0x180000  }
0xa2: {  	[bflag:$0x0] =	sbarrier.arrive $0xFFFF  }
0xa3: {  	_ =	strace $0x9000004D  }
0xa4: {  	s0 =	stileid.u32;
	[bflag:$0x2] =	sbarrier.arrive $0xFFFF  }
0xa5: {  	p0 =	sne.s32 s0, $0x0;
	s0 =	rddreg [dreg:$0x1]  }
0xa6: {  	s0 =	sadd.s32 @!p0 $0x100000, s0  }
0xa7: {  	[sflag:s0] =	ssyncadd.tile.s32 @!p0 $0x1;
	_ =	shalt  }
.Lfunc_end2:
_tile_overlayer_lowered:
.L_overlay_start_2:
0xa8: {  	(tag) =	ssettag $0x2  }
0xa9: {  	s0 =	rddreg [dreg:$0x0];
	s2 =	stileid.u32  }
0xaa: {  	s1 =	rddreg [dreg:$0x1];
	p0 =	sne.s32 s2, $0x0  }
0xab: {  	s3 =	rddreg [dreg:$0x2];
	[bflag:$0x3] =	sbarrier.arrive $0xFFFF;
	s2 =	simm.s32 @!p0 $0x1C09  }
0xac: {  	[timem:s3], [sflag:s2] =	dma.local @!p0 [hbm:s0], s1  }
0xad: {  	s0 =	simm.s32 @!p0 $0x9  }
0xae: {  	_ =	swait.ge @!p0 [sflag:s0], s1  }
0xaf: {  	s1 =	ssub.s32 @!p0 $0x0, s1;
	[sflag:s0] =	ssyncset.done @!p0 $0x0  }
0xb0: {  	[sflag:s0] =	ssyncadd.s32 @!p0 s1  }
0xb1: {  	[bflag:$0x3] =	sbarrier.arrive $0xFFFF  }
0xb2: {  	_ =	shalt  }

// kernel: kernel.34.cloned.1.call-start
scs
__scs_entry_jumppad:
0x0: {  	(pc) =	sbr.rel $0x88, $3  }
0x1: {  	(tag) =	ssettag $0x0;
	lr =	simm.s32 $0x1  }
0x2: {  	[smem:$0x3F8C] =	sst lr;
	_ =	strace $0xD0000000  }
0x3: {  	_ = 	snop  }
0x4: {  	_ = 	snop  }
0x5: {  	_ = 	snop  }
0x6: {  	_ = 	snop  }
0x7: {  	_ = 	snop  }
__scs_overlays_trampoline_lowered:
0x8: {  	[smem:$0x3F9B] =	sst s0  }
0x9: {  	[smem:$0x3F9C] =	sst s1  }
0xa: {  	[smem:$0x3F9D] =	sst s2  }
0xb: {  	[smem:$0x3F9E] =	sst s3  }
0xc: {  	[smem:$0x3F9F] =	sst s4  }
0xd: {  	[smem:$0x3FA0] =	sst s5  }
0xe: {  	[smem:$0x3FA1] =	sst s6  }
0xf: {  	[smem:$0x3FA2] =	sst s7  }
0x10: {  	[smem:$0x3FA3] =	sst s8  }
0x11: {  	[smem:$0x3FA4] =	sst s9;
	s0 =	simm.s32 @!p0 $0x0  }
0x12: {  	s1 =	sld [smem:$0x3F8A];
	s0 =	simm.s32 @p0 $0x1  }
0x13: {  	[smem:$0x3FA5] =	sst s0;
	s0 =	simm.s32 @!p1 $0x0  }
0x14: {  	s2 =	sld [smem:$0x3F89];
	s0 =	simm.s32 @p1 $0x1  }
0x15: {  	[smem:$0x3FA6] =	sst s0;
	s0 =	simm.s32 @!p2 $0x0  }
0x16: {  	s3 =	sld [smem:$0x3FDB];
	s0 =	simm.s32 @p2 $0x1  }
0x17: {  	s4 =	simm.s32 $0x1BF5;
	[smem:$0x3FA8] =	sst s0  }
0x18: {  	s0 =	sld [smem:$0x3F8B];
	_ =	swait.ge [sflag:s4], $0x0  }
0x19: {  	s7 =	sld [smem:$0x3F8C]  }
0x1a: {  	s8 =	sadd.s32 $0xFFFFE003, lr  }
0x1b: {  	s9 =	sadd.s32 $0xFFFFFEF7, lr;
	s5 =	simm.s32 $0xFFFFFFFF;
	p2 =	slt.u32 s8, $0xFFFFF086  }
0x1c: {  	p1 =	slt.u32 s9, $0xF7A;
	s5 =	simm.s32 @!p2 $0x0  }
0x1d: {  	s5 =	simm.s32 @p1 $0x1;
	p0 =	seq.s32 s7, s2  }
0x1e: {  	s7 =	smul.u32 @!p0 $0xF7A, s2;
	p2 =	seq.s32 @!p0 s5, $0x0  }
0x1f: {  	s9 =	smul.u32 $0xF7A, s1;
	s8 =	simm.s32 @!p0 $0x1BF5;
	p2 =	por !p2, p0  }
0x20: {  	[sflag:s8] =	ssyncset.s32 @!p0 $0xFFFFF086;
	s6 =	sadd.s32 @!p0 s3, s7;
	s7 =	simm.s32 @!p0 $0x108  }
0x21: {  	s3 =	sadd.s32 s3, s9;
	s6 =	sadd.s32 @!p0 $0x88, s6;
	s7 =	simm.s32 @p2 $0x1082  }
0x22: {  	[simem:s7], [sflag:s8] =	dma.local @!p0 [hbm:s6], $0xF7A  }
0x23: {  	s9 =	sor.u32 $0xD0000000, s2;
	s6 =	simm.s32 $0x108;
	_ =	swait.ge @!p0 [sflag:s8], $0x0  }
0x24: {  	s3 =	sadd.s32 $0x88, s3;
	s6 =	simm.s32 @!p1 $0x1082;
	[sflag:s4] =	ssyncset.s32 $0xFFFFF086  }
0x25: {  	[simem:s6], [sflag:s4] =	dma.local [hbm:s3], $0xF7A  }
0x26: {  	[smem:$0x3F8C] =	sst s1;
	(tag) =	ssettag s2;
	_ =	strace s9  }
0x27: {  	s1 =	sld [smem:$0x3F9C]  }
0x28: {  	s2 =	sld [smem:$0x3F9D]  }
0x29: {  	s4 =	sld [smem:$0x3F9F]  }
0x2a: {  	p0 =	seq.s32 s5, $0x0;
	s5 =	sld [smem:$0x3FA0]  }
0x2b: {  	s6 =	sld [smem:$0x3FA1]  }
0x2c: {  	s7 =	sld [smem:$0x3FA2]  }
0x2d: {  	s3 =	simm.s32 $0x108;
	s8 =	sld [smem:$0x3FA3]  }
0x2e: {  	s3 =	simm.s32 @!p0 $0x1082;
	s9 =	sld [smem:$0x3FA4]  }
0x2f: {  	lr =	sadd.s32 s0, s3;
	s0 =	sld [smem:$0x3F9B]  }
0x30: {  	s3 =	sld [smem:$0x3F9E]  }
0x31: {  	[smem:$0x3FA7] =	sst s10  }
0x32: {  	s10 =	sld [smem:$0x3FA5];
	_ =	sdelay $0x3  }
0x33: {  	p0 =	seq.s32 s10, $0x1;
	s10 =	sld [smem:$0x3FA7];
	_ =	sdelay $0x3  }
0x34: {  	[smem:$0x3FA7] =	sst s10  }
0x35: {  	s10 =	sld [smem:$0x3FA6];
	_ =	sdelay $0x3  }
0x36: {  	p1 =	seq.s32 s10, $0x1;
	s10 =	sld [smem:$0x3FA7];
	_ =	sdelay $0x3  }
0x37: {  	[smem:$0x3FA7] =	sst s10  }
0x38: {  	s10 =	sld [smem:$0x3FA8]  }
0x39: {  	_ = 	snop;
	(pc) =	sbr.ind lr, $3  }
0x3a: {  	_ = 	snop  }
0x3b: {  	_ = 	snop  }
0x3c: {  	p2 =	seq.s32 s10, $0x1;
	s10 =	sld [smem:$0x3FA7]  }
0x3d: {  	_ =	shalt  }
0x3e: {  	_ =	shalt  }
0x3f: {  	_ =	shalt  }
0x40: {  	_ =	shalt  }
0x41: {  	_ =	shalt  }
0x42: {  	_ =	shalt  }
0x43: {  	_ =	shalt  }
0x44: {  	_ =	shalt  }
0x45: {  	_ =	shalt  }
0x46: {  	_ =	shalt  }
0x47: {  	_ =	shalt  }
0x48: {  	_ =	shalt  }
0x49: {  	_ =	shalt  }
0x4a: {  	_ =	shalt  }
0x4b: {  	_ =	shalt  }
0x4c: {  	_ =	shalt  }
0x4d: {  	_ =	shalt  }
0x4e: {  	_ =	shalt  }
0x4f: {  	_ =	shalt  }
0x50: {  	_ =	shalt  }
0x51: {  	_ =	shalt  }
0x52: {  	_ =	shalt  }
0x53: {  	_ =	shalt  }
0x54: {  	_ =	shalt  }
0x55: {  	_ =	shalt  }
0x56: {  	_ =	shalt  }
0x57: {  	_ =	shalt  }
0x58: {  	_ =	shalt  }
0x59: {  	_ =	shalt  }
0x5a: {  	_ =	shalt  }
0x5b: {  	_ =	shalt  }
0x5c: {  	_ =	shalt  }
0x5d: {  	_ =	shalt  }
0x5e: {  	_ =	shalt  }
0x5f: {  	_ =	shalt  }
0x60: {  	_ =	shalt  }
0x61: {  	_ =	shalt  }
0x62: {  	_ =	shalt  }
0x63: {  	_ =	shalt  }
0x64: {  	_ =	shalt  }
0x65: {  	_ =	shalt  }
0x66: {  	_ =	shalt  }
0x67: {  	_ =	shalt  }
0x68: {  	_ =	shalt  }
0x69: {  	_ =	shalt  }
0x6a: {  	_ =	shalt  }
0x6b: {  	_ =	shalt  }
0x6c: {  	_ =	shalt  }
0x6d: {  	_ =	shalt  }
0x6e: {  	_ =	shalt  }
0x6f: {  	_ =	shalt  }
0x70: {  	_ =	shalt  }
0x71: {  	_ =	shalt  }
0x72: {  	_ =	shalt  }
0x73: {  	_ =	shalt  }
0x74: {  	_ =	shalt  }
0x75: {  	_ =	shalt  }
0x76: {  	_ =	shalt  }
0x77: {  	_ =	shalt  }
0x78: {  	_ =	shalt  }
0x79: {  	_ =	shalt  }
0x7a: {  	_ =	shalt  }
0x7b: {  	_ =	shalt  }
0x7c: {  	_ =	shalt  }
0x7d: {  	_ =	shalt  }
0x7e: {  	_ =	shalt  }
0x7f: {  	_ =	shalt  }
0x80: {  	_ =	shalt  }
0x81: {  	_ =	shalt  }
0x82: {  	_ =	shalt  }
0x83: {  	_ =	shalt  }
0x84: {  	_ =	shalt  }
0x85: {  	_ =	shalt  }
0x86: {  	_ =	shalt  }
0x87: {  	_ =	shalt  }
.Lfunc_end0:
.L_simem_size_0:
called_computation.3_lowered:
.L_overlay_start_0:
0x88: {  	s2 =	sld [smem:$0x3FD9]  }
0x89: {  	s3 =	sld [smem:$0x3FFE];
	_ =	sdelay $0x1  }
0x8a: {  	s1 =	srdreg.scid  }
0x8b: {  	s0 =	sand.u32 $0x1, s1  }
0x8c: {  	s17 =	sshll.u32 s0, $0xA;
	s2 =	sadd.s32 s3, s2  }
0x8d: {  	s2 =	sadd.s32 s2, s17  }
0x8e: {  	[smem:$0x3FB3] =	sst s2  }
0x8f: {  	_ = 	snop  }
0x90: {  	s2 =	sld [smem:$0x3FD0];
	(tm) =	ssettm $0x1  }
0x91: {  	s18 =	sld [smem:$0x3FFB];
	_ =	sdelay $0x3  }
0x92: {  	_ =	strace s18  }
0x93: {  	s3 =	sld [smem:$0x3FFC];
	_ =	sdelay $0x3  }
0x94: {  	_ =	strace s3  }
0x95: {  	s3 =	sld [smem:$0x3FFD];
	_ =	sdelay $0x3  }
0x96: {  	_ =	strace s3  }
0x97: {  	_ =	strace $0x8FFFFFFF  }
0x98: {  	s19 =	sld [smem:$0x3FDB];
	_ =	sdelay $0x1  }
0x99: {  	s4 =	simm.s32 $_scs_section_size  }
0x9a: {  	s5 =	simm.s32 $_size__tile_overlayer_lowered;
	s6 =	simm.s32 $_tile_overlayer_lowered  }
0x9b: {  	s22 =	simm.s32 $0x1BFF;
	s21 =	sshll.u32 s6, $0x1;
	s3 =	sadd.s32 s4, s19  }
0x9c: {  	s7 =	simm.s32 $0x0;
	s20 =	sshll.u32 s5, $0x1;
	s5 =	sadd.s32 s21, s3  }
0x9d: {  	[timem:s7], [sflag:s22] =	dma.local [hbm:s5], s20  }
0x9e: {  	_ =	swait.ge [sflag:s22], s20  }
0x9f: {  	s4 =	ssub.s32 $0x0, s20;
	[sflag:s22] =	ssyncset.done $0x0  }
0xa0: {  	[sflag:s22] =	ssyncadd.s32 s4;
	_ =	sdelay $0x1  }
0xa1: {  	s23 =	simm.s32 $0x1B8B  }
0xa2: {  	_ =	swait.ge [sflag:s23], $0x1  }
0xa3: {  	[sflag:s23] =	ssyncset.done $0x0  }
0xa4: {  	s25 =	simm.s32 $0x1B8E;
	s24 =	sld [smem:$0x3FFE];
	[sflag:s23] =	ssyncadd.s32 $0xFFFFFFFF  }
0xa5: {  	s26 =	simm.s32 $execute0_lowered;
	[smem:$0x3FD2] =	sst s25  }
0xa6: {  	s5 =	sshll.u32 s26, $0x1;
	_ =	strace $0x8000004F;
	[dreg:$0x1] =	wrdreg $0xFFFFFFFF  }
0xa7: {  	s28 =	simm.s32 $_size_execute0_lowered;
	s3 =	sadd.s32 s3, s5;
	[dreg:$0x0] =	wrdreg $0x0  }
0xa8: {  	s5 =	sshll.u32 s28, $0x1;
	[dreg:$0x2] =	wrdreg s3  }
0xa9: {  	[dreg:$0x3] =	wrdreg s5  }
0xaa: {  	[dreg:$0x4] =	wrdreg $0xC0  }
0xab: {  	_ =	task [dreg:s7], $0x5FFFF  }
0xac: {  	[dreg:$0x1] =	wrdreg $0xFFFFFFFF  }
0xad: {  	[dreg:$0x0] =	wrdreg $0x60  }
0xae: {  	[dreg:$0x2] =	wrdreg s24  }
0xaf: {  	[dreg:$0x3] =	wrdreg s2  }
0xb0: {  	[dreg:$0x4] =	wrdreg $0x0  }
0xb1: {  	[dreg:$0x5] =	wrdreg $0x9  }
0xb2: {  	_ =	task.clear_ibuf [dreg:s7], $0x6FFFF;
	_ =	strace $0x9000004F  }
0xb3: {  	s29 =	simm.s32 $0x9;
	_ =	strace $0x80000051  }
0xb4: {  	_ =	swait.ge [sflag:s29], $0x1  }
0xb5: {  	[sflag:s29] =	ssyncadd.s32 $0xFFFFFFFF  }
0xb6: {  	_ =	strace $0x90000051  }
0xb7: {  	_ =	sfence  }
0xb8: {  	s30 =	sld [smem:$0x0];
	_ =	sdelay $0x2  }
0xb9: {  	s31 =	sshll.u32 s1, $0xD;
	s1 =	sshrl.u32 s1, $0x2  }
0xba: {  	s3 =	sand.u32 $0x4000, s31;
	s1 =	sadd.s32 s1, s30  }
0xbb: {  	s0 =	sor.u32 s3, s0;
	s1 =	sshll.u32 s1, $0x11  }
0xbc: {  	s0 =	sor.u32 s1, s0  }
0xbd: {  	s0 =	sadd.s32 $0x8F2B, s0  }
0xbe: {  	[sflag:s0] =	ssyncadd.remote.s32 $0x1  }
0xbf: {  	_ =	sfence.sel $0xFFFF  }
0xc0: {  	[dreg:$0x0] =	wrdreg $0xFFFFFFFF;
	(pc) =	sbr.abs _section_cstart, $3  }
0xc1: {  	[dreg:$0x1] =	wrdreg $0xFFFFFFFF  }
0xc2: {  	_ =	task.clear_ibuf [dreg:s7], $0x2FFFF;
	_ =	strace $0x9FFFFFFF  }
0xc3: {  	(tm) =	ssettm $0x7FFFFFFF  }
tec
execute0_lowered:
.L_overlay_start_1:
0x0: {  	(tag) =	ssettag $0x1  }
0x1: {  	s5 =	rddreg [dreg:$0x0]  }
0x2: {  	s1 =	rddreg [dreg:$0x1]  }
0x3: {  	s2 =	rddreg [dreg:$0x2]  }
0x4: {  	s3 =	srdreg.scid;
	s0 =	rddreg [dreg:$0x3]  }
0x5: {  	s4 =	simm.s32 $0x0;
	s15 =	simm.s32 $0x14000;
	s16 =	simm.s32 $0x18000  }
0x6: {  	s17 =	simm.s32 $0x1A800;
	s18 =	simm.s32 $0x1;
	s19 =	simm.s32 $0x50  }
0x7: {  	s20 =	simm.s32 $0x3;
	s21 =	simm.s32 $0x2;
	s22 =	simm.s32 $0x14080  }
0x8: {  	s23 =	simm.s32 $0x4;
	s7 =	sand.u32 $0x1, s3;
	s3 =	stileid.u32  }
0x9: {  	s24 =	simm.s32 $0x17E00;
	[smem:$0x7FF] =	sst s4;
	s6 =	smul.u32 $0x140000, s7  }
0xa: {  	s10 =	sadd.s32 $0xF19800, s5;
	s8 =	sshll.u32 s3, $0x1;
	s9 =	smul.u32 $0x14000, s3  }
0xb: {  	_ =	strace $0x80000050;
	s25 =	ssub.s32 $0x2, s7;
	s12 =	smul.u32 $0x50000, s3  }
0xc: {  	s29 =	sshll.u32 s3, $0x6;
	s30 =	smul.u32 $0x4E200, s3;
	s8 =	sor.u32 s7, s8  }
0xd: {  	s31 =	smul.u32 $0x27100, s7;
	s26 =	sshrl.u32 s25, $0x1;
	s11 =	sshll.u32 s8, $0xB  }
0xe: {  	s6 =	sadd.s32 s9, s6;
	s9 =	ssub.s32 s25, s26;
	s28 =	sshrl.u32 s12, $0x2  }
0xf: {  	s8 =	smul.u32 $0x27100, s8;
	s12 =	sadd.s32 s30, s10;
	s25 =	simm.s32 $0x0  }
0x10: {  	s6 =	sshrl.u32 s6, $0x3;
	s11 =	sadd.s32 s11, s5;
	s14 =	sadd.s32 s28, s2  }
0x11: {  	s9 =	smax.u32 s9, $0x1;
	s12 =	sadd.s32 s31, s12;
	s13 =	sadd.s32 s6, s5  }
0x12: {  	s5 =	sor.u32 $0x1C05, s29;
	s6 =	sadd.s32 $0x12000, s11;
	s7 =	sadd.s32 s10, s8  }
0x13: {  	s12 =	sadd.s32 $0xF00, s12;
	s8 =	sadd.s32 $0x59200, s13;
	s10 =	sadd.s32 $0x500, s7  }
0x14: {  	s11 =	sadd.s32 $0xA00, s7;
	s13 =	sshrl.u32 s14, $0x3;
	s14 =	simm.s32 $0x5  }
.LBB2_1:
0x15: {  	[spmem:s13], [sflag:s5] =	dma.local [hbm:s1], $0x2800  }
0x16: {  	_ =	swait.ge [sflag:s14], $0x2800  }
0x17: {  	[sflag:s14] =	ssyncset.done $0x0  }
0x18: {  	[sflag:s14] =	ssyncadd.s32 $0xFFFFD800  }
0x19: {  	[tilespmem:s15], [sflag:$0x5] =	stream.linear.gather [hbm4b:s6+s4], $0x3E80, $0x38;
	[tilespmem:$0x1D000] =	vst v63  }
0x1a: {  	_ =	swait.ge [sflag:s14], $0x3E80  }
0x1b: {  	[sflag:s14] =	ssyncset.done $0x0  }
0x1c: {  	[sflag:s14] =	ssyncadd.s32 $0xFFFFC180  }
0x1d: {  	[bflag:$0x0] =	sbarrier.arrive $0xFFFF  }
0x1e: {  	[tilespmem:s16], [sflag:$0x1] =	stream.linear.gather [hbm4b:s7+s4], $0x2800, $0x38;
	[tilespmem:$0x1D000] =	vst v63  }
0x1f: {  	_ = 	snop  }
0x20: {  	[tilespmem:s17], [sflag:$0x2] =	stream.linear.gather [hbm4b:s10+s4], $0x2800, $0x38;
	[tilespmem:$0x1D000] =	vst v63  }
0x21: {  	_ =	swait.ge [sflag:s18], $0x2800  }
0x22: {  	[sflag:s18] =	ssyncset.done $0x0  }
0x23: {  	[sflag:s18] =	ssyncadd.s32 $0xFFFFD800  }
0x24: {  	[spmem:s2] =	stream.indirect.scatter.add.f32 [tilespmem:s16], [sflag:$0x3], $0x80, s15, s19, $0xb8;
	[tilespmem:$0x1D000] =	vst v63  }
0x25: {  	_ =	swait.ge [sflag:s20], $0x2800  }
0x26: {  	[sflag:s20] =	ssyncset.done $0x0  }
0x27: {  	[sflag:s20] =	ssyncadd.s32 $0xFFFFD800  }
0x28: {  	[tilespmem:s16], [sflag:$0x1] =	stream.linear.gather [hbm4b:s11+s4], $0x2800, $0x38;
	[tilespmem:$0x1D000] =	vst v63  }
0x29: {  	_ =	swait.ge [sflag:s21], $0x2800  }
0x2a: {  	[sflag:s21] =	ssyncset.done $0x0  }
0x2b: {  	[sflag:s21] =	ssyncadd.s32 $0xFFFFD800  }
0x2c: {  	[spmem:s2] =	stream.indirect.scatter.add.f32 [tilespmem:s17], [sflag:$0x4], $0x80, s22, s19, $0xb8;
	[tilespmem:$0x1D000] =	vst v63  }
0x2d: {  	_ =	swait.ge [sflag:s23], $0x2800  }
0x2e: {  	[sflag:s23] =	ssyncset.done $0x0  }
0x2f: {  	[sflag:s23] =	ssyncadd.s32 $0xFFFFD800  }
0x30: {  	[tilespmem:s17], [sflag:$0x2] =	stream.linear.gather [hbm4b:s12+s4], $0x2800, $0x38;
	[tilespmem:$0x1D000] =	vst v63  }
0x31: {  	_ =	swait.ge [sflag:s18], $0x2800  }
0x32: {  	[sflag:s18] =	ssyncset.done $0x0  }
0x33: {  	s26 =	simm.s32 $0x14100;
	[sflag:s18] =	ssyncadd.s32 $0xFFFFD800  }
0x34: {  	[spmem:s2] =	stream.indirect.scatter.add.f32 [tilespmem:s16], [sflag:$0x3], $0x80, s26, s19, $0xb8;
	[tilespmem:$0x1D000] =	vst v63  }
0x35: {  	_ =	swait.ge [sflag:s20], $0x2800  }
0x36: {  	[sflag:s20] =	ssyncset.done $0x0  }
0x37: {  	s31 =	sadd.s32 $0x500, s12;
	[sflag:s20] =	ssyncadd.s32 $0xFFFFD800  }
0x38: {  	[tilespmem:s16], [sflag:$0x1] =	stream.linear.gather [hbm4b:s31+s4], $0x2800, $0x38;
	[tilespmem:$0x1D000] =	vst v63  }
0x39: {  	_ =	swait.ge [sflag:s21], $0x2800  }
0x3a: {  	s29 =	simm.s32 $0x14180;
	[sflag:s21] =	ssyncset.done $0x0  }
0x3b: {  	s28 =	sadd.s32 $0xA00, s12;
	s26 =	simm.s32 $0x400;
	[sflag:s21] =	ssyncadd.s32 $0xFFFFD800  }
.LBB2_2:
0x3c: {  	[spmem:s2] =	stream.indirect.scatter.add.f32 [tilespmem:s17], [sflag:$0x4], $0x80, s29, s19, $0xb8;
	[tilespmem:$0x1D000] =	vst v63  }
0x3d: {  	s29 =	smov.u32 s26  }
0x3e: {  	p0 =	sne.s32 s26, $0xF000;
	s26 =	sadd.s32 $0x400, s26;
	_ =	swait.ge [sflag:s23], $0x2800  }
0x3f: {  	[sflag:s23] =	ssyncset.done $0x0  }
0x40: {  	[sflag:s23] =	ssyncadd.s32 $0xFFFFD800  }
0x41: {  	[tilespmem:s17], [sflag:$0x2] =	stream.linear.gather [hbm4b:s28+s4], $0x2800, $0x38;
	[tilespmem:$0x1D000] =	vst v63  }
0x42: {  	_ =	swait.ge [sflag:s18], $0x2800  }
0x43: {  	s29 =	sshra.s32 s29, $0x2;
	[sflag:s18] =	ssyncset.done $0x0  }
0x44: {  	s30 =	sadd.s32 $0x14100, s29;
	[sflag:s18] =	ssyncadd.s32 $0xFFFFD800  }
0x45: {  	[spmem:s2] =	stream.indirect.scatter.add.f32 [tilespmem:s16], [sflag:$0x3], $0x80, s30, s19, $0xb8;
	[tilespmem:$0x1D000] =	vst v63  }
0x46: {  	_ =	swait.ge [sflag:s20], $0x2800  }
0x47: {  	[sflag:s20] =	ssyncset.done $0x0  }
.Ltmp0:
0x48: {  	s30 =	sadd.s32 $0x500, s28;
	[sflag:s20] =	ssyncadd.s32 $0xFFFFD800;
	(pc) =	sbr.rel @p0 .LBB2_2-.Ltmp0, $4  }
0x49: {  	[tilespmem:s16], [sflag:$0x1] =	stream.linear.gather [hbm4b:s30+s4], $0x2800, $0x38;
	[tilespmem:$0x1D000] =	vst v63  }
0x4a: {  	_ =	swait.ge [sflag:s21], $0x2800  }
0x4b: {  	[sflag:s21] =	ssyncset.done $0x0  }
0x4c: {  	s29 =	sadd.s32 $0x14180, s29;
	s28 =	sadd.s32 $0xA00, s28;
	[sflag:s21] =	ssyncadd.s32 $0xFFFFD800  }
0x4d: {  	[spmem:s2] =	stream.indirect.scatter.add.f32 [tilespmem:s17], [sflag:$0x4], $0x80, s29, s19, $0xb8;
	[tilespmem:$0x1D000] =	vst v63  }
0x4e: {  	_ =	swait.ge [sflag:s18], $0x2800  }
0x4f: {  	[sflag:s18] =	ssyncset.done $0x0  }
0x50: {  	[sflag:s18] =	ssyncadd.s32 $0xFFFFD800  }
0x51: {  	[spmem:s2] =	stream.indirect.scatter.add.f32 [tilespmem:s16], [sflag:$0x3], $0x80, s24, s19, $0xb8;
	[tilespmem:$0x1D000] =	vst v63  }
0x52: {  	_ =	swait.ge [sflag:s20], $0x2800  }
0x53: {  	[sflag:s20] =	ssyncset.done $0x0  }
0x54: {  	[sflag:s20] =	ssyncadd.s32 $0xFFFFD800  }
0x55: {  	_ =	swait.ge [sflag:s23], $0x2800  }
0x56: {  	s25 =	sadd.s32 $0x1, s25;
	[sflag:s23] =	ssyncset.done $0x0  }
0x57: {  	p0 =	sne.s32 s25, s9;
	[sflag:s23] =	ssyncadd.s32 $0xFFFFD800  }
.Ltmp1:
0x58: {  	[bflag:$0x0] =	sbarrier.arrive $0xFFFF;
	(pc) =	sbr.rel @p0 .LBB2_1-.Ltmp1, $4  }
0x59: {  	[hbm:s8], [sflag:s5] =	dma.local [spmem:s13], $0x2800  }
0x5a: {  	_ =	swait.ge [sflag:s14], $0x2800  }
0x5b: {  	[sflag:s14] =	ssyncset.done $0x0  }
0x5c: {  	[sflag:s14] =	ssyncadd.s32 $0xFFFFD800  }
0x5d: {  	_ =	sfence.sel $0x180000  }
0x5e: {  	[bflag:$0x0] =	sbarrier.arrive $0xFFFF  }
0x5f: {  	p0 =	sne.s32 s3, $0x0;
	_ =	strace $0x90000050  }
0x60: {  	s0 =	sadd.s32 @!p0 $0x100000, s0;
	[bflag:$0x2] =	sbarrier.arrive $0xFFFF  }
0x61: {  	[sflag:s0] =	ssyncadd.tile.s32 @!p0 $0x1;
	_ =	shalt  }
.Lfunc_end2:
_tile_overlayer_lowered:
.L_overlay_start_2:
0x62: {  	(tag) =	ssettag $0x2  }
0x63: {  	s0 =	rddreg [dreg:$0x0];
	s2 =	stileid.u32  }
0x64: {  	s1 =	rddreg [dreg:$0x1];
	p0 =	sne.s32 s2, $0x0  }
0x65: {  	s3 =	rddreg [dreg:$0x2];
	[bflag:$0x3] =	sbarrier.arrive $0xFFFF;
	s2 =	simm.s32 @!p0 $0x1C05  }
0x66: {  	[timem:s3], [sflag:s2] =	dma.local @!p0 [hbm:s0], s1  }
0x67: {  	s0 =	simm.s32 @!p0 $0x5  }
0x68: {  	_ =	swait.ge @!p0 [sflag:s0], s1  }
0x69: {  	s1 =	ssub.s32 @!p0 $0x0, s1;
	[sflag:s0] =	ssyncset.done @!p0 $0x0  }
0x6a: {  	[sflag:s0] =	ssyncadd.s32 @!p0 s1  }
0x6b: {  	[bflag:$0x3] =	sbarrier.arrive $0xFFFF  }
0x6c: {  	_ =	shalt  }

// kernel: kernel.37.cloned.1.call-start
scs
__scs_entry_jumppad:
0x0: {  	(pc) =	sbr.rel $0x88, $3  }
0x1: {  	(tag) =	ssettag $0x0;
	lr =	simm.s32 $0x1  }
0x2: {  	[smem:$0x3F8C] =	sst lr;
	_ =	strace $0xD0000000  }
0x3: {  	_ = 	snop  }
0x4: {  	_ = 	snop  }
0x5: {  	_ = 	snop  }
0x6: {  	_ = 	snop  }
0x7: {  	_ = 	snop  }
__scs_overlays_trampoline_lowered:
0x8: {  	[smem:$0x3F9B] =	sst s0  }
0x9: {  	[smem:$0x3F9C] =	sst s1  }
0xa: {  	[smem:$0x3F9D] =	sst s2  }
0xb: {  	[smem:$0x3F9E] =	sst s3  }
0xc: {  	[smem:$0x3F9F] =	sst s4  }
0xd: {  	[smem:$0x3FA0] =	sst s5  }
0xe: {  	[smem:$0x3FA1] =	sst s6  }
0xf: {  	[smem:$0x3FA2] =	sst s7  }
0x10: {  	[smem:$0x3FA3] =	sst s8  }
0x11: {  	[smem:$0x3FA4] =	sst s9;
	s0 =	simm.s32 @!p0 $0x0  }
0x12: {  	s1 =	sld [smem:$0x3F8A];
	s0 =	simm.s32 @p0 $0x1  }
0x13: {  	[smem:$0x3FA5] =	sst s0;
	s0 =	simm.s32 @!p1 $0x0  }
0x14: {  	s2 =	sld [smem:$0x3F89];
	s0 =	simm.s32 @p1 $0x1  }
0x15: {  	[smem:$0x3FA6] =	sst s0;
	s0 =	simm.s32 @!p2 $0x0  }
0x16: {  	s3 =	sld [smem:$0x3FDB];
	s0 =	simm.s32 @p2 $0x1  }
0x17: {  	s4 =	simm.s32 $0x1BF5;
	[smem:$0x3FA8] =	sst s0  }
0x18: {  	s0 =	sld [smem:$0x3F8B];
	_ =	swait.ge [sflag:s4], $0x0  }
0x19: {  	s7 =	sld [smem:$0x3F8C]  }
0x1a: {  	s8 =	sadd.s32 $0xFFFFE003, lr  }
0x1b: {  	s9 =	sadd.s32 $0xFFFFFEF7, lr;
	s5 =	simm.s32 $0xFFFFFFFF;
	p2 =	slt.u32 s8, $0xFFFFF086  }
0x1c: {  	p1 =	slt.u32 s9, $0xF7A;
	s5 =	simm.s32 @!p2 $0x0  }
0x1d: {  	s5 =	simm.s32 @p1 $0x1;
	p0 =	seq.s32 s7, s2  }
0x1e: {  	s7 =	smul.u32 @!p0 $0xF7A, s2;
	p2 =	seq.s32 @!p0 s5, $0x0  }
0x1f: {  	s9 =	smul.u32 $0xF7A, s1;
	s8 =	simm.s32 @!p0 $0x1BF5;
	p2 =	por !p2, p0  }
0x20: {  	[sflag:s8] =	ssyncset.s32 @!p0 $0xFFFFF086;
	s6 =	sadd.s32 @!p0 s3, s7;
	s7 =	simm.s32 @!p0 $0x108  }
0x21: {  	s3 =	sadd.s32 s3, s9;
	s6 =	sadd.s32 @!p0 $0x88, s6;
	s7 =	simm.s32 @p2 $0x1082  }
0x22: {  	[simem:s7], [sflag:s8] =	dma.local @!p0 [hbm:s6], $0xF7A  }
0x23: {  	s9 =	sor.u32 $0xD0000000, s2;
	s6 =	simm.s32 $0x108;
	_ =	swait.ge @!p0 [sflag:s8], $0x0  }
0x24: {  	s3 =	sadd.s32 $0x88, s3;
	s6 =	simm.s32 @!p1 $0x1082;
	[sflag:s4] =	ssyncset.s32 $0xFFFFF086  }
0x25: {  	[simem:s6], [sflag:s4] =	dma.local [hbm:s3], $0xF7A  }
0x26: {  	[smem:$0x3F8C] =	sst s1;
	(tag) =	ssettag s2;
	_ =	strace s9  }
0x27: {  	s1 =	sld [smem:$0x3F9C]  }
0x28: {  	s2 =	sld [smem:$0x3F9D]  }
0x29: {  	s4 =	sld [smem:$0x3F9F]  }
0x2a: {  	p0 =	seq.s32 s5, $0x0;
	s5 =	sld [smem:$0x3FA0]  }
0x2b: {  	s6 =	sld [smem:$0x3FA1]  }
0x2c: {  	s7 =	sld [smem:$0x3FA2]  }
0x2d: {  	s3 =	simm.s32 $0x108;
	s8 =	sld [smem:$0x3FA3]  }
0x2e: {  	s3 =	simm.s32 @!p0 $0x1082;
	s9 =	sld [smem:$0x3FA4]  }
0x2f: {  	lr =	sadd.s32 s0, s3;
	s0 =	sld [smem:$0x3F9B]  }
0x30: {  	s3 =	sld [smem:$0x3F9E]  }
0x31: {  	[smem:$0x3FA7] =	sst s10  }
0x32: {  	s10 =	sld [smem:$0x3FA5];
	_ =	sdelay $0x3  }
0x33: {  	p0 =	seq.s32 s10, $0x1;
	s10 =	sld [smem:$0x3FA7];
	_ =	sdelay $0x3  }
0x34: {  	[smem:$0x3FA7] =	sst s10  }
0x35: {  	s10 =	sld [smem:$0x3FA6];
	_ =	sdelay $0x3  }
0x36: {  	p1 =	seq.s32 s10, $0x1;
	s10 =	sld [smem:$0x3FA7];
	_ =	sdelay $0x3  }
0x37: {  	[smem:$0x3FA7] =	sst s10  }
0x38: {  	s10 =	sld [smem:$0x3FA8]  }
0x39: {  	_ = 	snop;
	(pc) =	sbr.ind lr, $3  }
0x3a: {  	_ = 	snop  }
0x3b: {  	_ = 	snop  }
0x3c: {  	p2 =	seq.s32 s10, $0x1;
	s10 =	sld [smem:$0x3FA7]  }
0x3d: {  	_ =	shalt  }
0x3e: {  	_ =	shalt  }
0x3f: {  	_ =	shalt  }
0x40: {  	_ =	shalt  }
0x41: {  	_ =	shalt  }
0x42: {  	_ =	shalt  }
0x43: {  	_ =	shalt  }
0x44: {  	_ =	shalt  }
0x45: {  	_ =	shalt  }
0x46: {  	_ =	shalt  }
0x47: {  	_ =	shalt  }
0x48: {  	_ =	shalt  }
0x49: {  	_ =	shalt  }
0x4a: {  	_ =	shalt  }
0x4b: {  	_ =	shalt  }
0x4c: {  	_ =	shalt  }
0x4d: {  	_ =	shalt  }
0x4e: {  	_ =	shalt  }
0x4f: {  	_ =	shalt  }
0x50: {  	_ =	shalt  }
0x51: {  	_ =	shalt  }
0x52: {  	_ =	shalt  }
0x53: {  	_ =	shalt  }
0x54: {  	_ =	shalt  }
0x55: {  	_ =	shalt  }
0x56: {  	_ =	shalt  }
0x57: {  	_ =	shalt  }
0x58: {  	_ =	shalt  }
0x59: {  	_ =	shalt  }
0x5a: {  	_ =	shalt  }
0x5b: {  	_ =	shalt  }
0x5c: {  	_ =	shalt  }
0x5d: {  	_ =	shalt  }
0x5e: {  	_ =	shalt  }
0x5f: {  	_ =	shalt  }
0x60: {  	_ =	shalt  }
0x61: {  	_ =	shalt  }
0x62: {  	_ =	shalt  }
0x63: {  	_ =	shalt  }
0x64: {  	_ =	shalt  }
0x65: {  	_ =	shalt  }
0x66: {  	_ =	shalt  }
0x67: {  	_ =	shalt  }
0x68: {  	_ =	shalt  }
0x69: {  	_ =	shalt  }
0x6a: {  	_ =	shalt  }
0x6b: {  	_ =	shalt  }
0x6c: {  	_ =	shalt  }
0x6d: {  	_ =	shalt  }
0x6e: {  	_ =	shalt  }
0x6f: {  	_ =	shalt  }
0x70: {  	_ =	shalt  }
0x71: {  	_ =	shalt  }
0x72: {  	_ =	shalt  }
0x73: {  	_ =	shalt  }
0x74: {  	_ =	shalt  }
0x75: {  	_ =	shalt  }
0x76: {  	_ =	shalt  }
0x77: {  	_ =	shalt  }
0x78: {  	_ =	shalt  }
0x79: {  	_ =	shalt  }
0x7a: {  	_ =	shalt  }
0x7b: {  	_ =	shalt  }
0x7c: {  	_ =	shalt  }
0x7d: {  	_ =	shalt  }
0x7e: {  	_ =	shalt  }
0x7f: {  	_ =	shalt  }
0x80: {  	_ =	shalt  }
0x81: {  	_ =	shalt  }
0x82: {  	_ =	shalt  }
0x83: {  	_ =	shalt  }
0x84: {  	_ =	shalt  }
0x85: {  	_ =	shalt  }
0x86: {  	_ =	shalt  }
0x87: {  	_ =	shalt  }
.Lfunc_end0:
.L_simem_size_0:
called_computation.4_lowered:
.L_overlay_start_0:
0x88: {  	s2 =	sld [smem:$0x3FD9]  }
0x89: {  	s3 =	sld [smem:$0x3FFE];
	_ =	sdelay $0x1  }
0x8a: {  	s1 =	srdreg.scid  }
0x8b: {  	s0 =	sand.u32 $0x1, s1  }
0x8c: {  	s16 =	sshll.u32 s0, $0xA;
	s2 =	sadd.s32 s3, s2  }
0x8d: {  	s2 =	sadd.s32 s2, s16  }
0x8e: {  	[smem:$0x3FB3] =	sst s2  }
0x8f: {  	_ = 	snop  }
0x90: {  	(tm) =	ssettm $0x1  }
0x91: {  	s17 =	sld [smem:$0x3FFB];
	_ =	sdelay $0x3  }
0x92: {  	_ =	strace s17  }
0x93: {  	s2 =	sld [smem:$0x3FFC];
	_ =	sdelay $0x3  }
0x94: {  	_ =	strace s2  }
0x95: {  	s2 =	sld [smem:$0x3FFD];
	_ =	sdelay $0x3  }
0x96: {  	_ =	strace s2  }
0x97: {  	_ =	strace $0x8FFFFFFF  }
0x98: {  	s18 =	sld [smem:$0x3FDB];
	_ =	sdelay $0x1  }
0x99: {  	s19 =	simm.s32 $_scs_section_size  }
0x9a: {  	s4 =	simm.s32 $_size__tile_overlayer_lowered;
	s5 =	simm.s32 $_tile_overlayer_lowered  }
0x9b: {  	s22 =	simm.s32 $0x1BFF;
	s21 =	sshll.u32 s5, $0x1;
	s2 =	sadd.s32 s19, s18  }
0x9c: {  	s6 =	simm.s32 $0x0;
	s20 =	sshll.u32 s4, $0x1;
	s4 =	sadd.s32 s21, s2  }
0x9d: {  	[timem:s6], [sflag:s22] =	dma.local [hbm:s4], s20  }
0x9e: {  	_ =	swait.ge [sflag:s22], s20  }
0x9f: {  	s3 =	ssub.s32 $0x0, s20;
	[sflag:s22] =	ssyncset.done $0x0  }
0xa0: {  	[sflag:s22] =	ssyncadd.s32 s3;
	_ =	sdelay $0x1  }
0xa1: {  	s23 =	simm.s32 $0x1B8B  }
0xa2: {  	_ =	swait.ge [sflag:s23], $0x1  }
0xa3: {  	[sflag:s23] =	ssyncset.done $0x0  }
0xa4: {  	s25 =	simm.s32 $0x1B8E;
	s24 =	sld [smem:$0x3FFE];
	[sflag:s23] =	ssyncadd.s32 $0xFFFFFFFF  }
0xa5: {  	s26 =	simm.s32 $execute0_lowered;
	[smem:$0x3FD2] =	sst s25  }
0xa6: {  	s4 =	sshll.u32 s26, $0x1;
	_ =	strace $0x80000052;
	[dreg:$0x1] =	wrdreg $0xFFFFFFFF  }
0xa7: {  	s28 =	simm.s32 $_size_execute0_lowered;
	s2 =	sadd.s32 s2, s4;
	[dreg:$0x0] =	wrdreg $0x0  }
0xa8: {  	s4 =	sshll.u32 s28, $0x1;
	[dreg:$0x2] =	wrdreg s2  }
0xa9: {  	[dreg:$0x3] =	wrdreg s4  }
0xaa: {  	[dreg:$0x4] =	wrdreg $0xC0  }
0xab: {  	_ =	task [dreg:s6], $0x5FFFF  }
0xac: {  	[dreg:$0x1] =	wrdreg $0xFFFFFFFF  }
0xad: {  	[dreg:$0x0] =	wrdreg $0x60  }
0xae: {  	[dreg:$0x2] =	wrdreg s24  }
0xaf: {  	[dreg:$0x3] =	wrdreg $0x9  }
0xb0: {  	_ =	task.clear_ibuf [dreg:s6], $0x4FFFF;
	_ =	strace $0x90000052  }
0xb1: {  	s29 =	simm.s32 $0x9;
	_ =	strace $0x80000054  }
0xb2: {  	_ =	swait.ge [sflag:s29], $0x1  }
0xb3: {  	[sflag:s29] =	ssyncadd.s32 $0xFFFFFFFF  }
0xb4: {  	_ =	strace $0x90000054  }
0xb5: {  	_ =	sfence  }
0xb6: {  	s30 =	sld [smem:$0x0];
	_ =	sdelay $0x2  }
0xb7: {  	s31 =	sshll.u32 s1, $0xD;
	s1 =	sshrl.u32 s1, $0x2  }
0xb8: {  	s3 =	sand.u32 $0x4000, s31;
	s1 =	sadd.s32 s1, s30  }
0xb9: {  	s0 =	sor.u32 s3, s0;
	s1 =	sshll.u32 s1, $0x11  }
0xba: {  	s0 =	sor.u32 s1, s0  }
0xbb: {  	s0 =	sadd.s32 $0x8F2B, s0  }
0xbc: {  	[sflag:s0] =	ssyncadd.remote.s32 $0x1  }
0xbd: {  	_ =	sfence.sel $0xFFFF  }
0xbe: {  	[dreg:$0x0] =	wrdreg $0xFFFFFFFF;
	(pc) =	sbr.abs _section_cstart, $3  }
0xbf: {  	[dreg:$0x1] =	wrdreg $0xFFFFFFFF  }
0xc0: {  	_ =	task.clear_ibuf [dreg:s6], $0x2FFFF;
	_ =	strace $0x9FFFFFFF  }
0xc1: {  	(tm) =	ssettm $0x7FFFFFFF  }
tec
execute0_lowered:
.L_overlay_start_1:
0x0: {  	(tag) =	ssettag $0x1  }
0x1: {  	s0 =	rddreg [dreg:$0x0]  }
0x2: {  	s1 =	srdreg.scid;
	s9 =	stileid.u32;
	s2 =	simm.s32 $0x0  }
0x3: {  	s15 =	simm.s32 $0x9;
	s16 =	simm.s32 $0x4000;
	s17 =	simm.s32 $0x50  }
0x4: {  	s18 =	simm.s32 $0x8000;
	s19 =	simm.s32 $0xD000;
	s21 =	simm.s32 $0xA800  }
0x5: {  	s23 =	simm.s32 $0xF800;
	s28 =	simm.s32 $0x7;
	s31 =	simm.s32 $0x2  }
0x6: {  	s20 =	simm.s32 $0x8;
	s22 =	simm.s32 $0x0;
	s1 =	sand.u32 $0x1, s1  }
0x7: {  	s3 =	sshll.u32 s9, $0x1;
	[smem:$0x7FF] =	sst s2;
	s12 =	sadd.s32 $0xB6200, s0  }
0x8: {  	s14 =	smul.u32 $0x4E200, s9;
	s4 =	sor.u32 s1, s3;
	_ =	strace $0x80000053  }
0x9: {  	s3 =	sadd.s32 $0x32000, s0;
	s6 =	ssub.s32 $0x2, s1;
	s1 =	smul.u32 $0x27100, s1  }
0xa: {  	s5 =	sshll.u32 s4, $0xB;
	s7 =	sshrl.u32 s6, $0x1;
	s4 =	smul.u32 $0x27100, s4  }
0xb: {  	s30 =	sadd.s32 s14, s12;
	s5 =	sadd.s32 s5, s0;
	s0 =	sadd.s32 $0xA37800, s0  }
0xc: {  	s6 =	ssub.s32 s6, s7;
	s13 =	sadd.s32 s1, s30;
	s24 =	sadd.s32 $0x22000, s5  }
0xd: {  	s5 =	sadd.s32 $0x12000, s5;
	s25 =	smax.u32 s6, $0x1;
	[dreg:$0x2] =	wrdreg s24  }
0xe: {  	s26 =	sadd.s32 s12, s4;
	s8 =	sadd.s32 s0, s4;
	[dreg:$0x3] =	wrdreg s5  }
0xf: {  	s29 =	sadd.s32 $0x500, s4;
	s4 =	sadd.s32 $0x26C00, s4;
	[dreg:$0x4] =	wrdreg s25  }
0x10: {  	[dreg:$0x5] =	wrdreg s26;
	s9 =	sadd.s32 s12, s29;
	s10 =	sadd.s32 s0, s29  }
0x11: {  	s11 =	sadd.s32 s12, s4;
	s12 =	sadd.s32 s0, s4;
	s0 =	sadd.s32 s14, s0  }
0x12: {  	s24 =	simm.s32 $0x1;
	s25 =	simm.s32 $0x3;
	s26 =	simm.s32 $0x5  }
0x13: {  	s14 =	sadd.s32 s1, s0;
	s0 =	simm.s32 $0x4;
	s1 =	simm.s32 $0x6  }
.LBB2_1:
0x14: {  	s4 =	rddreg [dreg:$0x2]  }
0x15: {  	[tilespmem:s2], [sflag:$0x9] =	stream.linear.gather [hbm4b:s4+s2], $0x3E80, $0x38;
	[tilespmem:$0x12000] =	vst v63  }
0x16: {  	_ =	swait.ge [sflag:s15], $0x3E80  }
0x17: {  	[sflag:s15] =	ssyncset.done $0x0  }
0x18: {  	s5 =	rddreg [dreg:$0x3];
	[sflag:s15] =	ssyncadd.s32 $0xFFFFC180  }
0x19: {  	[tilespmem:s16], [sflag:$0x9] =	stream.linear.gather [hbm4b:s5+s2], $0x3E80, $0x38;
	[tilespmem:$0x12000] =	vst v63  }
0x1a: {  	_ =	swait.ge [sflag:s15], $0x3E80  }
0x1b: {  	[sflag:s15] =	ssyncset.done $0x0  }
0x1c: {  	[sflag:s15] =	ssyncadd.s32 $0xFFFFC180  }
0x1d: {  	[tilespmem:s18], [sflag:$0x1] =	stream.indirect.gather [hbm4b:s3+s17], $0x80, s2, s17, $0xb8;
	[tilespmem:$0x12000] =	vst v63  }
0x1e: {  	_ = 	snop  }
0x1f: {  	[tilespmem:s19], [sflag:$0x3] =	stream.indirect.gather [hbm4b:s3+s17], $0x80, s16, s17, $0xb8;
	[tilespmem:$0x12000] =	vst v63  }
0x20: {  	s6 =	simm.s32 $0x80  }
0x21: {  	[tilespmem:s21], [sflag:$0x2] =	stream.indirect.gather [hbm4b:s3+s17], $0x80, s6, s17, $0xb8;
	[tilespmem:$0x12000] =	vst v63  }
0x22: {  	s7 =	simm.s32 $0x4080  }
0x23: {  	[tilespmem:s23], [sflag:$0x4] =	stream.indirect.gather [hbm4b:s3+s17], $0x80, s7, s17, $0xb8;
	[tilespmem:$0x12000] =	vst v63  }
0x24: {  	_ =	swait.ge [sflag:s24], $0x2800  }
0x25: {  	[sflag:s24] =	ssyncset.done $0x0  }
0x26: {  	[sflag:s24] =	ssyncadd.s32 $0xFFFFD800  }
0x27: {  	_ =	swait.ge [sflag:s25], $0x2800  }
0x28: {  	[sflag:s25] =	ssyncset.done $0x0  }
0x29: {  	s5 =	rddreg [dreg:$0x5];
	[sflag:s25] =	ssyncadd.s32 $0xFFFFD800  }
0x2a: {  	[hbm4b:s5+s2] =	stream.linear.scatter [tilespmem:s18], [sflag:$0x5], $0x2800, $0x38;
	[tilespmem:$0x12000] =	vst v63  }
0x2b: {  	_ = 	snop  }
0x2c: {  	[hbm4b:s8+s2] =	stream.linear.scatter [tilespmem:s19], [sflag:$0x7], $0x2800, $0x38;
	[tilespmem:$0x12000] =	vst v63  }
0x2d: {  	_ =	swait.ge [sflag:s26], $0x2800  }
0x2e: {  	[sflag:s26] =	ssyncset.done $0x0  }
0x2f: {  	[sflag:s26] =	ssyncadd.s32 $0xFFFFD800  }
0x30: {  	_ =	swait.ge [sflag:s28], $0x2800  }
0x31: {  	[sflag:s28] =	ssyncset.done $0x0  }
0x32: {  	s6 =	simm.s32 $0x100;
	[sflag:s28] =	ssyncadd.s32 $0xFFFFD800  }
0x33: {  	[tilespmem:s18], [sflag:$0x1] =	stream.indirect.gather [hbm4b:s3+s17], $0x80, s6, s17, $0xb8;
	[tilespmem:$0x12000] =	vst v63  }
0x34: {  	s7 =	simm.s32 $0x4100  }
0x35: {  	[tilespmem:s19], [sflag:$0x3] =	stream.indirect.gather [hbm4b:s3+s17], $0x80, s7, s17, $0xb8;
	[tilespmem:$0x12000] =	vst v63  }
0x36: {  	_ =	swait.ge [sflag:s31], $0x2800  }
0x37: {  	[sflag:s31] =	ssyncset.done $0x0  }
0x38: {  	[sflag:s31] =	ssyncadd.s32 $0xFFFFD800  }
0x39: {  	_ =	swait.ge [sflag:s0], $0x2800  }
0x3a: {  	[sflag:s0] =	ssyncset.done $0x0  }
0x3b: {  	[sflag:s0] =	ssyncadd.s32 $0xFFFFD800  }
0x3c: {  	[hbm4b:s9+s2] =	stream.linear.scatter [tilespmem:s21], [sflag:$0x6], $0x2800, $0x38;
	[tilespmem:$0x12000] =	vst v63  }
0x3d: {  	_ = 	snop  }
0x3e: {  	[hbm4b:s10+s2] =	stream.linear.scatter [tilespmem:s23], [sflag:$0x8], $0x2800, $0x38;
	[tilespmem:$0x12000] =	vst v63  }
0x3f: {  	_ =	swait.ge [sflag:s1], $0x2800  }
0x40: {  	[sflag:s1] =	ssyncset.done $0x0  }
0x41: {  	[sflag:s1] =	ssyncadd.s32 $0xFFFFD800  }
0x42: {  	_ =	swait.ge [sflag:s20], $0x2800  }
0x43: {  	[sflag:s20] =	ssyncset.done $0x0  }
0x44: {  	s5 =	simm.s32 $0x180;
	[sflag:s20] =	ssyncadd.s32 $0xFFFFD800  }
0x45: {  	[tilespmem:s21], [sflag:$0x2] =	stream.indirect.gather [hbm4b:s3+s17], $0x80, s5, s17, $0xb8;
	[tilespmem:$0x12000] =	vst v63  }
0x46: {  	s6 =	simm.s32 $0x4180  }
0x47: {  	[tilespmem:s23], [sflag:$0x4] =	stream.indirect.gather [hbm4b:s3+s17], $0x80, s6, s17, $0xb8;
	[tilespmem:$0x12000] =	vst v63  }
0x48: {  	_ =	swait.ge [sflag:s24], $0x2800  }
0x49: {  	[sflag:s24] =	ssyncset.done $0x0  }
0x4a: {  	[sflag:s24] =	ssyncadd.s32 $0xFFFFD800  }
0x4b: {  	_ =	swait.ge [sflag:s25], $0x2800  }
0x4c: {  	s4 =	sadd.s32 $0x0, s13;
	[sflag:s25] =	ssyncset.done $0x0  }
0x4d: {  	s30 =	sadd.s32 $0x0, s14;
	s5 =	sadd.s32 $0xA00, s4;
	[sflag:s25] =	ssyncadd.s32 $0xFFFFD800  }
0x4e: {  	[hbm4b:s5+s2] =	stream.linear.scatter [tilespmem:s18], [sflag:$0x5], $0x2800, $0x38;
	[tilespmem:$0x12000] =	vst v63  }
0x4f: {  	s7 =	sadd.s32 $0xA00, s30  }
0x50: {  	[hbm4b:s7+s2] =	stream.linear.scatter [tilespmem:s19], [sflag:$0x7], $0x2800, $0x38;
	[tilespmem:$0x12000] =	vst v63  }
0x51: {  	_ =	swait.ge [sflag:s26], $0x2800  }
0x52: {  	[sflag:s26] =	ssyncset.done $0x0  }
0x53: {  	[sflag:s26] =	ssyncadd.s32 $0xFFFFD800  }
0x54: {  	_ =	swait.ge [sflag:s28], $0x2800  }
0x55: {  	[sflag:s28] =	ssyncset.done $0x0  }
0x56: {  	s6 =	simm.s32 $0x200;
	[sflag:s28] =	ssyncadd.s32 $0xFFFFD800  }
0x57: {  	[tilespmem:s18], [sflag:$0x1] =	stream.indirect.gather [hbm4b:s3+s17], $0x80, s6, s17, $0xb8;
	[tilespmem:$0x12000] =	vst v63  }
0x58: {  	s7 =	simm.s32 $0x4200  }
0x59: {  	[tilespmem:s19], [sflag:$0x3] =	stream.indirect.gather [hbm4b:s3+s17], $0x80, s7, s17, $0xb8;
	[tilespmem:$0x12000] =	vst v63  }
0x5a: {  	_ =	swait.ge [sflag:s31], $0x2800  }
0x5b: {  	[sflag:s31] =	ssyncset.done $0x0  }
0x5c: {  	[sflag:s31] =	ssyncadd.s32 $0xFFFFD800  }
0x5d: {  	_ =	swait.ge [sflag:s0], $0x2800  }
0x5e: {  	[sflag:s0] =	ssyncset.done $0x0  }
0x5f: {  	s29 =	simm.s32 $0xA00;
	s4 =	sadd.s32 $0xF00, s4;
	[sflag:s0] =	ssyncadd.s32 $0xFFFFD800  }
0x60: {  	[hbm4b:s4+s2] =	stream.linear.scatter [tilespmem:s21], [sflag:$0x6], $0x2800, $0x38;
	[tilespmem:$0x12000] =	vst v63  }
0x61: {  	s5 =	sadd.s32 $0xF00, s30;
	s30 =	simm.s32 $0x280;
	s4 =	simm.s32 $0x4280  }
.LBB2_2:
0x62: {  	[hbm4b:s5+s2] =	stream.linear.scatter [tilespmem:s23], [sflag:$0x8], $0x2800, $0x38;
	[tilespmem:$0x12000] =	vst v63  }
0x63: {  	s5 =	smov.u32 s29  }
0x64: {  	p0 =	sne.s32 s29, $0x25800;
	s29 =	sadd.s32 $0xA00, s29;
	_ =	swait.ge [sflag:s1], $0x2800  }
0x65: {  	[sflag:s1] =	ssyncset.done $0x0  }
0x66: {  	[sflag:s1] =	ssyncadd.s32 $0xFFFFD800  }
0x67: {  	_ =	swait.ge [sflag:s20], $0x2800  }
0x68: {  	[sflag:s20] =	ssyncset.done $0x0  }
0x69: {  	[sflag:s20] =	ssyncadd.s32 $0xFFFFD800  }
0x6a: {  	[tilespmem:s21], [sflag:$0x2] =	stream.indirect.gather [hbm4b:s3+s17], $0x80, s30, s17, $0xb8;
	[tilespmem:$0x12000] =	vst v63  }
0x6b: {  	_ = 	snop  }
0x6c: {  	[tilespmem:s23], [sflag:$0x4] =	stream.indirect.gather [hbm4b:s3+s17], $0x80, s4, s17, $0xb8;
	[tilespmem:$0x12000] =	vst v63  }
0x6d: {  	_ =	swait.ge [sflag:s24], $0x2800  }
0x6e: {  	[sflag:s24] =	ssyncset.done $0x0  }
0x6f: {  	[sflag:s24] =	ssyncadd.s32 $0xFFFFD800  }
0x70: {  	_ =	swait.ge [sflag:s25], $0x2800  }
0x71: {  	s6 =	sadd.s32 s5, s13;
	[sflag:s25] =	ssyncset.done $0x0  }
0x72: {  	s5 =	sadd.s32 s5, s14;
	s7 =	sadd.s32 $0xA00, s6;
	[sflag:s25] =	ssyncadd.s32 $0xFFFFD800  }
0x73: {  	[hbm4b:s7+s2] =	stream.linear.scatter [tilespmem:s18], [sflag:$0x5], $0x2800, $0x38;
	[tilespmem:$0x12000] =	vst v63  }
0x74: {  	s7 =	sadd.s32 $0xA00, s5  }
0x75: {  	[hbm4b:s7+s2] =	stream.linear.scatter [tilespmem:s19], [sflag:$0x7], $0x2800, $0x38;
	[tilespmem:$0x12000] =	vst v63  }
0x76: {  	_ =	swait.ge [sflag:s26], $0x2800  }
0x77: {  	[sflag:s26] =	ssyncset.done $0x0  }
0x78: {  	[sflag:s26] =	ssyncadd.s32 $0xFFFFD800  }
0x79: {  	_ =	swait.ge [sflag:s28], $0x2800  }
0x7a: {  	[sflag:s28] =	ssyncset.done $0x0  }
0x7b: {  	s7 =	sadd.s32 $0x80, s30;
	[sflag:s28] =	ssyncadd.s32 $0xFFFFD800  }
0x7c: {  	[tilespmem:s18], [sflag:$0x1] =	stream.indirect.gather [hbm4b:s3+s17], $0x80, s7, s17, $0xb8;
	[tilespmem:$0x12000] =	vst v63  }
0x7d: {  	s7 =	sadd.s32 $0x80, s4  }
0x7e: {  	[tilespmem:s19], [sflag:$0x3] =	stream.indirect.gather [hbm4b:s3+s17], $0x80, s7, s17, $0xb8;
	[tilespmem:$0x12000] =	vst v63  }
0x7f: {  	_ =	swait.ge [sflag:s31], $0x2800  }
0x80: {  	[sflag:s31] =	ssyncset.done $0x0  }
0x81: {  	[sflag:s31] =	ssyncadd.s32 $0xFFFFD800  }
.Ltmp0:
0x82: {  	_ =	swait.ge [sflag:s0], $0x2800;
	(pc) =	sbr.rel @p0 .LBB2_2-.Ltmp0, $4  }
0x83: {  	[sflag:s0] =	ssyncset.done $0x0  }
0x84: {  	s6 =	sadd.s32 $0xF00, s6;
	[sflag:s0] =	ssyncadd.s32 $0xFFFFD800  }
0x85: {  	[hbm4b:s6+s2] =	stream.linear.scatter [tilespmem:s21], [sflag:$0x6], $0x2800, $0x38;
	[tilespmem:$0x12000] =	vst v63  }
0x86: {  	s5 =	sadd.s32 $0xF00, s5;
	s30 =	sadd.s32 $0x100, s30;
	s4 =	sadd.s32 $0x100, s4  }
0x87: {  	[hbm4b:s5+s2] =	stream.linear.scatter [tilespmem:s23], [sflag:$0x8], $0x2800, $0x38;
	[tilespmem:$0x12000] =	vst v63  }
0x88: {  	_ =	swait.ge [sflag:s24], $0x2800  }
0x89: {  	[sflag:s24] =	ssyncset.done $0x0  }
0x8a: {  	[sflag:s24] =	ssyncadd.s32 $0xFFFFD800  }
0x8b: {  	_ =	swait.ge [sflag:s25], $0x2800  }
0x8c: {  	[sflag:s25] =	ssyncset.done $0x0  }
0x8d: {  	[sflag:s25] =	ssyncadd.s32 $0xFFFFD800  }
0x8e: {  	[hbm4b:s11+s2] =	stream.linear.scatter [tilespmem:s18], [sflag:$0x5], $0x2800, $0x38;
	[tilespmem:$0x12000] =	vst v63  }
0x8f: {  	_ = 	snop  }
0x90: {  	[hbm4b:s12+s2] =	stream.linear.scatter [tilespmem:s19], [sflag:$0x7], $0x2800, $0x38;
	[tilespmem:$0x12000] =	vst v63  }
0x91: {  	_ =	swait.ge [sflag:s26], $0x2800  }
0x92: {  	[sflag:s26] =	ssyncset.done $0x0  }
0x93: {  	[sflag:s26] =	ssyncadd.s32 $0xFFFFD800  }
0x94: {  	_ =	swait.ge [sflag:s28], $0x2800  }
0x95: {  	[sflag:s28] =	ssyncset.done $0x0  }
0x96: {  	[sflag:s28] =	ssyncadd.s32 $0xFFFFD800  }
0x97: {  	_ =	swait.ge [sflag:s1], $0x2800  }
0x98: {  	[sflag:s1] =	ssyncset.done $0x0  }
0x99: {  	[sflag:s1] =	ssyncadd.s32 $0xFFFFD800  }
0x9a: {  	_ =	swait.ge [sflag:s20], $0x2800  }
0x9b: {  	s22 =	sadd.s32 $0x1, s22;
	s4 =	rddreg [dreg:$0x4]  }
0x9c: {  	p0 =	sne.s32 s22, s4  }
.Ltmp1:
0x9d: {  	_ = 	snop;
	(pc) =	sbr.rel @p0 .LBB2_1-.Ltmp1, $3  }
0x9e: {  	_ =	sdelay $0x1  }
0x9f: {  	[sflag:s20] =	ssyncset.done $0x0  }
0xa0: {  	[sflag:s20] =	ssyncadd.s32 $0xFFFFD800  }
0xa1: {  	_ =	sfence.sel $0x180000  }
0xa2: {  	[bflag:$0x0] =	sbarrier.arrive $0xFFFF  }
0xa3: {  	_ =	strace $0x90000053  }
0xa4: {  	s0 =	stileid.u32;
	[bflag:$0x2] =	sbarrier.arrive $0xFFFF  }
0xa5: {  	p0 =	sne.s32 s0, $0x0;
	s0 =	rddreg [dreg:$0x1]  }
0xa6: {  	s0 =	sadd.s32 @!p0 $0x100000, s0  }
0xa7: {  	[sflag:s0] =	ssyncadd.tile.s32 @!p0 $0x1;
	_ =	shalt  }
.Lfunc_end2:
_tile_overlayer_lowered:
.L_overlay_start_2:
0xa8: {  	(tag) =	ssettag $0x2  }
0xa9: {  	s0 =	rddreg [dreg:$0x0];
	s2 =	stileid.u32  }
0xaa: {  	s1 =	rddreg [dreg:$0x1];
	p0 =	sne.s32 s2, $0x0  }
0xab: {  	s3 =	rddreg [dreg:$0x2];
	[bflag:$0x3] =	sbarrier.arrive $0xFFFF;
	s2 =	simm.s32 @!p0 $0x1C09  }
0xac: {  	[timem:s3], [sflag:s2] =	dma.local @!p0 [hbm:s0], s1  }
0xad: {  	s0 =	simm.s32 @!p0 $0x9  }
0xae: {  	_ =	swait.ge @!p0 [sflag:s0], s1  }
0xaf: {  	s1 =	ssub.s32 @!p0 $0x0, s1;
	[sflag:s0] =	ssyncset.done @!p0 $0x0  }
0xb0: {  	[sflag:s0] =	ssyncadd.s32 @!p0 s1  }
0xb1: {  	[bflag:$0x3] =	sbarrier.arrive $0xFFFF  }
0xb2: {  	_ =	shalt  }

// kernel: kernel.40.cloned.1.call-start
scs
__scs_entry_jumppad:
0x0: {  	(pc) =	sbr.rel $0x88, $3  }
0x1: {  	(tag) =	ssettag $0x0;
	lr =	simm.s32 $0x1  }
0x2: {  	[smem:$0x3F8C] =	sst lr;
	_ =	strace $0xD0000000  }
0x3: {  	_ = 	snop  }
0x4: {  	_ = 	snop  }
0x5: {  	_ = 	snop  }
0x6: {  	_ = 	snop  }
0x7: {  	_ = 	snop  }
__scs_overlays_trampoline_lowered:
0x8: {  	[smem:$0x3F9B] =	sst s0  }
0x9: {  	[smem:$0x3F9C] =	sst s1  }
0xa: {  	[smem:$0x3F9D] =	sst s2  }
0xb: {  	[smem:$0x3F9E] =	sst s3  }
0xc: {  	[smem:$0x3F9F] =	sst s4  }
0xd: {  	[smem:$0x3FA0] =	sst s5  }
0xe: {  	[smem:$0x3FA1] =	sst s6  }
0xf: {  	[smem:$0x3FA2] =	sst s7  }
0x10: {  	[smem:$0x3FA3] =	sst s8  }
0x11: {  	[smem:$0x3FA4] =	sst s9;
	s0 =	simm.s32 @!p0 $0x0  }
0x12: {  	s1 =	sld [smem:$0x3F8A];
	s0 =	simm.s32 @p0 $0x1  }
0x13: {  	[smem:$0x3FA5] =	sst s0;
	s0 =	simm.s32 @!p1 $0x0  }
0x14: {  	s2 =	sld [smem:$0x3F89];
	s0 =	simm.s32 @p1 $0x1  }
0x15: {  	[smem:$0x3FA6] =	sst s0;
	s0 =	simm.s32 @!p2 $0x0  }
0x16: {  	s3 =	sld [smem:$0x3FDB];
	s0 =	simm.s32 @p2 $0x1  }
0x17: {  	s4 =	simm.s32 $0x1BF5;
	[smem:$0x3FA8] =	sst s0  }
0x18: {  	s0 =	sld [smem:$0x3F8B];
	_ =	swait.ge [sflag:s4], $0x0  }
0x19: {  	s7 =	sld [smem:$0x3F8C]  }
0x1a: {  	s8 =	sadd.s32 $0xFFFFE003, lr  }
0x1b: {  	s9 =	sadd.s32 $0xFFFFFEF7, lr;
	s5 =	simm.s32 $0xFFFFFFFF;
	p2 =	slt.u32 s8, $0xFFFFF086  }
0x1c: {  	p1 =	slt.u32 s9, $0xF7A;
	s5 =	simm.s32 @!p2 $0x0  }
0x1d: {  	s5 =	simm.s32 @p1 $0x1;
	p0 =	seq.s32 s7, s2  }
0x1e: {  	s7 =	smul.u32 @!p0 $0xF7A, s2;
	p2 =	seq.s32 @!p0 s5, $0x0  }
0x1f: {  	s9 =	smul.u32 $0xF7A, s1;
	s8 =	simm.s32 @!p0 $0x1BF5;
	p2 =	por !p2, p0  }
0x20: {  	[sflag:s8] =	ssyncset.s32 @!p0 $0xFFFFF086;
	s6 =	sadd.s32 @!p0 s3, s7;
	s7 =	simm.s32 @!p0 $0x108  }
0x21: {  	s3 =	sadd.s32 s3, s9;
	s6 =	sadd.s32 @!p0 $0x88, s6;
	s7 =	simm.s32 @p2 $0x1082  }
0x22: {  	[simem:s7], [sflag:s8] =	dma.local @!p0 [hbm:s6], $0xF7A  }
0x23: {  	s9 =	sor.u32 $0xD0000000, s2;
	s6 =	simm.s32 $0x108;
	_ =	swait.ge @!p0 [sflag:s8], $0x0  }
0x24: {  	s3 =	sadd.s32 $0x88, s3;
	s6 =	simm.s32 @!p1 $0x1082;
	[sflag:s4] =	ssyncset.s32 $0xFFFFF086  }
0x25: {  	[simem:s6], [sflag:s4] =	dma.local [hbm:s3], $0xF7A  }
0x26: {  	[smem:$0x3F8C] =	sst s1;
	(tag) =	ssettag s2;
	_ =	strace s9  }
0x27: {  	s1 =	sld [smem:$0x3F9C]  }
0x28: {  	s2 =	sld [smem:$0x3F9D]  }
0x29: {  	s4 =	sld [smem:$0x3F9F]  }
0x2a: {  	p0 =	seq.s32 s5, $0x0;
	s5 =	sld [smem:$0x3FA0]  }
0x2b: {  	s6 =	sld [smem:$0x3FA1]  }
0x2c: {  	s7 =	sld [smem:$0x3FA2]  }
0x2d: {  	s3 =	simm.s32 $0x108;
	s8 =	sld [smem:$0x3FA3]  }
0x2e: {  	s3 =	simm.s32 @!p0 $0x1082;
	s9 =	sld [smem:$0x3FA4]  }
0x2f: {  	lr =	sadd.s32 s0, s3;
	s0 =	sld [smem:$0x3F9B]  }
0x30: {  	s3 =	sld [smem:$0x3F9E]  }
0x31: {  	[smem:$0x3FA7] =	sst s10  }
0x32: {  	s10 =	sld [smem:$0x3FA5];
	_ =	sdelay $0x3  }
0x33: {  	p0 =	seq.s32 s10, $0x1;
	s10 =	sld [smem:$0x3FA7];
	_ =	sdelay $0x3  }
0x34: {  	[smem:$0x3FA7] =	sst s10  }
0x35: {  	s10 =	sld [smem:$0x3FA6];
	_ =	sdelay $0x3  }
0x36: {  	p1 =	seq.s32 s10, $0x1;
	s10 =	sld [smem:$0x3FA7];
	_ =	sdelay $0x3  }
0x37: {  	[smem:$0x3FA7] =	sst s10  }
0x38: {  	s10 =	sld [smem:$0x3FA8]  }
0x39: {  	_ = 	snop;
	(pc) =	sbr.ind lr, $3  }
0x3a: {  	_ = 	snop  }
0x3b: {  	_ = 	snop  }
0x3c: {  	p2 =	seq.s32 s10, $0x1;
	s10 =	sld [smem:$0x3FA7]  }
0x3d: {  	_ =	shalt  }
0x3e: {  	_ =	shalt  }
0x3f: {  	_ =	shalt  }
0x40: {  	_ =	shalt  }
0x41: {  	_ =	shalt  }
0x42: {  	_ =	shalt  }
0x43: {  	_ =	shalt  }
0x44: {  	_ =	shalt  }
0x45: {  	_ =	shalt  }
0x46: {  	_ =	shalt  }
0x47: {  	_ =	shalt  }
0x48: {  	_ =	shalt  }
0x49: {  	_ =	shalt  }
0x4a: {  	_ =	shalt  }
0x4b: {  	_ =	shalt  }
0x4c: {  	_ =	shalt  }
0x4d: {  	_ =	shalt  }
0x4e: {  	_ =	shalt  }
0x4f: {  	_ =	shalt  }
0x50: {  	_ =	shalt  }
0x51: {  	_ =	shalt  }
0x52: {  	_ =	shalt  }
0x53: {  	_ =	shalt  }
0x54: {  	_ =	shalt  }
0x55: {  	_ =	shalt  }
0x56: {  	_ =	shalt  }
0x57: {  	_ =	shalt  }
0x58: {  	_ =	shalt  }
0x59: {  	_ =	shalt  }
0x5a: {  	_ =	shalt  }
0x5b: {  	_ =	shalt  }
0x5c: {  	_ =	shalt  }
0x5d: {  	_ =	shalt  }
0x5e: {  	_ =	shalt  }
0x5f: {  	_ =	shalt  }
0x60: {  	_ =	shalt  }
0x61: {  	_ =	shalt  }
0x62: {  	_ =	shalt  }
0x63: {  	_ =	shalt  }
0x64: {  	_ =	shalt  }
0x65: {  	_ =	shalt  }
0x66: {  	_ =	shalt  }
0x67: {  	_ =	shalt  }
0x68: {  	_ =	shalt  }
0x69: {  	_ =	shalt  }
0x6a: {  	_ =	shalt  }
0x6b: {  	_ =	shalt  }
0x6c: {  	_ =	shalt  }
0x6d: {  	_ =	shalt  }
0x6e: {  	_ =	shalt  }
0x6f: {  	_ =	shalt  }
0x70: {  	_ =	shalt  }
0x71: {  	_ =	shalt  }
0x72: {  	_ =	shalt  }
0x73: {  	_ =	shalt  }
0x74: {  	_ =	shalt  }
0x75: {  	_ =	shalt  }
0x76: {  	_ =	shalt  }
0x77: {  	_ =	shalt  }
0x78: {  	_ =	shalt  }
0x79: {  	_ =	shalt  }
0x7a: {  	_ =	shalt  }
0x7b: {  	_ =	shalt  }
0x7c: {  	_ =	shalt  }
0x7d: {  	_ =	shalt  }
0x7e: {  	_ =	shalt  }
0x7f: {  	_ =	shalt  }
0x80: {  	_ =	shalt  }
0x81: {  	_ =	shalt  }
0x82: {  	_ =	shalt  }
0x83: {  	_ =	shalt  }
0x84: {  	_ =	shalt  }
0x85: {  	_ =	shalt  }
0x86: {  	_ =	shalt  }
0x87: {  	_ =	shalt  }
.Lfunc_end0:
.L_simem_size_0:
called_computation.5_lowered:
.L_overlay_start_0:
0x88: {  	s2 =	sld [smem:$0x3FD9]  }
0x89: {  	s3 =	sld [smem:$0x3FFE];
	_ =	sdelay $0x1  }
0x8a: {  	s1 =	srdreg.scid  }
0x8b: {  	s0 =	sand.u32 $0x1, s1  }
0x8c: {  	s17 =	sshll.u32 s0, $0xA;
	s2 =	sadd.s32 s3, s2  }
0x8d: {  	s2 =	sadd.s32 s2, s17  }
0x8e: {  	[smem:$0x3FB3] =	sst s2  }
0x8f: {  	_ = 	snop  }
0x90: {  	s2 =	sld [smem:$0x3FD0];
	(tm) =	ssettm $0x1  }
0x91: {  	s18 =	sld [smem:$0x3FFB];
	_ =	sdelay $0x3  }
0x92: {  	_ =	strace s18  }
0x93: {  	s3 =	sld [smem:$0x3FFC];
	_ =	sdelay $0x3  }
0x94: {  	_ =	strace s3  }
0x95: {  	s3 =	sld [smem:$0x3FFD];
	_ =	sdelay $0x3  }
0x96: {  	_ =	strace s3  }
0x97: {  	_ =	strace $0x8FFFFFFF  }
0x98: {  	s19 =	sld [smem:$0x3FDB];
	_ =	sdelay $0x1  }
0x99: {  	s4 =	simm.s32 $_scs_section_size  }
0x9a: {  	s5 =	simm.s32 $_size__tile_overlayer_lowered;
	s6 =	simm.s32 $_tile_overlayer_lowered  }
0x9b: {  	s22 =	simm.s32 $0x1BFF;
	s21 =	sshll.u32 s6, $0x1;
	s3 =	sadd.s32 s4, s19  }
0x9c: {  	s7 =	simm.s32 $0x0;
	s20 =	sshll.u32 s5, $0x1;
	s5 =	sadd.s32 s21, s3  }
0x9d: {  	[timem:s7], [sflag:s22] =	dma.local [hbm:s5], s20  }
0x9e: {  	_ =	swait.ge [sflag:s22], s20  }
0x9f: {  	s4 =	ssub.s32 $0x0, s20;
	[sflag:s22] =	ssyncset.done $0x0  }
0xa0: {  	[sflag:s22] =	ssyncadd.s32 s4;
	_ =	sdelay $0x1  }
0xa1: {  	s23 =	simm.s32 $0x1B8B  }
0xa2: {  	_ =	swait.ge [sflag:s23], $0x1  }
0xa3: {  	[sflag:s23] =	ssyncset.done $0x0  }
0xa4: {  	s25 =	simm.s32 $0x1B8E;
	s24 =	sld [smem:$0x3FFE];
	[sflag:s23] =	ssyncadd.s32 $0xFFFFFFFF  }
0xa5: {  	s26 =	simm.s32 $execute0_lowered;
	[smem:$0x3FD2] =	sst s25  }
0xa6: {  	s5 =	sshll.u32 s26, $0x1;
	_ =	strace $0x80000055;
	[dreg:$0x1] =	wrdreg $0xFFFFFFFF  }
0xa7: {  	s28 =	simm.s32 $_size_execute0_lowered;
	s3 =	sadd.s32 s3, s5;
	[dreg:$0x0] =	wrdreg $0x0  }
0xa8: {  	s5 =	sshll.u32 s28, $0x1;
	[dreg:$0x2] =	wrdreg s3  }
0xa9: {  	[dreg:$0x3] =	wrdreg s5  }
0xaa: {  	[dreg:$0x4] =	wrdreg $0xC0  }
0xab: {  	_ =	task [dreg:s7], $0x5FFFF  }
0xac: {  	[dreg:$0x1] =	wrdreg $0xFFFFFFFF  }
0xad: {  	[dreg:$0x0] =	wrdreg $0x60  }
0xae: {  	[dreg:$0x2] =	wrdreg s24  }
0xaf: {  	[dreg:$0x3] =	wrdreg s2  }
0xb0: {  	[dreg:$0x4] =	wrdreg $0x0  }
0xb1: {  	[dreg:$0x5] =	wrdreg $0x9  }
0xb2: {  	_ =	task.clear_ibuf [dreg:s7], $0x6FFFF;
	_ =	strace $0x90000055  }
0xb3: {  	s29 =	simm.s32 $0x9;
	_ =	strace $0x80000057  }
0xb4: {  	_ =	swait.ge [sflag:s29], $0x1  }
0xb5: {  	[sflag:s29] =	ssyncadd.s32 $0xFFFFFFFF  }
0xb6: {  	_ =	strace $0x90000057  }
0xb7: {  	_ =	sfence  }
0xb8: {  	s30 =	sld [smem:$0x0];
	_ =	sdelay $0x2  }
0xb9: {  	s31 =	sshll.u32 s1, $0xD;
	s1 =	sshrl.u32 s1, $0x2  }
0xba: {  	s3 =	sand.u32 $0x4000, s31;
	s1 =	sadd.s32 s1, s30  }
0xbb: {  	s0 =	sor.u32 s3, s0;
	s1 =	sshll.u32 s1, $0x11  }
0xbc: {  	s0 =	sor.u32 s1, s0  }
0xbd: {  	s0 =	sadd.s32 $0x8F2B, s0  }
0xbe: {  	[sflag:s0] =	ssyncadd.remote.s32 $0x1  }
0xbf: {  	_ =	sfence.sel $0xFFFF  }
0xc0: {  	[dreg:$0x0] =	wrdreg $0xFFFFFFFF;
	(pc) =	sbr.abs _section_cstart, $3  }
0xc1: {  	[dreg:$0x1] =	wrdreg $0xFFFFFFFF  }
0xc2: {  	_ =	task.clear_ibuf [dreg:s7], $0x2FFFF;
	_ =	strace $0x9FFFFFFF  }
0xc3: {  	(tm) =	ssettm $0x7FFFFFFF  }
tec
execute0_lowered:
.L_overlay_start_1:
0x0: {  	(tag) =	ssettag $0x1  }
0x1: {  	s5 =	rddreg [dreg:$0x0]  }
0x2: {  	s1 =	rddreg [dreg:$0x1]  }
0x3: {  	s2 =	rddreg [dreg:$0x2]  }
0x4: {  	s3 =	srdreg.scid;
	s0 =	rddreg [dreg:$0x3]  }
0x5: {  	s4 =	simm.s32 $0x0;
	s15 =	simm.s32 $0x14000;
	s16 =	simm.s32 $0x18000  }
0x6: {  	s17 =	simm.s32 $0x1A800;
	s18 =	simm.s32 $0x1;
	s19 =	simm.s32 $0x50  }
0x7: {  	s20 =	simm.s32 $0x3;
	s21 =	simm.s32 $0x2;
	s22 =	simm.s32 $0x14080  }
0x8: {  	s23 =	simm.s32 $0x4;
	s7 =	sand.u32 $0x1, s3;
	s3 =	stileid.u32  }
0x9: {  	s24 =	simm.s32 $0x17E00;
	[smem:$0x7FF] =	sst s4;
	s6 =	smul.u32 $0x140000, s7  }
0xa: {  	s10 =	sadd.s32 $0xF19800, s5;
	s8 =	sshll.u32 s3, $0x1;
	s9 =	smul.u32 $0x14000, s3  }
0xb: {  	_ =	strace $0x80000056;
	s25 =	ssub.s32 $0x2, s7;
	s12 =	smul.u32 $0x50000, s3  }
0xc: {  	s29 =	sshll.u32 s3, $0x6;
	s30 =	smul.u32 $0x4E200, s3;
	s8 =	sor.u32 s7, s8  }
0xd: {  	s31 =	smul.u32 $0x27100, s7;
	s26 =	sshrl.u32 s25, $0x1;
	s11 =	sshll.u32 s8, $0xB  }
0xe: {  	s6 =	sadd.s32 s9, s6;
	s9 =	ssub.s32 s25, s26;
	s28 =	sshrl.u32 s12, $0x2  }
0xf: {  	s8 =	smul.u32 $0x27100, s8;
	s12 =	sadd.s32 s30, s10;
	s25 =	simm.s32 $0x0  }
0x10: {  	s6 =	sshrl.u32 s6, $0x3;
	s11 =	sadd.s32 s11, s5;
	s14 =	sadd.s32 s28, s2  }
0x11: {  	s9 =	smax.u32 s9, $0x1;
	s12 =	sadd.s32 s31, s12;
	s13 =	sadd.s32 s6, s5  }
0x12: {  	s5 =	sor.u32 $0x1C05, s29;
	s6 =	sadd.s32 $0x12000, s11;
	s7 =	sadd.s32 s10, s8  }
0x13: {  	s12 =	sadd.s32 $0xF00, s12;
	s8 =	sadd.s32 $0x59200, s13;
	s10 =	sadd.s32 $0x500, s7  }
0x14: {  	s11 =	sadd.s32 $0xA00, s7;
	s13 =	sshrl.u32 s14, $0x3;
	s14 =	simm.s32 $0x5  }
.LBB2_1:
0x15: {  	[spmem:s13], [sflag:s5] =	dma.local [hbm:s1], $0x2800  }
0x16: {  	_ =	swait.ge [sflag:s14], $0x2800  }
0x17: {  	[sflag:s14] =	ssyncset.done $0x0  }
0x18: {  	[sflag:s14] =	ssyncadd.s32 $0xFFFFD800  }
0x19: {  	[tilespmem:s15], [sflag:$0x5] =	stream.linear.gather [hbm4b:s6+s4], $0x3E80, $0x38;
	[tilespmem:$0x1D000] =	vst v63  }
0x1a: {  	_ =	swait.ge [sflag:s14], $0x3E80  }
0x1b: {  	[sflag:s14] =	ssyncset.done $0x0  }
0x1c: {  	[sflag:s14] =	ssyncadd.s32 $0xFFFFC180  }
0x1d: {  	[bflag:$0x0] =	sbarrier.arrive $0xFFFF  }
0x1e: {  	[tilespmem:s16], [sflag:$0x1] =	stream.linear.gather [hbm4b:s7+s4], $0x2800, $0x38;
	[tilespmem:$0x1D000] =	vst v63  }
0x1f: {  	_ = 	snop  }
0x20: {  	[tilespmem:s17], [sflag:$0x2] =	stream.linear.gather [hbm4b:s10+s4], $0x2800, $0x38;
	[tilespmem:$0x1D000] =	vst v63  }
0x21: {  	_ =	swait.ge [sflag:s18], $0x2800  }
0x22: {  	[sflag:s18] =	ssyncset.done $0x0  }
0x23: {  	[sflag:s18] =	ssyncadd.s32 $0xFFFFD800  }
0x24: {  	[spmem:s2] =	stream.indirect.scatter.add.f32 [tilespmem:s16], [sflag:$0x3], $0x80, s15, s19, $0xb8;
	[tilespmem:$0x1D000] =	vst v63  }
0x25: {  	_ =	swait.ge [sflag:s20], $0x2800  }
0x26: {  	[sflag:s20] =	ssyncset.done $0x0  }
0x27: {  	[sflag:s20] =	ssyncadd.s32 $0xFFFFD800  }
0x28: {  	[tilespmem:s16], [sflag:$0x1] =	stream.linear.gather [hbm4b:s11+s4], $0x2800, $0x38;
	[tilespmem:$0x1D000] =	vst v63  }
0x29: {  	_ =	swait.ge [sflag:s21], $0x2800  }
0x2a: {  	[sflag:s21] =	ssyncset.done $0x0  }
0x2b: {  	[sflag:s21] =	ssyncadd.s32 $0xFFFFD800  }
0x2c: {  	[spmem:s2] =	stream.indirect.scatter.add.f32 [tilespmem:s17], [sflag:$0x4], $0x80, s22, s19, $0xb8;
	[tilespmem:$0x1D000] =	vst v63  }
0x2d: {  	_ =	swait.ge [sflag:s23], $0x2800  }
0x2e: {  	[sflag:s23] =	ssyncset.done $0x0  }
0x2f: {  	[sflag:s23] =	ssyncadd.s32 $0xFFFFD800  }
0x30: {  	[tilespmem:s17], [sflag:$0x2] =	stream.linear.gather [hbm4b:s12+s4], $0x2800, $0x38;
	[tilespmem:$0x1D000] =	vst v63  }
0x31: {  	_ =	swait.ge [sflag:s18], $0x2800  }
0x32: {  	[sflag:s18] =	ssyncset.done $0x0  }
0x33: {  	s26 =	simm.s32 $0x14100;
	[sflag:s18] =	ssyncadd.s32 $0xFFFFD800  }
0x34: {  	[spmem:s2] =	stream.indirect.scatter.add.f32 [tilespmem:s16], [sflag:$0x3], $0x80, s26, s19, $0xb8;
	[tilespmem:$0x1D000] =	vst v63  }
0x35: {  	_ =	swait.ge [sflag:s20], $0x2800  }
0x36: {  	[sflag:s20] =	ssyncset.done $0x0  }
0x37: {  	s31 =	sadd.s32 $0x500, s12;
	[sflag:s20] =	ssyncadd.s32 $0xFFFFD800  }
0x38: {  	[tilespmem:s16], [sflag:$0x1] =	stream.linear.gather [hbm4b:s31+s4], $0x2800, $0x38;
	[tilespmem:$0x1D000] =	vst v63  }
0x39: {  	_ =	swait.ge [sflag:s21], $0x2800  }
0x3a: {  	s29 =	simm.s32 $0x14180;
	[sflag:s21] =	ssyncset.done $0x0  }
0x3b: {  	s28 =	sadd.s32 $0xA00, s12;
	s26 =	simm.s32 $0x400;
	[sflag:s21] =	ssyncadd.s32 $0xFFFFD800  }
.LBB2_2:
0x3c: {  	[spmem:s2] =	stream.indirect.scatter.add.f32 [tilespmem:s17], [sflag:$0x4], $0x80, s29, s19, $0xb8;
	[tilespmem:$0x1D000] =	vst v63  }
0x3d: {  	s29 =	smov.u32 s26  }
0x3e: {  	p0 =	sne.s32 s26, $0xF000;
	s26 =	sadd.s32 $0x400, s26;
	_ =	swait.ge [sflag:s23], $0x2800  }
0x3f: {  	[sflag:s23] =	ssyncset.done $0x0  }
0x40: {  	[sflag:s23] =	ssyncadd.s32 $0xFFFFD800  }
0x41: {  	[tilespmem:s17], [sflag:$0x2] =	stream.linear.gather [hbm4b:s28+s4], $0x2800, $0x38;
	[tilespmem:$0x1D000] =	vst v63  }
0x42: {  	_ =	swait.ge [sflag:s18], $0x2800  }
0x43: {  	s29 =	sshra.s32 s29, $0x2;
	[sflag:s18] =	ssyncset.done $0x0  }
0x44: {  	s30 =	sadd.s32 $0x14100, s29;
	[sflag:s18] =	ssyncadd.s32 $0xFFFFD800  }
0x45: {  	[spmem:s2] =	stream.indirect.scatter.add.f32 [tilespmem:s16], [sflag:$0x3], $0x80, s30, s19, $0xb8;
	[tilespmem:$0x1D000] =	vst v63  }
0x46: {  	_ =	swait.ge [sflag:s20], $0x2800  }
0x47: {  	[sflag:s20] =	ssyncset.done $0x0  }
.Ltmp0:
0x48: {  	s30 =	sadd.s32 $0x500, s28;
	[sflag:s20] =	ssyncadd.s32 $0xFFFFD800;
	(pc) =	sbr.rel @p0 .LBB2_2-.Ltmp0, $4  }
0x49: {  	[tilespmem:s16], [sflag:$0x1] =	stream.linear.gather [hbm4b:s30+s4], $0x2800, $0x38;
	[tilespmem:$0x1D000] =	vst v63  }
0x4a: {  	_ =	swait.ge [sflag:s21], $0x2800  }
0x4b: {  	[sflag:s21] =	ssyncset.done $0x0  }
0x4c: {  	s29 =	sadd.s32 $0x14180, s29;
	s28 =	sadd.s32 $0xA00, s28;
	[sflag:s21] =	ssyncadd.s32 $0xFFFFD800  }
0x4d: {  	[spmem:s2] =	stream.indirect.scatter.add.f32 [tilespmem:s17], [sflag:$0x4], $0x80, s29, s19, $0xb8;
	[tilespmem:$0x1D000] =	vst v63  }
0x4e: {  	_ =	swait.ge [sflag:s18], $0x2800  }
0x4f: {  	[sflag:s18] =	ssyncset.done $0x0  }
0x50: {  	[sflag:s18] =	ssyncadd.s32 $0xFFFFD800  }
0x51: {  	[spmem:s2] =	stream.indirect.scatter.add.f32 [tilespmem:s16], [sflag:$0x3], $0x80, s24, s19, $0xb8;
	[tilespmem:$0x1D000] =	vst v63  }
0x52: {  	_ =	swait.ge [sflag:s20], $0x2800  }
0x53: {  	[sflag:s20] =	ssyncset.done $0x0  }
0x54: {  	[sflag:s20] =	ssyncadd.s32 $0xFFFFD800  }
0x55: {  	_ =	swait.ge [sflag:s23], $0x2800  }
0x56: {  	s25 =	sadd.s32 $0x1, s25;
	[sflag:s23] =	ssyncset.done $0x0  }
0x57: {  	p0 =	sne.s32 s25, s9;
	[sflag:s23] =	ssyncadd.s32 $0xFFFFD800  }
.Ltmp1:
0x58: {  	[bflag:$0x0] =	sbarrier.arrive $0xFFFF;
	(pc) =	sbr.rel @p0 .LBB2_1-.Ltmp1, $4  }
0x59: {  	[hbm:s8], [sflag:s5] =	dma.local [spmem:s13], $0x2800  }
0x5a: {  	_ =	swait.ge [sflag:s14], $0x2800  }
0x5b: {  	[sflag:s14] =	ssyncset.done $0x0  }
0x5c: {  	[sflag:s14] =	ssyncadd.s32 $0xFFFFD800  }
0x5d: {  	_ =	sfence.sel $0x180000  }
0x5e: {  	[bflag:$0x0] =	sbarrier.arrive $0xFFFF  }
0x5f: {  	p0 =	sne.s32 s3, $0x0;
	_ =	strace $0x90000056  }
0x60: {  	s0 =	sadd.s32 @!p0 $0x100000, s0;
	[bflag:$0x2] =	sbarrier.arrive $0xFFFF  }
0x61: {  	[sflag:s0] =	ssyncadd.tile.s32 @!p0 $0x1;
	_ =	shalt  }
.Lfunc_end2:
_tile_overlayer_lowered:
.L_overlay_start_2:
0x62: {  	(tag) =	ssettag $0x2  }
0x63: {  	s0 =	rddreg [dreg:$0x0];
	s2 =	stileid.u32  }
0x64: {  	s1 =	rddreg [dreg:$0x1];
	p0 =	sne.s32 s2, $0x0  }
0x65: {  	s3 =	rddreg [dreg:$0x2];
	[bflag:$0x3] =	sbarrier.arrive $0xFFFF;
	s2 =	simm.s32 @!p0 $0x1C05  }
0x66: {  	[timem:s3], [sflag:s2] =	dma.local @!p0 [hbm:s0], s1  }
0x67: {  	s0 =	simm.s32 @!p0 $0x5  }
0x68: {  	_ =	swait.ge @!p0 [sflag:s0], s1  }
0x69: {  	s1 =	ssub.s32 @!p0 $0x0, s1;
	[sflag:s0] =	ssyncset.done @!p0 $0x0  }
0x6a: {  	[sflag:s0] =	ssyncadd.s32 @!p0 s1  }
0x6b: {  	[bflag:$0x3] =	sbarrier.arrive $0xFFFF  }
0x6c: {  	_ =	shalt  }

// kernel: kernel.43.cloned.1.call-start
scs
__scs_entry_jumppad:
0x0: {  	(pc) =	sbr.rel $0x88, $3  }
0x1: {  	(tag) =	ssettag $0x0;
	lr =	simm.s32 $0x1  }
0x2: {  	[smem:$0x3F8C] =	sst lr;
	_ =	strace $0xD0000000  }
0x3: {  	_ = 	snop  }
0x4: {  	_ = 	snop  }
0x5: {  	_ = 	snop  }
0x6: {  	_ = 	snop  }
0x7: {  	_ = 	snop  }
__scs_overlays_trampoline_lowered:
0x8: {  	[smem:$0x3F9B] =	sst s0  }
0x9: {  	[smem:$0x3F9C] =	sst s1  }
0xa: {  	[smem:$0x3F9D] =	sst s2  }
0xb: {  	[smem:$0x3F9E] =	sst s3  }
0xc: {  	[smem:$0x3F9F] =	sst s4  }
0xd: {  	[smem:$0x3FA0] =	sst s5  }
0xe: {  	[smem:$0x3FA1] =	sst s6  }
0xf: {  	[smem:$0x3FA2] =	sst s7  }
0x10: {  	[smem:$0x3FA3] =	sst s8  }
0x11: {  	[smem:$0x3FA4] =	sst s9;
	s0 =	simm.s32 @!p0 $0x0  }
0x12: {  	s1 =	sld [smem:$0x3F8A];
	s0 =	simm.s32 @p0 $0x1  }
0x13: {  	[smem:$0x3FA5] =	sst s0;
	s0 =	simm.s32 @!p1 $0x0  }
0x14: {  	s2 =	sld [smem:$0x3F89];
	s0 =	simm.s32 @p1 $0x1  }
0x15: {  	[smem:$0x3FA6] =	sst s0;
	s0 =	simm.s32 @!p2 $0x0  }
0x16: {  	s3 =	sld [smem:$0x3FDB];
	s0 =	simm.s32 @p2 $0x1  }
0x17: {  	s4 =	simm.s32 $0x1BF5;
	[smem:$0x3FA8] =	sst s0  }
0x18: {  	s0 =	sld [smem:$0x3F8B];
	_ =	swait.ge [sflag:s4], $0x0  }
0x19: {  	s7 =	sld [smem:$0x3F8C]  }
0x1a: {  	s8 =	sadd.s32 $0xFFFFE003, lr  }
0x1b: {  	s9 =	sadd.s32 $0xFFFFFEF7, lr;
	s5 =	simm.s32 $0xFFFFFFFF;
	p2 =	slt.u32 s8, $0xFFFFF086  }
0x1c: {  	p1 =	slt.u32 s9, $0xF7A;
	s5 =	simm.s32 @!p2 $0x0  }
0x1d: {  	s5 =	simm.s32 @p1 $0x1;
	p0 =	seq.s32 s7, s2  }
0x1e: {  	s7 =	smul.u32 @!p0 $0xF7A, s2;
	p2 =	seq.s32 @!p0 s5, $0x0  }
0x1f: {  	s9 =	smul.u32 $0xF7A, s1;
	s8 =	simm.s32 @!p0 $0x1BF5;
	p2 =	por !p2, p0  }
0x20: {  	[sflag:s8] =	ssyncset.s32 @!p0 $0xFFFFF086;
	s6 =	sadd.s32 @!p0 s3, s7;
	s7 =	simm.s32 @!p0 $0x108  }
0x21: {  	s3 =	sadd.s32 s3, s9;
	s6 =	sadd.s32 @!p0 $0x88, s6;
	s7 =	simm.s32 @p2 $0x1082  }
0x22: {  	[simem:s7], [sflag:s8] =	dma.local @!p0 [hbm:s6], $0xF7A  }
0x23: {  	s9 =	sor.u32 $0xD0000000, s2;
	s6 =	simm.s32 $0x108;
	_ =	swait.ge @!p0 [sflag:s8], $0x0  }
0x24: {  	s3 =	sadd.s32 $0x88, s3;
	s6 =	simm.s32 @!p1 $0x1082;
	[sflag:s4] =	ssyncset.s32 $0xFFFFF086  }
0x25: {  	[simem:s6], [sflag:s4] =	dma.local [hbm:s3], $0xF7A  }
0x26: {  	[smem:$0x3F8C] =	sst s1;
	(tag) =	ssettag s2;
	_ =	strace s9  }
0x27: {  	s1 =	sld [smem:$0x3F9C]  }
0x28: {  	s2 =	sld [smem:$0x3F9D]  }
0x29: {  	s4 =	sld [smem:$0x3F9F]  }
0x2a: {  	p0 =	seq.s32 s5, $0x0;
	s5 =	sld [smem:$0x3FA0]  }
0x2b: {  	s6 =	sld [smem:$0x3FA1]  }
0x2c: {  	s7 =	sld [smem:$0x3FA2]  }
0x2d: {  	s3 =	simm.s32 $0x108;
	s8 =	sld [smem:$0x3FA3]  }
0x2e: {  	s3 =	simm.s32 @!p0 $0x1082;
	s9 =	sld [smem:$0x3FA4]  }
0x2f: {  	lr =	sadd.s32 s0, s3;
	s0 =	sld [smem:$0x3F9B]  }
0x30: {  	s3 =	sld [smem:$0x3F9E]  }
0x31: {  	[smem:$0x3FA7] =	sst s10  }
0x32: {  	s10 =	sld [smem:$0x3FA5];
	_ =	sdelay $0x3  }
0x33: {  	p0 =	seq.s32 s10, $0x1;
	s10 =	sld [smem:$0x3FA7];
	_ =	sdelay $0x3  }
0x34: {  	[smem:$0x3FA7] =	sst s10  }
0x35: {  	s10 =	sld [smem:$0x3FA6];
	_ =	sdelay $0x3  }
0x36: {  	p1 =	seq.s32 s10, $0x1;
	s10 =	sld [smem:$0x3FA7];
	_ =	sdelay $0x3  }
0x37: {  	[smem:$0x3FA7] =	sst s10  }
0x38: {  	s10 =	sld [smem:$0x3FA8]  }
0x39: {  	_ = 	snop;
	(pc) =	sbr.ind lr, $3  }
0x3a: {  	_ = 	snop  }
0x3b: {  	_ = 	snop  }
0x3c: {  	p2 =	seq.s32 s10, $0x1;
	s10 =	sld [smem:$0x3FA7]  }
0x3d: {  	_ =	shalt  }
0x3e: {  	_ =	shalt  }
0x3f: {  	_ =	shalt  }
0x40: {  	_ =	shalt  }
0x41: {  	_ =	shalt  }
0x42: {  	_ =	shalt  }
0x43: {  	_ =	shalt  }
0x44: {  	_ =	shalt  }
0x45: {  	_ =	shalt  }
0x46: {  	_ =	shalt  }
0x47: {  	_ =	shalt  }
0x48: {  	_ =	shalt  }
0x49: {  	_ =	shalt  }
0x4a: {  	_ =	shalt  }
0x4b: {  	_ =	shalt  }
0x4c: {  	_ =	shalt  }
0x4d: {  	_ =	shalt  }
0x4e: {  	_ =	shalt  }
0x4f: {  	_ =	shalt  }
0x50: {  	_ =	shalt  }
0x51: {  	_ =	shalt  }
0x52: {  	_ =	shalt  }
0x53: {  	_ =	shalt  }
0x54: {  	_ =	shalt  }
0x55: {  	_ =	shalt  }
0x56: {  	_ =	shalt  }
0x57: {  	_ =	shalt  }
0x58: {  	_ =	shalt  }
0x59: {  	_ =	shalt  }
0x5a: {  	_ =	shalt  }
0x5b: {  	_ =	shalt  }
0x5c: {  	_ =	shalt  }
0x5d: {  	_ =	shalt  }
0x5e: {  	_ =	shalt  }
0x5f: {  	_ =	shalt  }
0x60: {  	_ =	shalt  }
0x61: {  	_ =	shalt  }
0x62: {  	_ =	shalt  }
0x63: {  	_ =	shalt  }
0x64: {  	_ =	shalt  }
0x65: {  	_ =	shalt  }
0x66: {  	_ =	shalt  }
0x67: {  	_ =	shalt  }
0x68: {  	_ =	shalt  }
0x69: {  	_ =	shalt  }
0x6a: {  	_ =	shalt  }
0x6b: {  	_ =	shalt  }
0x6c: {  	_ =	shalt  }
0x6d: {  	_ =	shalt  }
0x6e: {  	_ =	shalt  }
0x6f: {  	_ =	shalt  }
0x70: {  	_ =	shalt  }
0x71: {  	_ =	shalt  }
0x72: {  	_ =	shalt  }
0x73: {  	_ =	shalt  }
0x74: {  	_ =	shalt  }
0x75: {  	_ =	shalt  }
0x76: {  	_ =	shalt  }
0x77: {  	_ =	shalt  }
0x78: {  	_ =	shalt  }
0x79: {  	_ =	shalt  }
0x7a: {  	_ =	shalt  }
0x7b: {  	_ =	shalt  }
0x7c: {  	_ =	shalt  }
0x7d: {  	_ =	shalt  }
0x7e: {  	_ =	shalt  }
0x7f: {  	_ =	shalt  }
0x80: {  	_ =	shalt  }
0x81: {  	_ =	shalt  }
0x82: {  	_ =	shalt  }
0x83: {  	_ =	shalt  }
0x84: {  	_ =	shalt  }
0x85: {  	_ =	shalt  }
0x86: {  	_ =	shalt  }
0x87: {  	_ =	shalt  }
.Lfunc_end0:
.L_simem_size_0:
called_computation.6_lowered:
.L_overlay_start_0:
0x88: {  	s2 =	sld [smem:$0x3FD9]  }
0x89: {  	s3 =	sld [smem:$0x3FFE];
	_ =	sdelay $0x1  }
0x8a: {  	s1 =	srdreg.scid  }
0x8b: {  	s0 =	sand.u32 $0x1, s1  }
0x8c: {  	s16 =	sshll.u32 s0, $0xA;
	s2 =	sadd.s32 s3, s2  }
0x8d: {  	s2 =	sadd.s32 s2, s16  }
0x8e: {  	[smem:$0x3FB3] =	sst s2  }
0x8f: {  	_ = 	snop  }
0x90: {  	(tm) =	ssettm $0x1  }
0x91: {  	s17 =	sld [smem:$0x3FFB];
	_ =	sdelay $0x3  }
0x92: {  	_ =	strace s17  }
0x93: {  	s2 =	sld [smem:$0x3FFC];
	_ =	sdelay $0x3  }
0x94: {  	_ =	strace s2  }
0x95: {  	s2 =	sld [smem:$0x3FFD];
	_ =	sdelay $0x3  }
0x96: {  	_ =	strace s2  }
0x97: {  	_ =	strace $0x8FFFFFFF  }
0x98: {  	s18 =	sld [smem:$0x3FDB];
	_ =	sdelay $0x1  }
0x99: {  	s19 =	simm.s32 $_scs_section_size  }
0x9a: {  	s4 =	simm.s32 $_size__tile_overlayer_lowered;
	s5 =	simm.s32 $_tile_overlayer_lowered  }
0x9b: {  	s22 =	simm.s32 $0x1BFF;
	s21 =	sshll.u32 s5, $0x1;
	s2 =	sadd.s32 s19, s18  }
0x9c: {  	s6 =	simm.s32 $0x0;
	s20 =	sshll.u32 s4, $0x1;
	s4 =	sadd.s32 s21, s2  }
0x9d: {  	[timem:s6], [sflag:s22] =	dma.local [hbm:s4], s20  }
0x9e: {  	_ =	swait.ge [sflag:s22], s20  }
0x9f: {  	s3 =	ssub.s32 $0x0, s20;
	[sflag:s22] =	ssyncset.done $0x0  }
0xa0: {  	[sflag:s22] =	ssyncadd.s32 s3;
	_ =	sdelay $0x1  }
0xa1: {  	s23 =	simm.s32 $0x1B8B  }
0xa2: {  	_ =	swait.ge [sflag:s23], $0x1  }
0xa3: {  	[sflag:s23] =	ssyncset.done $0x0  }
0xa4: {  	s25 =	simm.s32 $0x1B8E;
	s24 =	sld [smem:$0x3FFE];
	[sflag:s23] =	ssyncadd.s32 $0xFFFFFFFF  }
0xa5: {  	s26 =	simm.s32 $execute0_lowered;
	[smem:$0x3FD2] =	sst s25  }
0xa6: {  	s4 =	sshll.u32 s26, $0x1;
	_ =	strace $0x80000058;
	[dreg:$0x1] =	wrdreg $0xFFFFFFFF  }
0xa7: {  	s28 =	simm.s32 $_size_execute0_lowered;
	s2 =	sadd.s32 s2, s4;
	[dreg:$0x0] =	wrdreg $0x0  }
0xa8: {  	s4 =	sshll.u32 s28, $0x1;
	[dreg:$0x2] =	wrdreg s2  }
0xa9: {  	[dreg:$0x3] =	wrdreg s4  }
0xaa: {  	[dreg:$0x4] =	wrdreg $0xC0  }
0xab: {  	_ =	task [dreg:s6], $0x5FFFF  }
0xac: {  	[dreg:$0x1] =	wrdreg $0xFFFFFFFF  }
0xad: {  	[dreg:$0x0] =	wrdreg $0x60  }
0xae: {  	[dreg:$0x2] =	wrdreg s24  }
0xaf: {  	[dreg:$0x3] =	wrdreg $0x9  }
0xb0: {  	_ =	task.clear_ibuf [dreg:s6], $0x4FFFF;
	_ =	strace $0x90000058  }
0xb1: {  	s29 =	simm.s32 $0x9;
	_ =	strace $0x8000005A  }
0xb2: {  	_ =	swait.ge [sflag:s29], $0x1  }
0xb3: {  	[sflag:s29] =	ssyncadd.s32 $0xFFFFFFFF  }
0xb4: {  	_ =	strace $0x9000005A  }
0xb5: {  	_ =	sfence  }
0xb6: {  	s30 =	sld [smem:$0x0];
	_ =	sdelay $0x2  }
0xb7: {  	s31 =	sshll.u32 s1, $0xD;
	s1 =	sshrl.u32 s1, $0x2  }
0xb8: {  	s3 =	sand.u32 $0x4000, s31;
	s1 =	sadd.s32 s1, s30  }
0xb9: {  	s0 =	sor.u32 s3, s0;
	s1 =	sshll.u32 s1, $0x11  }
0xba: {  	s0 =	sor.u32 s1, s0  }
0xbb: {  	s0 =	sadd.s32 $0x8F2B, s0  }
0xbc: {  	[sflag:s0] =	ssyncadd.remote.s32 $0x1  }
0xbd: {  	_ =	sfence.sel $0xFFFF  }
0xbe: {  	[dreg:$0x0] =	wrdreg $0xFFFFFFFF;
	(pc) =	sbr.abs _section_cstart, $3  }
0xbf: {  	[dreg:$0x1] =	wrdreg $0xFFFFFFFF  }
0xc0: {  	_ =	task.clear_ibuf [dreg:s6], $0x2FFFF;
	_ =	strace $0x9FFFFFFF  }
0xc1: {  	(tm) =	ssettm $0x7FFFFFFF  }
tec
execute0_lowered:
.L_overlay_start_1:
0x0: {  	(tag) =	ssettag $0x1  }
0x1: {  	s0 =	rddreg [dreg:$0x0]  }
0x2: {  	s1 =	srdreg.scid;
	s9 =	stileid.u32;
	s2 =	simm.s32 $0x0  }
0x3: {  	s15 =	simm.s32 $0x9;
	s16 =	simm.s32 $0x4000;
	s17 =	simm.s32 $0x50  }
0x4: {  	s18 =	simm.s32 $0x8000;
	s19 =	simm.s32 $0xD000;
	s21 =	simm.s32 $0xA800  }
0x5: {  	s23 =	simm.s32 $0xF800;
	s28 =	simm.s32 $0x7;
	s31 =	simm.s32 $0x2  }
0x6: {  	s20 =	simm.s32 $0x8;
	s22 =	simm.s32 $0x0;
	s1 =	sand.u32 $0x1, s1  }
0x7: {  	s3 =	sshll.u32 s9, $0x1;
	[smem:$0x7FF] =	sst s2;
	s12 =	sadd.s32 $0xB6200, s0  }
0x8: {  	s14 =	smul.u32 $0x4E200, s9;
	s4 =	sor.u32 s1, s3;
	_ =	strace $0x80000059  }
0x9: {  	s3 =	sadd.s32 $0x32000, s0;
	s6 =	ssub.s32 $0x2, s1;
	s1 =	smul.u32 $0x27100, s1  }
0xa: {  	s5 =	sshll.u32 s4, $0xB;
	s7 =	sshrl.u32 s6, $0x1;
	s4 =	smul.u32 $0x27100, s4  }
0xb: {  	s30 =	sadd.s32 s14, s12;
	s5 =	sadd.s32 s5, s0;
	s0 =	sadd.s32 $0xA37800, s0  }
0xc: {  	s6 =	ssub.s32 s6, s7;
	s13 =	sadd.s32 s1, s30;
	s24 =	sadd.s32 $0x22000, s5  }
0xd: {  	s5 =	sadd.s32 $0x12000, s5;
	s25 =	smax.u32 s6, $0x1;
	[dreg:$0x2] =	wrdreg s24  }
0xe: {  	s26 =	sadd.s32 s12, s4;
	s8 =	sadd.s32 s0, s4;
	[dreg:$0x3] =	wrdreg s5  }
0xf: {  	s29 =	sadd.s32 $0x500, s4;
	s4 =	sadd.s32 $0x26C00, s4;
	[dreg:$0x4] =	wrdreg s25  }
0x10: {  	[dreg:$0x5] =	wrdreg s26;
	s9 =	sadd.s32 s12, s29;
	s10 =	sadd.s32 s0, s29  }
0x11: {  	s11 =	sadd.s32 s12, s4;
	s12 =	sadd.s32 s0, s4;
	s0 =	sadd.s32 s14, s0  }
0x12: {  	s24 =	simm.s32 $0x1;
	s25 =	simm.s32 $0x3;
	s26 =	simm.s32 $0x5  }
0x13: {  	s14 =	sadd.s32 s1, s0;
	s0 =	simm.s32 $0x4;
	s1 =	simm.s32 $0x6  }
.LBB2_1:
0x14: {  	s4 =	rddreg [dreg:$0x2]  }
0x15: {  	[tilespmem:s2], [sflag:$0x9] =	stream.linear.gather [hbm4b:s4+s2], $0x3E80, $0x38;
	[tilespmem:$0x12000] =	vst v63  }
0x16: {  	_ =	swait.ge [sflag:s15], $0x3E80  }
0x17: {  	[sflag:s15] =	ssyncset.done $0x0  }
0x18: {  	s5 =	rddreg [dreg:$0x3];
	[sflag:s15] =	ssyncadd.s32 $0xFFFFC180  }
0x19: {  	[tilespmem:s16], [sflag:$0x9] =	stream.linear.gather [hbm4b:s5+s2], $0x3E80, $0x38;
	[tilespmem:$0x12000] =	vst v63  }
0x1a: {  	_ =	swait.ge [sflag:s15], $0x3E80  }
0x1b: {  	[sflag:s15] =	ssyncset.done $0x0  }
0x1c: {  	[sflag:s15] =	ssyncadd.s32 $0xFFFFC180  }
0x1d: {  	[tilespmem:s18], [sflag:$0x1] =	stream.indirect.gather [hbm4b:s3+s17], $0x80, s2, s17, $0xb8;
	[tilespmem:$0x12000] =	vst v63  }
0x1e: {  	_ = 	snop  }
0x1f: {  	[tilespmem:s19], [sflag:$0x3] =	stream.indirect.gather [hbm4b:s3+s17], $0x80, s16, s17, $0xb8;
	[tilespmem:$0x12000] =	vst v63  }
0x20: {  	s6 =	simm.s32 $0x80  }
0x21: {  	[tilespmem:s21], [sflag:$0x2] =	stream.indirect.gather [hbm4b:s3+s17], $0x80, s6, s17, $0xb8;
	[tilespmem:$0x12000] =	vst v63  }
0x22: {  	s7 =	simm.s32 $0x4080  }
0x23: {  	[tilespmem:s23], [sflag:$0x4] =	stream.indirect.gather [hbm4b:s3+s17], $0x80, s7, s17, $0xb8;
	[tilespmem:$0x12000] =	vst v63  }
0x24: {  	_ =	swait.ge [sflag:s24], $0x2800  }
0x25: {  	[sflag:s24] =	ssyncset.done $0x0  }
0x26: {  	[sflag:s24] =	ssyncadd.s32 $0xFFFFD800  }
0x27: {  	_ =	swait.ge [sflag:s25], $0x2800  }
0x28: {  	[sflag:s25] =	ssyncset.done $0x0  }
0x29: {  	s5 =	rddreg [dreg:$0x5];
	[sflag:s25] =	ssyncadd.s32 $0xFFFFD800  }
0x2a: {  	[hbm4b:s5+s2] =	stream.linear.scatter [tilespmem:s18], [sflag:$0x5], $0x2800, $0x38;
	[tilespmem:$0x12000] =	vst v63  }
0x2b: {  	_ = 	snop  }
0x2c: {  	[hbm4b:s8+s2] =	stream.linear.scatter [tilespmem:s19], [sflag:$0x7], $0x2800, $0x38;
	[tilespmem:$0x12000] =	vst v63  }
0x2d: {  	_ =	swait.ge [sflag:s26], $0x2800  }
0x2e: {  	[sflag:s26] =	ssyncset.done $0x0  }
0x2f: {  	[sflag:s26] =	ssyncadd.s32 $0xFFFFD800  }
0x30: {  	_ =	swait.ge [sflag:s28], $0x2800  }
0x31: {  	[sflag:s28] =	ssyncset.done $0x0  }
0x32: {  	s6 =	simm.s32 $0x100;
	[sflag:s28] =	ssyncadd.s32 $0xFFFFD800  }
0x33: {  	[tilespmem:s18], [sflag:$0x1] =	stream.indirect.gather [hbm4b:s3+s17], $0x80, s6, s17, $0xb8;
	[tilespmem:$0x12000] =	vst v63  }
0x34: {  	s7 =	simm.s32 $0x4100  }
0x35: {  	[tilespmem:s19], [sflag:$0x3] =	stream.indirect.gather [hbm4b:s3+s17], $0x80, s7, s17, $0xb8;
	[tilespmem:$0x12000] =	vst v63  }
0x36: {  	_ =	swait.ge [sflag:s31], $0x2800  }
0x37: {  	[sflag:s31] =	ssyncset.done $0x0  }
0x38: {  	[sflag:s31] =	ssyncadd.s32 $0xFFFFD800  }
0x39: {  	_ =	swait.ge [sflag:s0], $0x2800  }
0x3a: {  	[sflag:s0] =	ssyncset.done $0x0  }
0x3b: {  	[sflag:s0] =	ssyncadd.s32 $0xFFFFD800  }
0x3c: {  	[hbm4b:s9+s2] =	stream.linear.scatter [tilespmem:s21], [sflag:$0x6], $0x2800, $0x38;
	[tilespmem:$0x12000] =	vst v63  }
0x3d: {  	_ = 	snop  }
0x3e: {  	[hbm4b:s10+s2] =	stream.linear.scatter [tilespmem:s23], [sflag:$0x8], $0x2800, $0x38;
	[tilespmem:$0x12000] =	vst v63  }
0x3f: {  	_ =	swait.ge [sflag:s1], $0x2800  }
0x40: {  	[sflag:s1] =	ssyncset.done $0x0  }
0x41: {  	[sflag:s1] =	ssyncadd.s32 $0xFFFFD800  }
0x42: {  	_ =	swait.ge [sflag:s20], $0x2800  }
0x43: {  	[sflag:s20] =	ssyncset.done $0x0  }
0x44: {  	s5 =	simm.s32 $0x180;
	[sflag:s20] =	ssyncadd.s32 $0xFFFFD800  }
0x45: {  	[tilespmem:s21], [sflag:$0x2] =	stream.indirect.gather [hbm4b:s3+s17], $0x80, s5, s17, $0xb8;
	[tilespmem:$0x12000] =	vst v63  }
0x46: {  	s6 =	simm.s32 $0x4180  }
0x47: {  	[tilespmem:s23], [sflag:$0x4] =	stream.indirect.gather [hbm4b:s3+s17], $0x80, s6, s17, $0xb8;
	[tilespmem:$0x12000] =	vst v63  }
0x48: {  	_ =	swait.ge [sflag:s24], $0x2800  }
0x49: {  	[sflag:s24] =	ssyncset.done $0x0  }
0x4a: {  	[sflag:s24] =	ssyncadd.s32 $0xFFFFD800  }
0x4b: {  	_ =	swait.ge [sflag:s25], $0x2800  }
0x4c: {  	s4 =	sadd.s32 $0x0, s13;
	[sflag:s25] =	ssyncset.done $0x0  }
0x4d: {  	s30 =	sadd.s32 $0x0, s14;
	s5 =	sadd.s32 $0xA00, s4;
	[sflag:s25] =	ssyncadd.s32 $0xFFFFD800  }
0x4e: {  	[hbm4b:s5+s2] =	stream.linear.scatter [tilespmem:s18], [sflag:$0x5], $0x2800, $0x38;
	[tilespmem:$0x12000] =	vst v63  }
0x4f: {  	s7 =	sadd.s32 $0xA00, s30  }
0x50: {  	[hbm4b:s7+s2] =	stream.linear.scatter [tilespmem:s19], [sflag:$0x7], $0x2800, $0x38;
	[tilespmem:$0x12000] =	vst v63  }
0x51: {  	_ =	swait.ge [sflag:s26], $0x2800  }
0x52: {  	[sflag:s26] =	ssyncset.done $0x0  }
0x53: {  	[sflag:s26] =	ssyncadd.s32 $0xFFFFD800  }
0x54: {  	_ =	swait.ge [sflag:s28], $0x2800  }
0x55: {  	[sflag:s28] =	ssyncset.done $0x0  }
0x56: {  	s6 =	simm.s32 $0x200;
	[sflag:s28] =	ssyncadd.s32 $0xFFFFD800  }
0x57: {  	[tilespmem:s18], [sflag:$0x1] =	stream.indirect.gather [hbm4b:s3+s17], $0x80, s6, s17, $0xb8;
	[tilespmem:$0x12000] =	vst v63  }
0x58: {  	s7 =	simm.s32 $0x4200  }
0x59: {  	[tilespmem:s19], [sflag:$0x3] =	stream.indirect.gather [hbm4b:s3+s17], $0x80, s7, s17, $0xb8;
	[tilespmem:$0x12000] =	vst v63  }
0x5a: {  	_ =	swait.ge [sflag:s31], $0x2800  }
0x5b: {  	[sflag:s31] =	ssyncset.done $0x0  }
0x5c: {  	[sflag:s31] =	ssyncadd.s32 $0xFFFFD800  }
0x5d: {  	_ =	swait.ge [sflag:s0], $0x2800  }
0x5e: {  	[sflag:s0] =	ssyncset.done $0x0  }
0x5f: {  	s29 =	simm.s32 $0xA00;
	s4 =	sadd.s32 $0xF00, s4;
	[sflag:s0] =	ssyncadd.s32 $0xFFFFD800  }
0x60: {  	[hbm4b:s4+s2] =	stream.linear.scatter [tilespmem:s21], [sflag:$0x6], $0x2800, $0x38;
	[tilespmem:$0x12000] =	vst v63  }
0x61: {  	s5 =	sadd.s32 $0xF00, s30;
	s30 =	simm.s32 $0x280;
	s4 =	simm.s32 $0x4280  }
.LBB2_2:
0x62: {  	[hbm4b:s5+s2] =	stream.linear.scatter [tilespmem:s23], [sflag:$0x8], $0x2800, $0x38;
	[tilespmem:$0x12000] =	vst v63  }
0x63: {  	s5 =	smov.u32 s29  }
0x64: {  	p0 =	sne.s32 s29, $0x25800;
	s29 =	sadd.s32 $0xA00, s29;
	_ =	swait.ge [sflag:s1], $0x2800  }
0x65: {  	[sflag:s1] =	ssyncset.done $0x0  }
0x66: {  	[sflag:s1] =	ssyncadd.s32 $0xFFFFD800  }
0x67: {  	_ =	swait.ge [sflag:s20], $0x2800  }
0x68: {  	[sflag:s20] =	ssyncset.done $0x0  }
0x69: {  	[sflag:s20] =	ssyncadd.s32 $0xFFFFD800  }
0x6a: {  	[tilespmem:s21], [sflag:$0x2] =	stream.indirect.gather [hbm4b:s3+s17], $0x80, s30, s17, $0xb8;
	[tilespmem:$0x12000] =	vst v63  }
0x6b: {  	_ = 	snop  }
0x6c: {  	[tilespmem:s23], [sflag:$0x4] =	stream.indirect.gather [hbm4b:s3+s17], $0x80, s4, s17, $0xb8;
	[tilespmem:$0x12000] =	vst v63  }
0x6d: {  	_ =	swait.ge [sflag:s24], $0x2800  }
0x6e: {  	[sflag:s24] =	ssyncset.done $0x0  }
0x6f: {  	[sflag:s24] =	ssyncadd.s32 $0xFFFFD800  }
0x70: {  	_ =	swait.ge [sflag:s25], $0x2800  }
0x71: {  	s6 =	sadd.s32 s5, s13;
	[sflag:s25] =	ssyncset.done $0x0  }
0x72: {  	s5 =	sadd.s32 s5, s14;
	s7 =	sadd.s32 $0xA00, s6;
	[sflag:s25] =	ssyncadd.s32 $0xFFFFD800  }
0x73: {  	[hbm4b:s7+s2] =	stream.linear.scatter [tilespmem:s18], [sflag:$0x5], $0x2800, $0x38;
	[tilespmem:$0x12000] =	vst v63  }
0x74: {  	s7 =	sadd.s32 $0xA00, s5  }
0x75: {  	[hbm4b:s7+s2] =	stream.linear.scatter [tilespmem:s19], [sflag:$0x7], $0x2800, $0x38;
	[tilespmem:$0x12000] =	vst v63  }
0x76: {  	_ =	swait.ge [sflag:s26], $0x2800  }
0x77: {  	[sflag:s26] =	ssyncset.done $0x0  }
0x78: {  	[sflag:s26] =	ssyncadd.s32 $0xFFFFD800  }
0x79: {  	_ =	swait.ge [sflag:s28], $0x2800  }
0x7a: {  	[sflag:s28] =	ssyncset.done $0x0  }
0x7b: {  	s7 =	sadd.s32 $0x80, s30;
	[sflag:s28] =	ssyncadd.s32 $0xFFFFD800  }
0x7c: {  	[tilespmem:s18], [sflag:$0x1] =	stream.indirect.gather [hbm4b:s3+s17], $0x80, s7, s17, $0xb8;
	[tilespmem:$0x12000] =	vst v63  }
0x7d: {  	s7 =	sadd.s32 $0x80, s4  }
0x7e: {  	[tilespmem:s19], [sflag:$0x3] =	stream.indirect.gather [hbm4b:s3+s17], $0x80, s7, s17, $0xb8;
	[tilespmem:$0x12000] =	vst v63  }
0x7f: {  	_ =	swait.ge [sflag:s31], $0x2800  }
0x80: {  	[sflag:s31] =	ssyncset.done $0x0  }
0x81: {  	[sflag:s31] =	ssyncadd.s32 $0xFFFFD800  }
.Ltmp0:
0x82: {  	_ =	swait.ge [sflag:s0], $0x2800;
	(pc) =	sbr.rel @p0 .LBB2_2-.Ltmp0, $4  }
0x83: {  	[sflag:s0] =	ssyncset.done $0x0  }
0x84: {  	s6 =	sadd.s32 $0xF00, s6;
	[sflag:s0] =	ssyncadd.s32 $0xFFFFD800  }
0x85: {  	[hbm4b:s6+s2] =	stream.linear.scatter [tilespmem:s21], [sflag:$0x6], $0x2800, $0x38;
	[tilespmem:$0x12000] =	vst v63  }
0x86: {  	s5 =	sadd.s32 $0xF00, s5;
	s30 =	sadd.s32 $0x100, s30;
	s4 =	sadd.s32 $0x100, s4  }
0x87: {  	[hbm4b:s5+s2] =	stream.linear.scatter [tilespmem:s23], [sflag:$0x8], $0x2800, $0x38;
	[tilespmem:$0x12000] =	vst v63  }
0x88: {  	_ =	swait.ge [sflag:s24], $0x2800  }
0x89: {  	[sflag:s24] =	ssyncset.done $0x0  }
0x8a: {  	[sflag:s24] =	ssyncadd.s32 $0xFFFFD800  }
0x8b: {  	_ =	swait.ge [sflag:s25], $0x2800  }
0x8c: {  	[sflag:s25] =	ssyncset.done $0x0  }
0x8d: {  	[sflag:s25] =	ssyncadd.s32 $0xFFFFD800  }
0x8e: {  	[hbm4b:s11+s2] =	stream.linear.scatter [tilespmem:s18], [sflag:$0x5], $0x2800, $0x38;
	[tilespmem:$0x12000] =	vst v63  }
0x8f: {  	_ = 	snop  }
0x90: {  	[hbm4b:s12+s2] =	stream.linear.scatter [tilespmem:s19], [sflag:$0x7], $0x2800, $0x38;
	[tilespmem:$0x12000] =	vst v63  }
0x91: {  	_ =	swait.ge [sflag:s26], $0x2800  }
0x92: {  	[sflag:s26] =	ssyncset.done $0x0  }
0x93: {  	[sflag:s26] =	ssyncadd.s32 $0xFFFFD800  }
0x94: {  	_ =	swait.ge [sflag:s28], $0x2800  }
0x95: {  	[sflag:s28] =	ssyncset.done $0x0  }
0x96: {  	[sflag:s28] =	ssyncadd.s32 $0xFFFFD800  }
0x97: {  	_ =	swait.ge [sflag:s1], $0x2800  }
0x98: {  	[sflag:s1] =	ssyncset.done $0x0  }
0x99: {  	[sflag:s1] =	ssyncadd.s32 $0xFFFFD800  }
0x9a: {  	_ =	swait.ge [sflag:s20], $0x2800  }
0x9b: {  	s22 =	sadd.s32 $0x1, s22;
	s4 =	rddreg [dreg:$0x4]  }
0x9c: {  	p0 =	sne.s32 s22, s4  }
.Ltmp1:
0x9d: {  	_ = 	snop;
	(pc) =	sbr.rel @p0 .LBB2_1-.Ltmp1, $3  }
0x9e: {  	_ =	sdelay $0x1  }
0x9f: {  	[sflag:s20] =	ssyncset.done $0x0  }
0xa0: {  	[sflag:s20] =	ssyncadd.s32 $0xFFFFD800  }
0xa1: {  	_ =	sfence.sel $0x180000  }
0xa2: {  	[bflag:$0x0] =	sbarrier.arrive $0xFFFF  }
0xa3: {  	_ =	strace $0x90000059  }
0xa4: {  	s0 =	stileid.u32;
	[bflag:$0x2] =	sbarrier.arrive $0xFFFF  }
0xa5: {  	p0 =	sne.s32 s0, $0x0;
	s0 =	rddreg [dreg:$0x1]  }
0xa6: {  	s0 =	sadd.s32 @!p0 $0x100000, s0  }
0xa7: {  	[sflag:s0] =	ssyncadd.tile.s32 @!p0 $0x1;
	_ =	shalt  }
.Lfunc_end2:
_tile_overlayer_lowered:
.L_overlay_start_2:
0xa8: {  	(tag) =	ssettag $0x2  }
0xa9: {  	s0 =	rddreg [dreg:$0x0];
	s2 =	stileid.u32  }
0xaa: {  	s1 =	rddreg [dreg:$0x1];
	p0 =	sne.s32 s2, $0x0  }
0xab: {  	s3 =	rddreg [dreg:$0x2];
	[bflag:$0x3] =	sbarrier.arrive $0xFFFF;
	s2 =	simm.s32 @!p0 $0x1C09  }
0xac: {  	[timem:s3], [sflag:s2] =	dma.local @!p0 [hbm:s0], s1  }
0xad: {  	s0 =	simm.s32 @!p0 $0x9  }
0xae: {  	_ =	swait.ge @!p0 [sflag:s0], s1  }
0xaf: {  	s1 =	ssub.s32 @!p0 $0x0, s1;
	[sflag:s0] =	ssyncset.done @!p0 $0x0  }
0xb0: {  	[sflag:s0] =	ssyncadd.s32 @!p0 s1  }
0xb1: {  	[bflag:$0x3] =	sbarrier.arrive $0xFFFF  }
0xb2: {  	_ =	shalt  }

// kernel: kernel.46.cloned.1.call-start
scs
__scs_entry_jumppad:
0x0: {  	(pc) =	sbr.rel $0x88, $3  }
0x1: {  	(tag) =	ssettag $0x0;
	lr =	simm.s32 $0x1  }
0x2: {  	[smem:$0x3F8C] =	sst lr;
	_ =	strace $0xD0000000  }
0x3: {  	_ = 	snop  }
0x4: {  	_ = 	snop  }
0x5: {  	_ = 	snop  }
0x6: {  	_ = 	snop  }
0x7: {  	_ = 	snop  }
__scs_overlays_trampoline_lowered:
0x8: {  	[smem:$0x3F9B] =	sst s0  }
0x9: {  	[smem:$0x3F9C] =	sst s1  }
0xa: {  	[smem:$0x3F9D] =	sst s2  }
0xb: {  	[smem:$0x3F9E] =	sst s3  }
0xc: {  	[smem:$0x3F9F] =	sst s4  }
0xd: {  	[smem:$0x3FA0] =	sst s5  }
0xe: {  	[smem:$0x3FA1] =	sst s6  }
0xf: {  	[smem:$0x3FA2] =	sst s7  }
0x10: {  	[smem:$0x3FA3] =	sst s8  }
0x11: {  	[smem:$0x3FA4] =	sst s9;
	s0 =	simm.s32 @!p0 $0x0  }
0x12: {  	s1 =	sld [smem:$0x3F8A];
	s0 =	simm.s32 @p0 $0x1  }
0x13: {  	[smem:$0x3FA5] =	sst s0;
	s0 =	simm.s32 @!p1 $0x0  }
0x14: {  	s2 =	sld [smem:$0x3F89];
	s0 =	simm.s32 @p1 $0x1  }
0x15: {  	[smem:$0x3FA6] =	sst s0;
	s0 =	simm.s32 @!p2 $0x0  }
0x16: {  	s3 =	sld [smem:$0x3FDB];
	s0 =	simm.s32 @p2 $0x1  }
0x17: {  	s4 =	simm.s32 $0x1BF5;
	[smem:$0x3FA8] =	sst s0  }
0x18: {  	s0 =	sld [smem:$0x3F8B];
	_ =	swait.ge [sflag:s4], $0x0  }
0x19: {  	s7 =	sld [smem:$0x3F8C]  }
0x1a: {  	s8 =	sadd.s32 $0xFFFFE003, lr  }
0x1b: {  	s9 =	sadd.s32 $0xFFFFFEF7, lr;
	s5 =	simm.s32 $0xFFFFFFFF;
	p2 =	slt.u32 s8, $0xFFFFF086  }
0x1c: {  	p1 =	slt.u32 s9, $0xF7A;
	s5 =	simm.s32 @!p2 $0x0  }
0x1d: {  	s5 =	simm.s32 @p1 $0x1;
	p0 =	seq.s32 s7, s2  }
0x1e: {  	s7 =	smul.u32 @!p0 $0xF7A, s2;
	p2 =	seq.s32 @!p0 s5, $0x0  }
0x1f: {  	s9 =	smul.u32 $0xF7A, s1;
	s8 =	simm.s32 @!p0 $0x1BF5;
	p2 =	por !p2, p0  }
0x20: {  	[sflag:s8] =	ssyncset.s32 @!p0 $0xFFFFF086;
	s6 =	sadd.s32 @!p0 s3, s7;
	s7 =	simm.s32 @!p0 $0x108  }
0x21: {  	s3 =	sadd.s32 s3, s9;
	s6 =	sadd.s32 @!p0 $0x88, s6;
	s7 =	simm.s32 @p2 $0x1082  }
0x22: {  	[simem:s7], [sflag:s8] =	dma.local @!p0 [hbm:s6], $0xF7A  }
0x23: {  	s9 =	sor.u32 $0xD0000000, s2;
	s6 =	simm.s32 $0x108;
	_ =	swait.ge @!p0 [sflag:s8], $0x0  }
0x24: {  	s3 =	sadd.s32 $0x88, s3;
	s6 =	simm.s32 @!p1 $0x1082;
	[sflag:s4] =	ssyncset.s32 $0xFFFFF086  }
0x25: {  	[simem:s6], [sflag:s4] =	dma.local [hbm:s3], $0xF7A  }
0x26: {  	[smem:$0x3F8C] =	sst s1;
	(tag) =	ssettag s2;
	_ =	strace s9  }
0x27: {  	s1 =	sld [smem:$0x3F9C]  }
0x28: {  	s2 =	sld [smem:$0x3F9D]  }
0x29: {  	s4 =	sld [smem:$0x3F9F]  }
0x2a: {  	p0 =	seq.s32 s5, $0x0;
	s5 =	sld [smem:$0x3FA0]  }
0x2b: {  	s6 =	sld [smem:$0x3FA1]  }
0x2c: {  	s7 =	sld [smem:$0x3FA2]  }
0x2d: {  	s3 =	simm.s32 $0x108;
	s8 =	sld [smem:$0x3FA3]  }
0x2e: {  	s3 =	simm.s32 @!p0 $0x1082;
	s9 =	sld [smem:$0x3FA4]  }
0x2f: {  	lr =	sadd.s32 s0, s3;
	s0 =	sld [smem:$0x3F9B]  }
0x30: {  	s3 =	sld [smem:$0x3F9E]  }
0x31: {  	[smem:$0x3FA7] =	sst s10  }
0x32: {  	s10 =	sld [smem:$0x3FA5];
	_ =	sdelay $0x3  }
0x33: {  	p0 =	seq.s32 s10, $0x1;
	s10 =	sld [smem:$0x3FA7];
	_ =	sdelay $0x3  }
0x34: {  	[smem:$0x3FA7] =	sst s10  }
0x35: {  	s10 =	sld [smem:$0x3FA6];
	_ =	sdelay $0x3  }
0x36: {  	p1 =	seq.s32 s10, $0x1;
	s10 =	sld [smem:$0x3FA7];
	_ =	sdelay $0x3  }
0x37: {  	[smem:$0x3FA7] =	sst s10  }
0x38: {  	s10 =	sld [smem:$0x3FA8]  }
0x39: {  	_ = 	snop;
	(pc) =	sbr.ind lr, $3  }
0x3a: {  	_ = 	snop  }
0x3b: {  	_ = 	snop  }
0x3c: {  	p2 =	seq.s32 s10, $0x1;
	s10 =	sld [smem:$0x3FA7]  }
0x3d: {  	_ =	shalt  }
0x3e: {  	_ =	shalt  }
0x3f: {  	_ =	shalt  }
0x40: {  	_ =	shalt  }
0x41: {  	_ =	shalt  }
0x42: {  	_ =	shalt  }
0x43: {  	_ =	shalt  }
0x44: {  	_ =	shalt  }
0x45: {  	_ =	shalt  }
0x46: {  	_ =	shalt  }
0x47: {  	_ =	shalt  }
0x48: {  	_ =	shalt  }
0x49: {  	_ =	shalt  }
0x4a: {  	_ =	shalt  }
0x4b: {  	_ =	shalt  }
0x4c: {  	_ =	shalt  }
0x4d: {  	_ =	shalt  }
0x4e: {  	_ =	shalt  }
0x4f: {  	_ =	shalt  }
0x50: {  	_ =	shalt  }
0x51: {  	_ =	shalt  }
0x52: {  	_ =	shalt  }
0x53: {  	_ =	shalt  }
0x54: {  	_ =	shalt  }
0x55: {  	_ =	shalt  }
0x56: {  	_ =	shalt  }
0x57: {  	_ =	shalt  }
0x58: {  	_ =	shalt  }
0x59: {  	_ =	shalt  }
0x5a: {  	_ =	shalt  }
0x5b: {  	_ =	shalt  }
0x5c: {  	_ =	shalt  }
0x5d: {  	_ =	shalt  }
0x5e: {  	_ =	shalt  }
0x5f: {  	_ =	shalt  }
0x60: {  	_ =	shalt  }
0x61: {  	_ =	shalt  }
0x62: {  	_ =	shalt  }
0x63: {  	_ =	shalt  }
0x64: {  	_ =	shalt  }
0x65: {  	_ =	shalt  }
0x66: {  	_ =	shalt  }
0x67: {  	_ =	shalt  }
0x68: {  	_ =	shalt  }
0x69: {  	_ =	shalt  }
0x6a: {  	_ =	shalt  }
0x6b: {  	_ =	shalt  }
0x6c: {  	_ =	shalt  }
0x6d: {  	_ =	shalt  }
0x6e: {  	_ =	shalt  }
0x6f: {  	_ =	shalt  }
0x70: {  	_ =	shalt  }
0x71: {  	_ =	shalt  }
0x72: {  	_ =	shalt  }
0x73: {  	_ =	shalt  }
0x74: {  	_ =	shalt  }
0x75: {  	_ =	shalt  }
0x76: {  	_ =	shalt  }
0x77: {  	_ =	shalt  }
0x78: {  	_ =	shalt  }
0x79: {  	_ =	shalt  }
0x7a: {  	_ =	shalt  }
0x7b: {  	_ =	shalt  }
0x7c: {  	_ =	shalt  }
0x7d: {  	_ =	shalt  }
0x7e: {  	_ =	shalt  }
0x7f: {  	_ =	shalt  }
0x80: {  	_ =	shalt  }
0x81: {  	_ =	shalt  }
0x82: {  	_ =	shalt  }
0x83: {  	_ =	shalt  }
0x84: {  	_ =	shalt  }
0x85: {  	_ =	shalt  }
0x86: {  	_ =	shalt  }
0x87: {  	_ =	shalt  }
.Lfunc_end0:
.L_simem_size_0:
called_computation.7_lowered:
.L_overlay_start_0:
0x88: {  	s2 =	sld [smem:$0x3FD9]  }
0x89: {  	s3 =	sld [smem:$0x3FFE];
	_ =	sdelay $0x1  }
0x8a: {  	s1 =	srdreg.scid  }
0x8b: {  	s0 =	sand.u32 $0x1, s1  }
0x8c: {  	s17 =	sshll.u32 s0, $0xA;
	s2 =	sadd.s32 s3, s2  }
0x8d: {  	s2 =	sadd.s32 s2, s17  }
0x8e: {  	[smem:$0x3FB3] =	sst s2  }
0x8f: {  	_ = 	snop  }
0x90: {  	s2 =	sld [smem:$0x3FD0];
	(tm) =	ssettm $0x1  }
0x91: {  	s18 =	sld [smem:$0x3FFB];
	_ =	sdelay $0x3  }
0x92: {  	_ =	strace s18  }
0x93: {  	s3 =	sld [smem:$0x3FFC];
	_ =	sdelay $0x3  }
0x94: {  	_ =	strace s3  }
0x95: {  	s3 =	sld [smem:$0x3FFD];
	_ =	sdelay $0x3  }
0x96: {  	_ =	strace s3  }
0x97: {  	_ =	strace $0x8FFFFFFF  }
0x98: {  	s19 =	sld [smem:$0x3FDB];
	_ =	sdelay $0x1  }
0x99: {  	s4 =	simm.s32 $_scs_section_size  }
0x9a: {  	s5 =	simm.s32 $_size__tile_overlayer_lowered;
	s6 =	simm.s32 $_tile_overlayer_lowered  }
0x9b: {  	s22 =	simm.s32 $0x1BFF;
	s21 =	sshll.u32 s6, $0x1;
	s3 =	sadd.s32 s4, s19  }
0x9c: {  	s7 =	simm.s32 $0x0;
	s20 =	sshll.u32 s5, $0x1;
	s5 =	sadd.s32 s21, s3  }
0x9d: {  	[timem:s7], [sflag:s22] =	dma.local [hbm:s5], s20  }
0x9e: {  	_ =	swait.ge [sflag:s22], s20  }
0x9f: {  	s4 =	ssub.s32 $0x0, s20;
	[sflag:s22] =	ssyncset.done $0x0  }
0xa0: {  	[sflag:s22] =	ssyncadd.s32 s4;
	_ =	sdelay $0x1  }
0xa1: {  	s23 =	simm.s32 $0x1B8B  }
0xa2: {  	_ =	swait.ge [sflag:s23], $0x1  }
0xa3: {  	[sflag:s23] =	ssyncset.done $0x0  }
0xa4: {  	s25 =	simm.s32 $0x1B8E;
	s24 =	sld [smem:$0x3FFE];
	[sflag:s23] =	ssyncadd.s32 $0xFFFFFFFF  }
0xa5: {  	s26 =	simm.s32 $execute0_lowered;
	[smem:$0x3FD2] =	sst s25  }
0xa6: {  	s5 =	sshll.u32 s26, $0x1;
	_ =	strace $0x8000005B;
	[dreg:$0x1] =	wrdreg $0xFFFFFFFF  }
0xa7: {  	s28 =	simm.s32 $_size_execute0_lowered;
	s3 =	sadd.s32 s3, s5;
	[dreg:$0x0] =	wrdreg $0x0  }
0xa8: {  	s5 =	sshll.u32 s28, $0x1;
	[dreg:$0x2] =	wrdreg s3  }
0xa9: {  	[dreg:$0x3] =	wrdreg s5  }
0xaa: {  	[dreg:$0x4] =	wrdreg $0xC0  }
0xab: {  	_ =	task [dreg:s7], $0x5FFFF  }
0xac: {  	[dreg:$0x1] =	wrdreg $0xFFFFFFFF  }
0xad: {  	[dreg:$0x0] =	wrdreg $0x60  }
0xae: {  	[dreg:$0x2] =	wrdreg s24  }
0xaf: {  	[dreg:$0x3] =	wrdreg s2  }
0xb0: {  	[dreg:$0x4] =	wrdreg $0x0  }
0xb1: {  	[dreg:$0x5] =	wrdreg $0x9  }
0xb2: {  	_ =	task.clear_ibuf [dreg:s7], $0x6FFFF;
	_ =	strace $0x9000005B  }
0xb3: {  	s29 =	simm.s32 $0x9;
	_ =	strace $0x8000005D  }
0xb4: {  	_ =	swait.ge [sflag:s29], $0x1  }
0xb5: {  	[sflag:s29] =	ssyncadd.s32 $0xFFFFFFFF  }
0xb6: {  	_ =	strace $0x9000005D  }
0xb7: {  	_ =	sfence  }
0xb8: {  	s30 =	sld [smem:$0x0];
	_ =	sdelay $0x2  }
0xb9: {  	s31 =	sshll.u32 s1, $0xD;
	s1 =	sshrl.u32 s1, $0x2  }
0xba: {  	s3 =	sand.u32 $0x4000, s31;
	s1 =	sadd.s32 s1, s30  }
0xbb: {  	s0 =	sor.u32 s3, s0;
	s1 =	sshll.u32 s1, $0x11  }
0xbc: {  	s0 =	sor.u32 s1, s0  }
0xbd: {  	s0 =	sadd.s32 $0x8F2B, s0  }
0xbe: {  	[sflag:s0] =	ssyncadd.remote.s32 $0x1  }
0xbf: {  	_ =	sfence.sel $0xFFFF  }
0xc0: {  	[dreg:$0x0] =	wrdreg $0xFFFFFFFF;
	(pc) =	sbr.abs _section_cstart, $3  }
0xc1: {  	[dreg:$0x1] =	wrdreg $0xFFFFFFFF  }
0xc2: {  	_ =	task.clear_ibuf [dreg:s7], $0x2FFFF;
	_ =	strace $0x9FFFFFFF  }
0xc3: {  	(tm) =	ssettm $0x7FFFFFFF  }
tec
execute0_lowered:
.L_overlay_start_1:
0x0: {  	(tag) =	ssettag $0x1  }
0x1: {  	s5 =	rddreg [dreg:$0x0]  }
0x2: {  	s1 =	rddreg [dreg:$0x1]  }
0x3: {  	s2 =	rddreg [dreg:$0x2]  }
0x4: {  	s3 =	srdreg.scid;
	s0 =	rddreg [dreg:$0x3]  }
0x5: {  	s4 =	simm.s32 $0x0;
	s15 =	simm.s32 $0x14000;
	s16 =	simm.s32 $0x18000  }
0x6: {  	s17 =	simm.s32 $0x1A800;
	s18 =	simm.s32 $0x1;
	s19 =	simm.s32 $0x50  }
0x7: {  	s20 =	simm.s32 $0x3;
	s21 =	simm.s32 $0x2;
	s22 =	simm.s32 $0x14080  }
0x8: {  	s23 =	simm.s32 $0x4;
	s7 =	sand.u32 $0x1, s3;
	s3 =	stileid.u32  }
0x9: {  	s24 =	simm.s32 $0x17E00;
	[smem:$0x7FF] =	sst s4;
	s6 =	smul.u32 $0x140000, s7  }
0xa: {  	s10 =	sadd.s32 $0xF19800, s5;
	s8 =	sshll.u32 s3, $0x1;
	s9 =	smul.u32 $0x14000, s3  }
0xb: {  	_ =	strace $0x8000005C;
	s25 =	ssub.s32 $0x2, s7;
	s12 =	smul.u32 $0x50000, s3  }
0xc: {  	s29 =	sshll.u32 s3, $0x6;
	s30 =	smul.u32 $0x4E200, s3;
	s8 =	sor.u32 s7, s8  }
0xd: {  	s31 =	smul.u32 $0x27100, s7;
	s26 =	sshrl.u32 s25, $0x1;
	s11 =	sshll.u32 s8, $0xB  }
0xe: {  	s6 =	sadd.s32 s9, s6;
	s9 =	ssub.s32 s25, s26;
	s28 =	sshrl.u32 s12, $0x2  }
0xf: {  	s8 =	smul.u32 $0x27100, s8;
	s12 =	sadd.s32 s30, s10;
	s25 =	simm.s32 $0x0  }
0x10: {  	s6 =	sshrl.u32 s6, $0x3;
	s11 =	sadd.s32 s11, s5;
	s14 =	sadd.s32 s28, s2  }
0x11: {  	s9 =	smax.u32 s9, $0x1;
	s12 =	sadd.s32 s31, s12;
	s13 =	sadd.s32 s6, s5  }
0x12: {  	s5 =	sor.u32 $0x1C05, s29;
	s6 =	sadd.s32 $0x12000, s11;
	s7 =	sadd.s32 s10, s8  }
0x13: {  	s12 =	sadd.s32 $0xF00, s12;
	s8 =	sadd.s32 $0x59200, s13;
	s10 =	sadd.s32 $0x500, s7  }
0x14: {  	s11 =	sadd.s32 $0xA00, s7;
	s13 =	sshrl.u32 s14, $0x3;
	s14 =	simm.s32 $0x5  }
.LBB2_1:
0x15: {  	[spmem:s13], [sflag:s5] =	dma.local [hbm:s1], $0x2800  }
0x16: {  	_ =	swait.ge [sflag:s14], $0x2800  }
0x17: {  	[sflag:s14] =	ssyncset.done $0x0  }
0x18: {  	[sflag:s14] =	ssyncadd.s32 $0xFFFFD800  }
0x19: {  	[tilespmem:s15], [sflag:$0x5] =	stream.linear.gather [hbm4b:s6+s4], $0x3E80, $0x38;
	[tilespmem:$0x1D000] =	vst v63  }
0x1a: {  	_ =	swait.ge [sflag:s14], $0x3E80  }
0x1b: {  	[sflag:s14] =	ssyncset.done $0x0  }
0x1c: {  	[sflag:s14] =	ssyncadd.s32 $0xFFFFC180  }
0x1d: {  	[bflag:$0x0] =	sbarrier.arrive $0xFFFF  }
0x1e: {  	[tilespmem:s16], [sflag:$0x1] =	stream.linear.gather [hbm4b:s7+s4], $0x2800, $0x38;
	[tilespmem:$0x1D000] =	vst v63  }
0x1f: {  	_ = 	snop  }
0x20: {  	[tilespmem:s17], [sflag:$0x2] =	stream.linear.gather [hbm4b:s10+s4], $0x2800, $0x38;
	[tilespmem:$0x1D000] =	vst v63  }
0x21: {  	_ =	swait.ge [sflag:s18], $0x2800  }
0x22: {  	[sflag:s18] =	ssyncset.done $0x0  }
0x23: {  	[sflag:s18] =	ssyncadd.s32 $0xFFFFD800  }
0x24: {  	[spmem:s2] =	stream.indirect.scatter.add.f32 [tilespmem:s16], [sflag:$0x3], $0x80, s15, s19, $0xb8;
	[tilespmem:$0x1D000] =	vst v63  }
0x25: {  	_ =	swait.ge [sflag:s20], $0x2800  }
0x26: {  	[sflag:s20] =	ssyncset.done $0x0  }
0x27: {  	[sflag:s20] =	ssyncadd.s32 $0xFFFFD800  }
0x28: {  	[tilespmem:s16], [sflag:$0x1] =	stream.linear.gather [hbm4b:s11+s4], $0x2800, $0x38;
	[tilespmem:$0x1D000] =	vst v63  }
0x29: {  	_ =	swait.ge [sflag:s21], $0x2800  }
0x2a: {  	[sflag:s21] =	ssyncset.done $0x0  }
0x2b: {  	[sflag:s21] =	ssyncadd.s32 $0xFFFFD800  }
0x2c: {  	[spmem:s2] =	stream.indirect.scatter.add.f32 [tilespmem:s17], [sflag:$0x4], $0x80, s22, s19, $0xb8;
	[tilespmem:$0x1D000] =	vst v63  }
0x2d: {  	_ =	swait.ge [sflag:s23], $0x2800  }
0x2e: {  	[sflag:s23] =	ssyncset.done $0x0  }
0x2f: {  	[sflag:s23] =	ssyncadd.s32 $0xFFFFD800  }
0x30: {  	[tilespmem:s17], [sflag:$0x2] =	stream.linear.gather [hbm4b:s12+s4], $0x2800, $0x38;
	[tilespmem:$0x1D000] =	vst v63  }
0x31: {  	_ =	swait.ge [sflag:s18], $0x2800  }
0x32: {  	[sflag:s18] =	ssyncset.done $0x0  }
0x33: {  	s26 =	simm.s32 $0x14100;
	[sflag:s18] =	ssyncadd.s32 $0xFFFFD800  }
0x34: {  	[spmem:s2] =	stream.indirect.scatter.add.f32 [tilespmem:s16], [sflag:$0x3], $0x80, s26, s19, $0xb8;
	[tilespmem:$0x1D000] =	vst v63  }
0x35: {  	_ =	swait.ge [sflag:s20], $0x2800  }
0x36: {  	[sflag:s20] =	ssyncset.done $0x0  }
0x37: {  	s31 =	sadd.s32 $0x500, s12;
	[sflag:s20] =	ssyncadd.s32 $0xFFFFD800  }
0x38: {  	[tilespmem:s16], [sflag:$0x1] =	stream.linear.gather [hbm4b:s31+s4], $0x2800, $0x38;
	[tilespmem:$0x1D000] =	vst v63  }
0x39: {  	_ =	swait.ge [sflag:s21], $0x2800  }
0x3a: {  	s29 =	simm.s32 $0x14180;
	[sflag:s21] =	ssyncset.done $0x0  }
0x3b: {  	s28 =	sadd.s32 $0xA00, s12;
	s26 =	simm.s32 $0x400;
	[sflag:s21] =	ssyncadd.s32 $0xFFFFD800  }
.LBB2_2:
0x3c: {  	[spmem:s2] =	stream.indirect.scatter.add.f32 [tilespmem:s17], [sflag:$0x4], $0x80, s29, s19, $0xb8;
	[tilespmem:$0x1D000] =	vst v63  }
0x3d: {  	s29 =	smov.u32 s26  }
0x3e: {  	p0 =	sne.s32 s26, $0xF000;
	s26 =	sadd.s32 $0x400, s26;
	_ =	swait.ge [sflag:s23], $0x2800  }
0x3f: {  	[sflag:s23] =	ssyncset.done $0x0  }
0x40: {  	[sflag:s23] =	ssyncadd.s32 $0xFFFFD800  }
0x41: {  	[tilespmem:s17], [sflag:$0x2] =	stream.linear.gather [hbm4b:s28+s4], $0x2800, $0x38;
	[tilespmem:$0x1D000] =	vst v63  }
0x42: {  	_ =	swait.ge [sflag:s18], $0x2800  }
0x43: {  	s29 =	sshra.s32 s29, $0x2;
	[sflag:s18] =	ssyncset.done $0x0  }
0x44: {  	s30 =	sadd.s32 $0x14100, s29;
	[sflag:s18] =	ssyncadd.s32 $0xFFFFD800  }
0x45: {  	[spmem:s2] =	stream.indirect.scatter.add.f32 [tilespmem:s16], [sflag:$0x3], $0x80, s30, s19, $0xb8;
	[tilespmem:$0x1D000] =	vst v63  }
0x46: {  	_ =	swait.ge [sflag:s20], $0x2800  }
0x47: {  	[sflag:s20] =	ssyncset.done $0x0  }
.Ltmp0:
0x48: {  	s30 =	sadd.s32 $0x500, s28;
	[sflag:s20] =	ssyncadd.s32 $0xFFFFD800;
	(pc) =	sbr.rel @p0 .LBB2_2-.Ltmp0, $4  }
0x49: {  	[tilespmem:s16], [sflag:$0x1] =	stream.linear.gather [hbm4b:s30+s4], $0x2800, $0x38;
	[tilespmem:$0x1D000] =	vst v63  }
0x4a: {  	_ =	swait.ge [sflag:s21], $0x2800  }
0x4b: {  	[sflag:s21] =	ssyncset.done $0x0  }
0x4c: {  	s29 =	sadd.s32 $0x14180, s29;
	s28 =	sadd.s32 $0xA00, s28;
	[sflag:s21] =	ssyncadd.s32 $0xFFFFD800  }
0x4d: {  	[spmem:s2] =	stream.indirect.scatter.add.f32 [tilespmem:s17], [sflag:$0x4], $0x80, s29, s19, $0xb8;
	[tilespmem:$0x1D000] =	vst v63  }
0x4e: {  	_ =	swait.ge [sflag:s18], $0x2800  }
0x4f: {  	[sflag:s18] =	ssyncset.done $0x0  }
0x50: {  	[sflag:s18] =	ssyncadd.s32 $0xFFFFD800  }
0x51: {  	[spmem:s2] =	stream.indirect.scatter.add.f32 [tilespmem:s16], [sflag:$0x3], $0x80, s24, s19, $0xb8;
	[tilespmem:$0x1D000] =	vst v63  }
0x52: {  	_ =	swait.ge [sflag:s20], $0x2800  }
0x53: {  	[sflag:s20] =	ssyncset.done $0x0  }
0x54: {  	[sflag:s20] =	ssyncadd.s32 $0xFFFFD800  }
0x55: {  	_ =	swait.ge [sflag:s23], $0x2800  }
0x56: {  	s25 =	sadd.s32 $0x1, s25;
	[sflag:s23] =	ssyncset.done $0x0  }
0x57: {  	p0 =	sne.s32 s25, s9;
	[sflag:s23] =	ssyncadd.s32 $0xFFFFD800  }
.Ltmp1:
0x58: {  	[bflag:$0x0] =	sbarrier.arrive $0xFFFF;
	(pc) =	sbr.rel @p0 .LBB2_1-.Ltmp1, $4  }
0x59: {  	[hbm:s8], [sflag:s5] =	dma.local [spmem:s13], $0x2800  }
0x5a: {  	_ =	swait.ge [sflag:s14], $0x2800  }
0x5b: {  	[sflag:s14] =	ssyncset.done $0x0  }
0x5c: {  	[sflag:s14] =	ssyncadd.s32 $0xFFFFD800  }
0x5d: {  	_ =	sfence.sel $0x180000  }
0x5e: {  	[bflag:$0x0] =	sbarrier.arrive $0xFFFF  }
0x5f: {  	p0 =	sne.s32 s3, $0x0;
	_ =	strace $0x9000005C  }
0x60: {  	s0 =	sadd.s32 @!p0 $0x100000, s0;
	[bflag:$0x2] =	sbarrier.arrive $0xFFFF  }
0x61: {  	[sflag:s0] =	ssyncadd.tile.s32 @!p0 $0x1;
	_ =	shalt  }
.Lfunc_end2:
_tile_overlayer_lowered:
.L_overlay_start_2:
0x62: {  	(tag) =	ssettag $0x2  }
0x63: {  	s0 =	rddreg [dreg:$0x0];
	s2 =	stileid.u32  }
0x64: {  	s1 =	rddreg [dreg:$0x1];
	p0 =	sne.s32 s2, $0x0  }
0x65: {  	s3 =	rddreg [dreg:$0x2];
	[bflag:$0x3] =	sbarrier.arrive $0xFFFF;
	s2 =	simm.s32 @!p0 $0x1C05  }
0x66: {  	[timem:s3], [sflag:s2] =	dma.local @!p0 [hbm:s0], s1  }
0x67: {  	s0 =	simm.s32 @!p0 $0x5  }
0x68: {  	_ =	swait.ge @!p0 [sflag:s0], s1  }
0x69: {  	s1 =	ssub.s32 @!p0 $0x0, s1;
	[sflag:s0] =	ssyncset.done @!p0 $0x0  }
0x6a: {  	[sflag:s0] =	ssyncadd.s32 @!p0 s1  }
0x6b: {  	[bflag:$0x3] =	sbarrier.arrive $0xFFFF  }
0x6c: {  	_ =	shalt  }

// kernel: kernel.49.cloned.1.call-start
scs
__scs_entry_jumppad:
0x0: {  	(pc) =	sbr.rel $0x88, $3  }
0x1: {  	(tag) =	ssettag $0x0;
	lr =	simm.s32 $0x1  }
0x2: {  	[smem:$0x3F8C] =	sst lr;
	_ =	strace $0xD0000000  }
0x3: {  	_ = 	snop  }
0x4: {  	_ = 	snop  }
0x5: {  	_ = 	snop  }
0x6: {  	_ = 	snop  }
0x7: {  	_ = 	snop  }
__scs_overlays_trampoline_lowered:
0x8: {  	[smem:$0x3F9B] =	sst s0  }
0x9: {  	[smem:$0x3F9C] =	sst s1  }
0xa: {  	[smem:$0x3F9D] =	sst s2  }
0xb: {  	[smem:$0x3F9E] =	sst s3  }
0xc: {  	[smem:$0x3F9F] =	sst s4  }
0xd: {  	[smem:$0x3FA0] =	sst s5  }
0xe: {  	[smem:$0x3FA1] =	sst s6  }
0xf: {  	[smem:$0x3FA2] =	sst s7  }
0x10: {  	[smem:$0x3FA3] =	sst s8  }
0x11: {  	[smem:$0x3FA4] =	sst s9;
	s0 =	simm.s32 @!p0 $0x0  }
0x12: {  	s1 =	sld [smem:$0x3F8A];
	s0 =	simm.s32 @p0 $0x1  }
0x13: {  	[smem:$0x3FA5] =	sst s0;
	s0 =	simm.s32 @!p1 $0x0  }
0x14: {  	s2 =	sld [smem:$0x3F89];
	s0 =	simm.s32 @p1 $0x1  }
0x15: {  	[smem:$0x3FA6] =	sst s0;
	s0 =	simm.s32 @!p2 $0x0  }
0x16: {  	s3 =	sld [smem:$0x3FDB];
	s0 =	simm.s32 @p2 $0x1  }
0x17: {  	s4 =	simm.s32 $0x1BF5;
	[smem:$0x3FA8] =	sst s0  }
0x18: {  	s0 =	sld [smem:$0x3F8B];
	_ =	swait.ge [sflag:s4], $0x0  }
0x19: {  	s7 =	sld [smem:$0x3F8C]  }
0x1a: {  	s8 =	sadd.s32 $0xFFFFE003, lr  }
0x1b: {  	s9 =	sadd.s32 $0xFFFFFEF7, lr;
	s5 =	simm.s32 $0xFFFFFFFF;
	p2 =	slt.u32 s8, $0xFFFFF086  }
0x1c: {  	p1 =	slt.u32 s9, $0xF7A;
	s5 =	simm.s32 @!p2 $0x0  }
0x1d: {  	s5 =	simm.s32 @p1 $0x1;
	p0 =	seq.s32 s7, s2  }
0x1e: {  	s7 =	smul.u32 @!p0 $0xF7A, s2;
	p2 =	seq.s32 @!p0 s5, $0x0  }
0x1f: {  	s9 =	smul.u32 $0xF7A, s1;
	s8 =	simm.s32 @!p0 $0x1BF5;
	p2 =	por !p2, p0  }
0x20: {  	[sflag:s8] =	ssyncset.s32 @!p0 $0xFFFFF086;
	s6 =	sadd.s32 @!p0 s3, s7;
	s7 =	simm.s32 @!p0 $0x108  }
0x21: {  	s3 =	sadd.s32 s3, s9;
	s6 =	sadd.s32 @!p0 $0x88, s6;
	s7 =	simm.s32 @p2 $0x1082  }
0x22: {  	[simem:s7], [sflag:s8] =	dma.local @!p0 [hbm:s6], $0xF7A  }
0x23: {  	s9 =	sor.u32 $0xD0000000, s2;
	s6 =	simm.s32 $0x108;
	_ =	swait.ge @!p0 [sflag:s8], $0x0  }
0x24: {  	s3 =	sadd.s32 $0x88, s3;
	s6 =	simm.s32 @!p1 $0x1082;
	[sflag:s4] =	ssyncset.s32 $0xFFFFF086  }
0x25: {  	[simem:s6], [sflag:s4] =	dma.local [hbm:s3], $0xF7A  }
0x26: {  	[smem:$0x3F8C] =	sst s1;
	(tag) =	ssettag s2;
	_ =	strace s9  }
0x27: {  	s1 =	sld [smem:$0x3F9C]  }
0x28: {  	s2 =	sld [smem:$0x3F9D]  }
0x29: {  	s4 =	sld [smem:$0x3F9F]  }
0x2a: {  	p0 =	seq.s32 s5, $0x0;
	s5 =	sld [smem:$0x3FA0]  }
0x2b: {  	s6 =	sld [smem:$0x3FA1]  }
0x2c: {  	s7 =	sld [smem:$0x3FA2]  }
0x2d: {  	s3 =	simm.s32 $0x108;
	s8 =	sld [smem:$0x3FA3]  }
0x2e: {  	s3 =	simm.s32 @!p0 $0x1082;
	s9 =	sld [smem:$0x3FA4]  }
0x2f: {  	lr =	sadd.s32 s0, s3;
	s0 =	sld [smem:$0x3F9B]  }
0x30: {  	s3 =	sld [smem:$0x3F9E]  }
0x31: {  	[smem:$0x3FA7] =	sst s10  }
0x32: {  	s10 =	sld [smem:$0x3FA5];
	_ =	sdelay $0x3  }
0x33: {  	p0 =	seq.s32 s10, $0x1;
	s10 =	sld [smem:$0x3FA7];
	_ =	sdelay $0x3  }
0x34: {  	[smem:$0x3FA7] =	sst s10  }
0x35: {  	s10 =	sld [smem:$0x3FA6];
	_ =	sdelay $0x3  }
0x36: {  	p1 =	seq.s32 s10, $0x1;
	s10 =	sld [smem:$0x3FA7];
	_ =	sdelay $0x3  }
0x37: {  	[smem:$0x3FA7] =	sst s10  }
0x38: {  	s10 =	sld [smem:$0x3FA8]  }
0x39: {  	_ = 	snop;
	(pc) =	sbr.ind lr, $3  }
0x3a: {  	_ = 	snop  }
0x3b: {  	_ = 	snop  }
0x3c: {  	p2 =	seq.s32 s10, $0x1;
	s10 =	sld [smem:$0x3FA7]  }
0x3d: {  	_ =	shalt  }
0x3e: {  	_ =	shalt  }
0x3f: {  	_ =	shalt  }
0x40: {  	_ =	shalt  }
0x41: {  	_ =	shalt  }
0x42: {  	_ =	shalt  }
0x43: {  	_ =	shalt  }
0x44: {  	_ =	shalt  }
0x45: {  	_ =	shalt  }
0x46: {  	_ =	shalt  }
0x47: {  	_ =	shalt  }
0x48: {  	_ =	shalt  }
0x49: {  	_ =	shalt  }
0x4a: {  	_ =	shalt  }
0x4b: {  	_ =	shalt  }
0x4c: {  	_ =	shalt  }
0x4d: {  	_ =	shalt  }
0x4e: {  	_ =	shalt  }
0x4f: {  	_ =	shalt  }
0x50: {  	_ =	shalt  }
0x51: {  	_ =	shalt  }
0x52: {  	_ =	shalt  }
0x53: {  	_ =	shalt  }
0x54: {  	_ =	shalt  }
0x55: {  	_ =	shalt  }
0x56: {  	_ =	shalt  }
0x57: {  	_ =	shalt  }
0x58: {  	_ =	shalt  }
0x59: {  	_ =	shalt  }
0x5a: {  	_ =	shalt  }
0x5b: {  	_ =	shalt  }
0x5c: {  	_ =	shalt  }
0x5d: {  	_ =	shalt  }
0x5e: {  	_ =	shalt  }
0x5f: {  	_ =	shalt  }
0x60: {  	_ =	shalt  }
0x61: {  	_ =	shalt  }
0x62: {  	_ =	shalt  }
0x63: {  	_ =	shalt  }
0x64: {  	_ =	shalt  }
0x65: {  	_ =	shalt  }
0x66: {  	_ =	shalt  }
0x67: {  	_ =	shalt  }
0x68: {  	_ =	shalt  }
0x69: {  	_ =	shalt  }
0x6a: {  	_ =	shalt  }
0x6b: {  	_ =	shalt  }
0x6c: {  	_ =	shalt  }
0x6d: {  	_ =	shalt  }
0x6e: {  	_ =	shalt  }
0x6f: {  	_ =	shalt  }
0x70: {  	_ =	shalt  }
0x71: {  	_ =	shalt  }
0x72: {  	_ =	shalt  }
0x73: {  	_ =	shalt  }
0x74: {  	_ =	shalt  }
0x75: {  	_ =	shalt  }
0x76: {  	_ =	shalt  }
0x77: {  	_ =	shalt  }
0x78: {  	_ =	shalt  }
0x79: {  	_ =	shalt  }
0x7a: {  	_ =	shalt  }
0x7b: {  	_ =	shalt  }
0x7c: {  	_ =	shalt  }
0x7d: {  	_ =	shalt  }
0x7e: {  	_ =	shalt  }
0x7f: {  	_ =	shalt  }
0x80: {  	_ =	shalt  }
0x81: {  	_ =	shalt  }
0x82: {  	_ =	shalt  }
0x83: {  	_ =	shalt  }
0x84: {  	_ =	shalt  }
0x85: {  	_ =	shalt  }
0x86: {  	_ =	shalt  }
0x87: {  	_ =	shalt  }
.Lfunc_end0:
.L_simem_size_0:
called_computation.8_lowered:
.L_overlay_start_0:
0x88: {  	s2 =	sld [smem:$0x3FD9]  }
0x89: {  	s3 =	sld [smem:$0x3FFE];
	_ =	sdelay $0x1  }
0x8a: {  	s1 =	srdreg.scid  }
0x8b: {  	s0 =	sand.u32 $0x1, s1  }
0x8c: {  	s16 =	sshll.u32 s0, $0xA;
	s2 =	sadd.s32 s3, s2  }
0x8d: {  	s2 =	sadd.s32 s2, s16  }
0x8e: {  	[smem:$0x3FB3] =	sst s2  }
0x8f: {  	_ = 	snop  }
0x90: {  	(tm) =	ssettm $0x1  }
0x91: {  	s17 =	sld [smem:$0x3FFB];
	_ =	sdelay $0x3  }
0x92: {  	_ =	strace s17  }
0x93: {  	s2 =	sld [smem:$0x3FFC];
	_ =	sdelay $0x3  }
0x94: {  	_ =	strace s2  }
0x95: {  	s2 =	sld [smem:$0x3FFD];
	_ =	sdelay $0x3  }
0x96: {  	_ =	strace s2  }
0x97: {  	_ =	strace $0x8FFFFFFF  }
0x98: {  	s18 =	sld [smem:$0x3FDB];
	_ =	sdelay $0x1  }
0x99: {  	s19 =	simm.s32 $_scs_section_size  }
0x9a: {  	s4 =	simm.s32 $_size__tile_overlayer_lowered;
	s5 =	simm.s32 $_tile_overlayer_lowered  }
0x9b: {  	s22 =	simm.s32 $0x1BFF;
	s21 =	sshll.u32 s5, $0x1;
	s2 =	sadd.s32 s19, s18  }
0x9c: {  	s6 =	simm.s32 $0x0;
	s20 =	sshll.u32 s4, $0x1;
	s4 =	sadd.s32 s21, s2  }
0x9d: {  	[timem:s6], [sflag:s22] =	dma.local [hbm:s4], s20  }
0x9e: {  	_ =	swait.ge [sflag:s22], s20  }
0x9f: {  	s3 =	ssub.s32 $0x0, s20;
	[sflag:s22] =	ssyncset.done $0x0  }
0xa0: {  	[sflag:s22] =	ssyncadd.s32 s3;
	_ =	sdelay $0x1  }
0xa1: {  	s23 =	simm.s32 $0x1B8B  }
0xa2: {  	_ =	swait.ge [sflag:s23], $0x1  }
0xa3: {  	[sflag:s23] =	ssyncset.done $0x0  }
0xa4: {  	s25 =	simm.s32 $0x1B8E;
	s24 =	sld [smem:$0x3FFE];
	[sflag:s23] =	ssyncadd.s32 $0xFFFFFFFF  }
0xa5: {  	s26 =	simm.s32 $execute0_lowered;
	[smem:$0x3FD2] =	sst s25  }
0xa6: {  	s4 =	sshll.u32 s26, $0x1;
	_ =	strace $0x8000005E;
	[dreg:$0x1] =	wrdreg $0xFFFFFFFF  }
0xa7: {  	s28 =	simm.s32 $_size_execute0_lowered;
	s2 =	sadd.s32 s2, s4;
	[dreg:$0x0] =	wrdreg $0x0  }
0xa8: {  	s4 =	sshll.u32 s28, $0x1;
	[dreg:$0x2] =	wrdreg s2  }
0xa9: {  	[dreg:$0x3] =	wrdreg s4  }
0xaa: {  	[dreg:$0x4] =	wrdreg $0xC0  }
0xab: {  	_ =	task [dreg:s6], $0x5FFFF  }
0xac: {  	[dreg:$0x1] =	wrdreg $0xFFFFFFFF  }
0xad: {  	[dreg:$0x0] =	wrdreg $0x60  }
0xae: {  	[dreg:$0x2] =	wrdreg s24  }
0xaf: {  	[dreg:$0x3] =	wrdreg $0x9  }
0xb0: {  	_ =	task.clear_ibuf [dreg:s6], $0x4FFFF;
	_ =	strace $0x9000005E  }
0xb1: {  	s29 =	simm.s32 $0x9;
	_ =	strace $0x80000060  }
0xb2: {  	_ =	swait.ge [sflag:s29], $0x1  }
0xb3: {  	[sflag:s29] =	ssyncadd.s32 $0xFFFFFFFF  }
0xb4: {  	_ =	strace $0x90000060  }
0xb5: {  	_ =	sfence  }
0xb6: {  	s30 =	sld [smem:$0x0];
	_ =	sdelay $0x2  }
0xb7: {  	s31 =	sshll.u32 s1, $0xD;
	s1 =	sshrl.u32 s1, $0x2  }
0xb8: {  	s3 =	sand.u32 $0x4000, s31;
	s1 =	sadd.s32 s1, s30  }
0xb9: {  	s0 =	sor.u32 s3, s0;
	s1 =	sshll.u32 s1, $0x11  }
0xba: {  	s0 =	sor.u32 s1, s0  }
0xbb: {  	s0 =	sadd.s32 $0x8F2B, s0  }
0xbc: {  	[sflag:s0] =	ssyncadd.remote.s32 $0x1  }
0xbd: {  	_ =	sfence.sel $0xFFFF  }
0xbe: {  	[dreg:$0x0] =	wrdreg $0xFFFFFFFF;
	(pc) =	sbr.abs _section_cstart, $3  }
0xbf: {  	[dreg:$0x1] =	wrdreg $0xFFFFFFFF  }
0xc0: {  	_ =	task.clear_ibuf [dreg:s6], $0x2FFFF;
	_ =	strace $0x9FFFFFFF  }
0xc1: {  	(tm) =	ssettm $0x7FFFFFFF  }
tec
execute0_lowered:
.L_overlay_start_1:
0x0: {  	(tag) =	ssettag $0x1  }
0x1: {  	s0 =	rddreg [dreg:$0x0]  }
0x2: {  	s1 =	srdreg.scid;
	s9 =	stileid.u32;
	s2 =	simm.s32 $0x0  }
0x3: {  	s15 =	simm.s32 $0x9;
	s16 =	simm.s32 $0x4000;
	s17 =	simm.s32 $0x50  }
0x4: {  	s18 =	simm.s32 $0x8000;
	s19 =	simm.s32 $0xD000;
	s21 =	simm.s32 $0xA800  }
0x5: {  	s23 =	simm.s32 $0xF800;
	s28 =	simm.s32 $0x7;
	s31 =	simm.s32 $0x2  }
0x6: {  	s20 =	simm.s32 $0x8;
	s22 =	simm.s32 $0x0;
	s1 =	sand.u32 $0x1, s1  }
0x7: {  	s3 =	sshll.u32 s9, $0x1;
	[smem:$0x7FF] =	sst s2;
	s12 =	sadd.s32 $0xB6200, s0  }
0x8: {  	s14 =	smul.u32 $0x4E200, s9;
	s4 =	sor.u32 s1, s3;
	_ =	strace $0x8000005F  }
0x9: {  	s3 =	sadd.s32 $0x32000, s0;
	s6 =	ssub.s32 $0x2, s1;
	s1 =	smul.u32 $0x27100, s1  }
0xa: {  	s5 =	sshll.u32 s4, $0xB;
	s7 =	sshrl.u32 s6, $0x1;
	s4 =	smul.u32 $0x27100, s4  }
0xb: {  	s30 =	sadd.s32 s14, s12;
	s5 =	sadd.s32 s5, s0;
	s0 =	sadd.s32 $0xA37800, s0  }
0xc: {  	s6 =	ssub.s32 s6, s7;
	s13 =	sadd.s32 s1, s30;
	s24 =	sadd.s32 $0x22000, s5  }
0xd: {  	s5 =	sadd.s32 $0x12000, s5;
	s25 =	smax.u32 s6, $0x1;
	[dreg:$0x2] =	wrdreg s24  }
0xe: {  	s26 =	sadd.s32 s12, s4;
	s8 =	sadd.s32 s0, s4;
	[dreg:$0x3] =	wrdreg s5  }
0xf: {  	s29 =	sadd.s32 $0x500, s4;
	s4 =	sadd.s32 $0x26C00, s4;
	[dreg:$0x4] =	wrdreg s25  }
0x10: {  	[dreg:$0x5] =	wrdreg s26;
	s9 =	sadd.s32 s12, s29;
	s10 =	sadd.s32 s0, s29  }
0x11: {  	s11 =	sadd.s32 s12, s4;
	s12 =	sadd.s32 s0, s4;
	s0 =	sadd.s32 s14, s0  }
0x12: {  	s24 =	simm.s32 $0x1;
	s25 =	simm.s32 $0x3;
	s26 =	simm.s32 $0x5  }
0x13: {  	s14 =	sadd.s32 s1, s0;
	s0 =	simm.s32 $0x4;
	s1 =	simm.s32 $0x6  }
.LBB2_1:
0x14: {  	s4 =	rddreg [dreg:$0x2]  }
0x15: {  	[tilespmem:s2], [sflag:$0x9] =	stream.linear.gather [hbm4b:s4+s2], $0x3E80, $0x38;
	[tilespmem:$0x12000] =	vst v63  }
0x16: {  	_ =	swait.ge [sflag:s15], $0x3E80  }
0x17: {  	[sflag:s15] =	ssyncset.done $0x0  }
0x18: {  	s5 =	rddreg [dreg:$0x3];
	[sflag:s15] =	ssyncadd.s32 $0xFFFFC180  }
0x19: {  	[tilespmem:s16], [sflag:$0x9] =	stream.linear.gather [hbm4b:s5+s2], $0x3E80, $0x38;
	[tilespmem:$0x12000] =	vst v63  }
0x1a: {  	_ =	swait.ge [sflag:s15], $0x3E80  }
0x1b: {  	[sflag:s15] =	ssyncset.done $0x0  }
0x1c: {  	[sflag:s15] =	ssyncadd.s32 $0xFFFFC180  }
0x1d: {  	[tilespmem:s18], [sflag:$0x1] =	stream.indirect.gather [hbm4b:s3+s17], $0x80, s2, s17, $0xb8;
	[tilespmem:$0x12000] =	vst v63  }
0x1e: {  	_ = 	snop  }
0x1f: {  	[tilespmem:s19], [sflag:$0x3] =	stream.indirect.gather [hbm4b:s3+s17], $0x80, s16, s17, $0xb8;
	[tilespmem:$0x12000] =	vst v63  }
0x20: {  	s6 =	simm.s32 $0x80  }
0x21: {  	[tilespmem:s21], [sflag:$0x2] =	stream.indirect.gather [hbm4b:s3+s17], $0x80, s6, s17, $0xb8;
	[tilespmem:$0x12000] =	vst v63  }
0x22: {  	s7 =	simm.s32 $0x4080  }
0x23: {  	[tilespmem:s23], [sflag:$0x4] =	stream.indirect.gather [hbm4b:s3+s17], $0x80, s7, s17, $0xb8;
	[tilespmem:$0x12000] =	vst v63  }
0x24: {  	_ =	swait.ge [sflag:s24], $0x2800  }
0x25: {  	[sflag:s24] =	ssyncset.done $0x0  }
0x26: {  	[sflag:s24] =	ssyncadd.s32 $0xFFFFD800  }
0x27: {  	_ =	swait.ge [sflag:s25], $0x2800  }
0x28: {  	[sflag:s25] =	ssyncset.done $0x0  }
0x29: {  	s5 =	rddreg [dreg:$0x5];
	[sflag:s25] =	ssyncadd.s32 $0xFFFFD800  }
0x2a: {  	[hbm4b:s5+s2] =	stream.linear.scatter [tilespmem:s18], [sflag:$0x5], $0x2800, $0x38;
	[tilespmem:$0x12000] =	vst v63  }
0x2b: {  	_ = 	snop  }
0x2c: {  	[hbm4b:s8+s2] =	stream.linear.scatter [tilespmem:s19], [sflag:$0x7], $0x2800, $0x38;
	[tilespmem:$0x12000] =	vst v63  }
0x2d: {  	_ =	swait.ge [sflag:s26], $0x2800  }
0x2e: {  	[sflag:s26] =	ssyncset.done $0x0  }
0x2f: {  	[sflag:s26] =	ssyncadd.s32 $0xFFFFD800  }
0x30: {  	_ =	swait.ge [sflag:s28], $0x2800  }
0x31: {  	[sflag:s28] =	ssyncset.done $0x0  }
0x32: {  	s6 =	simm.s32 $0x100;
	[sflag:s28] =	ssyncadd.s32 $0xFFFFD800  }
0x33: {  	[tilespmem:s18], [sflag:$0x1] =	stream.indirect.gather [hbm4b:s3+s17], $0x80, s6, s17, $0xb8;
	[tilespmem:$0x12000] =	vst v63  }
0x34: {  	s7 =	simm.s32 $0x4100  }
0x35: {  	[tilespmem:s19], [sflag:$0x3] =	stream.indirect.gather [hbm4b:s3+s17], $0x80, s7, s17, $0xb8;
	[tilespmem:$0x12000] =	vst v63  }
0x36: {  	_ =	swait.ge [sflag:s31], $0x2800  }
0x37: {  	[sflag:s31] =	ssyncset.done $0x0  }
0x38: {  	[sflag:s31] =	ssyncadd.s32 $0xFFFFD800  }
0x39: {  	_ =	swait.ge [sflag:s0], $0x2800  }
0x3a: {  	[sflag:s0] =	ssyncset.done $0x0  }
0x3b: {  	[sflag:s0] =	ssyncadd.s32 $0xFFFFD800  }
0x3c: {  	[hbm4b:s9+s2] =	stream.linear.scatter [tilespmem:s21], [sflag:$0x6], $0x2800, $0x38;
	[tilespmem:$0x12000] =	vst v63  }
0x3d: {  	_ = 	snop  }
0x3e: {  	[hbm4b:s10+s2] =	stream.linear.scatter [tilespmem:s23], [sflag:$0x8], $0x2800, $0x38;
	[tilespmem:$0x12000] =	vst v63  }
0x3f: {  	_ =	swait.ge [sflag:s1], $0x2800  }
0x40: {  	[sflag:s1] =	ssyncset.done $0x0  }
0x41: {  	[sflag:s1] =	ssyncadd.s32 $0xFFFFD800  }
0x42: {  	_ =	swait.ge [sflag:s20], $0x2800  }
0x43: {  	[sflag:s20] =	ssyncset.done $0x0  }
0x44: {  	s5 =	simm.s32 $0x180;
	[sflag:s20] =	ssyncadd.s32 $0xFFFFD800  }
0x45: {  	[tilespmem:s21], [sflag:$0x2] =	stream.indirect.gather [hbm4b:s3+s17], $0x80, s5, s17, $0xb8;
	[tilespmem:$0x12000] =	vst v63  }
0x46: {  	s6 =	simm.s32 $0x4180  }
0x47: {  	[tilespmem:s23], [sflag:$0x4] =	stream.indirect.gather [hbm4b:s3+s17], $0x80, s6, s17, $0xb8;
	[tilespmem:$0x12000] =	vst v63  }
0x48: {  	_ =	swait.ge [sflag:s24], $0x2800  }
0x49: {  	[sflag:s24] =	ssyncset.done $0x0  }
0x4a: {  	[sflag:s24] =	ssyncadd.s32 $0xFFFFD800  }
0x4b: {  	_ =	swait.ge [sflag:s25], $0x2800  }
0x4c: {  	s4 =	sadd.s32 $0x0, s13;
	[sflag:s25] =	ssyncset.done $0x0  }
0x4d: {  	s30 =	sadd.s32 $0x0, s14;
	s5 =	sadd.s32 $0xA00, s4;
	[sflag:s25] =	ssyncadd.s32 $0xFFFFD800  }
0x4e: {  	[hbm4b:s5+s2] =	stream.linear.scatter [tilespmem:s18], [sflag:$0x5], $0x2800, $0x38;
	[tilespmem:$0x12000] =	vst v63  }
0x4f: {  	s7 =	sadd.s32 $0xA00, s30  }
0x50: {  	[hbm4b:s7+s2] =	stream.linear.scatter [tilespmem:s19], [sflag:$0x7], $0x2800, $0x38;
	[tilespmem:$0x12000] =	vst v63  }
0x51: {  	_ =	swait.ge [sflag:s26], $0x2800  }
0x52: {  	[sflag:s26] =	ssyncset.done $0x0  }
0x53: {  	[sflag:s26] =	ssyncadd.s32 $0xFFFFD800  }
0x54: {  	_ =	swait.ge [sflag:s28], $0x2800  }
0x55: {  	[sflag:s28] =	ssyncset.done $0x0  }
0x56: {  	s6 =	simm.s32 $0x200;
	[sflag:s28] =	ssyncadd.s32 $0xFFFFD800  }
0x57: {  	[tilespmem:s18], [sflag:$0x1] =	stream.indirect.gather [hbm4b:s3+s17], $0x80, s6, s17, $0xb8;
	[tilespmem:$0x12000] =	vst v63  }
0x58: {  	s7 =	simm.s32 $0x4200  }
0x59: {  	[tilespmem:s19], [sflag:$0x3] =	stream.indirect.gather [hbm4b:s3+s17], $0x80, s7, s17, $0xb8;
	[tilespmem:$0x12000] =	vst v63  }
0x5a: {  	_ =	swait.ge [sflag:s31], $0x2800  }
0x5b: {  	[sflag:s31] =	ssyncset.done $0x0  }
0x5c: {  	[sflag:s31] =	ssyncadd.s32 $0xFFFFD800  }
0x5d: {  	_ =	swait.ge [sflag:s0], $0x2800  }
0x5e: {  	[sflag:s0] =	ssyncset.done $0x0  }
0x5f: {  	s29 =	simm.s32 $0xA00;
	s4 =	sadd.s32 $0xF00, s4;
	[sflag:s0] =	ssyncadd.s32 $0xFFFFD800  }
0x60: {  	[hbm4b:s4+s2] =	stream.linear.scatter [tilespmem:s21], [sflag:$0x6], $0x2800, $0x38;
	[tilespmem:$0x12000] =	vst v63  }
0x61: {  	s5 =	sadd.s32 $0xF00, s30;
	s30 =	simm.s32 $0x280;
	s4 =	simm.s32 $0x4280  }
.LBB2_2:
0x62: {  	[hbm4b:s5+s2] =	stream.linear.scatter [tilespmem:s23], [sflag:$0x8], $0x2800, $0x38;
	[tilespmem:$0x12000] =	vst v63  }
0x63: {  	s5 =	smov.u32 s29  }
0x64: {  	p0 =	sne.s32 s29, $0x25800;
	s29 =	sadd.s32 $0xA00, s29;
	_ =	swait.ge [sflag:s1], $0x2800  }
0x65: {  	[sflag:s1] =	ssyncset.done $0x0  }
0x66: {  	[sflag:s1] =	ssyncadd.s32 $0xFFFFD800  }
0x67: {  	_ =	swait.ge [sflag:s20], $0x2800  }
0x68: {  	[sflag:s20] =	ssyncset.done $0x0  }
0x69: {  	[sflag:s20] =	ssyncadd.s32 $0xFFFFD800  }
0x6a: {  	[tilespmem:s21], [sflag:$0x2] =	stream.indirect.gather [hbm4b:s3+s17], $0x80, s30, s17, $0xb8;
	[tilespmem:$0x12000] =	vst v63  }
0x6b: {  	_ = 	snop  }
0x6c: {  	[tilespmem:s23], [sflag:$0x4] =	stream.indirect.gather [hbm4b:s3+s17], $0x80, s4, s17, $0xb8;
	[tilespmem:$0x12000] =	vst v63  }
0x6d: {  	_ =	swait.ge [sflag:s24], $0x2800  }
0x6e: {  	[sflag:s24] =	ssyncset.done $0x0  }
0x6f: {  	[sflag:s24] =	ssyncadd.s32 $0xFFFFD800  }
0x70: {  	_ =	swait.ge [sflag:s25], $0x2800  }
0x71: {  	s6 =	sadd.s32 s5, s13;
	[sflag:s25] =	ssyncset.done $0x0  }
0x72: {  	s5 =	sadd.s32 s5, s14;
	s7 =	sadd.s32 $0xA00, s6;
	[sflag:s25] =	ssyncadd.s32 $0xFFFFD800  }
0x73: {  	[hbm4b:s7+s2] =	stream.linear.scatter [tilespmem:s18], [sflag:$0x5], $0x2800, $0x38;
	[tilespmem:$0x12000] =	vst v63  }
0x74: {  	s7 =	sadd.s32 $0xA00, s5  }
0x75: {  	[hbm4b:s7+s2] =	stream.linear.scatter [tilespmem:s19], [sflag:$0x7], $0x2800, $0x38;
	[tilespmem:$0x12000] =	vst v63  }
0x76: {  	_ =	swait.ge [sflag:s26], $0x2800  }
0x77: {  	[sflag:s26] =	ssyncset.done $0x0  }
0x78: {  	[sflag:s26] =	ssyncadd.s32 $0xFFFFD800  }
0x79: {  	_ =	swait.ge [sflag:s28], $0x2800  }
0x7a: {  	[sflag:s28] =	ssyncset.done $0x0  }
0x7b: {  	s7 =	sadd.s32 $0x80, s30;
	[sflag:s28] =	ssyncadd.s32 $0xFFFFD800  }
0x7c: {  	[tilespmem:s18], [sflag:$0x1] =	stream.indirect.gather [hbm4b:s3+s17], $0x80, s7, s17, $0xb8;
	[tilespmem:$0x12000] =	vst v63  }
0x7d: {  	s7 =	sadd.s32 $0x80, s4  }
0x7e: {  	[tilespmem:s19], [sflag:$0x3] =	stream.indirect.gather [hbm4b:s3+s17], $0x80, s7, s17, $0xb8;
	[tilespmem:$0x12000] =	vst v63  }
0x7f: {  	_ =	swait.ge [sflag:s31], $0x2800  }
0x80: {  	[sflag:s31] =	ssyncset.done $0x0  }
0x81: {  	[sflag:s31] =	ssyncadd.s32 $0xFFFFD800  }
.Ltmp0:
0x82: {  	_ =	swait.ge [sflag:s0], $0x2800;
	(pc) =	sbr.rel @p0 .LBB2_2-.Ltmp0, $4  }
0x83: {  	[sflag:s0] =	ssyncset.done $0x0  }
0x84: {  	s6 =	sadd.s32 $0xF00, s6;
	[sflag:s0] =	ssyncadd.s32 $0xFFFFD800  }
0x85: {  	[hbm4b:s6+s2] =	stream.linear.scatter [tilespmem:s21], [sflag:$0x6], $0x2800, $0x38;
	[tilespmem:$0x12000] =	vst v63  }
0x86: {  	s5 =	sadd.s32 $0xF00, s5;
	s30 =	sadd.s32 $0x100, s30;
	s4 =	sadd.s32 $0x100, s4  }
0x87: {  	[hbm4b:s5+s2] =	stream.linear.scatter [tilespmem:s23], [sflag:$0x8], $0x2800, $0x38;
	[tilespmem:$0x12000] =	vst v63  }
0x88: {  	_ =	swait.ge [sflag:s24], $0x2800  }
0x89: {  	[sflag:s24] =	ssyncset.done $0x0  }
0x8a: {  	[sflag:s24] =	ssyncadd.s32 $0xFFFFD800  }
0x8b: {  	_ =	swait.ge [sflag:s25], $0x2800  }
0x8c: {  	[sflag:s25] =	ssyncset.done $0x0  }
0x8d: {  	[sflag:s25] =	ssyncadd.s32 $0xFFFFD800  }
0x8e: {  	[hbm4b:s11+s2] =	stream.linear.scatter [tilespmem:s18], [sflag:$0x5], $0x2800, $0x38;
	[tilespmem:$0x12000] =	vst v63  }
0x8f: {  	_ = 	snop  }
0x90: {  	[hbm4b:s12+s2] =	stream.linear.scatter [tilespmem:s19], [sflag:$0x7], $0x2800, $0x38;
	[tilespmem:$0x12000] =	vst v63  }
0x91: {  	_ =	swait.ge [sflag:s26], $0x2800  }
0x92: {  	[sflag:s26] =	ssyncset.done $0x0  }
0x93: {  	[sflag:s26] =	ssyncadd.s32 $0xFFFFD800  }
0x94: {  	_ =	swait.ge [sflag:s28], $0x2800  }
0x95: {  	[sflag:s28] =	ssyncset.done $0x0  }
0x96: {  	[sflag:s28] =	ssyncadd.s32 $0xFFFFD800  }
0x97: {  	_ =	swait.ge [sflag:s1], $0x2800  }
0x98: {  	[sflag:s1] =	ssyncset.done $0x0  }
0x99: {  	[sflag:s1] =	ssyncadd.s32 $0xFFFFD800  }
0x9a: {  	_ =	swait.ge [sflag:s20], $0x2800  }
0x9b: {  	s22 =	sadd.s32 $0x1, s22;
	s4 =	rddreg [dreg:$0x4]  }
0x9c: {  	p0 =	sne.s32 s22, s4  }
.Ltmp1:
0x9d: {  	_ = 	snop;
	(pc) =	sbr.rel @p0 .LBB2_1-.Ltmp1, $3  }
0x9e: {  	_ =	sdelay $0x1  }
0x9f: {  	[sflag:s20] =	ssyncset.done $0x0  }
0xa0: {  	[sflag:s20] =	ssyncadd.s32 $0xFFFFD800  }
0xa1: {  	_ =	sfence.sel $0x180000  }
0xa2: {  	[bflag:$0x0] =	sbarrier.arrive $0xFFFF  }
0xa3: {  	_ =	strace $0x9000005F  }
0xa4: {  	s0 =	stileid.u32;
	[bflag:$0x2] =	sbarrier.arrive $0xFFFF  }
0xa5: {  	p0 =	sne.s32 s0, $0x0;
	s0 =	rddreg [dreg:$0x1]  }
0xa6: {  	s0 =	sadd.s32 @!p0 $0x100000, s0  }
0xa7: {  	[sflag:s0] =	ssyncadd.tile.s32 @!p0 $0x1;
	_ =	shalt  }
.Lfunc_end2:
_tile_overlayer_lowered:
.L_overlay_start_2:
0xa8: {  	(tag) =	ssettag $0x2  }
0xa9: {  	s0 =	rddreg [dreg:$0x0];
	s2 =	stileid.u32  }
0xaa: {  	s1 =	rddreg [dreg:$0x1];
	p0 =	sne.s32 s2, $0x0  }
0xab: {  	s3 =	rddreg [dreg:$0x2];
	[bflag:$0x3] =	sbarrier.arrive $0xFFFF;
	s2 =	simm.s32 @!p0 $0x1C09  }
0xac: {  	[timem:s3], [sflag:s2] =	dma.local @!p0 [hbm:s0], s1  }
0xad: {  	s0 =	simm.s32 @!p0 $0x9  }
0xae: {  	_ =	swait.ge @!p0 [sflag:s0], s1  }
0xaf: {  	s1 =	ssub.s32 @!p0 $0x0, s1;
	[sflag:s0] =	ssyncset.done @!p0 $0x0  }
0xb0: {  	[sflag:s0] =	ssyncadd.s32 @!p0 s1  }
0xb1: {  	[bflag:$0x3] =	sbarrier.arrive $0xFFFF  }
0xb2: {  	_ =	shalt  }

// kernel: kernel.52.cloned.1.call-start
scs
__scs_entry_jumppad:
0x0: {  	(pc) =	sbr.rel $0x88, $3  }
0x1: {  	(tag) =	ssettag $0x0;
	lr =	simm.s32 $0x1  }
0x2: {  	[smem:$0x3F8C] =	sst lr;
	_ =	strace $0xD0000000  }
0x3: {  	_ = 	snop  }
0x4: {  	_ = 	snop  }
0x5: {  	_ = 	snop  }
0x6: {  	_ = 	snop  }
0x7: {  	_ = 	snop  }
__scs_overlays_trampoline_lowered:
0x8: {  	[smem:$0x3F9B] =	sst s0  }
0x9: {  	[smem:$0x3F9C] =	sst s1  }
0xa: {  	[smem:$0x3F9D] =	sst s2  }
0xb: {  	[smem:$0x3F9E] =	sst s3  }
0xc: {  	[smem:$0x3F9F] =	sst s4  }
0xd: {  	[smem:$0x3FA0] =	sst s5  }
0xe: {  	[smem:$0x3FA1] =	sst s6  }
0xf: {  	[smem:$0x3FA2] =	sst s7  }
0x10: {  	[smem:$0x3FA3] =	sst s8  }
0x11: {  	[smem:$0x3FA4] =	sst s9;
	s0 =	simm.s32 @!p0 $0x0  }
0x12: {  	s1 =	sld [smem:$0x3F8A];
	s0 =	simm.s32 @p0 $0x1  }
0x13: {  	[smem:$0x3FA5] =	sst s0;
	s0 =	simm.s32 @!p1 $0x0  }
0x14: {  	s2 =	sld [smem:$0x3F89];
	s0 =	simm.s32 @p1 $0x1  }
0x15: {  	[smem:$0x3FA6] =	sst s0;
	s0 =	simm.s32 @!p2 $0x0  }
0x16: {  	s3 =	sld [smem:$0x3FDB];
	s0 =	simm.s32 @p2 $0x1  }
0x17: {  	s4 =	simm.s32 $0x1BF5;
	[smem:$0x3FA8] =	sst s0  }
0x18: {  	s0 =	sld [smem:$0x3F8B];
	_ =	swait.ge [sflag:s4], $0x0  }
0x19: {  	s7 =	sld [smem:$0x3F8C]  }
0x1a: {  	s8 =	sadd.s32 $0xFFFFE003, lr  }
0x1b: {  	s9 =	sadd.s32 $0xFFFFFEF7, lr;
	s5 =	simm.s32 $0xFFFFFFFF;
	p2 =	slt.u32 s8, $0xFFFFF086  }
0x1c: {  	p1 =	slt.u32 s9, $0xF7A;
	s5 =	simm.s32 @!p2 $0x0  }
0x1d: {  	s5 =	simm.s32 @p1 $0x1;
	p0 =	seq.s32 s7, s2  }
0x1e: {  	s7 =	smul.u32 @!p0 $0xF7A, s2;
	p2 =	seq.s32 @!p0 s5, $0x0  }
0x1f: {  	s9 =	smul.u32 $0xF7A, s1;
	s8 =	simm.s32 @!p0 $0x1BF5;
	p2 =	por !p2, p0  }
0x20: {  	[sflag:s8] =	ssyncset.s32 @!p0 $0xFFFFF086;
	s6 =	sadd.s32 @!p0 s3, s7;
	s7 =	simm.s32 @!p0 $0x108  }
0x21: {  	s3 =	sadd.s32 s3, s9;
	s6 =	sadd.s32 @!p0 $0x88, s6;
	s7 =	simm.s32 @p2 $0x1082  }
0x22: {  	[simem:s7], [sflag:s8] =	dma.local @!p0 [hbm:s6], $0xF7A  }
0x23: {  	s9 =	sor.u32 $0xD0000000, s2;
	s6 =	simm.s32 $0x108;
	_ =	swait.ge @!p0 [sflag:s8], $0x0  }
0x24: {  	s3 =	sadd.s32 $0x88, s3;
	s6 =	simm.s32 @!p1 $0x1082;
	[sflag:s4] =	ssyncset.s32 $0xFFFFF086  }
0x25: {  	[simem:s6], [sflag:s4] =	dma.local [hbm:s3], $0xF7A  }
0x26: {  	[smem:$0x3F8C] =	sst s1;
	(tag) =	ssettag s2;
	_ =	strace s9  }
0x27: {  	s1 =	sld [smem:$0x3F9C]  }
0x28: {  	s2 =	sld [smem:$0x3F9D]  }
0x29: {  	s4 =	sld [smem:$0x3F9F]  }
0x2a: {  	p0 =	seq.s32 s5, $0x0;
	s5 =	sld [smem:$0x3FA0]  }
0x2b: {  	s6 =	sld [smem:$0x3FA1]  }
0x2c: {  	s7 =	sld [smem:$0x3FA2]  }
0x2d: {  	s3 =	simm.s32 $0x108;
	s8 =	sld [smem:$0x3FA3]  }
0x2e: {  	s3 =	simm.s32 @!p0 $0x1082;
	s9 =	sld [smem:$0x3FA4]  }
0x2f: {  	lr =	sadd.s32 s0, s3;
	s0 =	sld [smem:$0x3F9B]  }
0x30: {  	s3 =	sld [smem:$0x3F9E]  }
0x31: {  	[smem:$0x3FA7] =	sst s10  }
0x32: {  	s10 =	sld [smem:$0x3FA5];
	_ =	sdelay $0x3  }
0x33: {  	p0 =	seq.s32 s10, $0x1;
	s10 =	sld [smem:$0x3FA7];
	_ =	sdelay $0x3  }
0x34: {  	[smem:$0x3FA7] =	sst s10  }
0x35: {  	s10 =	sld [smem:$0x3FA6];
	_ =	sdelay $0x3  }
0x36: {  	p1 =	seq.s32 s10, $0x1;
	s10 =	sld [smem:$0x3FA7];
	_ =	sdelay $0x3  }
0x37: {  	[smem:$0x3FA7] =	sst s10  }
0x38: {  	s10 =	sld [smem:$0x3FA8]  }
0x39: {  	_ = 	snop;
	(pc) =	sbr.ind lr, $3  }
0x3a: {  	_ = 	snop  }
0x3b: {  	_ = 	snop  }
0x3c: {  	p2 =	seq.s32 s10, $0x1;
	s10 =	sld [smem:$0x3FA7]  }
0x3d: {  	_ =	shalt  }
0x3e: {  	_ =	shalt  }
0x3f: {  	_ =	shalt  }
0x40: {  	_ =	shalt  }
0x41: {  	_ =	shalt  }
0x42: {  	_ =	shalt  }
0x43: {  	_ =	shalt  }
0x44: {  	_ =	shalt  }
0x45: {  	_ =	shalt  }
0x46: {  	_ =	shalt  }
0x47: {  	_ =	shalt  }
0x48: {  	_ =	shalt  }
0x49: {  	_ =	shalt  }
0x4a: {  	_ =	shalt  }
0x4b: {  	_ =	shalt  }
0x4c: {  	_ =	shalt  }
0x4d: {  	_ =	shalt  }
0x4e: {  	_ =	shalt  }
0x4f: {  	_ =	shalt  }
0x50: {  	_ =	shalt  }
0x51: {  	_ =	shalt  }
0x52: {  	_ =	shalt  }
0x53: {  	_ =	shalt  }
0x54: {  	_ =	shalt  }
0x55: {  	_ =	shalt  }
0x56: {  	_ =	shalt  }
0x57: {  	_ =	shalt  }
0x58: {  	_ =	shalt  }
0x59: {  	_ =	shalt  }
0x5a: {  	_ =	shalt  }
0x5b: {  	_ =	shalt  }
0x5c: {  	_ =	shalt  }
0x5d: {  	_ =	shalt  }
0x5e: {  	_ =	shalt  }
0x5f: {  	_ =	shalt  }
0x60: {  	_ =	shalt  }
0x61: {  	_ =	shalt  }
0x62: {  	_ =	shalt  }
0x63: {  	_ =	shalt  }
0x64: {  	_ =	shalt  }
0x65: {  	_ =	shalt  }
0x66: {  	_ =	shalt  }
0x67: {  	_ =	shalt  }
0x68: {  	_ =	shalt  }
0x69: {  	_ =	shalt  }
0x6a: {  	_ =	shalt  }
0x6b: {  	_ =	shalt  }
0x6c: {  	_ =	shalt  }
0x6d: {  	_ =	shalt  }
0x6e: {  	_ =	shalt  }
0x6f: {  	_ =	shalt  }
0x70: {  	_ =	shalt  }
0x71: {  	_ =	shalt  }
0x72: {  	_ =	shalt  }
0x73: {  	_ =	shalt  }
0x74: {  	_ =	shalt  }
0x75: {  	_ =	shalt  }
0x76: {  	_ =	shalt  }
0x77: {  	_ =	shalt  }
0x78: {  	_ =	shalt  }
0x79: {  	_ =	shalt  }
0x7a: {  	_ =	shalt  }
0x7b: {  	_ =	shalt  }
0x7c: {  	_ =	shalt  }
0x7d: {  	_ =	shalt  }
0x7e: {  	_ =	shalt  }
0x7f: {  	_ =	shalt  }
0x80: {  	_ =	shalt  }
0x81: {  	_ =	shalt  }
0x82: {  	_ =	shalt  }
0x83: {  	_ =	shalt  }
0x84: {  	_ =	shalt  }
0x85: {  	_ =	shalt  }
0x86: {  	_ =	shalt  }
0x87: {  	_ =	shalt  }
.Lfunc_end0:
.L_simem_size_0:
called_computation.9_lowered:
.L_overlay_start_0:
0x88: {  	s2 =	sld [smem:$0x3FD9]  }
0x89: {  	s3 =	sld [smem:$0x3FFE];
	_ =	sdelay $0x1  }
0x8a: {  	s1 =	srdreg.scid  }
0x8b: {  	s0 =	sand.u32 $0x1, s1  }
0x8c: {  	s17 =	sshll.u32 s0, $0xA;
	s2 =	sadd.s32 s3, s2  }
0x8d: {  	s2 =	sadd.s32 s2, s17  }
0x8e: {  	[smem:$0x3FB3] =	sst s2  }
0x8f: {  	_ = 	snop  }
0x90: {  	s2 =	sld [smem:$0x3FD0];
	(tm) =	ssettm $0x1  }
0x91: {  	s18 =	sld [smem:$0x3FFB];
	_ =	sdelay $0x3  }
0x92: {  	_ =	strace s18  }
0x93: {  	s3 =	sld [smem:$0x3FFC];
	_ =	sdelay $0x3  }
0x94: {  	_ =	strace s3  }
0x95: {  	s3 =	sld [smem:$0x3FFD];
	_ =	sdelay $0x3  }
0x96: {  	_ =	strace s3  }
0x97: {  	_ =	strace $0x8FFFFFFF  }
0x98: {  	s19 =	sld [smem:$0x3FDB];
	_ =	sdelay $0x1  }
0x99: {  	s4 =	simm.s32 $_scs_section_size  }
0x9a: {  	s5 =	simm.s32 $_size__tile_overlayer_lowered;
	s6 =	simm.s32 $_tile_overlayer_lowered  }
0x9b: {  	s22 =	simm.s32 $0x1BFF;
	s21 =	sshll.u32 s6, $0x1;
	s3 =	sadd.s32 s4, s19  }
0x9c: {  	s7 =	simm.s32 $0x0;
	s20 =	sshll.u32 s5, $0x1;
	s5 =	sadd.s32 s21, s3  }
0x9d: {  	[timem:s7], [sflag:s22] =	dma.local [hbm:s5], s20  }
0x9e: {  	_ =	swait.ge [sflag:s22], s20  }
0x9f: {  	s4 =	ssub.s32 $0x0, s20;
	[sflag:s22] =	ssyncset.done $0x0  }
0xa0: {  	[sflag:s22] =	ssyncadd.s32 s4;
	_ =	sdelay $0x1  }
0xa1: {  	s23 =	simm.s32 $0x1B8B  }
0xa2: {  	_ =	swait.ge [sflag:s23], $0x1  }
0xa3: {  	[sflag:s23] =	ssyncset.done $0x0  }
0xa4: {  	s25 =	simm.s32 $0x1B8E;
	s24 =	sld [smem:$0x3FFE];
	[sflag:s23] =	ssyncadd.s32 $0xFFFFFFFF  }
0xa5: {  	s26 =	simm.s32 $execute0_lowered;
	[smem:$0x3FD2] =	sst s25  }
0xa6: {  	s5 =	sshll.u32 s26, $0x1;
	_ =	strace $0x80000061;
	[dreg:$0x1] =	wrdreg $0xFFFFFFFF  }
0xa7: {  	s28 =	simm.s32 $_size_execute0_lowered;
	s3 =	sadd.s32 s3, s5;
	[dreg:$0x0] =	wrdreg $0x0  }
0xa8: {  	s5 =	sshll.u32 s28, $0x1;
	[dreg:$0x2] =	wrdreg s3  }
0xa9: {  	[dreg:$0x3] =	wrdreg s5  }
0xaa: {  	[dreg:$0x4] =	wrdreg $0xC0  }
0xab: {  	_ =	task [dreg:s7], $0x5FFFF  }
0xac: {  	[dreg:$0x1] =	wrdreg $0xFFFFFFFF  }
0xad: {  	[dreg:$0x0] =	wrdreg $0x60  }
0xae: {  	[dreg:$0x2] =	wrdreg s24  }
0xaf: {  	[dreg:$0x3] =	wrdreg s2  }
0xb0: {  	[dreg:$0x4] =	wrdreg $0x0  }
0xb1: {  	[dreg:$0x5] =	wrdreg $0x9  }
0xb2: {  	_ =	task.clear_ibuf [dreg:s7], $0x6FFFF;
	_ =	strace $0x90000061  }
0xb3: {  	s29 =	simm.s32 $0x9;
	_ =	strace $0x80000063  }
0xb4: {  	_ =	swait.ge [sflag:s29], $0x1  }
0xb5: {  	[sflag:s29] =	ssyncadd.s32 $0xFFFFFFFF  }
0xb6: {  	_ =	strace $0x90000063  }
0xb7: {  	_ =	sfence  }
0xb8: {  	s30 =	sld [smem:$0x0];
	_ =	sdelay $0x2  }
0xb9: {  	s31 =	sshll.u32 s1, $0xD;
	s1 =	sshrl.u32 s1, $0x2  }
0xba: {  	s3 =	sand.u32 $0x4000, s31;
	s1 =	sadd.s32 s1, s30  }
0xbb: {  	s0 =	sor.u32 s3, s0;
	s1 =	sshll.u32 s1, $0x11  }
0xbc: {  	s0 =	sor.u32 s1, s0  }
0xbd: {  	s0 =	sadd.s32 $0x8F2B, s0  }
0xbe: {  	[sflag:s0] =	ssyncadd.remote.s32 $0x1  }
0xbf: {  	_ =	sfence.sel $0xFFFF  }
0xc0: {  	[dreg:$0x0] =	wrdreg $0xFFFFFFFF;
	(pc) =	sbr.abs _section_cstart, $3  }
0xc1: {  	[dreg:$0x1] =	wrdreg $0xFFFFFFFF  }
0xc2: {  	_ =	task.clear_ibuf [dreg:s7], $0x2FFFF;
	_ =	strace $0x9FFFFFFF  }
0xc3: {  	(tm) =	ssettm $0x7FFFFFFF  }
tec
execute0_lowered:
.L_overlay_start_1:
0x0: {  	(tag) =	ssettag $0x1  }
0x1: {  	s5 =	rddreg [dreg:$0x0]  }
0x2: {  	s1 =	rddreg [dreg:$0x1]  }
0x3: {  	s2 =	rddreg [dreg:$0x2]  }
0x4: {  	s3 =	srdreg.scid;
	s0 =	rddreg [dreg:$0x3]  }
0x5: {  	s4 =	simm.s32 $0x0;
	s15 =	simm.s32 $0x14000;
	s16 =	simm.s32 $0x18000  }
0x6: {  	s17 =	simm.s32 $0x1A800;
	s18 =	simm.s32 $0x1;
	s19 =	simm.s32 $0x50  }
0x7: {  	s20 =	simm.s32 $0x3;
	s21 =	simm.s32 $0x2;
	s22 =	simm.s32 $0x14080  }
0x8: {  	s23 =	simm.s32 $0x4;
	s7 =	sand.u32 $0x1, s3;
	s3 =	stileid.u32  }
0x9: {  	s24 =	simm.s32 $0x17E00;
	[smem:$0x7FF] =	sst s4;
	s6 =	smul.u32 $0x140000, s7  }
0xa: {  	s10 =	sadd.s32 $0xF19800, s5;
	s8 =	sshll.u32 s3, $0x1;
	s9 =	smul.u32 $0x14000, s3  }
0xb: {  	_ =	strace $0x80000062;
	s25 =	ssub.s32 $0x2, s7;
	s12 =	smul.u32 $0x50000, s3  }
0xc: {  	s29 =	sshll.u32 s3, $0x6;
	s30 =	smul.u32 $0x4E200, s3;
	s8 =	sor.u32 s7, s8  }
0xd: {  	s31 =	smul.u32 $0x27100, s7;
	s26 =	sshrl.u32 s25, $0x1;
	s11 =	sshll.u32 s8, $0xB  }
0xe: {  	s6 =	sadd.s32 s9, s6;
	s9 =	ssub.s32 s25, s26;
	s28 =	sshrl.u32 s12, $0x2  }
0xf: {  	s8 =	smul.u32 $0x27100, s8;
	s12 =	sadd.s32 s30, s10;
	s25 =	simm.s32 $0x0  }
0x10: {  	s6 =	sshrl.u32 s6, $0x3;
	s11 =	sadd.s32 s11, s5;
	s14 =	sadd.s32 s28, s2  }
0x11: {  	s9 =	smax.u32 s9, $0x1;
	s12 =	sadd.s32 s31, s12;
	s13 =	sadd.s32 s6, s5  }
0x12: {  	s5 =	sor.u32 $0x1C05, s29;
	s6 =	sadd.s32 $0x12000, s11;
	s7 =	sadd.s32 s10, s8  }
0x13: {  	s12 =	sadd.s32 $0xF00, s12;
	s8 =	sadd.s32 $0x59200, s13;
	s10 =	sadd.s32 $0x500, s7  }
0x14: {  	s11 =	sadd.s32 $0xA00, s7;
	s13 =	sshrl.u32 s14, $0x3;
	s14 =	simm.s32 $0x5  }
.LBB2_1:
0x15: {  	[spmem:s13], [sflag:s5] =	dma.local [hbm:s1], $0x2800  }
0x16: {  	_ =	swait.ge [sflag:s14], $0x2800  }
0x17: {  	[sflag:s14] =	ssyncset.done $0x0  }
0x18: {  	[sflag:s14] =	ssyncadd.s32 $0xFFFFD800  }
0x19: {  	[tilespmem:s15], [sflag:$0x5] =	stream.linear.gather [hbm4b:s6+s4], $0x3E80, $0x38;
	[tilespmem:$0x1D000] =	vst v63  }
0x1a: {  	_ =	swait.ge [sflag:s14], $0x3E80  }
0x1b: {  	[sflag:s14] =	ssyncset.done $0x0  }
0x1c: {  	[sflag:s14] =	ssyncadd.s32 $0xFFFFC180  }
0x1d: {  	[bflag:$0x0] =	sbarrier.arrive $0xFFFF  }
0x1e: {  	[tilespmem:s16], [sflag:$0x1] =	stream.linear.gather [hbm4b:s7+s4], $0x2800, $0x38;
	[tilespmem:$0x1D000] =	vst v63  }
0x1f: {  	_ = 	snop  }
0x20: {  	[tilespmem:s17], [sflag:$0x2] =	stream.linear.gather [hbm4b:s10+s4], $0x2800, $0x38;
	[tilespmem:$0x1D000] =	vst v63  }
0x21: {  	_ =	swait.ge [sflag:s18], $0x2800  }
0x22: {  	[sflag:s18] =	ssyncset.done $0x0  }
0x23: {  	[sflag:s18] =	ssyncadd.s32 $0xFFFFD800  }
0x24: {  	[spmem:s2] =	stream.indirect.scatter.add.f32 [tilespmem:s16], [sflag:$0x3], $0x80, s15, s19, $0xb8;
	[tilespmem:$0x1D000] =	vst v63  }
0x25: {  	_ =	swait.ge [sflag:s20], $0x2800  }
0x26: {  	[sflag:s20] =	ssyncset.done $0x0  }
0x27: {  	[sflag:s20] =	ssyncadd.s32 $0xFFFFD800  }
0x28: {  	[tilespmem:s16], [sflag:$0x1] =	stream.linear.gather [hbm4b:s11+s4], $0x2800, $0x38;
	[tilespmem:$0x1D000] =	vst v63  }
0x29: {  	_ =	swait.ge [sflag:s21], $0x2800  }
0x2a: {  	[sflag:s21] =	ssyncset.done $0x0  }
0x2b: {  	[sflag:s21] =	ssyncadd.s32 $0xFFFFD800  }
0x2c: {  	[spmem:s2] =	stream.indirect.scatter.add.f32 [tilespmem:s17], [sflag:$0x4], $0x80, s22, s19, $0xb8;
	[tilespmem:$0x1D000] =	vst v63  }
0x2d: {  	_ =	swait.ge [sflag:s23], $0x2800  }
0x2e: {  	[sflag:s23] =	ssyncset.done $0x0  }
0x2f: {  	[sflag:s23] =	ssyncadd.s32 $0xFFFFD800  }
0x30: {  	[tilespmem:s17], [sflag:$0x2] =	stream.linear.gather [hbm4b:s12+s4], $0x2800, $0x38;
	[tilespmem:$0x1D000] =	vst v63  }
0x31: {  	_ =	swait.ge [sflag:s18], $0x2800  }
0x32: {  	[sflag:s18] =	ssyncset.done $0x0  }
0x33: {  	s26 =	simm.s32 $0x14100;
	[sflag:s18] =	ssyncadd.s32 $0xFFFFD800  }
0x34: {  	[spmem:s2] =	stream.indirect.scatter.add.f32 [tilespmem:s16], [sflag:$0x3], $0x80, s26, s19, $0xb8;
	[tilespmem:$0x1D000] =	vst v63  }
0x35: {  	_ =	swait.ge [sflag:s20], $0x2800  }
0x36: {  	[sflag:s20] =	ssyncset.done $0x0  }
0x37: {  	s31 =	sadd.s32 $0x500, s12;
	[sflag:s20] =	ssyncadd.s32 $0xFFFFD800  }
0x38: {  	[tilespmem:s16], [sflag:$0x1] =	stream.linear.gather [hbm4b:s31+s4], $0x2800, $0x38;
	[tilespmem:$0x1D000] =	vst v63  }
0x39: {  	_ =	swait.ge [sflag:s21], $0x2800  }
0x3a: {  	s29 =	simm.s32 $0x14180;
	[sflag:s21] =	ssyncset.done $0x0  }
0x3b: {  	s28 =	sadd.s32 $0xA00, s12;
	s26 =	simm.s32 $0x400;
	[sflag:s21] =	ssyncadd.s32 $0xFFFFD800  }
.LBB2_2:
0x3c: {  	[spmem:s2] =	stream.indirect.scatter.add.f32 [tilespmem:s17], [sflag:$0x4], $0x80, s29, s19, $0xb8;
	[tilespmem:$0x1D000] =	vst v63  }
0x3d: {  	s29 =	smov.u32 s26  }
0x3e: {  	p0 =	sne.s32 s26, $0xF000;
	s26 =	sadd.s32 $0x400, s26;
	_ =	swait.ge [sflag:s23], $0x2800  }
0x3f: {  	[sflag:s23] =	ssyncset.done $0x0  }
0x40: {  	[sflag:s23] =	ssyncadd.s32 $0xFFFFD800  }
0x41: {  	[tilespmem:s17], [sflag:$0x2] =	stream.linear.gather [hbm4b:s28+s4], $0x2800, $0x38;
	[tilespmem:$0x1D000] =	vst v63  }
0x42: {  	_ =	swait.ge [sflag:s18], $0x2800  }
0x43: {  	s29 =	sshra.s32 s29, $0x2;
	[sflag:s18] =	ssyncset.done $0x0  }
0x44: {  	s30 =	sadd.s32 $0x14100, s29;
	[sflag:s18] =	ssyncadd.s32 $0xFFFFD800  }
0x45: {  	[spmem:s2] =	stream.indirect.scatter.add.f32 [tilespmem:s16], [sflag:$0x3], $0x80, s30, s19, $0xb8;
	[tilespmem:$0x1D000] =	vst v63  }
0x46: {  	_ =	swait.ge [sflag:s20], $0x2800  }
0x47: {  	[sflag:s20] =	ssyncset.done $0x0  }
.Ltmp0:
0x48: {  	s30 =	sadd.s32 $0x500, s28;
	[sflag:s20] =	ssyncadd.s32 $0xFFFFD800;
	(pc) =	sbr.rel @p0 .LBB2_2-.Ltmp0, $4  }
0x49: {  	[tilespmem:s16], [sflag:$0x1] =	stream.linear.gather [hbm4b:s30+s4], $0x2800, $0x38;
	[tilespmem:$0x1D000] =	vst v63  }
0x4a: {  	_ =	swait.ge [sflag:s21], $0x2800  }
0x4b: {  	[sflag:s21] =	ssyncset.done $0x0  }
0x4c: {  	s29 =	sadd.s32 $0x14180, s29;
	s28 =	sadd.s32 $0xA00, s28;
	[sflag:s21] =	ssyncadd.s32 $0xFFFFD800  }
0x4d: {  	[spmem:s2] =	stream.indirect.scatter.add.f32 [tilespmem:s17], [sflag:$0x4], $0x80, s29, s19, $0xb8;
	[tilespmem:$0x1D000] =	vst v63  }
0x4e: {  	_ =	swait.ge [sflag:s18], $0x2800  }
0x4f: {  	[sflag:s18] =	ssyncset.done $0x0  }
0x50: {  	[sflag:s18] =	ssyncadd.s32 $0xFFFFD800  }
0x51: {  	[spmem:s2] =	stream.indirect.scatter.add.f32 [tilespmem:s16], [sflag:$0x3], $0x80, s24, s19, $0xb8;
	[tilespmem:$0x1D000] =	vst v63  }
0x52: {  	_ =	swait.ge [sflag:s20], $0x2800  }
0x53: {  	[sflag:s20] =	ssyncset.done $0x0  }
0x54: {  	[sflag:s20] =	ssyncadd.s32 $0xFFFFD800  }
0x55: {  	_ =	swait.ge [sflag:s23], $0x2800  }
0x56: {  	s25 =	sadd.s32 $0x1, s25;
	[sflag:s23] =	ssyncset.done $0x0  }
0x57: {  	p0 =	sne.s32 s25, s9;
	[sflag:s23] =	ssyncadd.s32 $0xFFFFD800  }
.Ltmp1:
0x58: {  	[bflag:$0x0] =	sbarrier.arrive $0xFFFF;
	(pc) =	sbr.rel @p0 .LBB2_1-.Ltmp1, $4  }
0x59: {  	[hbm:s8], [sflag:s5] =	dma.local [spmem:s13], $0x2800  }
0x5a: {  	_ =	swait.ge [sflag:s14], $0x2800  }
0x5b: {  	[sflag:s14] =	ssyncset.done $0x0  }
0x5c: {  	[sflag:s14] =	ssyncadd.s32 $0xFFFFD800  }
0x5d: {  	_ =	sfence.sel $0x180000  }
0x5e: {  	[bflag:$0x0] =	sbarrier.arrive $0xFFFF  }
0x5f: {  	p0 =	sne.s32 s3, $0x0;
	_ =	strace $0x90000062  }
0x60: {  	s0 =	sadd.s32 @!p0 $0x100000, s0;
	[bflag:$0x2] =	sbarrier.arrive $0xFFFF  }
0x61: {  	[sflag:s0] =	ssyncadd.tile.s32 @!p0 $0x1;
	_ =	shalt  }
.Lfunc_end2:
_tile_overlayer_lowered:
.L_overlay_start_2:
0x62: {  	(tag) =	ssettag $0x2  }
0x63: {  	s0 =	rddreg [dreg:$0x0];
	s2 =	stileid.u32  }
0x64: {  	s1 =	rddreg [dreg:$0x1];
	p0 =	sne.s32 s2, $0x0  }
0x65: {  	s3 =	rddreg [dreg:$0x2];
	[bflag:$0x3] =	sbarrier.arrive $0xFFFF;
	s2 =	simm.s32 @!p0 $0x1C05  }
0x66: {  	[timem:s3], [sflag:s2] =	dma.local @!p0 [hbm:s0], s1  }
0x67: {  	s0 =	simm.s32 @!p0 $0x5  }
0x68: {  	_ =	swait.ge @!p0 [sflag:s0], s1  }
0x69: {  	s1 =	ssub.s32 @!p0 $0x0, s1;
	[sflag:s0] =	ssyncset.done @!p0 $0x0  }
0x6a: {  	[sflag:s0] =	ssyncadd.s32 @!p0 s1  }
0x6b: {  	[bflag:$0x3] =	sbarrier.arrive $0xFFFF  }
0x6c: {  	_ =	shalt  }

</sc_bundles>
